<compile_context>
chip_gen: v7x
topology: tpu7x:2x2x1
jax: 0.10.2.dev20260603
libtpu: 0.0.44.dev20260713+nightly
codegen_flags: <defaults>
</compile_context>

<pallas_src>
import functools

import jax
import jax.numpy as jnp
from jax import lax
from jax.experimental import pallas as pl
from jax.experimental.pallas import tpu as pltpu
from jax.experimental.pallas import tpu_sc as plsc

_NC = 2
_NS = 16
_NW = _NC * _NS
_BB = 128
_NB = 3
_L = 16


def _gather_call(batch, hist, hidden):
    mesh = plsc.VectorSubcoreMesh(core_axis_name="c", subcore_axis_name="s")
    per_w = batch // _NW
    nblk_b = per_w // _BB
    steps = hist * nblk_b
    dh = hidden // 8

    @functools.partial(
        pl.kernel,
        mesh=mesh,
        compiler_params=pltpu.CompilerParams(
            use_tc_tiling_on_sc=False, needs_layout_passes=False
        ),
        out_type=jax.ShapeDtypeStruct((hist, dh, batch // _BB, 8, _BB), jnp.float32),
        scratch_types=[
            pltpu.VMEM((per_w * hist,), jnp.int32),
            pltpu.VMEM((_NB, _BB), jnp.int32),
            pltpu.VMEM((_NB, _BB, hidden), jnp.float32),
            pltpu.VMEM((_NB, dh, 8, _BB), jnp.float32),
            pltpu.SemaphoreType.DMA,
            pltpu.SemaphoreType.DMA,
            pltpu.SemaphoreType.DMA,
            pltpu.SemaphoreType.DMA,
            pltpu.SemaphoreType.DMA,
            pltpu.SemaphoreType.DMA,
        ],
    )
    def run(idx_hbm, tab_hbm, out_hbm, idx_v, idxl, rows, trans, *sems):
        gsem = sems[:_NB]
        ssem = sems[_NB:]
        wid = lax.axis_index("s") * _NC + lax.axis_index("c")
        b0w = wid * per_w
        pltpu.sync_copy(idx_hbm.at[pl.ds(b0w * hist, per_w * hist)], idx_v)

        iota = lax.iota(jnp.int32, _L)
        iota_h = iota * hist
        iota_r = iota

        def build_idx(k, p):
            t = k // nblk_b
            bb = (k % nblk_b) * _BB
            for v in range(_BB // _L):
                pos = iota_h + ((bb + v * _L) * hist + t)
                idxl[p, pl.ds(v * _L, _L)] = plsc.load_gather(idx_v, [pos])

        def fire_gather(k, p):
            build_idx(k, p)
            pltpu.async_copy(tab_hbm.at[idxl.at[p]], rows.at[p], gsem[p])

        def drain_gather(p):
            pltpu.make_async_copy(
                tab_hbm.at[idxl.at[0]], rows.at[p], gsem[p]
            ).wait()

        bvecs = [iota_r + v * _L for v in range(_BB // _L)]

        def transpose(p):
            rp = rows.at[p]
            tp = trans.at[p]

            def jloop(j, carry):
                for u in range(2):
                    dvec = (iota_r + (j * 2 + u)) & (hidden - 1)
                    dhi_v = lax.shift_right_logical(dvec, 3)
                    dlo_v = dvec & 7
                    gs = [
                        plsc.load_gather(rp, [bvecs[v], dvec])
                        for v in range(_BB // _L)
                    ]
                    for v in range(_BB // _L):
                        plsc.store_scatter(tp, [dhi_v, dlo_v, bvecs[v]], gs[v])
                return carry

            lax.fori_loop(0, hidden // 2, jloop, 0)

        def fire_store(k, p):
            t = k // nblk_b
            col = wid * nblk_b + k % nblk_b
            pltpu.async_copy(
                trans.at[p], out_hbm.at[t, :, col, :, :], ssem[p]
            )

        def drain_store(p):
            pltpu.make_async_copy(
                trans.at[p], out_hbm.at[0, :, 0, :, :], ssem[p]
            ).wait()

        def step(k, p, fire_next, drain_prev):
            if drain_prev:
                drain_store(p)
            if fire_next:
                fire_gather(k + 2, (p + 2) % _NB)
            drain_gather(p)
            transpose(p)
            fire_store(k, p)

        fire_gather(0, 0)
        fire_gather(1, 1)
        step(0, 0, True, False)
        step(1, 1, True, False)
        step(2, 2, True, False)

        def body(it, carry):
            k = it * _NB
            step(k, 0, True, True)
            step(k + 1, 1, True, True)
            step(k + 2, 2, True, True)
            return carry

        n_body = (steps - 3 - 2) // _NB
        lax.fori_loop(1, n_body + 1, body, 0)
        for k in range(3 + n_body * _NB, steps):
            step(k, k % _NB, k + 2 < steps, True)
        for p in range(_NB):
            drain_store(p)

    return run


def kernel(indices, embeddings):
    batch, hist = indices.shape
    num_rows, hidden = embeddings.shape
    idx = indices.astype(jnp.int32).reshape(-1)
    out = _gather_call(batch, hist, hidden)(idx, embeddings)
    out = out.transpose(2, 4, 0, 1, 3)
    return out.reshape(batch, hist, hidden)

# --- scband reference (transcript-rebuilt; emitter-appended) ---
"""Pipeline reference for scband-latent-embeddings-29411936043630 (READ-ONLY COPY).

The authoritative reference and input builder live on the scoring server;
editing this copy changes nothing except your own understanding.
"""

import jax, jax.numpy as jnp
import numpy as np

NUM_TOKENS = 1000000
HIDDEN_SIZE = 64
INIT_STD = 0.02
BATCH = 16384
HIST_LEN = 50


def setup_inputs(seed: int = 0) -> dict:
    key = jax.random.key(seed)
    k_idx, k_emb = jax.random.split(key)
    indices = jax.random.randint(k_idx, (BATCH, HIST_LEN), 0, NUM_TOKENS, dtype=jnp.int64 if jax.config.jax_enable_x64 else jnp.int32)
    embeddings = jax.random.normal(k_emb, (NUM_TOKENS, HIDDEN_SIZE), dtype=jnp.float32) * INIT_STD
    return {"indices": indices, "embeddings": embeddings}


def reference(indices, embeddings):
    # Faithful translation of LatentEmbeddings.forward with indices provided:
    # return self.embeddings[indices]
    return jnp.take(embeddings, indices, axis=0)

if __name__ == "__main__":
    import jax
    _d = setup_inputs()
    print(jax.jit(kernel)(*tuple(_d.values())))

</pallas_src>

<mosaic_0001>
#map = affine_map<(d0, d1) -> (0)>
#map1 = affine_map<(d0, d1) -> (0, 0)>
#map2 = affine_map<(d0, d1) -> (0, 0, 0, 0, 0)>
module attributes {stable_mosaic.version = 14 : i64} {
  func.func @run(%arg0: i32, %arg1: i32, %arg2: memref<819200xi32, #tpu.memory_space<hbm>>, %arg3: memref<1000000x64xf32, #tpu.memory_space<hbm>>, %arg4: memref<50x8x128x8x128xf32, #tpu.memory_space<hbm>>, %arg5: memref<25600xi32, #tpu.memory_space<vmem>>, %arg6: memref<3x128xi32, #tpu.memory_space<vmem>>, %arg7: memref<3x128x64xf32, #tpu.memory_space<vmem>>, %arg8: memref<3x8x8x128xf32, #tpu.memory_space<vmem>>, %arg9: memref<!tpu.dma_semaphore, #tpu.memory_space<semaphore_mem>>, %arg10: memref<!tpu.dma_semaphore, #tpu.memory_space<semaphore_mem>>, %arg11: memref<!tpu.dma_semaphore, #tpu.memory_space<semaphore_mem>>, %arg12: memref<!tpu.dma_semaphore, #tpu.memory_space<semaphore_mem>>, %arg13: memref<!tpu.dma_semaphore, #tpu.memory_space<semaphore_mem>>, %arg14: memref<!tpu.dma_semaphore, #tpu.memory_space<semaphore_mem>>) attributes {dimension_semantics = [#tpu.dimension_semantics<core_parallel>, #tpu.dimension_semantics<subcore_parallel>], iteration_bounds = array<i64: 2, 16>, scalar_prefetch = 0 : i64, scratch_operands = 10 : i64, tpu.core_type = #tpu.core_type<sc_vector_subcore>, window_params = [{transform_indices = #map}, {transform_indices = #map1}, {transform_indices = #map2}]} {
    %mul3A = arith.constant 2 : i32
    %mul3A_0 = arith.muli %arg1, %mul3A : i32
    %add3A = arith.addi %mul3A_0, %arg0 : i32
    %mul3A_1 = arith.constant 512 : i32
    %mul3A_2 = arith.muli %add3A, %mul3A_1 : i32
    %mul3A_3 = arith.constant 50 : i32
    %mul3A_4 = arith.muli %mul3A_2, %mul3A_3 : i32
    "tpu.region"() ({
      %run_scoped3A = tpu.sem_alloc : memref<!tpu.dma_semaphore, #tpu.memory_space<semaphore_mem>>
      %dma_start3A_758 = tpu.memref_slice %arg2[%mul3A_4] : memref<819200xi32, #tpu.memory_space<hbm>> -> memref<25600xi32, #tpu.memory_space<hbm>>
      %dma_start3A_759 = tpu.memref_slice %arg2[%mul3A_4] : memref<819200xi32, #tpu.memory_space<hbm>> -> memref<25600xi32, #tpu.memory_space<hbm>>
      tpu.enqueue_dma source(%dma_start3A_759 : memref<25600xi32, #tpu.memory_space<hbm>>) target(%arg5 : memref<25600xi32, #tpu.memory_space<vmem>>) target_semaphore(%run_scoped3A : memref<!tpu.dma_semaphore, #tpu.memory_space<semaphore_mem>>)
      %dma_wait3A_760 = tpu.memref_slice %arg2[%mul3A_4] : memref<819200xi32, #tpu.memory_space<hbm>> -> memref<25600xi32, #tpu.memory_space<hbm>>
      %dma_wait3A_761 = tpu.memref_slice %arg2[%mul3A_4] : memref<819200xi32, #tpu.memory_space<hbm>> -> memref<25600xi32, #tpu.memory_space<hbm>>
      tpu.wait_dma2 semaphore(%run_scoped3A : memref<!tpu.dma_semaphore, #tpu.memory_space<semaphore_mem>>) src(%dma_wait3A_761 : memref<25600xi32, #tpu.memory_space<hbm>>) dst(%arg5 : memref<25600xi32, #tpu.memory_space<vmem>>)
      tpu.yield
    }) : () -> ()
    %iota3A = tpu.iota {dimensions = array<i32: 0>} : vector<16xi32>
    %mul3A_5 = arith.constant 50 : i32
    %mul3A_6 = vector.broadcast %mul3A_5 : i32 to vector<16xi32>
    %mul3A_7 = arith.muli %iota3A, %mul3A_6 : vector<16xi32>
    %add3A_8 = arith.constant 0 : i32
    %add3A_9 = vector.broadcast %add3A_8 : i32 to vector<16xi32>
    %add3A_10 = arith.addi %iota3A, %add3A_9 : vector<16xi32>
    %add3A_11 = arith.constant 16 : i32
    %add3A_12 = vector.broadcast %add3A_11 : i32 to vector<16xi32>
    %add3A_13 = arith.addi %iota3A, %add3A_12 : vector<16xi32>
    %add3A_14 = arith.constant 32 : i32
    %add3A_15 = vector.broadcast %add3A_14 : i32 to vector<16xi32>
    %add3A_16 = arith.addi %iota3A, %add3A_15 : vector<16xi32>
    %add3A_17 = arith.constant 48 : i32
    %add3A_18 = vector.broadcast %add3A_17 : i32 to vector<16xi32>
    %add3A_19 = arith.addi %iota3A, %add3A_18 : vector<16xi32>
    %add3A_20 = arith.constant 64 : i32
    %add3A_21 = vector.broadcast %add3A_20 : i32 to vector<16xi32>
    %add3A_22 = arith.addi %iota3A, %add3A_21 : vector<16xi32>
    %add3A_23 = arith.constant 80 : i32
    %add3A_24 = vector.broadcast %add3A_23 : i32 to vector<16xi32>
    %add3A_25 = arith.addi %iota3A, %add3A_24 : vector<16xi32>
    %add3A_26 = arith.constant 96 : i32
    %add3A_27 = vector.broadcast %add3A_26 : i32 to vector<16xi32>
    %add3A_28 = arith.addi %iota3A, %add3A_27 : vector<16xi32>
    %add3A_29 = arith.constant 112 : i32
    %add3A_30 = vector.broadcast %add3A_29 : i32 to vector<16xi32>
    %add3A_31 = arith.addi %iota3A, %add3A_30 : vector<16xi32>
    %add3A_32 = arith.constant 0 : i32
    %add3A_33 = vector.broadcast %add3A_32 : i32 to vector<16xi32>
    %add3A_34 = arith.addi %mul3A_7, %add3A_33 : vector<16xi32>
    %gather3A = tpu.vector_load_idx %arg5[%add3A_34] : memref<25600xi32, #tpu.memory_space<vmem>>[vector<16xi32>], vector<16xi32>,
    %swap3A = arith.constant 0 : i32
    %swap3A_35 = arith.index_cast %swap3A : i32 to index
    %swap3A_36 = arith.constant 0 : index
    %swap3A_37 = tpu.vector_load %arg6[%swap3A_35, %swap3A_36] {strides = array<i32>} : memref<3x128xi32, #tpu.memory_space<vmem>>, vector<16xi32>,
    tpu.vector_store %arg6[%swap3A_35, %swap3A_36], %gather3A {strides = array<i32>} : memref<3x128xi32, #tpu.memory_space<vmem>>, vector<16xi32>,
    %add3A_38 = arith.constant 800 : i32
    %add3A_39 = vector.broadcast %add3A_38 : i32 to vector<16xi32>
    %add3A_40 = arith.addi %mul3A_7, %add3A_39 : vector<16xi32>
    %gather3A_41 = tpu.vector_load_idx %arg5[%add3A_40] : memref<25600xi32, #tpu.memory_space<vmem>>[vector<16xi32>], vector<16xi32>,
    %swap3A_42 = arith.constant 0 : i32
    %swap3A_43 = arith.index_cast %swap3A_42 : i32 to index
    %swap3A_44 = arith.constant 16 : index
    %swap3A_45 = tpu.vector_load %arg6[%swap3A_43, %swap3A_44] {strides = array<i32>} : memref<3x128xi32, #tpu.memory_space<vmem>>, vector<16xi32>,
    tpu.vector_store %arg6[%swap3A_43, %swap3A_44], %gather3A_41 {strides = array<i32>} : memref<3x128xi32, #tpu.memory_space<vmem>>, vector<16xi32>,
    %add3A_46 = arith.constant 1600 : i32
    %add3A_47 = vector.broadcast %add3A_46 : i32 to vector<16xi32>
    %add3A_48 = arith.addi %mul3A_7, %add3A_47 : vector<16xi32>
    %gather3A_49 = tpu.vector_load_idx %arg5[%add3A_48] : memref<25600xi32, #tpu.memory_space<vmem>>[vector<16xi32>], vector<16xi32>,
    %swap3A_50 = arith.constant 0 : i32
    %swap3A_51 = arith.index_cast %swap3A_50 : i32 to index
    %swap3A_52 = arith.constant 32 : index
    %swap3A_53 = tpu.vector_load %arg6[%swap3A_51, %swap3A_52] {strides = array<i32>} : memref<3x128xi32, #tpu.memory_space<vmem>>, vector<16xi32>,
    tpu.vector_store %arg6[%swap3A_51, %swap3A_52], %gather3A_49 {strides = array<i32>} : memref<3x128xi32, #tpu.memory_space<vmem>>, vector<16xi32>,
    %add3A_54 = arith.constant 2400 : i32
    %add3A_55 = vector.broadcast %add3A_54 : i32 to vector<16xi32>
    %add3A_56 = arith.addi %mul3A_7, %add3A_55 : vector<16xi32>
    %gather3A_57 = tpu.vector_load_idx %arg5[%add3A_56] : memref<25600xi32, #tpu.memory_space<vmem>>[vector<16xi32>], vector<16xi32>,
    %swap3A_58 = arith.constant 0 : i32
    %swap3A_59 = arith.index_cast %swap3A_58 : i32 to index
    %swap3A_60 = arith.constant 48 : index
    %swap3A_61 = tpu.vector_load %arg6[%swap3A_59, %swap3A_60] {strides = array<i32>} : memref<3x128xi32, #tpu.memory_space<vmem>>, vector<16xi32>,
    tpu.vector_store %arg6[%swap3A_59, %swap3A_60], %gather3A_57 {strides = array<i32>} : memref<3x128xi32, #tpu.memory_space<vmem>>, vector<16xi32>,
    %add3A_62 = arith.constant 3200 : i32
    %add3A_63 = vector.broadcast %add3A_62 : i32 to vector<16xi32>
    %add3A_64 = arith.addi %mul3A_7, %add3A_63 : vector<16xi32>
    %gather3A_65 = tpu.vector_load_idx %arg5[%add3A_64] : memref<25600xi32, #tpu.memory_space<vmem>>[vector<16xi32>], vector<16xi32>,
    %swap3A_66 = arith.constant 0 : i32
    %swap3A_67 = arith.index_cast %swap3A_66 : i32 to index
    %swap3A_68 = arith.constant 64 : index
    %swap3A_69 = tpu.vector_load %arg6[%swap3A_67, %swap3A_68] {strides = array<i32>} : memref<3x128xi32, #tpu.memory_space<vmem>>, vector<16xi32>,
    tpu.vector_store %arg6[%swap3A_67, %swap3A_68], %gather3A_65 {strides = array<i32>} : memref<3x128xi32, #tpu.memory_space<vmem>>, vector<16xi32>,
    %add3A_70 = arith.constant 4000 : i32
    %add3A_71 = vector.broadcast %add3A_70 : i32 to vector<16xi32>
    %add3A_72 = arith.addi %mul3A_7, %add3A_71 : vector<16xi32>
    %gather3A_73 = tpu.vector_load_idx %arg5[%add3A_72] : memref<25600xi32, #tpu.memory_space<vmem>>[vector<16xi32>], vector<16xi32>,
    %swap3A_74 = arith.constant 0 : i32
    %swap3A_75 = arith.index_cast %swap3A_74 : i32 to index
    %swap3A_76 = arith.constant 80 : index
    %swap3A_77 = tpu.vector_load %arg6[%swap3A_75, %swap3A_76] {strides = array<i32>} : memref<3x128xi32, #tpu.memory_space<vmem>>, vector<16xi32>,
    tpu.vector_store %arg6[%swap3A_75, %swap3A_76], %gather3A_73 {strides = array<i32>} : memref<3x128xi32, #tpu.memory_space<vmem>>, vector<16xi32>,
    %add3A_78 = arith.constant 4800 : i32
    %add3A_79 = vector.broadcast %add3A_78 : i32 to vector<16xi32>
    %add3A_80 = arith.addi %mul3A_7, %add3A_79 : vector<16xi32>
    %gather3A_81 = tpu.vector_load_idx %arg5[%add3A_80] : memref<25600xi32, #tpu.memory_space<vmem>>[vector<16xi32>], vector<16xi32>,
    %swap3A_82 = arith.constant 0 : i32
    %swap3A_83 = arith.index_cast %swap3A_82 : i32 to index
    %swap3A_84 = arith.constant 96 : index
    %swap3A_85 = tpu.vector_load %arg6[%swap3A_83, %swap3A_84] {strides = array<i32>} : memref<3x128xi32, #tpu.memory_space<vmem>>, vector<16xi32>,
    tpu.vector_store %arg6[%swap3A_83, %swap3A_84], %gather3A_81 {strides = array<i32>} : memref<3x128xi32, #tpu.memory_space<vmem>>, vector<16xi32>,
    %add3A_86 = arith.constant 5600 : i32
    %add3A_87 = vector.broadcast %add3A_86 : i32 to vector<16xi32>
    %add3A_88 = arith.addi %mul3A_7, %add3A_87 : vector<16xi32>
    %gather3A_89 = tpu.vector_load_idx %arg5[%add3A_88] : memref<25600xi32, #tpu.memory_space<vmem>>[vector<16xi32>], vector<16xi32>,
    %swap3A_90 = arith.constant 0 : i32
    %swap3A_91 = arith.index_cast %swap3A_90 : i32 to index
    %swap3A_92 = arith.constant 112 : index
    %swap3A_93 = tpu.vector_load %arg6[%swap3A_91, %swap3A_92] {strides = array<i32>} : memref<3x128xi32, #tpu.memory_space<vmem>>, vector<16xi32>,
    tpu.vector_store %arg6[%swap3A_91, %swap3A_92], %gather3A_89 {strides = array<i32>} : memref<3x128xi32, #tpu.memory_space<vmem>>, vector<16xi32>,
    %dma_start3A = arith.constant 0 : i32
    %dma_start3A_94 = arith.constant 0 : i32
    %dma_start3A_95 = arith.constant 0 : i32
    %dma_start3A_96 = arith.constant 0 : i32
    %dma_start3A_97 = tpu.memref_slice %arg7[%dma_start3A_94, %dma_start3A_95, %dma_start3A_96] : memref<3x128x64xf32, #tpu.memory_space<vmem>> -> memref<1x128x64xf32, #tpu.memory_space<vmem>>
    %dma_start3A_98 = tpu.memref_squeeze %dma_start3A_97 : memref<1x128x64xf32, #tpu.memory_space<vmem>> -> memref<128x64xf32, #tpu.memory_space<vmem>>
    %dma_start3A_99 = arith.constant 0 : i32
    %dma_start3A_100 = tpu.memref_slice %arg6[%dma_start3A, %dma_start3A_99] : memref<3x128xi32, #tpu.memory_space<vmem>> -> memref<1x128xi32, #tpu.memory_space<vmem>>
    %dma_start3A_101 = tpu.memref_squeeze %dma_start3A_100 : memref<1x128xi32, #tpu.memory_space<vmem>> -> memref<128xi32, #tpu.memory_space<vmem>>
    %dma_start3A_102 = arith.constant 0 : i32
    %dma_start3A_103 = arith.constant 0 : i32
    %dma_start3A_104 = tpu.memref_slice %arg3[%dma_start3A_102, %dma_start3A_103] : memref<1000000x64xf32, #tpu.memory_space<hbm>> -> memref<1000000x64xf32, #tpu.memory_space<hbm>>
    tpu.enqueue_indirect_dma source(%dma_start3A_104 : memref<1000000x64xf32, #tpu.memory_space<hbm>>) target(%dma_start3A_98 : memref<128x64xf32, #tpu.memory_space<vmem>>) offsets(%dma_start3A_101 : memref<128xi32, #tpu.memory_space<vmem>>) semaphore(%arg9 : memref<!tpu.dma_semaphore, #tpu.memory_space<semaphore_mem>>)
    %add3A_105 = arith.constant 6400 : i32
    %add3A_106 = vector.broadcast %add3A_105 : i32 to vector<16xi32>
    %add3A_107 = arith.addi %mul3A_7, %add3A_106 : vector<16xi32>
    %gather3A_108 = tpu.vector_load_idx %arg5[%add3A_107] : memref<25600xi32, #tpu.memory_space<vmem>>[vector<16xi32>], vector<16xi32>,
    %swap3A_109 = arith.constant 1 : i32
    %swap3A_110 = arith.index_cast %swap3A_109 : i32 to index
    %swap3A_111 = arith.constant 0 : index
    %swap3A_112 = tpu.vector_load %arg6[%swap3A_110, %swap3A_111] {strides = array<i32>} : memref<3x128xi32, #tpu.memory_space<vmem>>, vector<16xi32>,
    tpu.vector_store %arg6[%swap3A_110, %swap3A_111], %gather3A_108 {strides = array<i32>} : memref<3x128xi32, #tpu.memory_space<vmem>>, vector<16xi32>,
    %add3A_113 = arith.constant 7200 : i32
    %add3A_114 = vector.broadcast %add3A_113 : i32 to vector<16xi32>
    %add3A_115 = arith.addi %mul3A_7, %add3A_114 : vector<16xi32>
    %gather3A_116 = tpu.vector_load_idx %arg5[%add3A_115] : memref<25600xi32, #tpu.memory_space<vmem>>[vector<16xi32>], vector<16xi32>,
    %swap3A_117 = arith.constant 1 : i32
    %swap3A_118 = arith.index_cast %swap3A_117 : i32 to index
    %swap3A_119 = arith.constant 16 : index
    %swap3A_120 = tpu.vector_load %arg6[%swap3A_118, %swap3A_119] {strides = array<i32>} : memref<3x128xi32, #tpu.memory_space<vmem>>, vector<16xi32>,
    tpu.vector_store %arg6[%swap3A_118, %swap3A_119], %gather3A_116 {strides = array<i32>} : memref<3x128xi32, #tpu.memory_space<vmem>>, vector<16xi32>,
    %add3A_121 = arith.constant 8000 : i32
    %add3A_122 = vector.broadcast %add3A_121 : i32 to vector<16xi32>
    %add3A_123 = arith.addi %mul3A_7, %add3A_122 : vector<16xi32>
    %gather3A_124 = tpu.vector_load_idx %arg5[%add3A_123] : memref<25600xi32, #tpu.memory_space<vmem>>[vector<16xi32>], vector<16xi32>,
    %swap3A_125 = arith.constant 1 : i32
    %swap3A_126 = arith.index_cast %swap3A_125 : i32 to index
    %swap3A_127 = arith.constant 32 : index
    %swap3A_128 = tpu.vector_load %arg6[%swap3A_126, %swap3A_127] {strides = array<i32>} : memref<3x128xi32, #tpu.memory_space<vmem>>, vector<16xi32>,
    tpu.vector_store %arg6[%swap3A_126, %swap3A_127], %gather3A_124 {strides = array<i32>} : memref<3x128xi32, #tpu.memory_space<vmem>>, vector<16xi32>,
    %add3A_129 = arith.constant 8800 : i32
    %add3A_130 = vector.broadcast %add3A_129 : i32 to vector<16xi32>
    %add3A_131 = arith.addi %mul3A_7, %add3A_130 : vector<16xi32>
    %gather3A_132 = tpu.vector_load_idx %arg5[%add3A_131] : memref<25600xi32, #tpu.memory_space<vmem>>[vector<16xi32>], vector<16xi32>,
    %swap3A_133 = arith.constant 1 : i32
    %swap3A_134 = arith.index_cast %swap3A_133 : i32 to index
    %swap3A_135 = arith.constant 48 : index
    %swap3A_136 = tpu.vector_load %arg6[%swap3A_134, %swap3A_135] {strides = array<i32>} : memref<3x128xi32, #tpu.memory_space<vmem>>, vector<16xi32>,
    tpu.vector_store %arg6[%swap3A_134, %swap3A_135], %gather3A_132 {strides = array<i32>} : memref<3x128xi32, #tpu.memory_space<vmem>>, vector<16xi32>,
    %add3A_137 = arith.constant 9600 : i32
    %add3A_138 = vector.broadcast %add3A_137 : i32 to vector<16xi32>
    %add3A_139 = arith.addi %mul3A_7, %add3A_138 : vector<16xi32>
    %gather3A_140 = tpu.vector_load_idx %arg5[%add3A_139] : memref<25600xi32, #tpu.memory_space<vmem>>[vector<16xi32>], vector<16xi32>,
    %swap3A_141 = arith.constant 1 : i32
    %swap3A_142 = arith.index_cast %swap3A_141 : i32 to index
    %swap3A_143 = arith.constant 64 : index
    %swap3A_144 = tpu.vector_load %arg6[%swap3A_142, %swap3A_143] {strides = array<i32>} : memref<3x128xi32, #tpu.memory_space<vmem>>, vector<16xi32>,
    tpu.vector_store %arg6[%swap3A_142, %swap3A_143], %gather3A_140 {strides = array<i32>} : memref<3x128xi32, #tpu.memory_space<vmem>>, vector<16xi32>,
    %add3A_145 = arith.constant 10400 : i32
    %add3A_146 = vector.broadcast %add3A_145 : i32 to vector<16xi32>
    %add3A_147 = arith.addi %mul3A_7, %add3A_146 : vector<16xi32>
    %gather3A_148 = tpu.vector_load_idx %arg5[%add3A_147] : memref<25600xi32, #tpu.memory_space<vmem>>[vector<16xi32>], vector<16xi32>,
    %swap3A_149 = arith.constant 1 : i32
    %swap3A_150 = arith.index_cast %swap3A_149 : i32 to index
    %swap3A_151 = arith.constant 80 : index
    %swap3A_152 = tpu.vector_load %arg6[%swap3A_150, %swap3A_151] {strides = array<i32>} : memref<3x128xi32, #tpu.memory_space<vmem>>, vector<16xi32>,
    tpu.vector_store %arg6[%swap3A_150, %swap3A_151], %gather3A_148 {strides = array<i32>} : memref<3x128xi32, #tpu.memory_space<vmem>>, vector<16xi32>,
    %add3A_153 = arith.constant 11200 : i32
    %add3A_154 = vector.broadcast %add3A_153 : i32 to vector<16xi32>
    %add3A_155 = arith.addi %mul3A_7, %add3A_154 : vector<16xi32>
    %gather3A_156 = tpu.vector_load_idx %arg5[%add3A_155] : memref<25600xi32, #tpu.memory_space<vmem>>[vector<16xi32>], vector<16xi32>,
    %swap3A_157 = arith.constant 1 : i32
    %swap3A_158 = arith.index_cast %swap3A_157 : i32 to index
    %swap3A_159 = arith.constant 96 : index
    %swap3A_160 = tpu.vector_load %arg6[%swap3A_158, %swap3A_159] {strides = array<i32>} : memref<3x128xi32, #tpu.memory_space<vmem>>, vector<16xi32>,
    tpu.vector_store %arg6[%swap3A_158, %swap3A_159], %gather3A_156 {strides = array<i32>} : memref<3x128xi32, #tpu.memory_space<vmem>>, vector<16xi32>,
    %add3A_161 = arith.constant 12000 : i32
    %add3A_162 = vector.broadcast %add3A_161 : i32 to vector<16xi32>
    %add3A_163 = arith.addi %mul3A_7, %add3A_162 : vector<16xi32>
    %gather3A_164 = tpu.vector_load_idx %arg5[%add3A_163] : memref<25600xi32, #tpu.memory_space<vmem>>[vector<16xi32>], vector<16xi32>,
    %swap3A_165 = arith.constant 1 : i32
    %swap3A_166 = arith.index_cast %swap3A_165 : i32 to index
    %swap3A_167 = arith.constant 112 : index
    %swap3A_168 = tpu.vector_load %arg6[%swap3A_166, %swap3A_167] {strides = array<i32>} : memref<3x128xi32, #tpu.memory_space<vmem>>, vector<16xi32>,
    tpu.vector_store %arg6[%swap3A_166, %swap3A_167], %gather3A_164 {strides = array<i32>} : memref<3x128xi32, #tpu.memory_space<vmem>>, vector<16xi32>,
    %dma_start3A_169 = arith.constant 1 : i32
    %dma_start3A_170 = arith.constant 1 : i32
    %dma_start3A_171 = arith.constant 0 : i32
    %dma_start3A_172 = arith.constant 0 : i32
    %dma_start3A_173 = tpu.memref_slice %arg7[%dma_start3A_170, %dma_start3A_171, %dma_start3A_172] : memref<3x128x64xf32, #tpu.memory_space<vmem>> -> memref<1x128x64xf32, #tpu.memory_space<vmem>>
    %dma_start3A_174 = tpu.memref_squeeze %dma_start3A_173 : memref<1x128x64xf32, #tpu.memory_space<vmem>> -> memref<128x64xf32, #tpu.memory_space<vmem>>
    %dma_start3A_175 = arith.constant 0 : i32
    %dma_start3A_176 = tpu.memref_slice %arg6[%dma_start3A_169, %dma_start3A_175] : memref<3x128xi32, #tpu.memory_space<vmem>> -> memref<1x128xi32, #tpu.memory_space<vmem>>
    %dma_start3A_177 = tpu.memref_squeeze %dma_start3A_176 : memref<1x128xi32, #tpu.memory_space<vmem>> -> memref<128xi32, #tpu.memory_space<vmem>>
    %dma_start3A_178 = arith.constant 0 : i32
    %dma_start3A_179 = arith.constant 0 : i32
    %dma_start3A_180 = tpu.memref_slice %arg3[%dma_start3A_178, %dma_start3A_179] : memref<1000000x64xf32, #tpu.memory_space<hbm>> -> memref<1000000x64xf32, #tpu.memory_space<hbm>>
    tpu.enqueue_indirect_dma source(%dma_start3A_180 : memref<1000000x64xf32, #tpu.memory_space<hbm>>) target(%dma_start3A_174 : memref<128x64xf32, #tpu.memory_space<vmem>>) offsets(%dma_start3A_177 : memref<128xi32, #tpu.memory_space<vmem>>) semaphore(%arg10 : memref<!tpu.dma_semaphore, #tpu.memory_space<semaphore_mem>>)
    %add3A_181 = arith.constant 12800 : i32
    %add3A_182 = vector.broadcast %add3A_181 : i32 to vector<16xi32>
    %add3A_183 = arith.addi %mul3A_7, %add3A_182 : vector<16xi32>
    %gather3A_184 = tpu.vector_load_idx %arg5[%add3A_183] : memref<25600xi32, #tpu.memory_space<vmem>>[vector<16xi32>], vector<16xi32>,
    %swap3A_185 = arith.constant 2 : i32
    %swap3A_186 = arith.index_cast %swap3A_185 : i32 to index
    %swap3A_187 = arith.constant 0 : index
    %swap3A_188 = tpu.vector_load %arg6[%swap3A_186, %swap3A_187] {strides = array<i32>} : memref<3x128xi32, #tpu.memory_space<vmem>>, vector<16xi32>,
    tpu.vector_store %arg6[%swap3A_186, %swap3A_187], %gather3A_184 {strides = array<i32>} : memref<3x128xi32, #tpu.memory_space<vmem>>, vector<16xi32>,
    %add3A_189 = arith.constant 13600 : i32
    %add3A_190 = vector.broadcast %add3A_189 : i32 to vector<16xi32>
    %add3A_191 = arith.addi %mul3A_7, %add3A_190 : vector<16xi32>
    %gather3A_192 = tpu.vector_load_idx %arg5[%add3A_191] : memref<25600xi32, #tpu.memory_space<vmem>>[vector<16xi32>], vector<16xi32>,
    %swap3A_193 = arith.constant 2 : i32
    %swap3A_194 = arith.index_cast %swap3A_193 : i32 to index
    %swap3A_195 = arith.constant 16 : index
    %swap3A_196 = tpu.vector_load %arg6[%swap3A_194, %swap3A_195] {strides = array<i32>} : memref<3x128xi32, #tpu.memory_space<vmem>>, vector<16xi32>,
    tpu.vector_store %arg6[%swap3A_194, %swap3A_195], %gather3A_192 {strides = array<i32>} : memref<3x128xi32, #tpu.memory_space<vmem>>, vector<16xi32>,
    %add3A_197 = arith.constant 14400 : i32
    %add3A_198 = vector.broadcast %add3A_197 : i32 to vector<16xi32>
    %add3A_199 = arith.addi %mul3A_7, %add3A_198 : vector<16xi32>
    %gather3A_200 = tpu.vector_load_idx %arg5[%add3A_199] : memref<25600xi32, #tpu.memory_space<vmem>>[vector<16xi32>], vector<16xi32>,
    %swap3A_201 = arith.constant 2 : i32
    %swap3A_202 = arith.index_cast %swap3A_201 : i32 to index
    %swap3A_203 = arith.constant 32 : index
    %swap3A_204 = tpu.vector_load %arg6[%swap3A_202, %swap3A_203] {strides = array<i32>} : memref<3x128xi32, #tpu.memory_space<vmem>>, vector<16xi32>,
    tpu.vector_store %arg6[%swap3A_202, %swap3A_203], %gather3A_200 {strides = array<i32>} : memref<3x128xi32, #tpu.memory_space<vmem>>, vector<16xi32>,
    %add3A_205 = arith.constant 15200 : i32
    %add3A_206 = vector.broadcast %add3A_205 : i32 to vector<16xi32>
    %add3A_207 = arith.addi %mul3A_7, %add3A_206 : vector<16xi32>
    %gather3A_208 = tpu.vector_load_idx %arg5[%add3A_207] : memref<25600xi32, #tpu.memory_space<vmem>>[vector<16xi32>], vector<16xi32>,
    %swap3A_209 = arith.constant 2 : i32
    %swap3A_210 = arith.index_cast %swap3A_209 : i32 to index
    %swap3A_211 = arith.constant 48 : index
    %swap3A_212 = tpu.vector_load %arg6[%swap3A_210, %swap3A_211] {strides = array<i32>} : memref<3x128xi32, #tpu.memory_space<vmem>>, vector<16xi32>,
    tpu.vector_store %arg6[%swap3A_210, %swap3A_211], %gather3A_208 {strides = array<i32>} : memref<3x128xi32, #tpu.memory_space<vmem>>, vector<16xi32>,
    %add3A_213 = arith.constant 16000 : i32
    %add3A_214 = vector.broadcast %add3A_213 : i32 to vector<16xi32>
    %add3A_215 = arith.addi %mul3A_7, %add3A_214 : vector<16xi32>
    %gather3A_216 = tpu.vector_load_idx %arg5[%add3A_215] : memref<25600xi32, #tpu.memory_space<vmem>>[vector<16xi32>], vector<16xi32>,
    %swap3A_217 = arith.constant 2 : i32
    %swap3A_218 = arith.index_cast %swap3A_217 : i32 to index
    %swap3A_219 = arith.constant 64 : index
    %swap3A_220 = tpu.vector_load %arg6[%swap3A_218, %swap3A_219] {strides = array<i32>} : memref<3x128xi32, #tpu.memory_space<vmem>>, vector<16xi32>,
    tpu.vector_store %arg6[%swap3A_218, %swap3A_219], %gather3A_216 {strides = array<i32>} : memref<3x128xi32, #tpu.memory_space<vmem>>, vector<16xi32>,
    %add3A_221 = arith.constant 16800 : i32
    %add3A_222 = vector.broadcast %add3A_221 : i32 to vector<16xi32>
    %add3A_223 = arith.addi %mul3A_7, %add3A_222 : vector<16xi32>
    %gather3A_224 = tpu.vector_load_idx %arg5[%add3A_223] : memref<25600xi32, #tpu.memory_space<vmem>>[vector<16xi32>], vector<16xi32>,
    %swap3A_225 = arith.constant 2 : i32
    %swap3A_226 = arith.index_cast %swap3A_225 : i32 to index
    %swap3A_227 = arith.constant 80 : index
    %swap3A_228 = tpu.vector_load %arg6[%swap3A_226, %swap3A_227] {strides = array<i32>} : memref<3x128xi32, #tpu.memory_space<vmem>>, vector<16xi32>,
    tpu.vector_store %arg6[%swap3A_226, %swap3A_227], %gather3A_224 {strides = array<i32>} : memref<3x128xi32, #tpu.memory_space<vmem>>, vector<16xi32>,
    %add3A_229 = arith.constant 17600 : i32
    %add3A_230 = vector.broadcast %add3A_229 : i32 to vector<16xi32>
    %add3A_231 = arith.addi %mul3A_7, %add3A_230 : vector<16xi32>
    %gather3A_232 = tpu.vector_load_idx %arg5[%add3A_231] : memref<25600xi32, #tpu.memory_space<vmem>>[vector<16xi32>], vector<16xi32>,
    %swap3A_233 = arith.constant 2 : i32
    %swap3A_234 = arith.index_cast %swap3A_233 : i32 to index
    %swap3A_235 = arith.constant 96 : index
    %swap3A_236 = tpu.vector_load %arg6[%swap3A_234, %swap3A_235] {strides = array<i32>} : memref<3x128xi32, #tpu.memory_space<vmem>>, vector<16xi32>,
    tpu.vector_store %arg6[%swap3A_234, %swap3A_235], %gather3A_232 {strides = array<i32>} : memref<3x128xi32, #tpu.memory_space<vmem>>, vector<16xi32>,
    %add3A_237 = arith.constant 18400 : i32
    %add3A_238 = vector.broadcast %add3A_237 : i32 to vector<16xi32>
    %add3A_239 = arith.addi %mul3A_7, %add3A_238 : vector<16xi32>
    %gather3A_240 = tpu.vector_load_idx %arg5[%add3A_239] : memref<25600xi32, #tpu.memory_space<vmem>>[vector<16xi32>], vector<16xi32>,
    %swap3A_241 = arith.constant 2 : i32
    %swap3A_242 = arith.index_cast %swap3A_241 : i32 to index
    %swap3A_243 = arith.constant 112 : index
    %swap3A_244 = tpu.vector_load %arg6[%swap3A_242, %swap3A_243] {strides = array<i32>} : memref<3x128xi32, #tpu.memory_space<vmem>>, vector<16xi32>,
    tpu.vector_store %arg6[%swap3A_242, %swap3A_243], %gather3A_240 {strides = array<i32>} : memref<3x128xi32, #tpu.memory_space<vmem>>, vector<16xi32>,
    %dma_start3A_245 = arith.constant 2 : i32
    %dma_start3A_246 = arith.constant 2 : i32
    %dma_start3A_247 = arith.constant 0 : i32
    %dma_start3A_248 = arith.constant 0 : i32
    %dma_start3A_249 = tpu.memref_slice %arg7[%dma_start3A_246, %dma_start3A_247, %dma_start3A_248] : memref<3x128x64xf32, #tpu.memory_space<vmem>> -> memref<1x128x64xf32, #tpu.memory_space<vmem>>
    %dma_start3A_250 = tpu.memref_squeeze %dma_start3A_249 : memref<1x128x64xf32, #tpu.memory_space<vmem>> -> memref<128x64xf32, #tpu.memory_space<vmem>>
    %dma_start3A_251 = arith.constant 0 : i32
    %dma_start3A_252 = tpu.memref_slice %arg6[%dma_start3A_245, %dma_start3A_251] : memref<3x128xi32, #tpu.memory_space<vmem>> -> memref<1x128xi32, #tpu.memory_space<vmem>>
    %dma_start3A_253 = tpu.memref_squeeze %dma_start3A_252 : memref<1x128xi32, #tpu.memory_space<vmem>> -> memref<128xi32, #tpu.memory_space<vmem>>
    %dma_start3A_254 = arith.constant 0 : i32
    %dma_start3A_255 = arith.constant 0 : i32
    %dma_start3A_256 = tpu.memref_slice %arg3[%dma_start3A_254, %dma_start3A_255] : memref<1000000x64xf32, #tpu.memory_space<hbm>> -> memref<1000000x64xf32, #tpu.memory_space<hbm>>
    tpu.enqueue_indirect_dma source(%dma_start3A_256 : memref<1000000x64xf32, #tpu.memory_space<hbm>>) target(%dma_start3A_250 : memref<128x64xf32, #tpu.memory_space<vmem>>) offsets(%dma_start3A_253 : memref<128xi32, #tpu.memory_space<vmem>>) semaphore(%arg11 : memref<!tpu.dma_semaphore, #tpu.memory_space<semaphore_mem>>)
    %dma_wait3A = arith.constant 0 : i32
    %dma_wait3A_257 = arith.constant 0 : i32
    %dma_wait3A_258 = arith.constant 0 : i32
    %dma_wait3A_259 = arith.constant 0 : i32
    %dma_wait3A_260 = tpu.memref_slice %arg7[%dma_wait3A_257, %dma_wait3A_258, %dma_wait3A_259] : memref<3x128x64xf32, #tpu.memory_space<vmem>> -> memref<1x128x64xf32, #tpu.memory_space<vmem>>
    %dma_wait3A_261 = tpu.memref_squeeze %dma_wait3A_260 : memref<1x128x64xf32, #tpu.memory_space<vmem>> -> memref<128x64xf32, #tpu.memory_space<vmem>>
    %dma_wait3A_262 = arith.constant 0 : i32
    %dma_wait3A_263 = tpu.memref_slice %arg6[%dma_wait3A, %dma_wait3A_262] : memref<3x128xi32, #tpu.memory_space<vmem>> -> memref<1x128xi32, #tpu.memory_space<vmem>>
    %dma_wait3A_264 = tpu.memref_squeeze %dma_wait3A_263 : memref<1x128xi32, #tpu.memory_space<vmem>> -> memref<128xi32, #tpu.memory_space<vmem>>
    %dma_wait3A_265 = arith.constant 0 : i32
    %dma_wait3A_266 = arith.constant 0 : i32
    %dma_wait3A_267 = tpu.memref_slice %arg3[%dma_wait3A_265, %dma_wait3A_266] : memref<1000000x64xf32, #tpu.memory_space<hbm>> -> memref<1000000x64xf32, #tpu.memory_space<hbm>>
    tpu.wait_indirect_dma semaphore(%arg9 : memref<!tpu.dma_semaphore, #tpu.memory_space<semaphore_mem>>) src(%dma_wait3A_267 : memref<1000000x64xf32, #tpu.memory_space<hbm>>) dst(%dma_wait3A_261 : memref<128x64xf32, #tpu.memory_space<vmem>>)
    %scan3A = arith.constant 0 : i32
    %scan3A_268 = arith.constant 0 : i32
    %scan3A_269 = arith.constant 0 : i32
    %scan3A_270 = arith.constant 0 : i32
    %scan3A_271 = arith.constant 32 : i32
    %scan3A_272 = arith.addi %scan3A_270, %scan3A_271 : i32
    %scan3A_273 = arith.constant 1 : i32
    scf.for %scan3A_758 = %scan3A_270 to %scan3A_272 step %scan3A_273  : i32 {
      %mul3A_759 = arith.constant 2 : i32
      %mul3A_760 = arith.muli %scan3A_758, %mul3A_759 : i32
      %add3A_761 = arith.constant 0 : i32
      %add3A_762 = arith.addi %mul3A_760, %add3A_761 : i32
      %add3A_763 = vector.broadcast %add3A_762 : i32 to vector<16xi32>
      %add3A_764 = arith.addi %iota3A, %add3A_763 : vector<16xi32>
      %and3A = arith.constant 63 : i32
      %and3A_765 = vector.broadcast %and3A : i32 to vector<16xi32>
      %and3A_766 = arith.andi %add3A_764, %and3A_765 : vector<16xi32>
      %shift_right_logical3A = arith.constant 3 : i32
      %shift_right_logical3A_767 = vector.broadcast %shift_right_logical3A : i32 to vector<16xi32>
      %shift_right_logical3A_768 = arith.shrui %and3A_766, %shift_right_logical3A_767 : vector<16xi32>
      %and3A_769 = arith.constant 7 : i32
      %and3A_770 = vector.broadcast %and3A_769 : i32 to vector<16xi32>
      %and3A_771 = arith.andi %and3A_766, %and3A_770 : vector<16xi32>
      %gather3A_772 = arith.constant 0 : i32
      %gather3A_773 = arith.constant 0 : i32
      %gather3A_774 = tpu.memref_slice %arg7[%scan3A_268, %gather3A_772, %gather3A_773] : memref<3x128x64xf32, #tpu.memory_space<vmem>> -> memref<1x128x64xf32, #tpu.memory_space<vmem>>
      %gather3A_775 = tpu.memref_squeeze %gather3A_774 : memref<1x128x64xf32, #tpu.memory_space<vmem>> -> memref<128x64xf32, #tpu.memory_space<vmem>>
      %gather3A_776 = tpu.vector_load_idx %gather3A_775[%add3A_10, %and3A_766] : memref<128x64xf32, #tpu.memory_space<vmem>>[vector<16xi32>, vector<16xi32>], vector<16xf32>,
      %gather3A_777 = arith.constant 0 : i32
      %gather3A_778 = arith.constant 0 : i32
      %gather3A_779 = tpu.memref_slice %arg7[%scan3A_268, %gather3A_777, %gather3A_778] : memref<3x128x64xf32, #tpu.memory_space<vmem>> -> memref<1x128x64xf32, #tpu.memory_space<vmem>>
      %gather3A_780 = tpu.memref_squeeze %gather3A_779 : memref<1x128x64xf32, #tpu.memory_space<vmem>> -> memref<128x64xf32, #tpu.memory_space<vmem>>
      %gather3A_781 = tpu.vector_load_idx %gather3A_780[%add3A_13, %and3A_766] : memref<128x64xf32, #tpu.memory_space<vmem>>[vector<16xi32>, vector<16xi32>], vector<16xf32>,
      %gather3A_782 = arith.constant 0 : i32
      %gather3A_783 = arith.constant 0 : i32
      %gather3A_784 = tpu.memref_slice %arg7[%scan3A_268, %gather3A_782, %gather3A_783] : memref<3x128x64xf32, #tpu.memory_space<vmem>> -> memref<1x128x64xf32, #tpu.memory_space<vmem>>
      %gather3A_785 = tpu.memref_squeeze %gather3A_784 : memref<1x128x64xf32, #tpu.memory_space<vmem>> -> memref<128x64xf32, #tpu.memory_space<vmem>>
      %gather3A_786 = tpu.vector_load_idx %gather3A_785[%add3A_16, %and3A_766] : memref<128x64xf32, #tpu.memory_space<vmem>>[vector<16xi32>, vector<16xi32>], vector<16xf32>,
      %gather3A_787 = arith.constant 0 : i32
      %gather3A_788 = arith.constant 0 : i32
      %gather3A_789 = tpu.memref_slice %arg7[%scan3A_268, %gather3A_787, %gather3A_788] : memref<3x128x64xf32, #tpu.memory_space<vmem>> -> memref<1x128x64xf32, #tpu.memory_space<vmem>>
      %gather3A_790 = tpu.memref_squeeze %gather3A_789 : memref<1x128x64xf32, #tpu.memory_space<vmem>> -> memref<128x64xf32, #tpu.memory_space<vmem>>
      %gather3A_791 = tpu.vector_load_idx %gather3A_790[%add3A_19, %and3A_766] : memref<128x64xf32, #tpu.memory_space<vmem>>[vector<16xi32>, vector<16xi32>], vector<16xf32>,
      %gather3A_792 = arith.constant 0 : i32
      %gather3A_793 = arith.constant 0 : i32
      %gather3A_794 = tpu.memref_slice %arg7[%scan3A_268, %gather3A_792, %gather3A_793] : memref<3x128x64xf32, #tpu.memory_space<vmem>> -> memref<1x128x64xf32, #tpu.memory_space<vmem>>
      %gather3A_795 = tpu.memref_squeeze %gather3A_794 : memref<1x128x64xf32, #tpu.memory_space<vmem>> -> memref<128x64xf32, #tpu.memory_space<vmem>>
      %gather3A_796 = tpu.vector_load_idx %gather3A_795[%add3A_22, %and3A_766] : memref<128x64xf32, #tpu.memory_space<vmem>>[vector<16xi32>, vector<16xi32>], vector<16xf32>,
      %gather3A_797 = arith.constant 0 : i32
      %gather3A_798 = arith.constant 0 : i32
      %gather3A_799 = tpu.memref_slice %arg7[%scan3A_268, %gather3A_797, %gather3A_798] : memref<3x128x64xf32, #tpu.memory_space<vmem>> -> memref<1x128x64xf32, #tpu.memory_space<vmem>>
      %gather3A_800 = tpu.memref_squeeze %gather3A_799 : memref<1x128x64xf32, #tpu.memory_space<vmem>> -> memref<128x64xf32, #tpu.memory_space<vmem>>
      %gather3A_801 = tpu.vector_load_idx %gather3A_800[%add3A_25, %and3A_766] : memref<128x64xf32, #tpu.memory_space<vmem>>[vector<16xi32>, vector<16xi32>], vector<16xf32>,
      %gather3A_802 = arith.constant 0 : i32
      %gather3A_803 = arith.constant 0 : i32
      %gather3A_804 = tpu.memref_slice %arg7[%scan3A_268, %gather3A_802, %gather3A_803] : memref<3x128x64xf32, #tpu.memory_space<vmem>> -> memref<1x128x64xf32, #tpu.memory_space<vmem>>
      %gather3A_805 = tpu.memref_squeeze %gather3A_804 : memref<1x128x64xf32, #tpu.memory_space<vmem>> -> memref<128x64xf32, #tpu.memory_space<vmem>>
      %gather3A_806 = tpu.vector_load_idx %gather3A_805[%add3A_28, %and3A_766] : memref<128x64xf32, #tpu.memory_space<vmem>>[vector<16xi32>, vector<16xi32>], vector<16xf32>,
      %gather3A_807 = arith.constant 0 : i32
      %gather3A_808 = arith.constant 0 : i32
      %gather3A_809 = tpu.memref_slice %arg7[%scan3A_268, %gather3A_807, %gather3A_808] : memref<3x128x64xf32, #tpu.memory_space<vmem>> -> memref<1x128x64xf32, #tpu.memory_space<vmem>>
      %gather3A_810 = tpu.memref_squeeze %gather3A_809 : memref<1x128x64xf32, #tpu.memory_space<vmem>> -> memref<128x64xf32, #tpu.memory_space<vmem>>
      %gather3A_811 = tpu.vector_load_idx %gather3A_810[%add3A_31, %and3A_766] : memref<128x64xf32, #tpu.memory_space<vmem>>[vector<16xi32>, vector<16xi32>], vector<16xf32>,
      %scatter3A = arith.constant 0 : i32
      %scatter3A_812 = arith.constant 0 : i32
      %scatter3A_813 = arith.constant 0 : i32
      %scatter3A_814 = tpu.memref_slice %arg8[%scan3A_269, %scatter3A, %scatter3A_812, %scatter3A_813] : memref<3x8x8x128xf32, #tpu.memory_space<vmem>> -> memref<1x8x8x128xf32, #tpu.memory_space<vmem>>
      %scatter3A_815 = tpu.memref_squeeze %scatter3A_814 : memref<1x8x8x128xf32, #tpu.memory_space<vmem>> -> memref<8x8x128xf32, #tpu.memory_space<vmem>>
      tpu.vector_store_idx %scatter3A_815[%shift_right_logical3A_768, %and3A_771, %add3A_10], %gather3A_776 : memref<8x8x128xf32, #tpu.memory_space<vmem>>[vector<16xi32>, vector<16xi32>, vector<16xi32>], vector<16xf32>,
      %scatter3A_816 = arith.constant 0 : i32
      %scatter3A_817 = arith.constant 0 : i32
      %scatter3A_818 = arith.constant 0 : i32
      %scatter3A_819 = tpu.memref_slice %arg8[%scan3A_269, %scatter3A_816, %scatter3A_817, %scatter3A_818] : memref<3x8x8x128xf32, #tpu.memory_space<vmem>> -> memref<1x8x8x128xf32, #tpu.memory_space<vmem>>
      %scatter3A_820 = tpu.memref_squeeze %scatter3A_819 : memref<1x8x8x128xf32, #tpu.memory_space<vmem>> -> memref<8x8x128xf32, #tpu.memory_space<vmem>>
      tpu.vector_store_idx %scatter3A_820[%shift_right_logical3A_768, %and3A_771, %add3A_13], %gather3A_781 : memref<8x8x128xf32, #tpu.memory_space<vmem>>[vector<16xi32>, vector<16xi32>, vector<16xi32>], vector<16xf32>,
      %scatter3A_821 = arith.constant 0 : i32
      %scatter3A_822 = arith.constant 0 : i32
      %scatter3A_823 = arith.constant 0 : i32
      %scatter3A_824 = tpu.memref_slice %arg8[%scan3A_269, %scatter3A_821, %scatter3A_822, %scatter3A_823] : memref<3x8x8x128xf32, #tpu.memory_space<vmem>> -> memref<1x8x8x128xf32, #tpu.memory_space<vmem>>
      %scatter3A_825 = tpu.memref_squeeze %scatter3A_824 : memref<1x8x8x128xf32, #tpu.memory_space<vmem>> -> memref<8x8x128xf32, #tpu.memory_space<vmem>>
      tpu.vector_store_idx %scatter3A_825[%shift_right_logical3A_768, %and3A_771, %add3A_16], %gather3A_786 : memref<8x8x128xf32, #tpu.memory_space<vmem>>[vector<16xi32>, vector<16xi32>, vector<16xi32>], vector<16xf32>,
      %scatter3A_826 = arith.constant 0 : i32
      %scatter3A_827 = arith.constant 0 : i32
      %scatter3A_828 = arith.constant 0 : i32
      %scatter3A_829 = tpu.memref_slice %arg8[%scan3A_269, %scatter3A_826, %scatter3A_827, %scatter3A_828] : memref<3x8x8x128xf32, #tpu.memory_space<vmem>> -> memref<1x8x8x128xf32, #tpu.memory_space<vmem>>
      %scatter3A_830 = tpu.memref_squeeze %scatter3A_829 : memref<1x8x8x128xf32, #tpu.memory_space<vmem>> -> memref<8x8x128xf32, #tpu.memory_space<vmem>>
      tpu.vector_store_idx %scatter3A_830[%shift_right_logical3A_768, %and3A_771, %add3A_19], %gather3A_791 : memref<8x8x128xf32, #tpu.memory_space<vmem>>[vector<16xi32>, vector<16xi32>, vector<16xi32>], vector<16xf32>,
      %scatter3A_831 = arith.constant 0 : i32
      %scatter3A_832 = arith.constant 0 : i32
      %scatter3A_833 = arith.constant 0 : i32
      %scatter3A_834 = tpu.memref_slice %arg8[%scan3A_269, %scatter3A_831, %scatter3A_832, %scatter3A_833] : memref<3x8x8x128xf32, #tpu.memory_space<vmem>> -> memref<1x8x8x128xf32, #tpu.memory_space<vmem>>
      %scatter3A_835 = tpu.memref_squeeze %scatter3A_834 : memref<1x8x8x128xf32, #tpu.memory_space<vmem>> -> memref<8x8x128xf32, #tpu.memory_space<vmem>>
      tpu.vector_store_idx %scatter3A_835[%shift_right_logical3A_768, %and3A_771, %add3A_22], %gather3A_796 : memref<8x8x128xf32, #tpu.memory_space<vmem>>[vector<16xi32>, vector<16xi32>, vector<16xi32>], vector<16xf32>,
      %scatter3A_836 = arith.constant 0 : i32
      %scatter3A_837 = arith.constant 0 : i32
      %scatter3A_838 = arith.constant 0 : i32
      %scatter3A_839 = tpu.memref_slice %arg8[%scan3A_269, %scatter3A_836, %scatter3A_837, %scatter3A_838] : memref<3x8x8x128xf32, #tpu.memory_space<vmem>> -> memref<1x8x8x128xf32, #tpu.memory_space<vmem>>
      %scatter3A_840 = tpu.memref_squeeze %scatter3A_839 : memref<1x8x8x128xf32, #tpu.memory_space<vmem>> -> memref<8x8x128xf32, #tpu.memory_space<vmem>>
      tpu.vector_store_idx %scatter3A_840[%shift_right_logical3A_768, %and3A_771, %add3A_25], %gather3A_801 : memref<8x8x128xf32, #tpu.memory_space<vmem>>[vector<16xi32>, vector<16xi32>, vector<16xi32>], vector<16xf32>,
      %scatter3A_841 = arith.constant 0 : i32
      %scatter3A_842 = arith.constant 0 : i32
      %scatter3A_843 = arith.constant 0 : i32
      %scatter3A_844 = tpu.memref_slice %arg8[%scan3A_269, %scatter3A_841, %scatter3A_842, %scatter3A_843] : memref<3x8x8x128xf32, #tpu.memory_space<vmem>> -> memref<1x8x8x128xf32, #tpu.memory_space<vmem>>
      %scatter3A_845 = tpu.memref_squeeze %scatter3A_844 : memref<1x8x8x128xf32, #tpu.memory_space<vmem>> -> memref<8x8x128xf32, #tpu.memory_space<vmem>>
      tpu.vector_store_idx %scatter3A_845[%shift_right_logical3A_768, %and3A_771, %add3A_28], %gather3A_806 : memref<8x8x128xf32, #tpu.memory_space<vmem>>[vector<16xi32>, vector<16xi32>, vector<16xi32>], vector<16xf32>,
      %scatter3A_846 = arith.constant 0 : i32
      %scatter3A_847 = arith.constant 0 : i32
      %scatter3A_848 = arith.constant 0 : i32
      %scatter3A_849 = tpu.memref_slice %arg8[%scan3A_269, %scatter3A_846, %scatter3A_847, %scatter3A_848] : memref<3x8x8x128xf32, #tpu.memory_space<vmem>> -> memref<1x8x8x128xf32, #tpu.memory_space<vmem>>
      %scatter3A_850 = tpu.memref_squeeze %scatter3A_849 : memref<1x8x8x128xf32, #tpu.memory_space<vmem>> -> memref<8x8x128xf32, #tpu.memory_space<vmem>>
      tpu.vector_store_idx %scatter3A_850[%shift_right_logical3A_768, %and3A_771, %add3A_31], %gather3A_811 : memref<8x8x128xf32, #tpu.memory_space<vmem>>[vector<16xi32>, vector<16xi32>, vector<16xi32>], vector<16xf32>,
      %mul3A_851 = arith.constant 2 : i32
      %mul3A_852 = arith.muli %scan3A_758, %mul3A_851 : i32
      %add3A_853 = arith.constant 1 : i32
      %add3A_854 = arith.addi %mul3A_852, %add3A_853 : i32
      %add3A_855 = vector.broadcast %add3A_854 : i32 to vector<16xi32>
      %add3A_856 = arith.addi %iota3A, %add3A_855 : vector<16xi32>
      %and3A_857 = arith.constant 63 : i32
      %and3A_858 = vector.broadcast %and3A_857 : i32 to vector<16xi32>
      %and3A_859 = arith.andi %add3A_856, %and3A_858 : vector<16xi32>
      %shift_right_logical3A_860 = arith.constant 3 : i32
      %shift_right_logical3A_861 = vector.broadcast %shift_right_logical3A_860 : i32 to vector<16xi32>
      %shift_right_logical3A_862 = arith.shrui %and3A_859, %shift_right_logical3A_861 : vector<16xi32>
      %and3A_863 = arith.constant 7 : i32
      %and3A_864 = vector.broadcast %and3A_863 : i32 to vector<16xi32>
      %and3A_865 = arith.andi %and3A_859, %and3A_864 : vector<16xi32>
      %gather3A_866 = arith.constant 0 : i32
      %gather3A_867 = arith.constant 0 : i32
      %gather3A_868 = tpu.memref_slice %arg7[%scan3A_268, %gather3A_866, %gather3A_867] : memref<3x128x64xf32, #tpu.memory_space<vmem>> -> memref<1x128x64xf32, #tpu.memory_space<vmem>>
      %gather3A_869 = tpu.memref_squeeze %gather3A_868 : memref<1x128x64xf32, #tpu.memory_space<vmem>> -> memref<128x64xf32, #tpu.memory_space<vmem>>
      %gather3A_870 = tpu.vector_load_idx %gather3A_869[%add3A_10, %and3A_859] : memref<128x64xf32, #tpu.memory_space<vmem>>[vector<16xi32>, vector<16xi32>], vector<16xf32>,
      %gather3A_871 = arith.constant 0 : i32
      %gather3A_872 = arith.constant 0 : i32
      %gather3A_873 = tpu.memref_slice %arg7[%scan3A_268, %gather3A_871, %gather3A_872] : memref<3x128x64xf32, #tpu.memory_space<vmem>> -> memref<1x128x64xf32, #tpu.memory_space<vmem>>
      %gather3A_874 = tpu.memref_squeeze %gather3A_873 : memref<1x128x64xf32, #tpu.memory_space<vmem>> -> memref<128x64xf32, #tpu.memory_space<vmem>>
      %gather3A_875 = tpu.vector_load_idx %gather3A_874[%add3A_13, %and3A_859] : memref<128x64xf32, #tpu.memory_space<vmem>>[vector<16xi32>, vector<16xi32>], vector<16xf32>,
      %gather3A_876 = arith.constant 0 : i32
      %gather3A_877 = arith.constant 0 : i32
      %gather3A_878 = tpu.memref_slice %arg7[%scan3A_268, %gather3A_876, %gather3A_877] : memref<3x128x64xf32, #tpu.memory_space<vmem>> -> memref<1x128x64xf32, #tpu.memory_space<vmem>>
      %gather3A_879 = tpu.memref_squeeze %gather3A_878 : memref<1x128x64xf32, #tpu.memory_space<vmem>> -> memref<128x64xf32, #tpu.memory_space<vmem>>
      %gather3A_880 = tpu.vector_load_idx %gather3A_879[%add3A_16, %and3A_859] : memref<128x64xf32, #tpu.memory_space<vmem>>[vector<16xi32>, vector<16xi32>], vector<16xf32>,
      %gather3A_881 = arith.constant 0 : i32
      %gather3A_882 = arith.constant 0 : i32
      %gather3A_883 = tpu.memref_slice %arg7[%scan3A_268, %gather3A_881, %gather3A_882] : memref<3x128x64xf32, #tpu.memory_space<vmem>> -> memref<1x128x64xf32, #tpu.memory_space<vmem>>
      %gather3A_884 = tpu.memref_squeeze %gather3A_883 : memref<1x128x64xf32, #tpu.memory_space<vmem>> -> memref<128x64xf32, #tpu.memory_space<vmem>>
      %gather3A_885 = tpu.vector_load_idx %gather3A_884[%add3A_19, %and3A_859] : memref<128x64xf32, #tpu.memory_space<vmem>>[vector<16xi32>, vector<16xi32>], vector<16xf32>,
      %gather3A_886 = arith.constant 0 : i32
      %gather3A_887 = arith.constant 0 : i32
      %gather3A_888 = tpu.memref_slice %arg7[%scan3A_268, %gather3A_886, %gather3A_887] : memref<3x128x64xf32, #tpu.memory_space<vmem>> -> memref<1x128x64xf32, #tpu.memory_space<vmem>>
      %gather3A_889 = tpu.memref_squeeze %gather3A_888 : memref<1x128x64xf32, #tpu.memory_space<vmem>> -> memref<128x64xf32, #tpu.memory_space<vmem>>
      %gather3A_890 = tpu.vector_load_idx %gather3A_889[%add3A_22, %and3A_859] : memref<128x64xf32, #tpu.memory_space<vmem>>[vector<16xi32>, vector<16xi32>], vector<16xf32>,
      %gather3A_891 = arith.constant 0 : i32
      %gather3A_892 = arith.constant 0 : i32
      %gather3A_893 = tpu.memref_slice %arg7[%scan3A_268, %gather3A_891, %gather3A_892] : memref<3x128x64xf32, #tpu.memory_space<vmem>> -> memref<1x128x64xf32, #tpu.memory_space<vmem>>
      %gather3A_894 = tpu.memref_squeeze %gather3A_893 : memref<1x128x64xf32, #tpu.memory_space<vmem>> -> memref<128x64xf32, #tpu.memory_space<vmem>>
      %gather3A_895 = tpu.vector_load_idx %gather3A_894[%add3A_25, %and3A_859] : memref<128x64xf32, #tpu.memory_space<vmem>>[vector<16xi32>, vector<16xi32>], vector<16xf32>,
      %gather3A_896 = arith.constant 0 : i32
      %gather3A_897 = arith.constant 0 : i32
      %gather3A_898 = tpu.memref_slice %arg7[%scan3A_268, %gather3A_896, %gather3A_897] : memref<3x128x64xf32, #tpu.memory_space<vmem>> -> memref<1x128x64xf32, #tpu.memory_space<vmem>>
      %gather3A_899 = tpu.memref_squeeze %gather3A_898 : memref<1x128x64xf32, #tpu.memory_space<vmem>> -> memref<128x64xf32, #tpu.memory_space<vmem>>
      %gather3A_900 = tpu.vector_load_idx %gather3A_899[%add3A_28, %and3A_859] : memref<128x64xf32, #tpu.memory_space<vmem>>[vector<16xi32>, vector<16xi32>], vector<16xf32>,
      %gather3A_901 = arith.constant 0 : i32
      %gather3A_902 = arith.constant 0 : i32
      %gather3A_903 = tpu.memref_slice %arg7[%scan3A_268, %gather3A_901, %gather3A_902] : memref<3x128x64xf32, #tpu.memory_space<vmem>> -> memref<1x128x64xf32, #tpu.memory_space<vmem>>
      %gather3A_904 = tpu.memref_squeeze %gather3A_903 : memref<1x128x64xf32, #tpu.memory_space<vmem>> -> memref<128x64xf32, #tpu.memory_space<vmem>>
      %gather3A_905 = tpu.vector_load_idx %gather3A_904[%add3A_31, %and3A_859] : memref<128x64xf32, #tpu.memory_space<vmem>>[vector<16xi32>, vector<16xi32>], vector<16xf32>,
      %scatter3A_906 = arith.constant 0 : i32
      %scatter3A_907 = arith.constant 0 : i32
      %scatter3A_908 = arith.constant 0 : i32
      %scatter3A_909 = tpu.memref_slice %arg8[%scan3A_269, %scatter3A_906, %scatter3A_907, %scatter3A_908] : memref<3x8x8x128xf32, #tpu.memory_space<vmem>> -> memref<1x8x8x128xf32, #tpu.memory_space<vmem>>
      %scatter3A_910 = tpu.memref_squeeze %scatter3A_909 : memref<1x8x8x128xf32, #tpu.memory_space<vmem>> -> memref<8x8x128xf32, #tpu.memory_space<vmem>>
      tpu.vector_store_idx %scatter3A_910[%shift_right_logical3A_862, %and3A_865, %add3A_10], %gather3A_870 : memref<8x8x128xf32, #tpu.memory_space<vmem>>[vector<16xi32>, vector<16xi32>, vector<16xi32>], vector<16xf32>,
      %scatter3A_911 = arith.constant 0 : i32
      %scatter3A_912 = arith.constant 0 : i32
      %scatter3A_913 = arith.constant 0 : i32
      %scatter3A_914 = tpu.memref_slice %arg8[%scan3A_269, %scatter3A_911, %scatter3A_912, %scatter3A_913] : memref<3x8x8x128xf32, #tpu.memory_space<vmem>> -> memref<1x8x8x128xf32, #tpu.memory_space<vmem>>
      %scatter3A_915 = tpu.memref_squeeze %scatter3A_914 : memref<1x8x8x128xf32, #tpu.memory_space<vmem>> -> memref<8x8x128xf32, #tpu.memory_space<vmem>>
      tpu.vector_store_idx %scatter3A_915[%shift_right_logical3A_862, %and3A_865, %add3A_13], %gather3A_875 : memref<8x8x128xf32, #tpu.memory_space<vmem>>[vector<16xi32>, vector<16xi32>, vector<16xi32>], vector<16xf32>,
      %scatter3A_916 = arith.constant 0 : i32
      %scatter3A_917 = arith.constant 0 : i32
      %scatter3A_918 = arith.constant 0 : i32
      %scatter3A_919 = tpu.memref_slice %arg8[%scan3A_269, %scatter3A_916, %scatter3A_917, %scatter3A_918] : memref<3x8x8x128xf32, #tpu.memory_space<vmem>> -> memref<1x8x8x128xf32, #tpu.memory_space<vmem>>
      %scatter3A_920 = tpu.memref_squeeze %scatter3A_919 : memref<1x8x8x128xf32, #tpu.memory_space<vmem>> -> memref<8x8x128xf32, #tpu.memory_space<vmem>>
      tpu.vector_store_idx %scatter3A_920[%shift_right_logical3A_862, %and3A_865, %add3A_16], %gather3A_880 : memref<8x8x128xf32, #tpu.memory_space<vmem>>[vector<16xi32>, vector<16xi32>, vector<16xi32>], vector<16xf32>,
      %scatter3A_921 = arith.constant 0 : i32
      %scatter3A_922 = arith.constant 0 : i32
      %scatter3A_923 = arith.constant 0 : i32
      %scatter3A_924 = tpu.memref_slice %arg8[%scan3A_269, %scatter3A_921, %scatter3A_922, %scatter3A_923] : memref<3x8x8x128xf32, #tpu.memory_space<vmem>> -> memref<1x8x8x128xf32, #tpu.memory_space<vmem>>
      %scatter3A_925 = tpu.memref_squeeze %scatter3A_924 : memref<1x8x8x128xf32, #tpu.memory_space<vmem>> -> memref<8x8x128xf32, #tpu.memory_space<vmem>>
      tpu.vector_store_idx %scatter3A_925[%shift_right_logical3A_862, %and3A_865, %add3A_19], %gather3A_885 : memref<8x8x128xf32, #tpu.memory_space<vmem>>[vector<16xi32>, vector<16xi32>, vector<16xi32>], vector<16xf32>,
      %scatter3A_926 = arith.constant 0 : i32
      %scatter3A_927 = arith.constant 0 : i32
      %scatter3A_928 = arith.constant 0 : i32
      %scatter3A_929 = tpu.memref_slice %arg8[%scan3A_269, %scatter3A_926, %scatter3A_927, %scatter3A_928] : memref<3x8x8x128xf32, #tpu.memory_space<vmem>> -> memref<1x8x8x128xf32, #tpu.memory_space<vmem>>
      %scatter3A_930 = tpu.memref_squeeze %scatter3A_929 : memref<1x8x8x128xf32, #tpu.memory_space<vmem>> -> memref<8x8x128xf32, #tpu.memory_space<vmem>>
      tpu.vector_store_idx %scatter3A_930[%shift_right_logical3A_862, %and3A_865, %add3A_22], %gather3A_890 : memref<8x8x128xf32, #tpu.memory_space<vmem>>[vector<16xi32>, vector<16xi32>, vector<16xi32>], vector<16xf32>,
      %scatter3A_931 = arith.constant 0 : i32
      %scatter3A_932 = arith.constant 0 : i32
      %scatter3A_933 = arith.constant 0 : i32
      %scatter3A_934 = tpu.memref_slice %arg8[%scan3A_269, %scatter3A_931, %scatter3A_932, %scatter3A_933] : memref<3x8x8x128xf32, #tpu.memory_space<vmem>> -> memref<1x8x8x128xf32, #tpu.memory_space<vmem>>
      %scatter3A_935 = tpu.memref_squeeze %scatter3A_934 : memref<1x8x8x128xf32, #tpu.memory_space<vmem>> -> memref<8x8x128xf32, #tpu.memory_space<vmem>>
      tpu.vector_store_idx %scatter3A_935[%shift_right_logical3A_862, %and3A_865, %add3A_25], %gather3A_895 : memref<8x8x128xf32, #tpu.memory_space<vmem>>[vector<16xi32>, vector<16xi32>, vector<16xi32>], vector<16xf32>,
      %scatter3A_936 = arith.constant 0 : i32
      %scatter3A_937 = arith.constant 0 : i32
      %scatter3A_938 = arith.constant 0 : i32
      %scatter3A_939 = tpu.memref_slice %arg8[%scan3A_269, %scatter3A_936, %scatter3A_937, %scatter3A_938] : memref<3x8x8x128xf32, #tpu.memory_space<vmem>> -> memref<1x8x8x128xf32, #tpu.memory_space<vmem>>
      %scatter3A_940 = tpu.memref_squeeze %scatter3A_939 : memref<1x8x8x128xf32, #tpu.memory_space<vmem>> -> memref<8x8x128xf32, #tpu.memory_space<vmem>>
      tpu.vector_store_idx %scatter3A_940[%shift_right_logical3A_862, %and3A_865, %add3A_28], %gather3A_900 : memref<8x8x128xf32, #tpu.memory_space<vmem>>[vector<16xi32>, vector<16xi32>, vector<16xi32>], vector<16xf32>,
      %scatter3A_941 = arith.constant 0 : i32
      %scatter3A_942 = arith.constant 0 : i32
      %scatter3A_943 = arith.constant 0 : i32
      %scatter3A_944 = tpu.memref_slice %arg8[%scan3A_269, %scatter3A_941, %scatter3A_942, %scatter3A_943] : memref<3x8x8x128xf32, #tpu.memory_space<vmem>> -> memref<1x8x8x128xf32, #tpu.memory_space<vmem>>
      %scatter3A_945 = tpu.memref_squeeze %scatter3A_944 : memref<1x8x8x128xf32, #tpu.memory_space<vmem>> -> memref<8x8x128xf32, #tpu.memory_space<vmem>>
      tpu.vector_store_idx %scatter3A_945[%shift_right_logical3A_862, %and3A_865, %add3A_31], %gather3A_905 : memref<8x8x128xf32, #tpu.memory_space<vmem>>[vector<16xi32>, vector<16xi32>, vector<16xi32>], vector<16xf32>,
    }
    %scan3A_274 = arith.constant 32 : i32
    %mul3A_275 = arith.constant 4 : i32
    %mul3A_276 = arith.muli %add3A, %mul3A_275 : i32
    %add3A_277 = arith.constant 0 : i32
    %add3A_278 = arith.addi %mul3A_276, %add3A_277 : i32
    %dma_start3A_279 = arith.constant 0 : i32
    %dma_start3A_280 = arith.constant 0 : i32
    %dma_start3A_281 = arith.constant 0 : i32
    %dma_start3A_282 = arith.constant 0 : i32
    %dma_start3A_283 = arith.constant 0 : i32
    %dma_start3A_284 = tpu.memref_slice %arg8[%dma_start3A_279, %dma_start3A_281, %dma_start3A_282, %dma_start3A_283] : memref<3x8x8x128xf32, #tpu.memory_space<vmem>> -> memref<1x8x8x128xf32, #tpu.memory_space<vmem>>
    %dma_start3A_285 = tpu.memref_squeeze %dma_start3A_284 : memref<1x8x8x128xf32, #tpu.memory_space<vmem>> -> memref<8x8x128xf32, #tpu.memory_space<vmem>>
    %dma_start3A_286 = arith.constant 0 : i32
    %dma_start3A_287 = arith.constant 0 : i32
    %dma_start3A_288 = arith.constant 0 : i32
    %dma_start3A_289 = tpu.memref_slice %arg4[%dma_start3A_280, %dma_start3A_286, %add3A_278, %dma_start3A_287, %dma_start3A_288] : memref<50x8x128x8x128xf32, #tpu.memory_space<hbm>> -> memref<1x8x1x8x128xf32, #tpu.memory_space<hbm>>
    %dma_start3A_290 = tpu.memref_squeeze %dma_start3A_289 : memref<1x8x1x8x128xf32, #tpu.memory_space<hbm>> -> memref<8x8x128xf32, #tpu.memory_space<hbm>>
    %dma_start3A_291 = arith.constant 0 : i32
    %dma_start3A_292 = arith.constant 0 : i32
    %dma_start3A_293 = arith.constant 0 : i32
    %dma_start3A_294 = tpu.memref_slice %arg4[%dma_start3A_280, %dma_start3A_291, %add3A_278, %dma_start3A_292, %dma_start3A_293] : memref<50x8x128x8x128xf32, #tpu.memory_space<hbm>> -> memref<1x8x1x8x128xf32, #tpu.memory_space<hbm>>
    %dma_start3A_295 = tpu.memref_squeeze %dma_start3A_294 : memref<1x8x1x8x128xf32, #tpu.memory_space<hbm>> -> memref<8x8x128xf32, #tpu.memory_space<hbm>>
    %dma_start3A_296 = arith.constant 0 : i32
    %dma_start3A_297 = arith.constant 0 : i32
    %dma_start3A_298 = arith.constant 0 : i32
    %dma_start3A_299 = tpu.memref_slice %arg8[%dma_start3A_279, %dma_start3A_296, %dma_start3A_297, %dma_start3A_298] : memref<3x8x8x128xf32, #tpu.memory_space<vmem>> -> memref<1x8x8x128xf32, #tpu.memory_space<vmem>>
    %dma_start3A_300 = tpu.memref_squeeze %dma_start3A_299 : memref<1x8x8x128xf32, #tpu.memory_space<vmem>> -> memref<8x8x128xf32, #tpu.memory_space<vmem>>
    tpu.enqueue_dma source(%dma_start3A_300 : memref<8x8x128xf32, #tpu.memory_space<vmem>>) target(%dma_start3A_295 : memref<8x8x128xf32, #tpu.memory_space<hbm>>) target_semaphore(%arg12 : memref<!tpu.dma_semaphore, #tpu.memory_space<semaphore_mem>>)
    %add3A_301 = arith.constant 19200 : i32
    %add3A_302 = vector.broadcast %add3A_301 : i32 to vector<16xi32>
    %add3A_303 = arith.addi %mul3A_7, %add3A_302 : vector<16xi32>
    %gather3A_304 = tpu.vector_load_idx %arg5[%add3A_303] : memref<25600xi32, #tpu.memory_space<vmem>>[vector<16xi32>], vector<16xi32>,
    %swap3A_305 = arith.constant 0 : i32
    %swap3A_306 = arith.index_cast %swap3A_305 : i32 to index
    %swap3A_307 = arith.constant 0 : index
    %swap3A_308 = tpu.vector_load %arg6[%swap3A_306, %swap3A_307] {strides = array<i32>} : memref<3x128xi32, #tpu.memory_space<vmem>>, vector<16xi32>,
    tpu.vector_store %arg6[%swap3A_306, %swap3A_307], %gather3A_304 {strides = array<i32>} : memref<3x128xi32, #tpu.memory_space<vmem>>, vector<16xi32>,
    %add3A_309 = arith.constant 20000 : i32
    %add3A_310 = vector.broadcast %add3A_309 : i32 to vector<16xi32>
    %add3A_311 = arith.addi %mul3A_7, %add3A_310 : vector<16xi32>
    %gather3A_312 = tpu.vector_load_idx %arg5[%add3A_311] : memref<25600xi32, #tpu.memory_space<vmem>>[vector<16xi32>], vector<16xi32>,
    %swap3A_313 = arith.constant 0 : i32
    %swap3A_314 = arith.index_cast %swap3A_313 : i32 to index
    %swap3A_315 = arith.constant 16 : index
    %swap3A_316 = tpu.vector_load %arg6[%swap3A_314, %swap3A_315] {strides = array<i32>} : memref<3x128xi32, #tpu.memory_space<vmem>>, vector<16xi32>,
    tpu.vector_store %arg6[%swap3A_314, %swap3A_315], %gather3A_312 {strides = array<i32>} : memref<3x128xi32, #tpu.memory_space<vmem>>, vector<16xi32>,
    %add3A_317 = arith.constant 20800 : i32
    %add3A_318 = vector.broadcast %add3A_317 : i32 to vector<16xi32>
    %add3A_319 = arith.addi %mul3A_7, %add3A_318 : vector<16xi32>
    %gather3A_320 = tpu.vector_load_idx %arg5[%add3A_319] : memref<25600xi32, #tpu.memory_space<vmem>>[vector<16xi32>], vector<16xi32>,
    %swap3A_321 = arith.constant 0 : i32
    %swap3A_322 = arith.index_cast %swap3A_321 : i32 to index
    %swap3A_323 = arith.constant 32 : index
    %swap3A_324 = tpu.vector_load %arg6[%swap3A_322, %swap3A_323] {strides = array<i32>} : memref<3x128xi32, #tpu.memory_space<vmem>>, vector<16xi32>,
    tpu.vector_store %arg6[%swap3A_322, %swap3A_323], %gather3A_320 {strides = array<i32>} : memref<3x128xi32, #tpu.memory_space<vmem>>, vector<16xi32>,
    %add3A_325 = arith.constant 21600 : i32
    %add3A_326 = vector.broadcast %add3A_325 : i32 to vector<16xi32>
    %add3A_327 = arith.addi %mul3A_7, %add3A_326 : vector<16xi32>
    %gather3A_328 = tpu.vector_load_idx %arg5[%add3A_327] : memref<25600xi32, #tpu.memory_space<vmem>>[vector<16xi32>], vector<16xi32>,
    %swap3A_329 = arith.constant 0 : i32
    %swap3A_330 = arith.index_cast %swap3A_329 : i32 to index
    %swap3A_331 = arith.constant 48 : index
    %swap3A_332 = tpu.vector_load %arg6[%swap3A_330, %swap3A_331] {strides = array<i32>} : memref<3x128xi32, #tpu.memory_space<vmem>>, vector<16xi32>,
    tpu.vector_store %arg6[%swap3A_330, %swap3A_331], %gather3A_328 {strides = array<i32>} : memref<3x128xi32, #tpu.memory_space<vmem>>, vector<16xi32>,
    %add3A_333 = arith.constant 22400 : i32
    %add3A_334 = vector.broadcast %add3A_333 : i32 to vector<16xi32>
    %add3A_335 = arith.addi %mul3A_7, %add3A_334 : vector<16xi32>
    %gather3A_336 = tpu.vector_load_idx %arg5[%add3A_335] : memref<25600xi32, #tpu.memory_space<vmem>>[vector<16xi32>], vector<16xi32>,
    %swap3A_337 = arith.constant 0 : i32
    %swap3A_338 = arith.index_cast %swap3A_337 : i32 to index
    %swap3A_339 = arith.constant 64 : index
    %swap3A_340 = tpu.vector_load %arg6[%swap3A_338, %swap3A_339] {strides = array<i32>} : memref<3x128xi32, #tpu.memory_space<vmem>>, vector<16xi32>,
    tpu.vector_store %arg6[%swap3A_338, %swap3A_339], %gather3A_336 {strides = array<i32>} : memref<3x128xi32, #tpu.memory_space<vmem>>, vector<16xi32>,
    %add3A_341 = arith.constant 23200 : i32
    %add3A_342 = vector.broadcast %add3A_341 : i32 to vector<16xi32>
    %add3A_343 = arith.addi %mul3A_7, %add3A_342 : vector<16xi32>
    %gather3A_344 = tpu.vector_load_idx %arg5[%add3A_343] : memref<25600xi32, #tpu.memory_space<vmem>>[vector<16xi32>], vector<16xi32>,
    %swap3A_345 = arith.constant 0 : i32
    %swap3A_346 = arith.index_cast %swap3A_345 : i32 to index
    %swap3A_347 = arith.constant 80 : index
    %swap3A_348 = tpu.vector_load %arg6[%swap3A_346, %swap3A_347] {strides = array<i32>} : memref<3x128xi32, #tpu.memory_space<vmem>>, vector<16xi32>,
    tpu.vector_store %arg6[%swap3A_346, %swap3A_347], %gather3A_344 {strides = array<i32>} : memref<3x128xi32, #tpu.memory_space<vmem>>, vector<16xi32>,
    %add3A_349 = arith.constant 24000 : i32
    %add3A_350 = vector.broadcast %add3A_349 : i32 to vector<16xi32>
    %add3A_351 = arith.addi %mul3A_7, %add3A_350 : vector<16xi32>
    %gather3A_352 = tpu.vector_load_idx %arg5[%add3A_351] : memref<25600xi32, #tpu.memory_space<vmem>>[vector<16xi32>], vector<16xi32>,
    %swap3A_353 = arith.constant 0 : i32
    %swap3A_354 = arith.index_cast %swap3A_353 : i32 to index
    %swap3A_355 = arith.constant 96 : index
    %swap3A_356 = tpu.vector_load %arg6[%swap3A_354, %swap3A_355] {strides = array<i32>} : memref<3x128xi32, #tpu.memory_space<vmem>>, vector<16xi32>,
    tpu.vector_store %arg6[%swap3A_354, %swap3A_355], %gather3A_352 {strides = array<i32>} : memref<3x128xi32, #tpu.memory_space<vmem>>, vector<16xi32>,
    %add3A_357 = arith.constant 24800 : i32
    %add3A_358 = vector.broadcast %add3A_357 : i32 to vector<16xi32>
    %add3A_359 = arith.addi %mul3A_7, %add3A_358 : vector<16xi32>
    %gather3A_360 = tpu.vector_load_idx %arg5[%add3A_359] : memref<25600xi32, #tpu.memory_space<vmem>>[vector<16xi32>], vector<16xi32>,
    %swap3A_361 = arith.constant 0 : i32
    %swap3A_362 = arith.index_cast %swap3A_361 : i32 to index
    %swap3A_363 = arith.constant 112 : index
    %swap3A_364 = tpu.vector_load %arg6[%swap3A_362, %swap3A_363] {strides = array<i32>} : memref<3x128xi32, #tpu.memory_space<vmem>>, vector<16xi32>,
    tpu.vector_store %arg6[%swap3A_362, %swap3A_363], %gather3A_360 {strides = array<i32>} : memref<3x128xi32, #tpu.memory_space<vmem>>, vector<16xi32>,
    %dma_start3A_365 = arith.constant 0 : i32
    %dma_start3A_366 = arith.constant 0 : i32
    %dma_start3A_367 = arith.constant 0 : i32
    %dma_start3A_368 = arith.constant 0 : i32
    %dma_start3A_369 = tpu.memref_slice %arg7[%dma_start3A_366, %dma_start3A_367, %dma_start3A_368] : memref<3x128x64xf32, #tpu.memory_space<vmem>> -> memref<1x128x64xf32, #tpu.memory_space<vmem>>
    %dma_start3A_370 = tpu.memref_squeeze %dma_start3A_369 : memref<1x128x64xf32, #tpu.memory_space<vmem>> -> memref<128x64xf32, #tpu.memory_space<vmem>>
    %dma_start3A_371 = arith.constant 0 : i32
    %dma_start3A_372 = tpu.memref_slice %arg6[%dma_start3A_365, %dma_start3A_371] : memref<3x128xi32, #tpu.memory_space<vmem>> -> memref<1x128xi32, #tpu.memory_space<vmem>>
    %dma_start3A_373 = tpu.memref_squeeze %dma_start3A_372 : memref<1x128xi32, #tpu.memory_space<vmem>> -> memref<128xi32, #tpu.memory_space<vmem>>
    %dma_start3A_374 = arith.constant 0 : i32
    %dma_start3A_375 = arith.constant 0 : i32
    %dma_start3A_376 = tpu.memref_slice %arg3[%dma_start3A_374, %dma_start3A_375] : memref<1000000x64xf32, #tpu.memory_space<hbm>> -> memref<1000000x64xf32, #tpu.memory_space<hbm>>
    tpu.enqueue_indirect_dma source(%dma_start3A_376 : memref<1000000x64xf32, #tpu.memory_space<hbm>>) target(%dma_start3A_370 : memref<128x64xf32, #tpu.memory_space<vmem>>) offsets(%dma_start3A_373 : memref<128xi32, #tpu.memory_space<vmem>>) semaphore(%arg9 : memref<!tpu.dma_semaphore, #tpu.memory_space<semaphore_mem>>)
    %dma_wait3A_377 = arith.constant 0 : i32
    %dma_wait3A_378 = arith.constant 1 : i32
    %dma_wait3A_379 = arith.constant 0 : i32
    %dma_wait3A_380 = arith.constant 0 : i32
    %dma_wait3A_381 = tpu.memref_slice %arg7[%dma_wait3A_378, %dma_wait3A_379, %dma_wait3A_380] : memref<3x128x64xf32, #tpu.memory_space<vmem>> -> memref<1x128x64xf32, #tpu.memory_space<vmem>>
    %dma_wait3A_382 = tpu.memref_squeeze %dma_wait3A_381 : memref<1x128x64xf32, #tpu.memory_space<vmem>> -> memref<128x64xf32, #tpu.memory_space<vmem>>
    %dma_wait3A_383 = arith.constant 0 : i32
    %dma_wait3A_384 = tpu.memref_slice %arg6[%dma_wait3A_377, %dma_wait3A_383] : memref<3x128xi32, #tpu.memory_space<vmem>> -> memref<1x128xi32, #tpu.memory_space<vmem>>
    %dma_wait3A_385 = tpu.memref_squeeze %dma_wait3A_384 : memref<1x128xi32, #tpu.memory_space<vmem>> -> memref<128xi32, #tpu.memory_space<vmem>>
    %dma_wait3A_386 = arith.constant 0 : i32
    %dma_wait3A_387 = arith.constant 0 : i32
    %dma_wait3A_388 = tpu.memref_slice %arg3[%dma_wait3A_386, %dma_wait3A_387] : memref<1000000x64xf32, #tpu.memory_space<hbm>> -> memref<1000000x64xf32, #tpu.memory_space<hbm>>
    tpu.wait_indirect_dma semaphore(%arg10 : memref<!tpu.dma_semaphore, #tpu.memory_space<semaphore_mem>>) src(%dma_wait3A_388 : memref<1000000x64xf32, #tpu.memory_space<hbm>>) dst(%dma_wait3A_382 : memref<128x64xf32, #tpu.memory_space<vmem>>)
    %scan3A_389 = arith.constant 0 : i32
    %scan3A_390 = arith.constant 1 : i32
    %scan3A_391 = arith.constant 1 : i32
    %scan3A_392 = arith.constant 0 : i32
    %scan3A_393 = arith.constant 32 : i32
    %scan3A_394 = arith.addi %scan3A_392, %scan3A_393 : i32
    %scan3A_395 = arith.constant 1 : i32
    scf.for %scan3A_758 = %scan3A_392 to %scan3A_394 step %scan3A_395  : i32 {
      %mul3A_759 = arith.constant 2 : i32
      %mul3A_760 = arith.muli %scan3A_758, %mul3A_759 : i32
      %add3A_761 = arith.constant 0 : i32
      %add3A_762 = arith.addi %mul3A_760, %add3A_761 : i32
      %add3A_763 = vector.broadcast %add3A_762 : i32 to vector<16xi32>
      %add3A_764 = arith.addi %iota3A, %add3A_763 : vector<16xi32>
      %and3A = arith.constant 63 : i32
      %and3A_765 = vector.broadcast %and3A : i32 to vector<16xi32>
      %and3A_766 = arith.andi %add3A_764, %and3A_765 : vector<16xi32>
      %shift_right_logical3A = arith.constant 3 : i32
      %shift_right_logical3A_767 = vector.broadcast %shift_right_logical3A : i32 to vector<16xi32>
      %shift_right_logical3A_768 = arith.shrui %and3A_766, %shift_right_logical3A_767 : vector<16xi32>
      %and3A_769 = arith.constant 7 : i32
      %and3A_770 = vector.broadcast %and3A_769 : i32 to vector<16xi32>
      %and3A_771 = arith.andi %and3A_766, %and3A_770 : vector<16xi32>
      %gather3A_772 = arith.constant 0 : i32
      %gather3A_773 = arith.constant 0 : i32
      %gather3A_774 = tpu.memref_slice %arg7[%scan3A_390, %gather3A_772, %gather3A_773] : memref<3x128x64xf32, #tpu.memory_space<vmem>> -> memref<1x128x64xf32, #tpu.memory_space<vmem>>
      %gather3A_775 = tpu.memref_squeeze %gather3A_774 : memref<1x128x64xf32, #tpu.memory_space<vmem>> -> memref<128x64xf32, #tpu.memory_space<vmem>>
      %gather3A_776 = tpu.vector_load_idx %gather3A_775[%add3A_10, %and3A_766] : memref<128x64xf32, #tpu.memory_space<vmem>>[vector<16xi32>, vector<16xi32>], vector<16xf32>,
      %gather3A_777 = arith.constant 0 : i32
      %gather3A_778 = arith.constant 0 : i32
      %gather3A_779 = tpu.memref_slice %arg7[%scan3A_390, %gather3A_777, %gather3A_778] : memref<3x128x64xf32, #tpu.memory_space<vmem>> -> memref<1x128x64xf32, #tpu.memory_space<vmem>>
      %gather3A_780 = tpu.memref_squeeze %gather3A_779 : memref<1x128x64xf32, #tpu.memory_space<vmem>> -> memref<128x64xf32, #tpu.memory_space<vmem>>
      %gather3A_781 = tpu.vector_load_idx %gather3A_780[%add3A_13, %and3A_766] : memref<128x64xf32, #tpu.memory_space<vmem>>[vector<16xi32>, vector<16xi32>], vector<16xf32>,
      %gather3A_782 = arith.constant 0 : i32
      %gather3A_783 = arith.constant 0 : i32
      %gather3A_784 = tpu.memref_slice %arg7[%scan3A_390, %gather3A_782, %gather3A_783] : memref<3x128x64xf32, #tpu.memory_space<vmem>> -> memref<1x128x64xf32, #tpu.memory_space<vmem>>
      %gather3A_785 = tpu.memref_squeeze %gather3A_784 : memref<1x128x64xf32, #tpu.memory_space<vmem>> -> memref<128x64xf32, #tpu.memory_space<vmem>>
      %gather3A_786 = tpu.vector_load_idx %gather3A_785[%add3A_16, %and3A_766] : memref<128x64xf32, #tpu.memory_space<vmem>>[vector<16xi32>, vector<16xi32>], vector<16xf32>,
      %gather3A_787 = arith.constant 0 : i32
      %gather3A_788 = arith.constant 0 : i32
      %gather3A_789 = tpu.memref_slice %arg7[%scan3A_390, %gather3A_787, %gather3A_788] : memref<3x128x64xf32, #tpu.memory_space<vmem>> -> memref<1x128x64xf32, #tpu.memory_space<vmem>>
      %gather3A_790 = tpu.memref_squeeze %gather3A_789 : memref<1x128x64xf32, #tpu.memory_space<vmem>> -> memref<128x64xf32, #tpu.memory_space<vmem>>
      %gather3A_791 = tpu.vector_load_idx %gather3A_790[%add3A_19, %and3A_766] : memref<128x64xf32, #tpu.memory_space<vmem>>[vector<16xi32>, vector<16xi32>], vector<16xf32>,
      %gather3A_792 = arith.constant 0 : i32
      %gather3A_793 = arith.constant 0 : i32
      %gather3A_794 = tpu.memref_slice %arg7[%scan3A_390, %gather3A_792, %gather3A_793] : memref<3x128x64xf32, #tpu.memory_space<vmem>> -> memref<1x128x64xf32, #tpu.memory_space<vmem>>
      %gather3A_795 = tpu.memref_squeeze %gather3A_794 : memref<1x128x64xf32, #tpu.memory_space<vmem>> -> memref<128x64xf32, #tpu.memory_space<vmem>>
      %gather3A_796 = tpu.vector_load_idx %gather3A_795[%add3A_22, %and3A_766] : memref<128x64xf32, #tpu.memory_space<vmem>>[vector<16xi32>, vector<16xi32>], vector<16xf32>,
      %gather3A_797 = arith.constant 0 : i32
      %gather3A_798 = arith.constant 0 : i32
      %gather3A_799 = tpu.memref_slice %arg7[%scan3A_390, %gather3A_797, %gather3A_798] : memref<3x128x64xf32, #tpu.memory_space<vmem>> -> memref<1x128x64xf32, #tpu.memory_space<vmem>>
      %gather3A_800 = tpu.memref_squeeze %gather3A_799 : memref<1x128x64xf32, #tpu.memory_space<vmem>> -> memref<128x64xf32, #tpu.memory_space<vmem>>
      %gather3A_801 = tpu.vector_load_idx %gather3A_800[%add3A_25, %and3A_766] : memref<128x64xf32, #tpu.memory_space<vmem>>[vector<16xi32>, vector<16xi32>], vector<16xf32>,
      %gather3A_802 = arith.constant 0 : i32
      %gather3A_803 = arith.constant 0 : i32
      %gather3A_804 = tpu.memref_slice %arg7[%scan3A_390, %gather3A_802, %gather3A_803] : memref<3x128x64xf32, #tpu.memory_space<vmem>> -> memref<1x128x64xf32, #tpu.memory_space<vmem>>
      %gather3A_805 = tpu.memref_squeeze %gather3A_804 : memref<1x128x64xf32, #tpu.memory_space<vmem>> -> memref<128x64xf32, #tpu.memory_space<vmem>>
      %gather3A_806 = tpu.vector_load_idx %gather3A_805[%add3A_28, %and3A_766] : memref<128x64xf32, #tpu.memory_space<vmem>>[vector<16xi32>, vector<16xi32>], vector<16xf32>,
      %gather3A_807 = arith.constant 0 : i32
      %gather3A_808 = arith.constant 0 : i32
      %gather3A_809 = tpu.memref_slice %arg7[%scan3A_390, %gather3A_807, %gather3A_808] : memref<3x128x64xf32, #tpu.memory_space<vmem>> -> memref<1x128x64xf32, #tpu.memory_space<vmem>>
      %gather3A_810 = tpu.memref_squeeze %gather3A_809 : memref<1x128x64xf32, #tpu.memory_space<vmem>> -> memref<128x64xf32, #tpu.memory_space<vmem>>
      %gather3A_811 = tpu.vector_load_idx %gather3A_810[%add3A_31, %and3A_766] : memref<128x64xf32, #tpu.memory_space<vmem>>[vector<16xi32>, vector<16xi32>], vector<16xf32>,
      %scatter3A = arith.constant 0 : i32
      %scatter3A_812 = arith.constant 0 : i32
      %scatter3A_813 = arith.constant 0 : i32
      %scatter3A_814 = tpu.memref_slice %arg8[%scan3A_391, %scatter3A, %scatter3A_812, %scatter3A_813] : memref<3x8x8x128xf32, #tpu.memory_space<vmem>> -> memref<1x8x8x128xf32, #tpu.memory_space<vmem>>
      %scatter3A_815 = tpu.memref_squeeze %scatter3A_814 : memref<1x8x8x128xf32, #tpu.memory_space<vmem>> -> memref<8x8x128xf32, #tpu.memory_space<vmem>>
      tpu.vector_store_idx %scatter3A_815[%shift_right_logical3A_768, %and3A_771, %add3A_10], %gather3A_776 : memref<8x8x128xf32, #tpu.memory_space<vmem>>[vector<16xi32>, vector<16xi32>, vector<16xi32>], vector<16xf32>,
      %scatter3A_816 = arith.constant 0 : i32
      %scatter3A_817 = arith.constant 0 : i32
      %scatter3A_818 = arith.constant 0 : i32
      %scatter3A_819 = tpu.memref_slice %arg8[%scan3A_391, %scatter3A_816, %scatter3A_817, %scatter3A_818] : memref<3x8x8x128xf32, #tpu.memory_space<vmem>> -> memref<1x8x8x128xf32, #tpu.memory_space<vmem>>
      %scatter3A_820 = tpu.memref_squeeze %scatter3A_819 : memref<1x8x8x128xf32, #tpu.memory_space<vmem>> -> memref<8x8x128xf32, #tpu.memory_space<vmem>>
      tpu.vector_store_idx %scatter3A_820[%shift_right_logical3A_768, %and3A_771, %add3A_13], %gather3A_781 : memref<8x8x128xf32, #tpu.memory_space<vmem>>[vector<16xi32>, vector<16xi32>, vector<16xi32>], vector<16xf32>,
      %scatter3A_821 = arith.constant 0 : i32
      %scatter3A_822 = arith.constant 0 : i32
      %scatter3A_823 = arith.constant 0 : i32
      %scatter3A_824 = tpu.memref_slice %arg8[%scan3A_391, %scatter3A_821, %scatter3A_822, %scatter3A_823] : memref<3x8x8x128xf32, #tpu.memory_space<vmem>> -> memref<1x8x8x128xf32, #tpu.memory_space<vmem>>
      %scatter3A_825 = tpu.memref_squeeze %scatter3A_824 : memref<1x8x8x128xf32, #tpu.memory_space<vmem>> -> memref<8x8x128xf32, #tpu.memory_space<vmem>>
      tpu.vector_store_idx %scatter3A_825[%shift_right_logical3A_768, %and3A_771, %add3A_16], %gather3A_786 : memref<8x8x128xf32, #tpu.memory_space<vmem>>[vector<16xi32>, vector<16xi32>, vector<16xi32>], vector<16xf32>,
      %scatter3A_826 = arith.constant 0 : i32
      %scatter3A_827 = arith.constant 0 : i32
      %scatter3A_828 = arith.constant 0 : i32
      %scatter3A_829 = tpu.memref_slice %arg8[%scan3A_391, %scatter3A_826, %scatter3A_827, %scatter3A_828] : memref<3x8x8x128xf32, #tpu.memory_space<vmem>> -> memref<1x8x8x128xf32, #tpu.memory_space<vmem>>
      %scatter3A_830 = tpu.memref_squeeze %scatter3A_829 : memref<1x8x8x128xf32, #tpu.memory_space<vmem>> -> memref<8x8x128xf32, #tpu.memory_space<vmem>>
      tpu.vector_store_idx %scatter3A_830[%shift_right_logical3A_768, %and3A_771, %add3A_19], %gather3A_791 : memref<8x8x128xf32, #tpu.memory_space<vmem>>[vector<16xi32>, vector<16xi32>, vector<16xi32>], vector<16xf32>,
      %scatter3A_831 = arith.constant 0 : i32
      %scatter3A_832 = arith.constant 0 : i32
      %scatter3A_833 = arith.constant 0 : i32
      %scatter3A_834 = tpu.memref_slice %arg8[%scan3A_391, %scatter3A_831, %scatter3A_832, %scatter3A_833] : memref<3x8x8x128xf32, #tpu.memory_space<vmem>> -> memref<1x8x8x128xf32, #tpu.memory_space<vmem>>
      %scatter3A_835 = tpu.memref_squeeze %scatter3A_834 : memref<1x8x8x128xf32, #tpu.memory_space<vmem>> -> memref<8x8x128xf32, #tpu.memory_space<vmem>>
      tpu.vector_store_idx %scatter3A_835[%shift_right_logical3A_768, %and3A_771, %add3A_22], %gather3A_796 : memref<8x8x128xf32, #tpu.memory_space<vmem>>[vector<16xi32>, vector<16xi32>, vector<16xi32>], vector<16xf32>,
      %scatter3A_836 = arith.constant 0 : i32
      %scatter3A_837 = arith.constant 0 : i32
      %scatter3A_838 = arith.constant 0 : i32
      %scatter3A_839 = tpu.memref_slice %arg8[%scan3A_391, %scatter3A_836, %scatter3A_837, %scatter3A_838] : memref<3x8x8x128xf32, #tpu.memory_space<vmem>> -> memref<1x8x8x128xf32, #tpu.memory_space<vmem>>
      %scatter3A_840 = tpu.memref_squeeze %scatter3A_839 : memref<1x8x8x128xf32, #tpu.memory_space<vmem>> -> memref<8x8x128xf32, #tpu.memory_space<vmem>>
      tpu.vector_store_idx %scatter3A_840[%shift_right_logical3A_768, %and3A_771, %add3A_25], %gather3A_801 : memref<8x8x128xf32, #tpu.memory_space<vmem>>[vector<16xi32>, vector<16xi32>, vector<16xi32>], vector<16xf32>,
      %scatter3A_841 = arith.constant 0 : i32
      %scatter3A_842 = arith.constant 0 : i32
      %scatter3A_843 = arith.constant 0 : i32
      %scatter3A_844 = tpu.memref_slice %arg8[%scan3A_391, %scatter3A_841, %scatter3A_842, %scatter3A_843] : memref<3x8x8x128xf32, #tpu.memory_space<vmem>> -> memref<1x8x8x128xf32, #tpu.memory_space<vmem>>
      %scatter3A_845 = tpu.memref_squeeze %scatter3A_844 : memref<1x8x8x128xf32, #tpu.memory_space<vmem>> -> memref<8x8x128xf32, #tpu.memory_space<vmem>>
      tpu.vector_store_idx %scatter3A_845[%shift_right_logical3A_768, %and3A_771, %add3A_28], %gather3A_806 : memref<8x8x128xf32, #tpu.memory_space<vmem>>[vector<16xi32>, vector<16xi32>, vector<16xi32>], vector<16xf32>,
      %scatter3A_846 = arith.constant 0 : i32
      %scatter3A_847 = arith.constant 0 : i32
      %scatter3A_848 = arith.constant 0 : i32
      %scatter3A_849 = tpu.memref_slice %arg8[%scan3A_391, %scatter3A_846, %scatter3A_847, %scatter3A_848] : memref<3x8x8x128xf32, #tpu.memory_space<vmem>> -> memref<1x8x8x128xf32, #tpu.memory_space<vmem>>
      %scatter3A_850 = tpu.memref_squeeze %scatter3A_849 : memref<1x8x8x128xf32, #tpu.memory_space<vmem>> -> memref<8x8x128xf32, #tpu.memory_space<vmem>>
      tpu.vector_store_idx %scatter3A_850[%shift_right_logical3A_768, %and3A_771, %add3A_31], %gather3A_811 : memref<8x8x128xf32, #tpu.memory_space<vmem>>[vector<16xi32>, vector<16xi32>, vector<16xi32>], vector<16xf32>,
      %mul3A_851 = arith.constant 2 : i32
      %mul3A_852 = arith.muli %scan3A_758, %mul3A_851 : i32
      %add3A_853 = arith.constant 1 : i32
      %add3A_854 = arith.addi %mul3A_852, %add3A_853 : i32
      %add3A_855 = vector.broadcast %add3A_854 : i32 to vector<16xi32>
      %add3A_856 = arith.addi %iota3A, %add3A_855 : vector<16xi32>
      %and3A_857 = arith.constant 63 : i32
      %and3A_858 = vector.broadcast %and3A_857 : i32 to vector<16xi32>
      %and3A_859 = arith.andi %add3A_856, %and3A_858 : vector<16xi32>
      %shift_right_logical3A_860 = arith.constant 3 : i32
      %shift_right_logical3A_861 = vector.broadcast %shift_right_logical3A_860 : i32 to vector<16xi32>
      %shift_right_logical3A_862 = arith.shrui %and3A_859, %shift_right_logical3A_861 : vector<16xi32>
      %and3A_863 = arith.constant 7 : i32
      %and3A_864 = vector.broadcast %and3A_863 : i32 to vector<16xi32>
      %and3A_865 = arith.andi %and3A_859, %and3A_864 : vector<16xi32>
      %gather3A_866 = arith.constant 0 : i32
      %gather3A_867 = arith.constant 0 : i32
      %gather3A_868 = tpu.memref_slice %arg7[%scan3A_390, %gather3A_866, %gather3A_867] : memref<3x128x64xf32, #tpu.memory_space<vmem>> -> memref<1x128x64xf32, #tpu.memory_space<vmem>>
      %gather3A_869 = tpu.memref_squeeze %gather3A_868 : memref<1x128x64xf32, #tpu.memory_space<vmem>> -> memref<128x64xf32, #tpu.memory_space<vmem>>
      %gather3A_870 = tpu.vector_load_idx %gather3A_869[%add3A_10, %and3A_859] : memref<128x64xf32, #tpu.memory_space<vmem>>[vector<16xi32>, vector<16xi32>], vector<16xf32>,
      %gather3A_871 = arith.constant 0 : i32
      %gather3A_872 = arith.constant 0 : i32
      %gather3A_873 = tpu.memref_slice %arg7[%scan3A_390, %gather3A_871, %gather3A_872] : memref<3x128x64xf32, #tpu.memory_space<vmem>> -> memref<1x128x64xf32, #tpu.memory_space<vmem>>
      %gather3A_874 = tpu.memref_squeeze %gather3A_873 : memref<1x128x64xf32, #tpu.memory_space<vmem>> -> memref<128x64xf32, #tpu.memory_space<vmem>>
      %gather3A_875 = tpu.vector_load_idx %gather3A_874[%add3A_13, %and3A_859] : memref<128x64xf32, #tpu.memory_space<vmem>>[vector<16xi32>, vector<16xi32>], vector<16xf32>,
      %gather3A_876 = arith.constant 0 : i32
      %gather3A_877 = arith.constant 0 : i32
      %gather3A_878 = tpu.memref_slice %arg7[%scan3A_390, %gather3A_876, %gather3A_877] : memref<3x128x64xf32, #tpu.memory_space<vmem>> -> memref<1x128x64xf32, #tpu.memory_space<vmem>>
      %gather3A_879 = tpu.memref_squeeze %gather3A_878 : memref<1x128x64xf32, #tpu.memory_space<vmem>> -> memref<128x64xf32, #tpu.memory_space<vmem>>
      %gather3A_880 = tpu.vector_load_idx %gather3A_879[%add3A_16, %and3A_859] : memref<128x64xf32, #tpu.memory_space<vmem>>[vector<16xi32>, vector<16xi32>], vector<16xf32>,
      %gather3A_881 = arith.constant 0 : i32
      %gather3A_882 = arith.constant 0 : i32
      %gather3A_883 = tpu.memref_slice %arg7[%scan3A_390, %gather3A_881, %gather3A_882] : memref<3x128x64xf32, #tpu.memory_space<vmem>> -> memref<1x128x64xf32, #tpu.memory_space<vmem>>
      %gather3A_884 = tpu.memref_squeeze %gather3A_883 : memref<1x128x64xf32, #tpu.memory_space<vmem>> -> memref<128x64xf32, #tpu.memory_space<vmem>>
      %gather3A_885 = tpu.vector_load_idx %gather3A_884[%add3A_19, %and3A_859] : memref<128x64xf32, #tpu.memory_space<vmem>>[vector<16xi32>, vector<16xi32>], vector<16xf32>,
      %gather3A_886 = arith.constant 0 : i32
      %gather3A_887 = arith.constant 0 : i32
      %gather3A_888 = tpu.memref_slice %arg7[%scan3A_390, %gather3A_886, %gather3A_887] : memref<3x128x64xf32, #tpu.memory_space<vmem>> -> memref<1x128x64xf32, #tpu.memory_space<vmem>>
      %gather3A_889 = tpu.memref_squeeze %gather3A_888 : memref<1x128x64xf32, #tpu.memory_space<vmem>> -> memref<128x64xf32, #tpu.memory_space<vmem>>
      %gather3A_890 = tpu.vector_load_idx %gather3A_889[%add3A_22, %and3A_859] : memref<128x64xf32, #tpu.memory_space<vmem>>[vector<16xi32>, vector<16xi32>], vector<16xf32>,
      %gather3A_891 = arith.constant 0 : i32
      %gather3A_892 = arith.constant 0 : i32
      %gather3A_893 = tpu.memref_slice %arg7[%scan3A_390, %gather3A_891, %gather3A_892] : memref<3x128x64xf32, #tpu.memory_space<vmem>> -> memref<1x128x64xf32, #tpu.memory_space<vmem>>
      %gather3A_894 = tpu.memref_squeeze %gather3A_893 : memref<1x128x64xf32, #tpu.memory_space<vmem>> -> memref<128x64xf32, #tpu.memory_space<vmem>>
      %gather3A_895 = tpu.vector_load_idx %gather3A_894[%add3A_25, %and3A_859] : memref<128x64xf32, #tpu.memory_space<vmem>>[vector<16xi32>, vector<16xi32>], vector<16xf32>,
      %gather3A_896 = arith.constant 0 : i32
      %gather3A_897 = arith.constant 0 : i32
      %gather3A_898 = tpu.memref_slice %arg7[%scan3A_390, %gather3A_896, %gather3A_897] : memref<3x128x64xf32, #tpu.memory_space<vmem>> -> memref<1x128x64xf32, #tpu.memory_space<vmem>>
      %gather3A_899 = tpu.memref_squeeze %gather3A_898 : memref<1x128x64xf32, #tpu.memory_space<vmem>> -> memref<128x64xf32, #tpu.memory_space<vmem>>
      %gather3A_900 = tpu.vector_load_idx %gather3A_899[%add3A_28, %and3A_859] : memref<128x64xf32, #tpu.memory_space<vmem>>[vector<16xi32>, vector<16xi32>], vector<16xf32>,
      %gather3A_901 = arith.constant 0 : i32
      %gather3A_902 = arith.constant 0 : i32
      %gather3A_903 = tpu.memref_slice %arg7[%scan3A_390, %gather3A_901, %gather3A_902] : memref<3x128x64xf32, #tpu.memory_space<vmem>> -> memref<1x128x64xf32, #tpu.memory_space<vmem>>
      %gather3A_904 = tpu.memref_squeeze %gather3A_903 : memref<1x128x64xf32, #tpu.memory_space<vmem>> -> memref<128x64xf32, #tpu.memory_space<vmem>>
      %gather3A_905 = tpu.vector_load_idx %gather3A_904[%add3A_31, %and3A_859] : memref<128x64xf32, #tpu.memory_space<vmem>>[vector<16xi32>, vector<16xi32>], vector<16xf32>,
      %scatter3A_906 = arith.constant 0 : i32
      %scatter3A_907 = arith.constant 0 : i32
      %scatter3A_908 = arith.constant 0 : i32
      %scatter3A_909 = tpu.memref_slice %arg8[%scan3A_391, %scatter3A_906, %scatter3A_907, %scatter3A_908] : memref<3x8x8x128xf32, #tpu.memory_space<vmem>> -> memref<1x8x8x128xf32, #tpu.memory_space<vmem>>
      %scatter3A_910 = tpu.memref_squeeze %scatter3A_909 : memref<1x8x8x128xf32, #tpu.memory_space<vmem>> -> memref<8x8x128xf32, #tpu.memory_space<vmem>>
      tpu.vector_store_idx %scatter3A_910[%shift_right_logical3A_862, %and3A_865, %add3A_10], %gather3A_870 : memref<8x8x128xf32, #tpu.memory_space<vmem>>[vector<16xi32>, vector<16xi32>, vector<16xi32>], vector<16xf32>,
      %scatter3A_911 = arith.constant 0 : i32
      %scatter3A_912 = arith.constant 0 : i32
      %scatter3A_913 = arith.constant 0 : i32
      %scatter3A_914 = tpu.memref_slice %arg8[%scan3A_391, %scatter3A_911, %scatter3A_912, %scatter3A_913] : memref<3x8x8x128xf32, #tpu.memory_space<vmem>> -> memref<1x8x8x128xf32, #tpu.memory_space<vmem>>
      %scatter3A_915 = tpu.memref_squeeze %scatter3A_914 : memref<1x8x8x128xf32, #tpu.memory_space<vmem>> -> memref<8x8x128xf32, #tpu.memory_space<vmem>>
      tpu.vector_store_idx %scatter3A_915[%shift_right_logical3A_862, %and3A_865, %add3A_13], %gather3A_875 : memref<8x8x128xf32, #tpu.memory_space<vmem>>[vector<16xi32>, vector<16xi32>, vector<16xi32>], vector<16xf32>,
      %scatter3A_916 = arith.constant 0 : i32
      %scatter3A_917 = arith.constant 0 : i32
      %scatter3A_918 = arith.constant 0 : i32
      %scatter3A_919 = tpu.memref_slice %arg8[%scan3A_391, %scatter3A_916, %scatter3A_917, %scatter3A_918] : memref<3x8x8x128xf32, #tpu.memory_space<vmem>> -> memref<1x8x8x128xf32, #tpu.memory_space<vmem>>
      %scatter3A_920 = tpu.memref_squeeze %scatter3A_919 : memref<1x8x8x128xf32, #tpu.memory_space<vmem>> -> memref<8x8x128xf32, #tpu.memory_space<vmem>>
      tpu.vector_store_idx %scatter3A_920[%shift_right_logical3A_862, %and3A_865, %add3A_16], %gather3A_880 : memref<8x8x128xf32, #tpu.memory_space<vmem>>[vector<16xi32>, vector<16xi32>, vector<16xi32>], vector<16xf32>,
      %scatter3A_921 = arith.constant 0 : i32
      %scatter3A_922 = arith.constant 0 : i32
      %scatter3A_923 = arith.constant 0 : i32
      %scatter3A_924 = tpu.memref_slice %arg8[%scan3A_391, %scatter3A_921, %scatter3A_922, %scatter3A_923] : memref<3x8x8x128xf32, #tpu.memory_space<vmem>> -> memref<1x8x8x128xf32, #tpu.memory_space<vmem>>
      %scatter3A_925 = tpu.memref_squeeze %scatter3A_924 : memref<1x8x8x128xf32, #tpu.memory_space<vmem>> -> memref<8x8x128xf32, #tpu.memory_space<vmem>>
      tpu.vector_store_idx %scatter3A_925[%shift_right_logical3A_862, %and3A_865, %add3A_19], %gather3A_885 : memref<8x8x128xf32, #tpu.memory_space<vmem>>[vector<16xi32>, vector<16xi32>, vector<16xi32>], vector<16xf32>,
      %scatter3A_926 = arith.constant 0 : i32
      %scatter3A_927 = arith.constant 0 : i32
      %scatter3A_928 = arith.constant 0 : i32
      %scatter3A_929 = tpu.memref_slice %arg8[%scan3A_391, %scatter3A_926, %scatter3A_927, %scatter3A_928] : memref<3x8x8x128xf32, #tpu.memory_space<vmem>> -> memref<1x8x8x128xf32, #tpu.memory_space<vmem>>
      %scatter3A_930 = tpu.memref_squeeze %scatter3A_929 : memref<1x8x8x128xf32, #tpu.memory_space<vmem>> -> memref<8x8x128xf32, #tpu.memory_space<vmem>>
      tpu.vector_store_idx %scatter3A_930[%shift_right_logical3A_862, %and3A_865, %add3A_22], %gather3A_890 : memref<8x8x128xf32, #tpu.memory_space<vmem>>[vector<16xi32>, vector<16xi32>, vector<16xi32>], vector<16xf32>,
      %scatter3A_931 = arith.constant 0 : i32
      %scatter3A_932 = arith.constant 0 : i32
      %scatter3A_933 = arith.constant 0 : i32
      %scatter3A_934 = tpu.memref_slice %arg8[%scan3A_391, %scatter3A_931, %scatter3A_932, %scatter3A_933] : memref<3x8x8x128xf32, #tpu.memory_space<vmem>> -> memref<1x8x8x128xf32, #tpu.memory_space<vmem>>
      %scatter3A_935 = tpu.memref_squeeze %scatter3A_934 : memref<1x8x8x128xf32, #tpu.memory_space<vmem>> -> memref<8x8x128xf32, #tpu.memory_space<vmem>>
      tpu.vector_store_idx %scatter3A_935[%shift_right_logical3A_862, %and3A_865, %add3A_25], %gather3A_895 : memref<8x8x128xf32, #tpu.memory_space<vmem>>[vector<16xi32>, vector<16xi32>, vector<16xi32>], vector<16xf32>,
      %scatter3A_936 = arith.constant 0 : i32
      %scatter3A_937 = arith.constant 0 : i32
      %scatter3A_938 = arith.constant 0 : i32
      %scatter3A_939 = tpu.memref_slice %arg8[%scan3A_391, %scatter3A_936, %scatter3A_937, %scatter3A_938] : memref<3x8x8x128xf32, #tpu.memory_space<vmem>> -> memref<1x8x8x128xf32, #tpu.memory_space<vmem>>
      %scatter3A_940 = tpu.memref_squeeze %scatter3A_939 : memref<1x8x8x128xf32, #tpu.memory_space<vmem>> -> memref<8x8x128xf32, #tpu.memory_space<vmem>>
      tpu.vector_store_idx %scatter3A_940[%shift_right_logical3A_862, %and3A_865, %add3A_28], %gather3A_900 : memref<8x8x128xf32, #tpu.memory_space<vmem>>[vector<16xi32>, vector<16xi32>, vector<16xi32>], vector<16xf32>,
      %scatter3A_941 = arith.constant 0 : i32
      %scatter3A_942 = arith.constant 0 : i32
      %scatter3A_943 = arith.constant 0 : i32
      %scatter3A_944 = tpu.memref_slice %arg8[%scan3A_391, %scatter3A_941, %scatter3A_942, %scatter3A_943] : memref<3x8x8x128xf32, #tpu.memory_space<vmem>> -> memref<1x8x8x128xf32, #tpu.memory_space<vmem>>
      %scatter3A_945 = tpu.memref_squeeze %scatter3A_944 : memref<1x8x8x128xf32, #tpu.memory_space<vmem>> -> memref<8x8x128xf32, #tpu.memory_space<vmem>>
      tpu.vector_store_idx %scatter3A_945[%shift_right_logical3A_862, %and3A_865, %add3A_31], %gather3A_905 : memref<8x8x128xf32, #tpu.memory_space<vmem>>[vector<16xi32>, vector<16xi32>, vector<16xi32>], vector<16xf32>,
    }
    %scan3A_396 = arith.constant 32 : i32
    %mul3A_397 = arith.constant 4 : i32
    %mul3A_398 = arith.muli %add3A, %mul3A_397 : i32
    %add3A_399 = arith.constant 1 : i32
    %add3A_400 = arith.addi %mul3A_398, %add3A_399 : i32
    %dma_start3A_401 = arith.constant 1 : i32
    %dma_start3A_402 = arith.constant 0 : i32
    %dma_start3A_403 = arith.constant 0 : i32
    %dma_start3A_404 = arith.constant 0 : i32
    %dma_start3A_405 = arith.constant 0 : i32
    %dma_start3A_406 = tpu.memref_slice %arg8[%dma_start3A_401, %dma_start3A_403, %dma_start3A_404, %dma_start3A_405] : memref<3x8x8x128xf32, #tpu.memory_space<vmem>> -> memref<1x8x8x128xf32, #tpu.memory_space<vmem>>
    %dma_start3A_407 = tpu.memref_squeeze %dma_start3A_406 : memref<1x8x8x128xf32, #tpu.memory_space<vmem>> -> memref<8x8x128xf32, #tpu.memory_space<vmem>>
    %dma_start3A_408 = arith.constant 0 : i32
    %dma_start3A_409 = arith.constant 0 : i32
    %dma_start3A_410 = arith.constant 0 : i32
    %dma_start3A_411 = tpu.memref_slice %arg4[%dma_start3A_402, %dma_start3A_408, %add3A_400, %dma_start3A_409, %dma_start3A_410] : memref<50x8x128x8x128xf32, #tpu.memory_space<hbm>> -> memref<1x8x1x8x128xf32, #tpu.memory_space<hbm>>
    %dma_start3A_412 = tpu.memref_squeeze %dma_start3A_411 : memref<1x8x1x8x128xf32, #tpu.memory_space<hbm>> -> memref<8x8x128xf32, #tpu.memory_space<hbm>>
    %dma_start3A_413 = arith.constant 0 : i32
    %dma_start3A_414 = arith.constant 0 : i32
    %dma_start3A_415 = arith.constant 0 : i32
    %dma_start3A_416 = tpu.memref_slice %arg4[%dma_start3A_402, %dma_start3A_413, %add3A_400, %dma_start3A_414, %dma_start3A_415] : memref<50x8x128x8x128xf32, #tpu.memory_space<hbm>> -> memref<1x8x1x8x128xf32, #tpu.memory_space<hbm>>
    %dma_start3A_417 = tpu.memref_squeeze %dma_start3A_416 : memref<1x8x1x8x128xf32, #tpu.memory_space<hbm>> -> memref<8x8x128xf32, #tpu.memory_space<hbm>>
    %dma_start3A_418 = arith.constant 0 : i32
    %dma_start3A_419 = arith.constant 0 : i32
    %dma_start3A_420 = arith.constant 0 : i32
    %dma_start3A_421 = tpu.memref_slice %arg8[%dma_start3A_401, %dma_start3A_418, %dma_start3A_419, %dma_start3A_420] : memref<3x8x8x128xf32, #tpu.memory_space<vmem>> -> memref<1x8x8x128xf32, #tpu.memory_space<vmem>>
    %dma_start3A_422 = tpu.memref_squeeze %dma_start3A_421 : memref<1x8x8x128xf32, #tpu.memory_space<vmem>> -> memref<8x8x128xf32, #tpu.memory_space<vmem>>
    tpu.enqueue_dma source(%dma_start3A_422 : memref<8x8x128xf32, #tpu.memory_space<vmem>>) target(%dma_start3A_417 : memref<8x8x128xf32, #tpu.memory_space<hbm>>) target_semaphore(%arg13 : memref<!tpu.dma_semaphore, #tpu.memory_space<semaphore_mem>>)
    %add3A_423 = arith.constant 1 : i32
    %add3A_424 = vector.broadcast %add3A_423 : i32 to vector<16xi32>
    %add3A_425 = arith.addi %mul3A_7, %add3A_424 : vector<16xi32>
    %gather3A_426 = tpu.vector_load_idx %arg5[%add3A_425] : memref<25600xi32, #tpu.memory_space<vmem>>[vector<16xi32>], vector<16xi32>,
    %swap3A_427 = arith.constant 1 : i32
    %swap3A_428 = arith.index_cast %swap3A_427 : i32 to index
    %swap3A_429 = arith.constant 0 : index
    %swap3A_430 = tpu.vector_load %arg6[%swap3A_428, %swap3A_429] {strides = array<i32>} : memref<3x128xi32, #tpu.memory_space<vmem>>, vector<16xi32>,
    tpu.vector_store %arg6[%swap3A_428, %swap3A_429], %gather3A_426 {strides = array<i32>} : memref<3x128xi32, #tpu.memory_space<vmem>>, vector<16xi32>,
    %add3A_431 = arith.constant 801 : i32
    %add3A_432 = vector.broadcast %add3A_431 : i32 to vector<16xi32>
    %add3A_433 = arith.addi %mul3A_7, %add3A_432 : vector<16xi32>
    %gather3A_434 = tpu.vector_load_idx %arg5[%add3A_433] : memref<25600xi32, #tpu.memory_space<vmem>>[vector<16xi32>], vector<16xi32>,
    %swap3A_435 = arith.constant 1 : i32
    %swap3A_436 = arith.index_cast %swap3A_435 : i32 to index
    %swap3A_437 = arith.constant 16 : index
    %swap3A_438 = tpu.vector_load %arg6[%swap3A_436, %swap3A_437] {strides = array<i32>} : memref<3x128xi32, #tpu.memory_space<vmem>>, vector<16xi32>,
    tpu.vector_store %arg6[%swap3A_436, %swap3A_437], %gather3A_434 {strides = array<i32>} : memref<3x128xi32, #tpu.memory_space<vmem>>, vector<16xi32>,
    %add3A_439 = arith.constant 1601 : i32
    %add3A_440 = vector.broadcast %add3A_439 : i32 to vector<16xi32>
    %add3A_441 = arith.addi %mul3A_7, %add3A_440 : vector<16xi32>
    %gather3A_442 = tpu.vector_load_idx %arg5[%add3A_441] : memref<25600xi32, #tpu.memory_space<vmem>>[vector<16xi32>], vector<16xi32>,
    %swap3A_443 = arith.constant 1 : i32
    %swap3A_444 = arith.index_cast %swap3A_443 : i32 to index
    %swap3A_445 = arith.constant 32 : index
    %swap3A_446 = tpu.vector_load %arg6[%swap3A_444, %swap3A_445] {strides = array<i32>} : memref<3x128xi32, #tpu.memory_space<vmem>>, vector<16xi32>,
    tpu.vector_store %arg6[%swap3A_444, %swap3A_445], %gather3A_442 {strides = array<i32>} : memref<3x128xi32, #tpu.memory_space<vmem>>, vector<16xi32>,
    %add3A_447 = arith.constant 2401 : i32
    %add3A_448 = vector.broadcast %add3A_447 : i32 to vector<16xi32>
    %add3A_449 = arith.addi %mul3A_7, %add3A_448 : vector<16xi32>
    %gather3A_450 = tpu.vector_load_idx %arg5[%add3A_449] : memref<25600xi32, #tpu.memory_space<vmem>>[vector<16xi32>], vector<16xi32>,
    %swap3A_451 = arith.constant 1 : i32
    %swap3A_452 = arith.index_cast %swap3A_451 : i32 to index
    %swap3A_453 = arith.constant 48 : index
    %swap3A_454 = tpu.vector_load %arg6[%swap3A_452, %swap3A_453] {strides = array<i32>} : memref<3x128xi32, #tpu.memory_space<vmem>>, vector<16xi32>,
    tpu.vector_store %arg6[%swap3A_452, %swap3A_453], %gather3A_450 {strides = array<i32>} : memref<3x128xi32, #tpu.memory_space<vmem>>, vector<16xi32>,
    %add3A_455 = arith.constant 3201 : i32
    %add3A_456 = vector.broadcast %add3A_455 : i32 to vector<16xi32>
    %add3A_457 = arith.addi %mul3A_7, %add3A_456 : vector<16xi32>
    %gather3A_458 = tpu.vector_load_idx %arg5[%add3A_457] : memref<25600xi32, #tpu.memory_space<vmem>>[vector<16xi32>], vector<16xi32>,
    %swap3A_459 = arith.constant 1 : i32
    %swap3A_460 = arith.index_cast %swap3A_459 : i32 to index
    %swap3A_461 = arith.constant 64 : index
    %swap3A_462 = tpu.vector_load %arg6[%swap3A_460, %swap3A_461] {strides = array<i32>} : memref<3x128xi32, #tpu.memory_space<vmem>>, vector<16xi32>,
    tpu.vector_store %arg6[%swap3A_460, %swap3A_461], %gather3A_458 {strides = array<i32>} : memref<3x128xi32, #tpu.memory_space<vmem>>, vector<16xi32>,
    %add3A_463 = arith.constant 4001 : i32
    %add3A_464 = vector.broadcast %add3A_463 : i32 to vector<16xi32>
    %add3A_465 = arith.addi %mul3A_7, %add3A_464 : vector<16xi32>
    %gather3A_466 = tpu.vector_load_idx %arg5[%add3A_465] : memref<25600xi32, #tpu.memory_space<vmem>>[vector<16xi32>], vector<16xi32>,
    %swap3A_467 = arith.constant 1 : i32
    %swap3A_468 = arith.index_cast %swap3A_467 : i32 to index
    %swap3A_469 = arith.constant 80 : index
    %swap3A_470 = tpu.vector_load %arg6[%swap3A_468, %swap3A_469] {strides = array<i32>} : memref<3x128xi32, #tpu.memory_space<vmem>>, vector<16xi32>,
    tpu.vector_store %arg6[%swap3A_468, %swap3A_469], %gather3A_466 {strides = array<i32>} : memref<3x128xi32, #tpu.memory_space<vmem>>, vector<16xi32>,
    %add3A_471 = arith.constant 4801 : i32
    %add3A_472 = vector.broadcast %add3A_471 : i32 to vector<16xi32>
    %add3A_473 = arith.addi %mul3A_7, %add3A_472 : vector<16xi32>
    %gather3A_474 = tpu.vector_load_idx %arg5[%add3A_473] : memref<25600xi32, #tpu.memory_space<vmem>>[vector<16xi32>], vector<16xi32>,
    %swap3A_475 = arith.constant 1 : i32
    %swap3A_476 = arith.index_cast %swap3A_475 : i32 to index
    %swap3A_477 = arith.constant 96 : index
    %swap3A_478 = tpu.vector_load %arg6[%swap3A_476, %swap3A_477] {strides = array<i32>} : memref<3x128xi32, #tpu.memory_space<vmem>>, vector<16xi32>,
    tpu.vector_store %arg6[%swap3A_476, %swap3A_477], %gather3A_474 {strides = array<i32>} : memref<3x128xi32, #tpu.memory_space<vmem>>, vector<16xi32>,
    %add3A_479 = arith.constant 5601 : i32
    %add3A_480 = vector.broadcast %add3A_479 : i32 to vector<16xi32>
    %add3A_481 = arith.addi %mul3A_7, %add3A_480 : vector<16xi32>
    %gather3A_482 = tpu.vector_load_idx %arg5[%add3A_481] : memref<25600xi32, #tpu.memory_space<vmem>>[vector<16xi32>], vector<16xi32>,
    %swap3A_483 = arith.constant 1 : i32
    %swap3A_484 = arith.index_cast %swap3A_483 : i32 to index
    %swap3A_485 = arith.constant 112 : index
    %swap3A_486 = tpu.vector_load %arg6[%swap3A_484, %swap3A_485] {strides = array<i32>} : memref<3x128xi32, #tpu.memory_space<vmem>>, vector<16xi32>,
    tpu.vector_store %arg6[%swap3A_484, %swap3A_485], %gather3A_482 {strides = array<i32>} : memref<3x128xi32, #tpu.memory_space<vmem>>, vector<16xi32>,
    %dma_start3A_487 = arith.constant 1 : i32
    %dma_start3A_488 = arith.constant 1 : i32
    %dma_start3A_489 = arith.constant 0 : i32
    %dma_start3A_490 = arith.constant 0 : i32
    %dma_start3A_491 = tpu.memref_slice %arg7[%dma_start3A_488, %dma_start3A_489, %dma_start3A_490] : memref<3x128x64xf32, #tpu.memory_space<vmem>> -> memref<1x128x64xf32, #tpu.memory_space<vmem>>
    %dma_start3A_492 = tpu.memref_squeeze %dma_start3A_491 : memref<1x128x64xf32, #tpu.memory_space<vmem>> -> memref<128x64xf32, #tpu.memory_space<vmem>>
    %dma_start3A_493 = arith.constant 0 : i32
    %dma_start3A_494 = tpu.memref_slice %arg6[%dma_start3A_487, %dma_start3A_493] : memref<3x128xi32, #tpu.memory_space<vmem>> -> memref<1x128xi32, #tpu.memory_space<vmem>>
    %dma_start3A_495 = tpu.memref_squeeze %dma_start3A_494 : memref<1x128xi32, #tpu.memory_space<vmem>> -> memref<128xi32, #tpu.memory_space<vmem>>
    %dma_start3A_496 = arith.constant 0 : i32
    %dma_start3A_497 = arith.constant 0 : i32
    %dma_start3A_498 = tpu.memref_slice %arg3[%dma_start3A_496, %dma_start3A_497] : memref<1000000x64xf32, #tpu.memory_space<hbm>> -> memref<1000000x64xf32, #tpu.memory_space<hbm>>
    tpu.enqueue_indirect_dma source(%dma_start3A_498 : memref<1000000x64xf32, #tpu.memory_space<hbm>>) target(%dma_start3A_492 : memref<128x64xf32, #tpu.memory_space<vmem>>) offsets(%dma_start3A_495 : memref<128xi32, #tpu.memory_space<vmem>>) semaphore(%arg10 : memref<!tpu.dma_semaphore, #tpu.memory_space<semaphore_mem>>)
    %dma_wait3A_499 = arith.constant 0 : i32
    %dma_wait3A_500 = arith.constant 2 : i32
    %dma_wait3A_501 = arith.constant 0 : i32
    %dma_wait3A_502 = arith.constant 0 : i32
    %dma_wait3A_503 = tpu.memref_slice %arg7[%dma_wait3A_500, %dma_wait3A_501, %dma_wait3A_502] : memref<3x128x64xf32, #tpu.memory_space<vmem>> -> memref<1x128x64xf32, #tpu.memory_space<vmem>>
    %dma_wait3A_504 = tpu.memref_squeeze %dma_wait3A_503 : memref<1x128x64xf32, #tpu.memory_space<vmem>> -> memref<128x64xf32, #tpu.memory_space<vmem>>
    %dma_wait3A_505 = arith.constant 0 : i32
    %dma_wait3A_506 = tpu.memref_slice %arg6[%dma_wait3A_499, %dma_wait3A_505] : memref<3x128xi32, #tpu.memory_space<vmem>> -> memref<1x128xi32, #tpu.memory_space<vmem>>
    %dma_wait3A_507 = tpu.memref_squeeze %dma_wait3A_506 : memref<1x128xi32, #tpu.memory_space<vmem>> -> memref<128xi32, #tpu.memory_space<vmem>>
    %dma_wait3A_508 = arith.constant 0 : i32
    %dma_wait3A_509 = arith.constant 0 : i32
    %dma_wait3A_510 = tpu.memref_slice %arg3[%dma_wait3A_508, %dma_wait3A_509] : memref<1000000x64xf32, #tpu.memory_space<hbm>> -> memref<1000000x64xf32, #tpu.memory_space<hbm>>
    tpu.wait_indirect_dma semaphore(%arg11 : memref<!tpu.dma_semaphore, #tpu.memory_space<semaphore_mem>>) src(%dma_wait3A_510 : memref<1000000x64xf32, #tpu.memory_space<hbm>>) dst(%dma_wait3A_504 : memref<128x64xf32, #tpu.memory_space<vmem>>)
    %scan3A_511 = arith.constant 0 : i32
    %scan3A_512 = arith.constant 2 : i32
    %scan3A_513 = arith.constant 2 : i32
    %scan3A_514 = arith.constant 0 : i32
    %scan3A_515 = arith.constant 32 : i32
    %scan3A_516 = arith.addi %scan3A_514, %scan3A_515 : i32
    %scan3A_517 = arith.constant 1 : i32
    scf.for %scan3A_758 = %scan3A_514 to %scan3A_516 step %scan3A_517  : i32 {
      %mul3A_759 = arith.constant 2 : i32
      %mul3A_760 = arith.muli %scan3A_758, %mul3A_759 : i32
      %add3A_761 = arith.constant 0 : i32
      %add3A_762 = arith.addi %mul3A_760, %add3A_761 : i32
      %add3A_763 = vector.broadcast %add3A_762 : i32 to vector<16xi32>
      %add3A_764 = arith.addi %iota3A, %add3A_763 : vector<16xi32>
      %and3A = arith.constant 63 : i32
      %and3A_765 = vector.broadcast %and3A : i32 to vector<16xi32>
      %and3A_766 = arith.andi %add3A_764, %and3A_765 : vector<16xi32>
      %shift_right_logical3A = arith.constant 3 : i32
      %shift_right_logical3A_767 = vector.broadcast %shift_right_logical3A : i32 to vector<16xi32>
      %shift_right_logical3A_768 = arith.shrui %and3A_766, %shift_right_logical3A_767 : vector<16xi32>
      %and3A_769 = arith.constant 7 : i32
      %and3A_770 = vector.broadcast %and3A_769 : i32 to vector<16xi32>
      %and3A_771 = arith.andi %and3A_766, %and3A_770 : vector<16xi32>
      %gather3A_772 = arith.constant 0 : i32
      %gather3A_773 = arith.constant 0 : i32
      %gather3A_774 = tpu.memref_slice %arg7[%scan3A_512, %gather3A_772, %gather3A_773] : memref<3x128x64xf32, #tpu.memory_space<vmem>> -> memref<1x128x64xf32, #tpu.memory_space<vmem>>
      %gather3A_775 = tpu.memref_squeeze %gather3A_774 : memref<1x128x64xf32, #tpu.memory_space<vmem>> -> memref<128x64xf32, #tpu.memory_space<vmem>>
      %gather3A_776 = tpu.vector_load_idx %gather3A_775[%add3A_10, %and3A_766] : memref<128x64xf32, #tpu.memory_space<vmem>>[vector<16xi32>, vector<16xi32>], vector<16xf32>,
      %gather3A_777 = arith.constant 0 : i32
      %gather3A_778 = arith.constant 0 : i32
      %gather3A_779 = tpu.memref_slice %arg7[%scan3A_512, %gather3A_777, %gather3A_778] : memref<3x128x64xf32, #tpu.memory_space<vmem>> -> memref<1x128x64xf32, #tpu.memory_space<vmem>>
      %gather3A_780 = tpu.memref_squeeze %gather3A_779 : memref<1x128x64xf32, #tpu.memory_space<vmem>> -> memref<128x64xf32, #tpu.memory_space<vmem>>
      %gather3A_781 = tpu.vector_load_idx %gather3A_780[%add3A_13, %and3A_766] : memref<128x64xf32, #tpu.memory_space<vmem>>[vector<16xi32>, vector<16xi32>], vector<16xf32>,
      %gather3A_782 = arith.constant 0 : i32
      %gather3A_783 = arith.constant 0 : i32
      %gather3A_784 = tpu.memref_slice %arg7[%scan3A_512, %gather3A_782, %gather3A_783] : memref<3x128x64xf32, #tpu.memory_space<vmem>> -> memref<1x128x64xf32, #tpu.memory_space<vmem>>
      %gather3A_785 = tpu.memref_squeeze %gather3A_784 : memref<1x128x64xf32, #tpu.memory_space<vmem>> -> memref<128x64xf32, #tpu.memory_space<vmem>>
      %gather3A_786 = tpu.vector_load_idx %gather3A_785[%add3A_16, %and3A_766] : memref<128x64xf32, #tpu.memory_space<vmem>>[vector<16xi32>, vector<16xi32>], vector<16xf32>,
      %gather3A_787 = arith.constant 0 : i32
      %gather3A_788 = arith.constant 0 : i32
      %gather3A_789 = tpu.memref_slice %arg7[%scan3A_512, %gather3A_787, %gather3A_788] : memref<3x128x64xf32, #tpu.memory_space<vmem>> -> memref<1x128x64xf32, #tpu.memory_space<vmem>>
      %gather3A_790 = tpu.memref_squeeze %gather3A_789 : memref<1x128x64xf32, #tpu.memory_space<vmem>> -> memref<128x64xf32, #tpu.memory_space<vmem>>
      %gather3A_791 = tpu.vector_load_idx %gather3A_790[%add3A_19, %and3A_766] : memref<128x64xf32, #tpu.memory_space<vmem>>[vector<16xi32>, vector<16xi32>], vector<16xf32>,
      %gather3A_792 = arith.constant 0 : i32
      %gather3A_793 = arith.constant 0 : i32
      %gather3A_794 = tpu.memref_slice %arg7[%scan3A_512, %gather3A_792, %gather3A_793] : memref<3x128x64xf32, #tpu.memory_space<vmem>> -> memref<1x128x64xf32, #tpu.memory_space<vmem>>
      %gather3A_795 = tpu.memref_squeeze %gather3A_794 : memref<1x128x64xf32, #tpu.memory_space<vmem>> -> memref<128x64xf32, #tpu.memory_space<vmem>>
      %gather3A_796 = tpu.vector_load_idx %gather3A_795[%add3A_22, %and3A_766] : memref<128x64xf32, #tpu.memory_space<vmem>>[vector<16xi32>, vector<16xi32>], vector<16xf32>,
      %gather3A_797 = arith.constant 0 : i32
      %gather3A_798 = arith.constant 0 : i32
      %gather3A_799 = tpu.memref_slice %arg7[%scan3A_512, %gather3A_797, %gather3A_798] : memref<3x128x64xf32, #tpu.memory_space<vmem>> -> memref<1x128x64xf32, #tpu.memory_space<vmem>>
      %gather3A_800 = tpu.memref_squeeze %gather3A_799 : memref<1x128x64xf32, #tpu.memory_space<vmem>> -> memref<128x64xf32, #tpu.memory_space<vmem>>
      %gather3A_801 = tpu.vector_load_idx %gather3A_800[%add3A_25, %and3A_766] : memref<128x64xf32, #tpu.memory_space<vmem>>[vector<16xi32>, vector<16xi32>], vector<16xf32>,
      %gather3A_802 = arith.constant 0 : i32
      %gather3A_803 = arith.constant 0 : i32
      %gather3A_804 = tpu.memref_slice %arg7[%scan3A_512, %gather3A_802, %gather3A_803] : memref<3x128x64xf32, #tpu.memory_space<vmem>> -> memref<1x128x64xf32, #tpu.memory_space<vmem>>
      %gather3A_805 = tpu.memref_squeeze %gather3A_804 : memref<1x128x64xf32, #tpu.memory_space<vmem>> -> memref<128x64xf32, #tpu.memory_space<vmem>>
      %gather3A_806 = tpu.vector_load_idx %gather3A_805[%add3A_28, %and3A_766] : memref<128x64xf32, #tpu.memory_space<vmem>>[vector<16xi32>, vector<16xi32>], vector<16xf32>,
      %gather3A_807 = arith.constant 0 : i32
      %gather3A_808 = arith.constant 0 : i32
      %gather3A_809 = tpu.memref_slice %arg7[%scan3A_512, %gather3A_807, %gather3A_808] : memref<3x128x64xf32, #tpu.memory_space<vmem>> -> memref<1x128x64xf32, #tpu.memory_space<vmem>>
      %gather3A_810 = tpu.memref_squeeze %gather3A_809 : memref<1x128x64xf32, #tpu.memory_space<vmem>> -> memref<128x64xf32, #tpu.memory_space<vmem>>
      %gather3A_811 = tpu.vector_load_idx %gather3A_810[%add3A_31, %and3A_766] : memref<128x64xf32, #tpu.memory_space<vmem>>[vector<16xi32>, vector<16xi32>], vector<16xf32>,
      %scatter3A = arith.constant 0 : i32
      %scatter3A_812 = arith.constant 0 : i32
      %scatter3A_813 = arith.constant 0 : i32
      %scatter3A_814 = tpu.memref_slice %arg8[%scan3A_513, %scatter3A, %scatter3A_812, %scatter3A_813] : memref<3x8x8x128xf32, #tpu.memory_space<vmem>> -> memref<1x8x8x128xf32, #tpu.memory_space<vmem>>
      %scatter3A_815 = tpu.memref_squeeze %scatter3A_814 : memref<1x8x8x128xf32, #tpu.memory_space<vmem>> -> memref<8x8x128xf32, #tpu.memory_space<vmem>>
      tpu.vector_store_idx %scatter3A_815[%shift_right_logical3A_768, %and3A_771, %add3A_10], %gather3A_776 : memref<8x8x128xf32, #tpu.memory_space<vmem>>[vector<16xi32>, vector<16xi32>, vector<16xi32>], vector<16xf32>,
      %scatter3A_816 = arith.constant 0 : i32
      %scatter3A_817 = arith.constant 0 : i32
      %scatter3A_818 = arith.constant 0 : i32
      %scatter3A_819 = tpu.memref_slice %arg8[%scan3A_513, %scatter3A_816, %scatter3A_817, %scatter3A_818] : memref<3x8x8x128xf32, #tpu.memory_space<vmem>> -> memref<1x8x8x128xf32, #tpu.memory_space<vmem>>
      %scatter3A_820 = tpu.memref_squeeze %scatter3A_819 : memref<1x8x8x128xf32, #tpu.memory_space<vmem>> -> memref<8x8x128xf32, #tpu.memory_space<vmem>>
      tpu.vector_store_idx %scatter3A_820[%shift_right_logical3A_768, %and3A_771, %add3A_13], %gather3A_781 : memref<8x8x128xf32, #tpu.memory_space<vmem>>[vector<16xi32>, vector<16xi32>, vector<16xi32>], vector<16xf32>,
      %scatter3A_821 = arith.constant 0 : i32
      %scatter3A_822 = arith.constant 0 : i32
      %scatter3A_823 = arith.constant 0 : i32
      %scatter3A_824 = tpu.memref_slice %arg8[%scan3A_513, %scatter3A_821, %scatter3A_822, %scatter3A_823] : memref<3x8x8x128xf32, #tpu.memory_space<vmem>> -> memref<1x8x8x128xf32, #tpu.memory_space<vmem>>
      %scatter3A_825 = tpu.memref_squeeze %scatter3A_824 : memref<1x8x8x128xf32, #tpu.memory_space<vmem>> -> memref<8x8x128xf32, #tpu.memory_space<vmem>>
      tpu.vector_store_idx %scatter3A_825[%shift_right_logical3A_768, %and3A_771, %add3A_16], %gather3A_786 : memref<8x8x128xf32, #tpu.memory_space<vmem>>[vector<16xi32>, vector<16xi32>, vector<16xi32>], vector<16xf32>,
      %scatter3A_826 = arith.constant 0 : i32
      %scatter3A_827 = arith.constant 0 : i32
      %scatter3A_828 = arith.constant 0 : i32
      %scatter3A_829 = tpu.memref_slice %arg8[%scan3A_513, %scatter3A_826, %scatter3A_827, %scatter3A_828] : memref<3x8x8x128xf32, #tpu.memory_space<vmem>> -> memref<1x8x8x128xf32, #tpu.memory_space<vmem>>
      %scatter3A_830 = tpu.memref_squeeze %scatter3A_829 : memref<1x8x8x128xf32, #tpu.memory_space<vmem>> -> memref<8x8x128xf32, #tpu.memory_space<vmem>>
      tpu.vector_store_idx %scatter3A_830[%shift_right_logical3A_768, %and3A_771, %add3A_19], %gather3A_791 : memref<8x8x128xf32, #tpu.memory_space<vmem>>[vector<16xi32>, vector<16xi32>, vector<16xi32>], vector<16xf32>,
      %scatter3A_831 = arith.constant 0 : i32
      %scatter3A_832 = arith.constant 0 : i32
      %scatter3A_833 = arith.constant 0 : i32
      %scatter3A_834 = tpu.memref_slice %arg8[%scan3A_513, %scatter3A_831, %scatter3A_832, %scatter3A_833] : memref<3x8x8x128xf32, #tpu.memory_space<vmem>> -> memref<1x8x8x128xf32, #tpu.memory_space<vmem>>
      %scatter3A_835 = tpu.memref_squeeze %scatter3A_834 : memref<1x8x8x128xf32, #tpu.memory_space<vmem>> -> memref<8x8x128xf32, #tpu.memory_space<vmem>>
      tpu.vector_store_idx %scatter3A_835[%shift_right_logical3A_768, %and3A_771, %add3A_22], %gather3A_796 : memref<8x8x128xf32, #tpu.memory_space<vmem>>[vector<16xi32>, vector<16xi32>, vector<16xi32>], vector<16xf32>,
      %scatter3A_836 = arith.constant 0 : i32
      %scatter3A_837 = arith.constant 0 : i32
      %scatter3A_838 = arith.constant 0 : i32
      %scatter3A_839 = tpu.memref_slice %arg8[%scan3A_513, %scatter3A_836, %scatter3A_837, %scatter3A_838] : memref<3x8x8x128xf32, #tpu.memory_space<vmem>> -> memref<1x8x8x128xf32, #tpu.memory_space<vmem>>
      %scatter3A_840 = tpu.memref_squeeze %scatter3A_839 : memref<1x8x8x128xf32, #tpu.memory_space<vmem>> -> memref<8x8x128xf32, #tpu.memory_space<vmem>>
      tpu.vector_store_idx %scatter3A_840[%shift_right_logical3A_768, %and3A_771, %add3A_25], %gather3A_801 : memref<8x8x128xf32, #tpu.memory_space<vmem>>[vector<16xi32>, vector<16xi32>, vector<16xi32>], vector<16xf32>,
      %scatter3A_841 = arith.constant 0 : i32
      %scatter3A_842 = arith.constant 0 : i32
      %scatter3A_843 = arith.constant 0 : i32
      %scatter3A_844 = tpu.memref_slice %arg8[%scan3A_513, %scatter3A_841, %scatter3A_842, %scatter3A_843] : memref<3x8x8x128xf32, #tpu.memory_space<vmem>> -> memref<1x8x8x128xf32, #tpu.memory_space<vmem>>
      %scatter3A_845 = tpu.memref_squeeze %scatter3A_844 : memref<1x8x8x128xf32, #tpu.memory_space<vmem>> -> memref<8x8x128xf32, #tpu.memory_space<vmem>>
      tpu.vector_store_idx %scatter3A_845[%shift_right_logical3A_768, %and3A_771, %add3A_28], %gather3A_806 : memref<8x8x128xf32, #tpu.memory_space<vmem>>[vector<16xi32>, vector<16xi32>, vector<16xi32>], vector<16xf32>,
      %scatter3A_846 = arith.constant 0 : i32
      %scatter3A_847 = arith.constant 0 : i32
      %scatter3A_848 = arith.constant 0 : i32
      %scatter3A_849 = tpu.memref_slice %arg8[%scan3A_513, %scatter3A_846, %scatter3A_847, %scatter3A_848] : memref<3x8x8x128xf32, #tpu.memory_space<vmem>> -> memref<1x8x8x128xf32, #tpu.memory_space<vmem>>
      %scatter3A_850 = tpu.memref_squeeze %scatter3A_849 : memref<1x8x8x128xf32, #tpu.memory_space<vmem>> -> memref<8x8x128xf32, #tpu.memory_space<vmem>>
      tpu.vector_store_idx %scatter3A_850[%shift_right_logical3A_768, %and3A_771, %add3A_31], %gather3A_811 : memref<8x8x128xf32, #tpu.memory_space<vmem>>[vector<16xi32>, vector<16xi32>, vector<16xi32>], vector<16xf32>,
      %mul3A_851 = arith.constant 2 : i32
      %mul3A_852 = arith.muli %scan3A_758, %mul3A_851 : i32
      %add3A_853 = arith.constant 1 : i32
      %add3A_854 = arith.addi %mul3A_852, %add3A_853 : i32
      %add3A_855 = vector.broadcast %add3A_854 : i32 to vector<16xi32>
      %add3A_856 = arith.addi %iota3A, %add3A_855 : vector<16xi32>
      %and3A_857 = arith.constant 63 : i32
      %and3A_858 = vector.broadcast %and3A_857 : i32 to vector<16xi32>
      %and3A_859 = arith.andi %add3A_856, %and3A_858 : vector<16xi32>
      %shift_right_logical3A_860 = arith.constant 3 : i32
      %shift_right_logical3A_861 = vector.broadcast %shift_right_logical3A_860 : i32 to vector<16xi32>
      %shift_right_logical3A_862 = arith.shrui %and3A_859, %shift_right_logical3A_861 : vector<16xi32>
      %and3A_863 = arith.constant 7 : i32
      %and3A_864 = vector.broadcast %and3A_863 : i32 to vector<16xi32>
      %and3A_865 = arith.andi %and3A_859, %and3A_864 : vector<16xi32>
      %gather3A_866 = arith.constant 0 : i32
      %gather3A_867 = arith.constant 0 : i32
      %gather3A_868 = tpu.memref_slice %arg7[%scan3A_512, %gather3A_866, %gather3A_867] : memref<3x128x64xf32, #tpu.memory_space<vmem>> -> memref<1x128x64xf32, #tpu.memory_space<vmem>>
      %gather3A_869 = tpu.memref_squeeze %gather3A_868 : memref<1x128x64xf32, #tpu.memory_space<vmem>> -> memref<128x64xf32, #tpu.memory_space<vmem>>
      %gather3A_870 = tpu.vector_load_idx %gather3A_869[%add3A_10, %and3A_859] : memref<128x64xf32, #tpu.memory_space<vmem>>[vector<16xi32>, vector<16xi32>], vector<16xf32>,
      %gather3A_871 = arith.constant 0 : i32
      %gather3A_872 = arith.constant 0 : i32
      %gather3A_873 = tpu.memref_slice %arg7[%scan3A_512, %gather3A_871, %gather3A_872] : memref<3x128x64xf32, #tpu.memory_space<vmem>> -> memref<1x128x64xf32, #tpu.memory_space<vmem>>
      %gather3A_874 = tpu.memref_squeeze %gather3A_873 : memref<1x128x64xf32, #tpu.memory_space<vmem>> -> memref<128x64xf32, #tpu.memory_space<vmem>>
      %gather3A_875 = tpu.vector_load_idx %gather3A_874[%add3A_13, %and3A_859] : memref<128x64xf32, #tpu.memory_space<vmem>>[vector<16xi32>, vector<16xi32>], vector<16xf32>,
      %gather3A_876 = arith.constant 0 : i32
      %gather3A_877 = arith.constant 0 : i32
      %gather3A_878 = tpu.memref_slice %arg7[%scan3A_512, %gather3A_876, %gather3A_877] : memref<3x128x64xf32, #tpu.memory_space<vmem>> -> memref<1x128x64xf32, #tpu.memory_space<vmem>>
      %gather3A_879 = tpu.memref_squeeze %gather3A_878 : memref<1x128x64xf32, #tpu.memory_space<vmem>> -> memref<128x64xf32, #tpu.memory_space<vmem>>
      %gather3A_880 = tpu.vector_load_idx %gather3A_879[%add3A_16, %and3A_859] : memref<128x64xf32, #tpu.memory_space<vmem>>[vector<16xi32>, vector<16xi32>], vector<16xf32>,
      %gather3A_881 = arith.constant 0 : i32
      %gather3A_882 = arith.constant 0 : i32
      %gather3A_883 = tpu.memref_slice %arg7[%scan3A_512, %gather3A_881, %gather3A_882] : memref<3x128x64xf32, #tpu.memory_space<vmem>> -> memref<1x128x64xf32, #tpu.memory_space<vmem>>
      %gather3A_884 = tpu.memref_squeeze %gather3A_883 : memref<1x128x64xf32, #tpu.memory_space<vmem>> -> memref<128x64xf32, #tpu.memory_space<vmem>>
      %gather3A_885 = tpu.vector_load_idx %gather3A_884[%add3A_19, %and3A_859] : memref<128x64xf32, #tpu.memory_space<vmem>>[vector<16xi32>, vector<16xi32>], vector<16xf32>,
      %gather3A_886 = arith.constant 0 : i32
      %gather3A_887 = arith.constant 0 : i32
      %gather3A_888 = tpu.memref_slice %arg7[%scan3A_512, %gather3A_886, %gather3A_887] : memref<3x128x64xf32, #tpu.memory_space<vmem>> -> memref<1x128x64xf32, #tpu.memory_space<vmem>>
      %gather3A_889 = tpu.memref_squeeze %gather3A_888 : memref<1x128x64xf32, #tpu.memory_space<vmem>> -> memref<128x64xf32, #tpu.memory_space<vmem>>
      %gather3A_890 = tpu.vector_load_idx %gather3A_889[%add3A_22, %and3A_859] : memref<128x64xf32, #tpu.memory_space<vmem>>[vector<16xi32>, vector<16xi32>], vector<16xf32>,
      %gather3A_891 = arith.constant 0 : i32
      %gather3A_892 = arith.constant 0 : i32
      %gather3A_893 = tpu.memref_slice %arg7[%scan3A_512, %gather3A_891, %gather3A_892] : memref<3x128x64xf32, #tpu.memory_space<vmem>> -> memref<1x128x64xf32, #tpu.memory_space<vmem>>
      %gather3A_894 = tpu.memref_squeeze %gather3A_893 : memref<1x128x64xf32, #tpu.memory_space<vmem>> -> memref<128x64xf32, #tpu.memory_space<vmem>>
      %gather3A_895 = tpu.vector_load_idx %gather3A_894[%add3A_25, %and3A_859] : memref<128x64xf32, #tpu.memory_space<vmem>>[vector<16xi32>, vector<16xi32>], vector<16xf32>,
      %gather3A_896 = arith.constant 0 : i32
      %gather3A_897 = arith.constant 0 : i32
      %gather3A_898 = tpu.memref_slice %arg7[%scan3A_512, %gather3A_896, %gather3A_897] : memref<3x128x64xf32, #tpu.memory_space<vmem>> -> memref<1x128x64xf32, #tpu.memory_space<vmem>>
      %gather3A_899 = tpu.memref_squeeze %gather3A_898 : memref<1x128x64xf32, #tpu.memory_space<vmem>> -> memref<128x64xf32, #tpu.memory_space<vmem>>
      %gather3A_900 = tpu.vector_load_idx %gather3A_899[%add3A_28, %and3A_859] : memref<128x64xf32, #tpu.memory_space<vmem>>[vector<16xi32>, vector<16xi32>], vector<16xf32>,
      %gather3A_901 = arith.constant 0 : i32
      %gather3A_902 = arith.constant 0 : i32
      %gather3A_903 = tpu.memref_slice %arg7[%scan3A_512, %gather3A_901, %gather3A_902] : memref<3x128x64xf32, #tpu.memory_space<vmem>> -> memref<1x128x64xf32, #tpu.memory_space<vmem>>
      %gather3A_904 = tpu.memref_squeeze %gather3A_903 : memref<1x128x64xf32, #tpu.memory_space<vmem>> -> memref<128x64xf32, #tpu.memory_space<vmem>>
      %gather3A_905 = tpu.vector_load_idx %gather3A_904[%add3A_31, %and3A_859] : memref<128x64xf32, #tpu.memory_space<vmem>>[vector<16xi32>, vector<16xi32>], vector<16xf32>,
      %scatter3A_906 = arith.constant 0 : i32
      %scatter3A_907 = arith.constant 0 : i32
      %scatter3A_908 = arith.constant 0 : i32
      %scatter3A_909 = tpu.memref_slice %arg8[%scan3A_513, %scatter3A_906, %scatter3A_907, %scatter3A_908] : memref<3x8x8x128xf32, #tpu.memory_space<vmem>> -> memref<1x8x8x128xf32, #tpu.memory_space<vmem>>
      %scatter3A_910 = tpu.memref_squeeze %scatter3A_909 : memref<1x8x8x128xf32, #tpu.memory_space<vmem>> -> memref<8x8x128xf32, #tpu.memory_space<vmem>>
      tpu.vector_store_idx %scatter3A_910[%shift_right_logical3A_862, %and3A_865, %add3A_10], %gather3A_870 : memref<8x8x128xf32, #tpu.memory_space<vmem>>[vector<16xi32>, vector<16xi32>, vector<16xi32>], vector<16xf32>,
      %scatter3A_911 = arith.constant 0 : i32
      %scatter3A_912 = arith.constant 0 : i32
      %scatter3A_913 = arith.constant 0 : i32
      %scatter3A_914 = tpu.memref_slice %arg8[%scan3A_513, %scatter3A_911, %scatter3A_912, %scatter3A_913] : memref<3x8x8x128xf32, #tpu.memory_space<vmem>> -> memref<1x8x8x128xf32, #tpu.memory_space<vmem>>
      %scatter3A_915 = tpu.memref_squeeze %scatter3A_914 : memref<1x8x8x128xf32, #tpu.memory_space<vmem>> -> memref<8x8x128xf32, #tpu.memory_space<vmem>>
      tpu.vector_store_idx %scatter3A_915[%shift_right_logical3A_862, %and3A_865, %add3A_13], %gather3A_875 : memref<8x8x128xf32, #tpu.memory_space<vmem>>[vector<16xi32>, vector<16xi32>, vector<16xi32>], vector<16xf32>,
      %scatter3A_916 = arith.constant 0 : i32
      %scatter3A_917 = arith.constant 0 : i32
      %scatter3A_918 = arith.constant 0 : i32
      %scatter3A_919 = tpu.memref_slice %arg8[%scan3A_513, %scatter3A_916, %scatter3A_917, %scatter3A_918] : memref<3x8x8x128xf32, #tpu.memory_space<vmem>> -> memref<1x8x8x128xf32, #tpu.memory_space<vmem>>
      %scatter3A_920 = tpu.memref_squeeze %scatter3A_919 : memref<1x8x8x128xf32, #tpu.memory_space<vmem>> -> memref<8x8x128xf32, #tpu.memory_space<vmem>>
      tpu.vector_store_idx %scatter3A_920[%shift_right_logical3A_862, %and3A_865, %add3A_16], %gather3A_880 : memref<8x8x128xf32, #tpu.memory_space<vmem>>[vector<16xi32>, vector<16xi32>, vector<16xi32>], vector<16xf32>,
      %scatter3A_921 = arith.constant 0 : i32
      %scatter3A_922 = arith.constant 0 : i32
      %scatter3A_923 = arith.constant 0 : i32
      %scatter3A_924 = tpu.memref_slice %arg8[%scan3A_513, %scatter3A_921, %scatter3A_922, %scatter3A_923] : memref<3x8x8x128xf32, #tpu.memory_space<vmem>> -> memref<1x8x8x128xf32, #tpu.memory_space<vmem>>
      %scatter3A_925 = tpu.memref_squeeze %scatter3A_924 : memref<1x8x8x128xf32, #tpu.memory_space<vmem>> -> memref<8x8x128xf32, #tpu.memory_space<vmem>>
      tpu.vector_store_idx %scatter3A_925[%shift_right_logical3A_862, %and3A_865, %add3A_19], %gather3A_885 : memref<8x8x128xf32, #tpu.memory_space<vmem>>[vector<16xi32>, vector<16xi32>, vector<16xi32>], vector<16xf32>,
      %scatter3A_926 = arith.constant 0 : i32
      %scatter3A_927 = arith.constant 0 : i32
      %scatter3A_928 = arith.constant 0 : i32
      %scatter3A_929 = tpu.memref_slice %arg8[%scan3A_513, %scatter3A_926, %scatter3A_927, %scatter3A_928] : memref<3x8x8x128xf32, #tpu.memory_space<vmem>> -> memref<1x8x8x128xf32, #tpu.memory_space<vmem>>
      %scatter3A_930 = tpu.memref_squeeze %scatter3A_929 : memref<1x8x8x128xf32, #tpu.memory_space<vmem>> -> memref<8x8x128xf32, #tpu.memory_space<vmem>>
      tpu.vector_store_idx %scatter3A_930[%shift_right_logical3A_862, %and3A_865, %add3A_22], %gather3A_890 : memref<8x8x128xf32, #tpu.memory_space<vmem>>[vector<16xi32>, vector<16xi32>, vector<16xi32>], vector<16xf32>,
      %scatter3A_931 = arith.constant 0 : i32
      %scatter3A_932 = arith.constant 0 : i32
      %scatter3A_933 = arith.constant 0 : i32
      %scatter3A_934 = tpu.memref_slice %arg8[%scan3A_513, %scatter3A_931, %scatter3A_932, %scatter3A_933] : memref<3x8x8x128xf32, #tpu.memory_space<vmem>> -> memref<1x8x8x128xf32, #tpu.memory_space<vmem>>
      %scatter3A_935 = tpu.memref_squeeze %scatter3A_934 : memref<1x8x8x128xf32, #tpu.memory_space<vmem>> -> memref<8x8x128xf32, #tpu.memory_space<vmem>>
      tpu.vector_store_idx %scatter3A_935[%shift_right_logical3A_862, %and3A_865, %add3A_25], %gather3A_895 : memref<8x8x128xf32, #tpu.memory_space<vmem>>[vector<16xi32>, vector<16xi32>, vector<16xi32>], vector<16xf32>,
      %scatter3A_936 = arith.constant 0 : i32
      %scatter3A_937 = arith.constant 0 : i32
      %scatter3A_938 = arith.constant 0 : i32
      %scatter3A_939 = tpu.memref_slice %arg8[%scan3A_513, %scatter3A_936, %scatter3A_937, %scatter3A_938] : memref<3x8x8x128xf32, #tpu.memory_space<vmem>> -> memref<1x8x8x128xf32, #tpu.memory_space<vmem>>
      %scatter3A_940 = tpu.memref_squeeze %scatter3A_939 : memref<1x8x8x128xf32, #tpu.memory_space<vmem>> -> memref<8x8x128xf32, #tpu.memory_space<vmem>>
      tpu.vector_store_idx %scatter3A_940[%shift_right_logical3A_862, %and3A_865, %add3A_28], %gather3A_900 : memref<8x8x128xf32, #tpu.memory_space<vmem>>[vector<16xi32>, vector<16xi32>, vector<16xi32>], vector<16xf32>,
      %scatter3A_941 = arith.constant 0 : i32
      %scatter3A_942 = arith.constant 0 : i32
      %scatter3A_943 = arith.constant 0 : i32
      %scatter3A_944 = tpu.memref_slice %arg8[%scan3A_513, %scatter3A_941, %scatter3A_942, %scatter3A_943] : memref<3x8x8x128xf32, #tpu.memory_space<vmem>> -> memref<1x8x8x128xf32, #tpu.memory_space<vmem>>
      %scatter3A_945 = tpu.memref_squeeze %scatter3A_944 : memref<1x8x8x128xf32, #tpu.memory_space<vmem>> -> memref<8x8x128xf32, #tpu.memory_space<vmem>>
      tpu.vector_store_idx %scatter3A_945[%shift_right_logical3A_862, %and3A_865, %add3A_31], %gather3A_905 : memref<8x8x128xf32, #tpu.memory_space<vmem>>[vector<16xi32>, vector<16xi32>, vector<16xi32>], vector<16xf32>,
    }
    %scan3A_518 = arith.constant 32 : i32
    %mul3A_519 = arith.constant 4 : i32
    %mul3A_520 = arith.muli %add3A, %mul3A_519 : i32
    %add3A_521 = arith.constant 2 : i32
    %add3A_522 = arith.addi %mul3A_520, %add3A_521 : i32
    %dma_start3A_523 = arith.constant 2 : i32
    %dma_start3A_524 = arith.constant 0 : i32
    %dma_start3A_525 = arith.constant 0 : i32
    %dma_start3A_526 = arith.constant 0 : i32
    %dma_start3A_527 = arith.constant 0 : i32
    %dma_start3A_528 = tpu.memref_slice %arg8[%dma_start3A_523, %dma_start3A_525, %dma_start3A_526, %dma_start3A_527] : memref<3x8x8x128xf32, #tpu.memory_space<vmem>> -> memref<1x8x8x128xf32, #tpu.memory_space<vmem>>
    %dma_start3A_529 = tpu.memref_squeeze %dma_start3A_528 : memref<1x8x8x128xf32, #tpu.memory_space<vmem>> -> memref<8x8x128xf32, #tpu.memory_space<vmem>>
    %dma_start3A_530 = arith.constant 0 : i32
    %dma_start3A_531 = arith.constant 0 : i32
    %dma_start3A_532 = arith.constant 0 : i32
    %dma_start3A_533 = tpu.memref_slice %arg4[%dma_start3A_524, %dma_start3A_530, %add3A_522, %dma_start3A_531, %dma_start3A_532] : memref<50x8x128x8x128xf32, #tpu.memory_space<hbm>> -> memref<1x8x1x8x128xf32, #tpu.memory_space<hbm>>
    %dma_start3A_534 = tpu.memref_squeeze %dma_start3A_533 : memref<1x8x1x8x128xf32, #tpu.memory_space<hbm>> -> memref<8x8x128xf32, #tpu.memory_space<hbm>>
    %dma_start3A_535 = arith.constant 0 : i32
    %dma_start3A_536 = arith.constant 0 : i32
    %dma_start3A_537 = arith.constant 0 : i32
    %dma_start3A_538 = tpu.memref_slice %arg4[%dma_start3A_524, %dma_start3A_535, %add3A_522, %dma_start3A_536, %dma_start3A_537] : memref<50x8x128x8x128xf32, #tpu.memory_space<hbm>> -> memref<1x8x1x8x128xf32, #tpu.memory_space<hbm>>
    %dma_start3A_539 = tpu.memref_squeeze %dma_start3A_538 : memref<1x8x1x8x128xf32, #tpu.memory_space<hbm>> -> memref<8x8x128xf32, #tpu.memory_space<hbm>>
    %dma_start3A_540 = arith.constant 0 : i32
    %dma_start3A_541 = arith.constant 0 : i32
    %dma_start3A_542 = arith.constant 0 : i32
    %dma_start3A_543 = tpu.memref_slice %arg8[%dma_start3A_523, %dma_start3A_540, %dma_start3A_541, %dma_start3A_542] : memref<3x8x8x128xf32, #tpu.memory_space<vmem>> -> memref<1x8x8x128xf32, #tpu.memory_space<vmem>>
    %dma_start3A_544 = tpu.memref_squeeze %dma_start3A_543 : memref<1x8x8x128xf32, #tpu.memory_space<vmem>> -> memref<8x8x128xf32, #tpu.memory_space<vmem>>
    tpu.enqueue_dma source(%dma_start3A_544 : memref<8x8x128xf32, #tpu.memory_space<vmem>>) target(%dma_start3A_539 : memref<8x8x128xf32, #tpu.memory_space<hbm>>) target_semaphore(%arg14 : memref<!tpu.dma_semaphore, #tpu.memory_space<semaphore_mem>>)
    %scan3A_545 = arith.constant 0 : i32
    %scan3A_546 = arith.constant 1 : i32
    %scan3A_547 = arith.constant 65 : i32
    %scan3A_548 = arith.addi %scan3A_546, %scan3A_547 : i32
    %scan3A_549 = arith.constant 1 : i32
    scf.for %scan3A_758 = %scan3A_546 to %scan3A_548 step %scan3A_549  : i32 {
      %mul3A_759 = arith.constant 3 : i32
      %mul3A_760 = arith.muli %scan3A_758, %mul3A_759 : i32
      %dma_wait3A_761 = arith.constant 0 : i32
      %dma_wait3A_762 = arith.constant 0 : i32
      %dma_wait3A_763 = arith.constant 0 : i32
      %dma_wait3A_764 = arith.constant 0 : i32
      %dma_wait3A_765 = arith.constant 0 : i32
      %dma_wait3A_766 = arith.constant 0 : i32
      %dma_wait3A_767 = tpu.memref_slice %arg8[%dma_wait3A_761, %dma_wait3A_764, %dma_wait3A_765, %dma_wait3A_766] : memref<3x8x8x128xf32, #tpu.memory_space<vmem>> -> memref<1x8x8x128xf32, #tpu.memory_space<vmem>>
      %dma_wait3A_768 = tpu.memref_squeeze %dma_wait3A_767 : memref<1x8x8x128xf32, #tpu.memory_space<vmem>> -> memref<8x8x128xf32, #tpu.memory_space<vmem>>
      %dma_wait3A_769 = arith.constant 0 : i32
      %dma_wait3A_770 = arith.constant 0 : i32
      %dma_wait3A_771 = arith.constant 0 : i32
      %dma_wait3A_772 = tpu.memref_slice %arg4[%dma_wait3A_762, %dma_wait3A_769, %dma_wait3A_763, %dma_wait3A_770, %dma_wait3A_771] : memref<50x8x128x8x128xf32, #tpu.memory_space<hbm>> -> memref<1x8x1x8x128xf32, #tpu.memory_space<hbm>>
      %dma_wait3A_773 = tpu.memref_squeeze %dma_wait3A_772 : memref<1x8x1x8x128xf32, #tpu.memory_space<hbm>> -> memref<8x8x128xf32, #tpu.memory_space<hbm>>
      %dma_wait3A_774 = arith.constant 0 : i32
      %dma_wait3A_775 = arith.constant 0 : i32
      %dma_wait3A_776 = arith.constant 0 : i32
      %dma_wait3A_777 = tpu.memref_slice %arg4[%dma_wait3A_762, %dma_wait3A_774, %dma_wait3A_763, %dma_wait3A_775, %dma_wait3A_776] : memref<50x8x128x8x128xf32, #tpu.memory_space<hbm>> -> memref<1x8x1x8x128xf32, #tpu.memory_space<hbm>>
      %dma_wait3A_778 = tpu.memref_squeeze %dma_wait3A_777 : memref<1x8x1x8x128xf32, #tpu.memory_space<hbm>> -> memref<8x8x128xf32, #tpu.memory_space<hbm>>
      %dma_wait3A_779 = arith.constant 0 : i32
      %dma_wait3A_780 = arith.constant 0 : i32
      %dma_wait3A_781 = arith.constant 0 : i32
      %dma_wait3A_782 = tpu.memref_slice %arg8[%dma_wait3A_761, %dma_wait3A_779, %dma_wait3A_780, %dma_wait3A_781] : memref<3x8x8x128xf32, #tpu.memory_space<vmem>> -> memref<1x8x8x128xf32, #tpu.memory_space<vmem>>
      %dma_wait3A_783 = tpu.memref_squeeze %dma_wait3A_782 : memref<1x8x8x128xf32, #tpu.memory_space<vmem>> -> memref<8x8x128xf32, #tpu.memory_space<vmem>>
      tpu.wait_dma2 semaphore(%arg12 : memref<!tpu.dma_semaphore, #tpu.memory_space<semaphore_mem>>) src(%dma_wait3A_783 : memref<8x8x128xf32, #tpu.memory_space<vmem>>) dst(%dma_wait3A_778 : memref<8x8x128xf32, #tpu.memory_space<hbm>>)
      %add3A_784 = arith.constant 2 : i32
      %add3A_785 = arith.addi %mul3A_760, %add3A_784 : i32
      %jit3A = arith.constant 4 : i32
      %div3A = arith.divsi %add3A_785, %jit3A : i32
      %sign3A = arith.constant 0 : i32
      %sign3A_786 = arith.cmpi sgt, %add3A_785, %sign3A : i32
      %sign3A_787 = arith.extui %sign3A_786 : i1 to i32
      %sign3A_788 = arith.constant 0 : i32
      %sign3A_789 = arith.cmpi slt, %add3A_785, %sign3A_788 : i32
      %sign3A_790 = arith.extui %sign3A_789 : i1 to i32
      %sign3A_791 = arith.subi %sign3A_787, %sign3A_790 : i32
      %sign3A_792 = arith.constant 0 : i32
      %sign3A_793 = arith.cmpi sgt, %jit3A, %sign3A_792 : i32
      %sign3A_794 = arith.extui %sign3A_793 : i1 to i32
      %sign3A_795 = arith.constant 0 : i32
      %sign3A_796 = arith.cmpi slt, %jit3A, %sign3A_795 : i32
      %sign3A_797 = arith.extui %sign3A_796 : i1 to i32
      %sign3A_798 = arith.subi %sign3A_794, %sign3A_797 : i32
      %ne3A = arith.cmpi ne, %sign3A_791, %sign3A_798 : i32
      %rem3A = arith.remsi %add3A_785, %jit3A : i32
      %ne3A_799 = arith.constant 0 : i32
      %ne3A_800 = arith.cmpi ne, %rem3A, %ne3A_799 : i32
      %and3A = arith.andi %ne3A, %ne3A_800 : i1
      %sub3A = arith.constant 1 : i32
      %sub3A_801 = arith.subi %div3A, %sub3A : i32
      %select_n3A = arith.select %and3A, %sub3A_801, %div3A : i32
      %jit3A_802 = arith.constant 4 : i32
      %eq3A = arith.constant 0 : i32
      %eq3A_803 = arith.cmpi eq, %jit3A_802, %eq3A : i32
      %jit3A_804 = arith.constant 1 : i32
      %select_n3A_805 = arith.select %eq3A_803, %jit3A_804, %jit3A_802 : i32
      %rem3A_806 = arith.remsi %add3A_785, %select_n3A_805 : i32
      %ne3A_807 = arith.constant 0 : i32
      %ne3A_808 = arith.cmpi ne, %rem3A_806, %ne3A_807 : i32
      %lt3A = arith.constant 0 : i32
      %lt3A_809 = arith.cmpi slt, %rem3A_806, %lt3A : i32
      %lt3A_810 = arith.constant 0 : i32
      %lt3A_811 = arith.cmpi slt, %select_n3A_805, %lt3A_810 : i32
      %ne3A_812 = arith.xori %lt3A_809, %lt3A_811 : i1
      %and3A_813 = arith.andi %ne3A_812, %ne3A_808 : i1
      %add3A_814 = arith.addi %rem3A_806, %select_n3A_805 : i32
      %select_n3A_815 = arith.select %and3A_813, %add3A_814, %rem3A_806 : i32
      %mul3A_816 = arith.constant 128 : i32
      %mul3A_817 = arith.muli %select_n3A_815, %mul3A_816 : i32
      %add3A_818 = arith.constant 0 : i32
      %add3A_819 = arith.addi %mul3A_817, %add3A_818 : i32
      %mul3A_820 = arith.constant 50 : i32
      %mul3A_821 = arith.muli %add3A_819, %mul3A_820 : i32
      %add3A_822 = arith.addi %mul3A_821, %select_n3A : i32
      %add3A_823 = vector.broadcast %add3A_822 : i32 to vector<16xi32>
      %add3A_824 = arith.addi %mul3A_7, %add3A_823 : vector<16xi32>
      %gather3A_825 = tpu.vector_load_idx %arg5[%add3A_824] : memref<25600xi32, #tpu.memory_space<vmem>>[vector<16xi32>], vector<16xi32>,
      %swap3A_826 = arith.constant 2 : i32
      %swap3A_827 = arith.index_cast %swap3A_826 : i32 to index
      %swap3A_828 = arith.constant 0 : index
      %swap3A_829 = tpu.vector_load %arg6[%swap3A_827, %swap3A_828] {strides = array<i32>} : memref<3x128xi32, #tpu.memory_space<vmem>>, vector<16xi32>,
      tpu.vector_store %arg6[%swap3A_827, %swap3A_828], %gather3A_825 {strides = array<i32>} : memref<3x128xi32, #tpu.memory_space<vmem>>, vector<16xi32>,
      %add3A_830 = arith.constant 16 : i32
      %add3A_831 = arith.addi %mul3A_817, %add3A_830 : i32
      %mul3A_832 = arith.constant 50 : i32
      %mul3A_833 = arith.muli %add3A_831, %mul3A_832 : i32
      %add3A_834 = arith.addi %mul3A_833, %select_n3A : i32
      %add3A_835 = vector.broadcast %add3A_834 : i32 to vector<16xi32>
      %add3A_836 = arith.addi %mul3A_7, %add3A_835 : vector<16xi32>
      %gather3A_837 = tpu.vector_load_idx %arg5[%add3A_836] : memref<25600xi32, #tpu.memory_space<vmem>>[vector<16xi32>], vector<16xi32>,
      %swap3A_838 = arith.constant 2 : i32
      %swap3A_839 = arith.index_cast %swap3A_838 : i32 to index
      %swap3A_840 = arith.constant 16 : index
      %swap3A_841 = tpu.vector_load %arg6[%swap3A_839, %swap3A_840] {strides = array<i32>} : memref<3x128xi32, #tpu.memory_space<vmem>>, vector<16xi32>,
      tpu.vector_store %arg6[%swap3A_839, %swap3A_840], %gather3A_837 {strides = array<i32>} : memref<3x128xi32, #tpu.memory_space<vmem>>, vector<16xi32>,
      %add3A_842 = arith.constant 32 : i32
      %add3A_843 = arith.addi %mul3A_817, %add3A_842 : i32
      %mul3A_844 = arith.constant 50 : i32
      %mul3A_845 = arith.muli %add3A_843, %mul3A_844 : i32
      %add3A_846 = arith.addi %mul3A_845, %select_n3A : i32
      %add3A_847 = vector.broadcast %add3A_846 : i32 to vector<16xi32>
      %add3A_848 = arith.addi %mul3A_7, %add3A_847 : vector<16xi32>
      %gather3A_849 = tpu.vector_load_idx %arg5[%add3A_848] : memref<25600xi32, #tpu.memory_space<vmem>>[vector<16xi32>], vector<16xi32>,
      %swap3A_850 = arith.constant 2 : i32
      %swap3A_851 = arith.index_cast %swap3A_850 : i32 to index
      %swap3A_852 = arith.constant 32 : index
      %swap3A_853 = tpu.vector_load %arg6[%swap3A_851, %swap3A_852] {strides = array<i32>} : memref<3x128xi32, #tpu.memory_space<vmem>>, vector<16xi32>,
      tpu.vector_store %arg6[%swap3A_851, %swap3A_852], %gather3A_849 {strides = array<i32>} : memref<3x128xi32, #tpu.memory_space<vmem>>, vector<16xi32>,
      %add3A_854 = arith.constant 48 : i32
      %add3A_855 = arith.addi %mul3A_817, %add3A_854 : i32
      %mul3A_856 = arith.constant 50 : i32
      %mul3A_857 = arith.muli %add3A_855, %mul3A_856 : i32
      %add3A_858 = arith.addi %mul3A_857, %select_n3A : i32
      %add3A_859 = vector.broadcast %add3A_858 : i32 to vector<16xi32>
      %add3A_860 = arith.addi %mul3A_7, %add3A_859 : vector<16xi32>
      %gather3A_861 = tpu.vector_load_idx %arg5[%add3A_860] : memref<25600xi32, #tpu.memory_space<vmem>>[vector<16xi32>], vector<16xi32>,
      %swap3A_862 = arith.constant 2 : i32
      %swap3A_863 = arith.index_cast %swap3A_862 : i32 to index
      %swap3A_864 = arith.constant 48 : index
      %swap3A_865 = tpu.vector_load %arg6[%swap3A_863, %swap3A_864] {strides = array<i32>} : memref<3x128xi32, #tpu.memory_space<vmem>>, vector<16xi32>,
      tpu.vector_store %arg6[%swap3A_863, %swap3A_864], %gather3A_861 {strides = array<i32>} : memref<3x128xi32, #tpu.memory_space<vmem>>, vector<16xi32>,
      %add3A_866 = arith.constant 64 : i32
      %add3A_867 = arith.addi %mul3A_817, %add3A_866 : i32
      %mul3A_868 = arith.constant 50 : i32
      %mul3A_869 = arith.muli %add3A_867, %mul3A_868 : i32
      %add3A_870 = arith.addi %mul3A_869, %select_n3A : i32
      %add3A_871 = vector.broadcast %add3A_870 : i32 to vector<16xi32>
      %add3A_872 = arith.addi %mul3A_7, %add3A_871 : vector<16xi32>
      %gather3A_873 = tpu.vector_load_idx %arg5[%add3A_872] : memref<25600xi32, #tpu.memory_space<vmem>>[vector<16xi32>], vector<16xi32>,
      %swap3A_874 = arith.constant 2 : i32
      %swap3A_875 = arith.index_cast %swap3A_874 : i32 to index
      %swap3A_876 = arith.constant 64 : index
      %swap3A_877 = tpu.vector_load %arg6[%swap3A_875, %swap3A_876] {strides = array<i32>} : memref<3x128xi32, #tpu.memory_space<vmem>>, vector<16xi32>,
      tpu.vector_store %arg6[%swap3A_875, %swap3A_876], %gather3A_873 {strides = array<i32>} : memref<3x128xi32, #tpu.memory_space<vmem>>, vector<16xi32>,
      %add3A_878 = arith.constant 80 : i32
      %add3A_879 = arith.addi %mul3A_817, %add3A_878 : i32
      %mul3A_880 = arith.constant 50 : i32
      %mul3A_881 = arith.muli %add3A_879, %mul3A_880 : i32
      %add3A_882 = arith.addi %mul3A_881, %select_n3A : i32
      %add3A_883 = vector.broadcast %add3A_882 : i32 to vector<16xi32>
      %add3A_884 = arith.addi %mul3A_7, %add3A_883 : vector<16xi32>
      %gather3A_885 = tpu.vector_load_idx %arg5[%add3A_884] : memref<25600xi32, #tpu.memory_space<vmem>>[vector<16xi32>], vector<16xi32>,
      %swap3A_886 = arith.constant 2 : i32
      %swap3A_887 = arith.index_cast %swap3A_886 : i32 to index
      %swap3A_888 = arith.constant 80 : index
      %swap3A_889 = tpu.vector_load %arg6[%swap3A_887, %swap3A_888] {strides = array<i32>} : memref<3x128xi32, #tpu.memory_space<vmem>>, vector<16xi32>,
      tpu.vector_store %arg6[%swap3A_887, %swap3A_888], %gather3A_885 {strides = array<i32>} : memref<3x128xi32, #tpu.memory_space<vmem>>, vector<16xi32>,
      %add3A_890 = arith.constant 96 : i32
      %add3A_891 = arith.addi %mul3A_817, %add3A_890 : i32
      %mul3A_892 = arith.constant 50 : i32
      %mul3A_893 = arith.muli %add3A_891, %mul3A_892 : i32
      %add3A_894 = arith.addi %mul3A_893, %select_n3A : i32
      %add3A_895 = vector.broadcast %add3A_894 : i32 to vector<16xi32>
      %add3A_896 = arith.addi %mul3A_7, %add3A_895 : vector<16xi32>
      %gather3A_897 = tpu.vector_load_idx %arg5[%add3A_896] : memref<25600xi32, #tpu.memory_space<vmem>>[vector<16xi32>], vector<16xi32>,
      %swap3A_898 = arith.constant 2 : i32
      %swap3A_899 = arith.index_cast %swap3A_898 : i32 to index
      %swap3A_900 = arith.constant 96 : index
      %swap3A_901 = tpu.vector_load %arg6[%swap3A_899, %swap3A_900] {strides = array<i32>} : memref<3x128xi32, #tpu.memory_space<vmem>>, vector<16xi32>,
      tpu.vector_store %arg6[%swap3A_899, %swap3A_900], %gather3A_897 {strides = array<i32>} : memref<3x128xi32, #tpu.memory_space<vmem>>, vector<16xi32>,
      %add3A_902 = arith.constant 112 : i32
      %add3A_903 = arith.addi %mul3A_817, %add3A_902 : i32
      %mul3A_904 = arith.constant 50 : i32
      %mul3A_905 = arith.muli %add3A_903, %mul3A_904 : i32
      %add3A_906 = arith.addi %mul3A_905, %select_n3A : i32
      %add3A_907 = vector.broadcast %add3A_906 : i32 to vector<16xi32>
      %add3A_908 = arith.addi %mul3A_7, %add3A_907 : vector<16xi32>
      %gather3A_909 = tpu.vector_load_idx %arg5[%add3A_908] : memref<25600xi32, #tpu.memory_space<vmem>>[vector<16xi32>], vector<16xi32>,
      %swap3A_910 = arith.constant 2 : i32
      %swap3A_911 = arith.index_cast %swap3A_910 : i32 to index
      %swap3A_912 = arith.constant 112 : index
      %swap3A_913 = tpu.vector_load %arg6[%swap3A_911, %swap3A_912] {strides = array<i32>} : memref<3x128xi32, #tpu.memory_space<vmem>>, vector<16xi32>,
      tpu.vector_store %arg6[%swap3A_911, %swap3A_912], %gather3A_909 {strides = array<i32>} : memref<3x128xi32, #tpu.memory_space<vmem>>, vector<16xi32>,
      %dma_start3A_914 = arith.constant 2 : i32
      %dma_start3A_915 = arith.constant 2 : i32
      %dma_start3A_916 = arith.constant 0 : i32
      %dma_start3A_917 = arith.constant 0 : i32
      %dma_start3A_918 = tpu.memref_slice %arg7[%dma_start3A_915, %dma_start3A_916, %dma_start3A_917] : memref<3x128x64xf32, #tpu.memory_space<vmem>> -> memref<1x128x64xf32, #tpu.memory_space<vmem>>
      %dma_start3A_919 = tpu.memref_squeeze %dma_start3A_918 : memref<1x128x64xf32, #tpu.memory_space<vmem>> -> memref<128x64xf32, #tpu.memory_space<vmem>>
      %dma_start3A_920 = arith.constant 0 : i32
      %dma_start3A_921 = tpu.memref_slice %arg6[%dma_start3A_914, %dma_start3A_920] : memref<3x128xi32, #tpu.memory_space<vmem>> -> memref<1x128xi32, #tpu.memory_space<vmem>>
      %dma_start3A_922 = tpu.memref_squeeze %dma_start3A_921 : memref<1x128xi32, #tpu.memory_space<vmem>> -> memref<128xi32, #tpu.memory_space<vmem>>
      %dma_start3A_923 = arith.constant 0 : i32
      %dma_start3A_924 = arith.constant 0 : i32
      %dma_start3A_925 = tpu.memref_slice %arg3[%dma_start3A_923, %dma_start3A_924] : memref<1000000x64xf32, #tpu.memory_space<hbm>> -> memref<1000000x64xf32, #tpu.memory_space<hbm>>
      tpu.enqueue_indirect_dma source(%dma_start3A_925 : memref<1000000x64xf32, #tpu.memory_space<hbm>>) target(%dma_start3A_919 : memref<128x64xf32, #tpu.memory_space<vmem>>) offsets(%dma_start3A_922 : memref<128xi32, #tpu.memory_space<vmem>>) semaphore(%arg11 : memref<!tpu.dma_semaphore, #tpu.memory_space<semaphore_mem>>)
      %dma_wait3A_926 = arith.constant 0 : i32
      %dma_wait3A_927 = arith.constant 0 : i32
      %dma_wait3A_928 = arith.constant 0 : i32
      %dma_wait3A_929 = arith.constant 0 : i32
      %dma_wait3A_930 = tpu.memref_slice %arg7[%dma_wait3A_927, %dma_wait3A_928, %dma_wait3A_929] : memref<3x128x64xf32, #tpu.memory_space<vmem>> -> memref<1x128x64xf32, #tpu.memory_space<vmem>>
      %dma_wait3A_931 = tpu.memref_squeeze %dma_wait3A_930 : memref<1x128x64xf32, #tpu.memory_space<vmem>> -> memref<128x64xf32, #tpu.memory_space<vmem>>
      %dma_wait3A_932 = arith.constant 0 : i32
      %dma_wait3A_933 = tpu.memref_slice %arg6[%dma_wait3A_926, %dma_wait3A_932] : memref<3x128xi32, #tpu.memory_space<vmem>> -> memref<1x128xi32, #tpu.memory_space<vmem>>
      %dma_wait3A_934 = tpu.memref_squeeze %dma_wait3A_933 : memref<1x128xi32, #tpu.memory_space<vmem>> -> memref<128xi32, #tpu.memory_space<vmem>>
      %dma_wait3A_935 = arith.constant 0 : i32
      %dma_wait3A_936 = arith.constant 0 : i32
      %dma_wait3A_937 = tpu.memref_slice %arg3[%dma_wait3A_935, %dma_wait3A_936] : memref<1000000x64xf32, #tpu.memory_space<hbm>> -> memref<1000000x64xf32, #tpu.memory_space<hbm>>
      tpu.wait_indirect_dma semaphore(%arg9 : memref<!tpu.dma_semaphore, #tpu.memory_space<semaphore_mem>>) src(%dma_wait3A_937 : memref<1000000x64xf32, #tpu.memory_space<hbm>>) dst(%dma_wait3A_931 : memref<128x64xf32, #tpu.memory_space<vmem>>)
      %scan3A_938 = arith.constant 0 : i32
      %scan3A_939 = arith.constant 0 : i32
      %scan3A_940 = arith.constant 0 : i32
      %scan3A_941 = arith.constant 0 : i32
      %scan3A_942 = arith.constant 32 : i32
      %scan3A_943 = arith.addi %scan3A_941, %scan3A_942 : i32
      %scan3A_944 = arith.constant 1 : i32
      scf.for %scan3A_1532 = %scan3A_941 to %scan3A_943 step %scan3A_944  : i32 {
        %mul3A_1533 = arith.constant 2 : i32
        %mul3A_1534 = arith.muli %scan3A_1532, %mul3A_1533 : i32
        %add3A_1535 = arith.constant 0 : i32
        %add3A_1536 = arith.addi %mul3A_1534, %add3A_1535 : i32
        %add3A_1537 = vector.broadcast %add3A_1536 : i32 to vector<16xi32>
        %add3A_1538 = arith.addi %iota3A, %add3A_1537 : vector<16xi32>
        %and3A_1539 = arith.constant 63 : i32
        %and3A_1540 = vector.broadcast %and3A_1539 : i32 to vector<16xi32>
        %and3A_1541 = arith.andi %add3A_1538, %and3A_1540 : vector<16xi32>
        %shift_right_logical3A = arith.constant 3 : i32
        %shift_right_logical3A_1542 = vector.broadcast %shift_right_logical3A : i32 to vector<16xi32>
        %shift_right_logical3A_1543 = arith.shrui %and3A_1541, %shift_right_logical3A_1542 : vector<16xi32>
        %and3A_1544 = arith.constant 7 : i32
        %and3A_1545 = vector.broadcast %and3A_1544 : i32 to vector<16xi32>
        %and3A_1546 = arith.andi %and3A_1541, %and3A_1545 : vector<16xi32>
        %gather3A_1547 = arith.constant 0 : i32
        %gather3A_1548 = arith.constant 0 : i32
        %gather3A_1549 = tpu.memref_slice %arg7[%scan3A_939, %gather3A_1547, %gather3A_1548] : memref<3x128x64xf32, #tpu.memory_space<vmem>> -> memref<1x128x64xf32, #tpu.memory_space<vmem>>
        %gather3A_1550 = tpu.memref_squeeze %gather3A_1549 : memref<1x128x64xf32, #tpu.memory_space<vmem>> -> memref<128x64xf32, #tpu.memory_space<vmem>>
        %gather3A_1551 = tpu.vector_load_idx %gather3A_1550[%add3A_10, %and3A_1541] : memref<128x64xf32, #tpu.memory_space<vmem>>[vector<16xi32>, vector<16xi32>], vector<16xf32>,
        %gather3A_1552 = arith.constant 0 : i32
        %gather3A_1553 = arith.constant 0 : i32
        %gather3A_1554 = tpu.memref_slice %arg7[%scan3A_939, %gather3A_1552, %gather3A_1553] : memref<3x128x64xf32, #tpu.memory_space<vmem>> -> memref<1x128x64xf32, #tpu.memory_space<vmem>>
        %gather3A_1555 = tpu.memref_squeeze %gather3A_1554 : memref<1x128x64xf32, #tpu.memory_space<vmem>> -> memref<128x64xf32, #tpu.memory_space<vmem>>
        %gather3A_1556 = tpu.vector_load_idx %gather3A_1555[%add3A_13, %and3A_1541] : memref<128x64xf32, #tpu.memory_space<vmem>>[vector<16xi32>, vector<16xi32>], vector<16xf32>,
        %gather3A_1557 = arith.constant 0 : i32
        %gather3A_1558 = arith.constant 0 : i32
        %gather3A_1559 = tpu.memref_slice %arg7[%scan3A_939, %gather3A_1557, %gather3A_1558] : memref<3x128x64xf32, #tpu.memory_space<vmem>> -> memref<1x128x64xf32, #tpu.memory_space<vmem>>
        %gather3A_1560 = tpu.memref_squeeze %gather3A_1559 : memref<1x128x64xf32, #tpu.memory_space<vmem>> -> memref<128x64xf32, #tpu.memory_space<vmem>>
        %gather3A_1561 = tpu.vector_load_idx %gather3A_1560[%add3A_16, %and3A_1541] : memref<128x64xf32, #tpu.memory_space<vmem>>[vector<16xi32>, vector<16xi32>], vector<16xf32>,
        %gather3A_1562 = arith.constant 0 : i32
        %gather3A_1563 = arith.constant 0 : i32
        %gather3A_1564 = tpu.memref_slice %arg7[%scan3A_939, %gather3A_1562, %gather3A_1563] : memref<3x128x64xf32, #tpu.memory_space<vmem>> -> memref<1x128x64xf32, #tpu.memory_space<vmem>>
        %gather3A_1565 = tpu.memref_squeeze %gather3A_1564 : memref<1x128x64xf32, #tpu.memory_space<vmem>> -> memref<128x64xf32, #tpu.memory_space<vmem>>
        %gather3A_1566 = tpu.vector_load_idx %gather3A_1565[%add3A_19, %and3A_1541] : memref<128x64xf32, #tpu.memory_space<vmem>>[vector<16xi32>, vector<16xi32>], vector<16xf32>,
        %gather3A_1567 = arith.constant 0 : i32
        %gather3A_1568 = arith.constant 0 : i32
        %gather3A_1569 = tpu.memref_slice %arg7[%scan3A_939, %gather3A_1567, %gather3A_1568] : memref<3x128x64xf32, #tpu.memory_space<vmem>> -> memref<1x128x64xf32, #tpu.memory_space<vmem>>
        %gather3A_1570 = tpu.memref_squeeze %gather3A_1569 : memref<1x128x64xf32, #tpu.memory_space<vmem>> -> memref<128x64xf32, #tpu.memory_space<vmem>>
        %gather3A_1571 = tpu.vector_load_idx %gather3A_1570[%add3A_22, %and3A_1541] : memref<128x64xf32, #tpu.memory_space<vmem>>[vector<16xi32>, vector<16xi32>], vector<16xf32>,
        %gather3A_1572 = arith.constant 0 : i32
        %gather3A_1573 = arith.constant 0 : i32
        %gather3A_1574 = tpu.memref_slice %arg7[%scan3A_939, %gather3A_1572, %gather3A_1573] : memref<3x128x64xf32, #tpu.memory_space<vmem>> -> memref<1x128x64xf32, #tpu.memory_space<vmem>>
        %gather3A_1575 = tpu.memref_squeeze %gather3A_1574 : memref<1x128x64xf32, #tpu.memory_space<vmem>> -> memref<128x64xf32, #tpu.memory_space<vmem>>
        %gather3A_1576 = tpu.vector_load_idx %gather3A_1575[%add3A_25, %and3A_1541] : memref<128x64xf32, #tpu.memory_space<vmem>>[vector<16xi32>, vector<16xi32>], vector<16xf32>,
        %gather3A_1577 = arith.constant 0 : i32
        %gather3A_1578 = arith.constant 0 : i32
        %gather3A_1579 = tpu.memref_slice %arg7[%scan3A_939, %gather3A_1577, %gather3A_1578] : memref<3x128x64xf32, #tpu.memory_space<vmem>> -> memref<1x128x64xf32, #tpu.memory_space<vmem>>
        %gather3A_1580 = tpu.memref_squeeze %gather3A_1579 : memref<1x128x64xf32, #tpu.memory_space<vmem>> -> memref<128x64xf32, #tpu.memory_space<vmem>>
        %gather3A_1581 = tpu.vector_load_idx %gather3A_1580[%add3A_28, %and3A_1541] : memref<128x64xf32, #tpu.memory_space<vmem>>[vector<16xi32>, vector<16xi32>], vector<16xf32>,
        %gather3A_1582 = arith.constant 0 : i32
        %gather3A_1583 = arith.constant 0 : i32
        %gather3A_1584 = tpu.memref_slice %arg7[%scan3A_939, %gather3A_1582, %gather3A_1583] : memref<3x128x64xf32, #tpu.memory_space<vmem>> -> memref<1x128x64xf32, #tpu.memory_space<vmem>>
        %gather3A_1585 = tpu.memref_squeeze %gather3A_1584 : memref<1x128x64xf32, #tpu.memory_space<vmem>> -> memref<128x64xf32, #tpu.memory_space<vmem>>
        %gather3A_1586 = tpu.vector_load_idx %gather3A_1585[%add3A_31, %and3A_1541] : memref<128x64xf32, #tpu.memory_space<vmem>>[vector<16xi32>, vector<16xi32>], vector<16xf32>,
        %scatter3A = arith.constant 0 : i32
        %scatter3A_1587 = arith.constant 0 : i32
        %scatter3A_1588 = arith.constant 0 : i32
        %scatter3A_1589 = tpu.memref_slice %arg8[%scan3A_940, %scatter3A, %scatter3A_1587, %scatter3A_1588] : memref<3x8x8x128xf32, #tpu.memory_space<vmem>> -> memref<1x8x8x128xf32, #tpu.memory_space<vmem>>
        %scatter3A_1590 = tpu.memref_squeeze %scatter3A_1589 : memref<1x8x8x128xf32, #tpu.memory_space<vmem>> -> memref<8x8x128xf32, #tpu.memory_space<vmem>>
        tpu.vector_store_idx %scatter3A_1590[%shift_right_logical3A_1543, %and3A_1546, %add3A_10], %gather3A_1551 : memref<8x8x128xf32, #tpu.memory_space<vmem>>[vector<16xi32>, vector<16xi32>, vector<16xi32>], vector<16xf32>,
        %scatter3A_1591 = arith.constant 0 : i32
        %scatter3A_1592 = arith.constant 0 : i32
        %scatter3A_1593 = arith.constant 0 : i32
        %scatter3A_1594 = tpu.memref_slice %arg8[%scan3A_940, %scatter3A_1591, %scatter3A_1592, %scatter3A_1593] : memref<3x8x8x128xf32, #tpu.memory_space<vmem>> -> memref<1x8x8x128xf32, #tpu.memory_space<vmem>>
        %scatter3A_1595 = tpu.memref_squeeze %scatter3A_1594 : memref<1x8x8x128xf32, #tpu.memory_space<vmem>> -> memref<8x8x128xf32, #tpu.memory_space<vmem>>
        tpu.vector_store_idx %scatter3A_1595[%shift_right_logical3A_1543, %and3A_1546, %add3A_13], %gather3A_1556 : memref<8x8x128xf32, #tpu.memory_space<vmem>>[vector<16xi32>, vector<16xi32>, vector<16xi32>], vector<16xf32>,
        %scatter3A_1596 = arith.constant 0 : i32
        %scatter3A_1597 = arith.constant 0 : i32
        %scatter3A_1598 = arith.constant 0 : i32
        %scatter3A_1599 = tpu.memref_slice %arg8[%scan3A_940, %scatter3A_1596, %scatter3A_1597, %scatter3A_1598] : memref<3x8x8x128xf32, #tpu.memory_space<vmem>> -> memref<1x8x8x128xf32, #tpu.memory_space<vmem>>
        %scatter3A_1600 = tpu.memref_squeeze %scatter3A_1599 : memref<1x8x8x128xf32, #tpu.memory_space<vmem>> -> memref<8x8x128xf32, #tpu.memory_space<vmem>>
        tpu.vector_store_idx %scatter3A_1600[%shift_right_logical3A_1543, %and3A_1546, %add3A_16], %gather3A_1561 : memref<8x8x128xf32, #tpu.memory_space<vmem>>[vector<16xi32>, vector<16xi32>, vector<16xi32>], vector<16xf32>,
        %scatter3A_1601 = arith.constant 0 : i32
        %scatter3A_1602 = arith.constant 0 : i32
        %scatter3A_1603 = arith.constant 0 : i32
        %scatter3A_1604 = tpu.memref_slice %arg8[%scan3A_940, %scatter3A_1601, %scatter3A_1602, %scatter3A_1603] : memref<3x8x8x128xf32, #tpu.memory_space<vmem>> -> memref<1x8x8x128xf32, #tpu.memory_space<vmem>>
        %scatter3A_1605 = tpu.memref_squeeze %scatter3A_1604 : memref<1x8x8x128xf32, #tpu.memory_space<vmem>> -> memref<8x8x128xf32, #tpu.memory_space<vmem>>
        tpu.vector_store_idx %scatter3A_1605[%shift_right_logical3A_1543, %and3A_1546, %add3A_19], %gather3A_1566 : memref<8x8x128xf32, #tpu.memory_space<vmem>>[vector<16xi32>, vector<16xi32>, vector<16xi32>], vector<16xf32>,
        %scatter3A_1606 = arith.constant 0 : i32
        %scatter3A_1607 = arith.constant 0 : i32
        %scatter3A_1608 = arith.constant 0 : i32
        %scatter3A_1609 = tpu.memref_slice %arg8[%scan3A_940, %scatter3A_1606, %scatter3A_1607, %scatter3A_1608] : memref<3x8x8x128xf32, #tpu.memory_space<vmem>> -> memref<1x8x8x128xf32, #tpu.memory_space<vmem>>
        %scatter3A_1610 = tpu.memref_squeeze %scatter3A_1609 : memref<1x8x8x128xf32, #tpu.memory_space<vmem>> -> memref<8x8x128xf32, #tpu.memory_space<vmem>>
        tpu.vector_store_idx %scatter3A_1610[%shift_right_logical3A_1543, %and3A_1546, %add3A_22], %gather3A_1571 : memref<8x8x128xf32, #tpu.memory_space<vmem>>[vector<16xi32>, vector<16xi32>, vector<16xi32>], vector<16xf32>,
        %scatter3A_1611 = arith.constant 0 : i32
        %scatter3A_1612 = arith.constant 0 : i32
        %scatter3A_1613 = arith.constant 0 : i32
        %scatter3A_1614 = tpu.memref_slice %arg8[%scan3A_940, %scatter3A_1611, %scatter3A_1612, %scatter3A_1613] : memref<3x8x8x128xf32, #tpu.memory_space<vmem>> -> memref<1x8x8x128xf32, #tpu.memory_space<vmem>>
        %scatter3A_1615 = tpu.memref_squeeze %scatter3A_1614 : memref<1x8x8x128xf32, #tpu.memory_space<vmem>> -> memref<8x8x128xf32, #tpu.memory_space<vmem>>
        tpu.vector_store_idx %scatter3A_1615[%shift_right_logical3A_1543, %and3A_1546, %add3A_25], %gather3A_1576 : memref<8x8x128xf32, #tpu.memory_space<vmem>>[vector<16xi32>, vector<16xi32>, vector<16xi32>], vector<16xf32>,
        %scatter3A_1616 = arith.constant 0 : i32
        %scatter3A_1617 = arith.constant 0 : i32
        %scatter3A_1618 = arith.constant 0 : i32
        %scatter3A_1619 = tpu.memref_slice %arg8[%scan3A_940, %scatter3A_1616, %scatter3A_1617, %scatter3A_1618] : memref<3x8x8x128xf32, #tpu.memory_space<vmem>> -> memref<1x8x8x128xf32, #tpu.memory_space<vmem>>
        %scatter3A_1620 = tpu.memref_squeeze %scatter3A_1619 : memref<1x8x8x128xf32, #tpu.memory_space<vmem>> -> memref<8x8x128xf32, #tpu.memory_space<vmem>>
        tpu.vector_store_idx %scatter3A_1620[%shift_right_logical3A_1543, %and3A_1546, %add3A_28], %gather3A_1581 : memref<8x8x128xf32, #tpu.memory_space<vmem>>[vector<16xi32>, vector<16xi32>, vector<16xi32>], vector<16xf32>,
        %scatter3A_1621 = arith.constant 0 : i32
        %scatter3A_1622 = arith.constant 0 : i32
        %scatter3A_1623 = arith.constant 0 : i32
        %scatter3A_1624 = tpu.memref_slice %arg8[%scan3A_940, %scatter3A_1621, %scatter3A_1622, %scatter3A_1623] : memref<3x8x8x128xf32, #tpu.memory_space<vmem>> -> memref<1x8x8x128xf32, #tpu.memory_space<vmem>>
        %scatter3A_1625 = tpu.memref_squeeze %scatter3A_1624 : memref<1x8x8x128xf32, #tpu.memory_space<vmem>> -> memref<8x8x128xf32, #tpu.memory_space<vmem>>
        tpu.vector_store_idx %scatter3A_1625[%shift_right_logical3A_1543, %and3A_1546, %add3A_31], %gather3A_1586 : memref<8x8x128xf32, #tpu.memory_space<vmem>>[vector<16xi32>, vector<16xi32>, vector<16xi32>], vector<16xf32>,
        %mul3A_1626 = arith.constant 2 : i32
        %mul3A_1627 = arith.muli %scan3A_1532, %mul3A_1626 : i32
        %add3A_1628 = arith.constant 1 : i32
        %add3A_1629 = arith.addi %mul3A_1627, %add3A_1628 : i32
        %add3A_1630 = vector.broadcast %add3A_1629 : i32 to vector<16xi32>
        %add3A_1631 = arith.addi %iota3A, %add3A_1630 : vector<16xi32>
        %and3A_1632 = arith.constant 63 : i32
        %and3A_1633 = vector.broadcast %and3A_1632 : i32 to vector<16xi32>
        %and3A_1634 = arith.andi %add3A_1631, %and3A_1633 : vector<16xi32>
        %shift_right_logical3A_1635 = arith.constant 3 : i32
        %shift_right_logical3A_1636 = vector.broadcast %shift_right_logical3A_1635 : i32 to vector<16xi32>
        %shift_right_logical3A_1637 = arith.shrui %and3A_1634, %shift_right_logical3A_1636 : vector<16xi32>
        %and3A_1638 = arith.constant 7 : i32
        %and3A_1639 = vector.broadcast %and3A_1638 : i32 to vector<16xi32>
        %and3A_1640 = arith.andi %and3A_1634, %and3A_1639 : vector<16xi32>
        %gather3A_1641 = arith.constant 0 : i32
        %gather3A_1642 = arith.constant 0 : i32
        %gather3A_1643 = tpu.memref_slice %arg7[%scan3A_939, %gather3A_1641, %gather3A_1642] : memref<3x128x64xf32, #tpu.memory_space<vmem>> -> memref<1x128x64xf32, #tpu.memory_space<vmem>>
        %gather3A_1644 = tpu.memref_squeeze %gather3A_1643 : memref<1x128x64xf32, #tpu.memory_space<vmem>> -> memref<128x64xf32, #tpu.memory_space<vmem>>
        %gather3A_1645 = tpu.vector_load_idx %gather3A_1644[%add3A_10, %and3A_1634] : memref<128x64xf32, #tpu.memory_space<vmem>>[vector<16xi32>, vector<16xi32>], vector<16xf32>,
        %gather3A_1646 = arith.constant 0 : i32
        %gather3A_1647 = arith.constant 0 : i32
        %gather3A_1648 = tpu.memref_slice %arg7[%scan3A_939, %gather3A_1646, %gather3A_1647] : memref<3x128x64xf32, #tpu.memory_space<vmem>> -> memref<1x128x64xf32, #tpu.memory_space<vmem>>
        %gather3A_1649 = tpu.memref_squeeze %gather3A_1648 : memref<1x128x64xf32, #tpu.memory_space<vmem>> -> memref<128x64xf32, #tpu.memory_space<vmem>>
        %gather3A_1650 = tpu.vector_load_idx %gather3A_1649[%add3A_13, %and3A_1634] : memref<128x64xf32, #tpu.memory_space<vmem>>[vector<16xi32>, vector<16xi32>], vector<16xf32>,
        %gather3A_1651 = arith.constant 0 : i32
        %gather3A_1652 = arith.constant 0 : i32
        %gather3A_1653 = tpu.memref_slice %arg7[%scan3A_939, %gather3A_1651, %gather3A_1652] : memref<3x128x64xf32, #tpu.memory_space<vmem>> -> memref<1x128x64xf32, #tpu.memory_space<vmem>>
        %gather3A_1654 = tpu.memref_squeeze %gather3A_1653 : memref<1x128x64xf32, #tpu.memory_space<vmem>> -> memref<128x64xf32, #tpu.memory_space<vmem>>
        %gather3A_1655 = tpu.vector_load_idx %gather3A_1654[%add3A_16, %and3A_1634] : memref<128x64xf32, #tpu.memory_space<vmem>>[vector<16xi32>, vector<16xi32>], vector<16xf32>,
        %gather3A_1656 = arith.constant 0 : i32
        %gather3A_1657 = arith.constant 0 : i32
        %gather3A_1658 = tpu.memref_slice %arg7[%scan3A_939, %gather3A_1656, %gather3A_1657] : memref<3x128x64xf32, #tpu.memory_space<vmem>> -> memref<1x128x64xf32, #tpu.memory_space<vmem>>
        %gather3A_1659 = tpu.memref_squeeze %gather3A_1658 : memref<1x128x64xf32, #tpu.memory_space<vmem>> -> memref<128x64xf32, #tpu.memory_space<vmem>>
        %gather3A_1660 = tpu.vector_load_idx %gather3A_1659[%add3A_19, %and3A_1634] : memref<128x64xf32, #tpu.memory_space<vmem>>[vector<16xi32>, vector<16xi32>], vector<16xf32>,
        %gather3A_1661 = arith.constant 0 : i32
        %gather3A_1662 = arith.constant 0 : i32
        %gather3A_1663 = tpu.memref_slice %arg7[%scan3A_939, %gather3A_1661, %gather3A_1662] : memref<3x128x64xf32, #tpu.memory_space<vmem>> -> memref<1x128x64xf32, #tpu.memory_space<vmem>>
        %gather3A_1664 = tpu.memref_squeeze %gather3A_1663 : memref<1x128x64xf32, #tpu.memory_space<vmem>> -> memref<128x64xf32, #tpu.memory_space<vmem>>
        %gather3A_1665 = tpu.vector_load_idx %gather3A_1664[%add3A_22, %and3A_1634] : memref<128x64xf32, #tpu.memory_space<vmem>>[vector<16xi32>, vector<16xi32>], vector<16xf32>,
        %gather3A_1666 = arith.constant 0 : i32
        %gather3A_1667 = arith.constant 0 : i32
        %gather3A_1668 = tpu.memref_slice %arg7[%scan3A_939, %gather3A_1666, %gather3A_1667] : memref<3x128x64xf32, #tpu.memory_space<vmem>> -> memref<1x128x64xf32, #tpu.memory_space<vmem>>
        %gather3A_1669 = tpu.memref_squeeze %gather3A_1668 : memref<1x128x64xf32, #tpu.memory_space<vmem>> -> memref<128x64xf32, #tpu.memory_space<vmem>>
        %gather3A_1670 = tpu.vector_load_idx %gather3A_1669[%add3A_25, %and3A_1634] : memref<128x64xf32, #tpu.memory_space<vmem>>[vector<16xi32>, vector<16xi32>], vector<16xf32>,
        %gather3A_1671 = arith.constant 0 : i32
        %gather3A_1672 = arith.constant 0 : i32
        %gather3A_1673 = tpu.memref_slice %arg7[%scan3A_939, %gather3A_1671, %gather3A_1672] : memref<3x128x64xf32, #tpu.memory_space<vmem>> -> memref<1x128x64xf32, #tpu.memory_space<vmem>>
        %gather3A_1674 = tpu.memref_squeeze %gather3A_1673 : memref<1x128x64xf32, #tpu.memory_space<vmem>> -> memref<128x64xf32, #tpu.memory_space<vmem>>
        %gather3A_1675 = tpu.vector_load_idx %gather3A_1674[%add3A_28, %and3A_1634] : memref<128x64xf32, #tpu.memory_space<vmem>>[vector<16xi32>, vector<16xi32>], vector<16xf32>,
        %gather3A_1676 = arith.constant 0 : i32
        %gather3A_1677 = arith.constant 0 : i32
        %gather3A_1678 = tpu.memref_slice %arg7[%scan3A_939, %gather3A_1676, %gather3A_1677] : memref<3x128x64xf32, #tpu.memory_space<vmem>> -> memref<1x128x64xf32, #tpu.memory_space<vmem>>
        %gather3A_1679 = tpu.memref_squeeze %gather3A_1678 : memref<1x128x64xf32, #tpu.memory_space<vmem>> -> memref<128x64xf32, #tpu.memory_space<vmem>>
        %gather3A_1680 = tpu.vector_load_idx %gather3A_1679[%add3A_31, %and3A_1634] : memref<128x64xf32, #tpu.memory_space<vmem>>[vector<16xi32>, vector<16xi32>], vector<16xf32>,
        %scatter3A_1681 = arith.constant 0 : i32
        %scatter3A_1682 = arith.constant 0 : i32
        %scatter3A_1683 = arith.constant 0 : i32
        %scatter3A_1684 = tpu.memref_slice %arg8[%scan3A_940, %scatter3A_1681, %scatter3A_1682, %scatter3A_1683] : memref<3x8x8x128xf32, #tpu.memory_space<vmem>> -> memref<1x8x8x128xf32, #tpu.memory_space<vmem>>
        %scatter3A_1685 = tpu.memref_squeeze %scatter3A_1684 : memref<1x8x8x128xf32, #tpu.memory_space<vmem>> -> memref<8x8x128xf32, #tpu.memory_space<vmem>>
        tpu.vector_store_idx %scatter3A_1685[%shift_right_logical3A_1637, %and3A_1640, %add3A_10], %gather3A_1645 : memref<8x8x128xf32, #tpu.memory_space<vmem>>[vector<16xi32>, vector<16xi32>, vector<16xi32>], vector<16xf32>,
        %scatter3A_1686 = arith.constant 0 : i32
        %scatter3A_1687 = arith.constant 0 : i32
        %scatter3A_1688 = arith.constant 0 : i32
        %scatter3A_1689 = tpu.memref_slice %arg8[%scan3A_940, %scatter3A_1686, %scatter3A_1687, %scatter3A_1688] : memref<3x8x8x128xf32, #tpu.memory_space<vmem>> -> memref<1x8x8x128xf32, #tpu.memory_space<vmem>>
        %scatter3A_1690 = tpu.memref_squeeze %scatter3A_1689 : memref<1x8x8x128xf32, #tpu.memory_space<vmem>> -> memref<8x8x128xf32, #tpu.memory_space<vmem>>
        tpu.vector_store_idx %scatter3A_1690[%shift_right_logical3A_1637, %and3A_1640, %add3A_13], %gather3A_1650 : memref<8x8x128xf32, #tpu.memory_space<vmem>>[vector<16xi32>, vector<16xi32>, vector<16xi32>], vector<16xf32>,
        %scatter3A_1691 = arith.constant 0 : i32
        %scatter3A_1692 = arith.constant 0 : i32
        %scatter3A_1693 = arith.constant 0 : i32
        %scatter3A_1694 = tpu.memref_slice %arg8[%scan3A_940, %scatter3A_1691, %scatter3A_1692, %scatter3A_1693] : memref<3x8x8x128xf32, #tpu.memory_space<vmem>> -> memref<1x8x8x128xf32, #tpu.memory_space<vmem>>
        %scatter3A_1695 = tpu.memref_squeeze %scatter3A_1694 : memref<1x8x8x128xf32, #tpu.memory_space<vmem>> -> memref<8x8x128xf32, #tpu.memory_space<vmem>>
        tpu.vector_store_idx %scatter3A_1695[%shift_right_logical3A_1637, %and3A_1640, %add3A_16], %gather3A_1655 : memref<8x8x128xf32, #tpu.memory_space<vmem>>[vector<16xi32>, vector<16xi32>, vector<16xi32>], vector<16xf32>,
        %scatter3A_1696 = arith.constant 0 : i32
        %scatter3A_1697 = arith.constant 0 : i32
        %scatter3A_1698 = arith.constant 0 : i32
        %scatter3A_1699 = tpu.memref_slice %arg8[%scan3A_940, %scatter3A_1696, %scatter3A_1697, %scatter3A_1698] : memref<3x8x8x128xf32, #tpu.memory_space<vmem>> -> memref<1x8x8x128xf32, #tpu.memory_space<vmem>>
        %scatter3A_1700 = tpu.memref_squeeze %scatter3A_1699 : memref<1x8x8x128xf32, #tpu.memory_space<vmem>> -> memref<8x8x128xf32, #tpu.memory_space<vmem>>
        tpu.vector_store_idx %scatter3A_1700[%shift_right_logical3A_1637, %and3A_1640, %add3A_19], %gather3A_1660 : memref<8x8x128xf32, #tpu.memory_space<vmem>>[vector<16xi32>, vector<16xi32>, vector<16xi32>], vector<16xf32>,
        %scatter3A_1701 = arith.constant 0 : i32
        %scatter3A_1702 = arith.constant 0 : i32
        %scatter3A_1703 = arith.constant 0 : i32
        %scatter3A_1704 = tpu.memref_slice %arg8[%scan3A_940, %scatter3A_1701, %scatter3A_1702, %scatter3A_1703] : memref<3x8x8x128xf32, #tpu.memory_space<vmem>> -> memref<1x8x8x128xf32, #tpu.memory_space<vmem>>
        %scatter3A_1705 = tpu.memref_squeeze %scatter3A_1704 : memref<1x8x8x128xf32, #tpu.memory_space<vmem>> -> memref<8x8x128xf32, #tpu.memory_space<vmem>>
        tpu.vector_store_idx %scatter3A_1705[%shift_right_logical3A_1637, %and3A_1640, %add3A_22], %gather3A_1665 : memref<8x8x128xf32, #tpu.memory_space<vmem>>[vector<16xi32>, vector<16xi32>, vector<16xi32>], vector<16xf32>,
        %scatter3A_1706 = arith.constant 0 : i32
        %scatter3A_1707 = arith.constant 0 : i32
        %scatter3A_1708 = arith.constant 0 : i32
        %scatter3A_1709 = tpu.memref_slice %arg8[%scan3A_940, %scatter3A_1706, %scatter3A_1707, %scatter3A_1708] : memref<3x8x8x128xf32, #tpu.memory_space<vmem>> -> memref<1x8x8x128xf32, #tpu.memory_space<vmem>>
        %scatter3A_1710 = tpu.memref_squeeze %scatter3A_1709 : memref<1x8x8x128xf32, #tpu.memory_space<vmem>> -> memref<8x8x128xf32, #tpu.memory_space<vmem>>
        tpu.vector_store_idx %scatter3A_1710[%shift_right_logical3A_1637, %and3A_1640, %add3A_25], %gather3A_1670 : memref<8x8x128xf32, #tpu.memory_space<vmem>>[vector<16xi32>, vector<16xi32>, vector<16xi32>], vector<16xf32>,
        %scatter3A_1711 = arith.constant 0 : i32
        %scatter3A_1712 = arith.constant 0 : i32
        %scatter3A_1713 = arith.constant 0 : i32
        %scatter3A_1714 = tpu.memref_slice %arg8[%scan3A_940, %scatter3A_1711, %scatter3A_1712, %scatter3A_1713] : memref<3x8x8x128xf32, #tpu.memory_space<vmem>> -> memref<1x8x8x128xf32, #tpu.memory_space<vmem>>
        %scatter3A_1715 = tpu.memref_squeeze %scatter3A_1714 : memref<1x8x8x128xf32, #tpu.memory_space<vmem>> -> memref<8x8x128xf32, #tpu.memory_space<vmem>>
        tpu.vector_store_idx %scatter3A_1715[%shift_right_logical3A_1637, %and3A_1640, %add3A_28], %gather3A_1675 : memref<8x8x128xf32, #tpu.memory_space<vmem>>[vector<16xi32>, vector<16xi32>, vector<16xi32>], vector<16xf32>,
        %scatter3A_1716 = arith.constant 0 : i32
        %scatter3A_1717 = arith.constant 0 : i32
        %scatter3A_1718 = arith.constant 0 : i32
        %scatter3A_1719 = tpu.memref_slice %arg8[%scan3A_940, %scatter3A_1716, %scatter3A_1717, %scatter3A_1718] : memref<3x8x8x128xf32, #tpu.memory_space<vmem>> -> memref<1x8x8x128xf32, #tpu.memory_space<vmem>>
        %scatter3A_1720 = tpu.memref_squeeze %scatter3A_1719 : memref<1x8x8x128xf32, #tpu.memory_space<vmem>> -> memref<8x8x128xf32, #tpu.memory_space<vmem>>
        tpu.vector_store_idx %scatter3A_1720[%shift_right_logical3A_1637, %and3A_1640, %add3A_31], %gather3A_1680 : memref<8x8x128xf32, #tpu.memory_space<vmem>>[vector<16xi32>, vector<16xi32>, vector<16xi32>], vector<16xf32>,
      }
      %scan3A_945 = arith.constant 32 : i32
      %jit3A_946 = arith.constant 4 : i32
      %div3A_947 = arith.divsi %mul3A_760, %jit3A_946 : i32
      %sign3A_948 = arith.constant 0 : i32
      %sign3A_949 = arith.cmpi sgt, %mul3A_760, %sign3A_948 : i32
      %sign3A_950 = arith.extui %sign3A_949 : i1 to i32
      %sign3A_951 = arith.constant 0 : i32
      %sign3A_952 = arith.cmpi slt, %mul3A_760, %sign3A_951 : i32
      %sign3A_953 = arith.extui %sign3A_952 : i1 to i32
      %sign3A_954 = arith.subi %sign3A_950, %sign3A_953 : i32
      %sign3A_955 = arith.constant 0 : i32
      %sign3A_956 = arith.cmpi sgt, %jit3A_946, %sign3A_955 : i32
      %sign3A_957 = arith.extui %sign3A_956 : i1 to i32
      %sign3A_958 = arith.constant 0 : i32
      %sign3A_959 = arith.cmpi slt, %jit3A_946, %sign3A_958 : i32
      %sign3A_960 = arith.extui %sign3A_959 : i1 to i32
      %sign3A_961 = arith.subi %sign3A_957, %sign3A_960 : i32
      %ne3A_962 = arith.cmpi ne, %sign3A_954, %sign3A_961 : i32
      %rem3A_963 = arith.remsi %mul3A_760, %jit3A_946 : i32
      %ne3A_964 = arith.constant 0 : i32
      %ne3A_965 = arith.cmpi ne, %rem3A_963, %ne3A_964 : i32
      %and3A_966 = arith.andi %ne3A_962, %ne3A_965 : i1
      %sub3A_967 = arith.constant 1 : i32
      %sub3A_968 = arith.subi %div3A_947, %sub3A_967 : i32
      %select_n3A_969 = arith.select %and3A_966, %sub3A_968, %div3A_947 : i32
      %mul3A_970 = arith.constant 4 : i32
      %mul3A_971 = arith.muli %add3A, %mul3A_970 : i32
      %jit3A_972 = arith.constant 4 : i32
      %eq3A_973 = arith.constant 0 : i32
      %eq3A_974 = arith.cmpi eq, %jit3A_972, %eq3A_973 : i32
      %jit3A_975 = arith.constant 1 : i32
      %select_n3A_976 = arith.select %eq3A_974, %jit3A_975, %jit3A_972 : i32
      %rem3A_977 = arith.remsi %mul3A_760, %select_n3A_976 : i32
      %ne3A_978 = arith.constant 0 : i32
      %ne3A_979 = arith.cmpi ne, %rem3A_977, %ne3A_978 : i32
      %lt3A_980 = arith.constant 0 : i32
      %lt3A_981 = arith.cmpi slt, %rem3A_977, %lt3A_980 : i32
      %lt3A_982 = arith.constant 0 : i32
      %lt3A_983 = arith.cmpi slt, %select_n3A_976, %lt3A_982 : i32
      %ne3A_984 = arith.xori %lt3A_981, %lt3A_983 : i1
      %and3A_985 = arith.andi %ne3A_984, %ne3A_979 : i1
      %add3A_986 = arith.addi %rem3A_977, %select_n3A_976 : i32
      %select_n3A_987 = arith.select %and3A_985, %add3A_986, %rem3A_977 : i32
      %add3A_988 = arith.addi %mul3A_971, %select_n3A_987 : i32
      %dma_start3A_989 = arith.constant 0 : i32
      %dma_start3A_990 = arith.constant 0 : i32
      %dma_start3A_991 = arith.constant 0 : i32
      %dma_start3A_992 = arith.constant 0 : i32
      %dma_start3A_993 = tpu.memref_slice %arg8[%dma_start3A_989, %dma_start3A_990, %dma_start3A_991, %dma_start3A_992] : memref<3x8x8x128xf32, #tpu.memory_space<vmem>> -> memref<1x8x8x128xf32, #tpu.memory_space<vmem>>
      %dma_start3A_994 = tpu.memref_squeeze %dma_start3A_993 : memref<1x8x8x128xf32, #tpu.memory_space<vmem>> -> memref<8x8x128xf32, #tpu.memory_space<vmem>>
      %dma_start3A_995 = arith.constant 0 : i32
      %dma_start3A_996 = arith.constant 0 : i32
      %dma_start3A_997 = arith.constant 0 : i32
      %dma_start3A_998 = tpu.memref_slice %arg4[%select_n3A_969, %dma_start3A_995, %add3A_988, %dma_start3A_996, %dma_start3A_997] : memref<50x8x128x8x128xf32, #tpu.memory_space<hbm>> -> memref<1x8x1x8x128xf32, #tpu.memory_space<hbm>>
      %dma_start3A_999 = tpu.memref_squeeze %dma_start3A_998 : memref<1x8x1x8x128xf32, #tpu.memory_space<hbm>> -> memref<8x8x128xf32, #tpu.memory_space<hbm>>
      %dma_start3A_1000 = arith.constant 0 : i32
      %dma_start3A_1001 = arith.constant 0 : i32
      %dma_start3A_1002 = arith.constant 0 : i32
      %dma_start3A_1003 = tpu.memref_slice %arg4[%select_n3A_969, %dma_start3A_1000, %add3A_988, %dma_start3A_1001, %dma_start3A_1002] : memref<50x8x128x8x128xf32, #tpu.memory_space<hbm>> -> memref<1x8x1x8x128xf32, #tpu.memory_space<hbm>>
      %dma_start3A_1004 = tpu.memref_squeeze %dma_start3A_1003 : memref<1x8x1x8x128xf32, #tpu.memory_space<hbm>> -> memref<8x8x128xf32, #tpu.memory_space<hbm>>
      %dma_start3A_1005 = arith.constant 0 : i32
      %dma_start3A_1006 = arith.constant 0 : i32
      %dma_start3A_1007 = arith.constant 0 : i32
      %dma_start3A_1008 = tpu.memref_slice %arg8[%dma_start3A_989, %dma_start3A_1005, %dma_start3A_1006, %dma_start3A_1007] : memref<3x8x8x128xf32, #tpu.memory_space<vmem>> -> memref<1x8x8x128xf32, #tpu.memory_space<vmem>>
      %dma_start3A_1009 = tpu.memref_squeeze %dma_start3A_1008 : memref<1x8x8x128xf32, #tpu.memory_space<vmem>> -> memref<8x8x128xf32, #tpu.memory_space<vmem>>
      tpu.enqueue_dma source(%dma_start3A_1009 : memref<8x8x128xf32, #tpu.memory_space<vmem>>) target(%dma_start3A_1004 : memref<8x8x128xf32, #tpu.memory_space<hbm>>) target_semaphore(%arg12 : memref<!tpu.dma_semaphore, #tpu.memory_space<semaphore_mem>>)
      %add3A_1010 = arith.constant 1 : i32
      %add3A_1011 = arith.addi %mul3A_760, %add3A_1010 : i32
      %dma_wait3A_1012 = arith.constant 1 : i32
      %dma_wait3A_1013 = arith.constant 0 : i32
      %dma_wait3A_1014 = arith.constant 0 : i32
      %dma_wait3A_1015 = arith.constant 0 : i32
      %dma_wait3A_1016 = arith.constant 0 : i32
      %dma_wait3A_1017 = arith.constant 0 : i32
      %dma_wait3A_1018 = tpu.memref_slice %arg8[%dma_wait3A_1012, %dma_wait3A_1015, %dma_wait3A_1016, %dma_wait3A_1017] : memref<3x8x8x128xf32, #tpu.memory_space<vmem>> -> memref<1x8x8x128xf32, #tpu.memory_space<vmem>>
      %dma_wait3A_1019 = tpu.memref_squeeze %dma_wait3A_1018 : memref<1x8x8x128xf32, #tpu.memory_space<vmem>> -> memref<8x8x128xf32, #tpu.memory_space<vmem>>
      %dma_wait3A_1020 = arith.constant 0 : i32
      %dma_wait3A_1021 = arith.constant 0 : i32
      %dma_wait3A_1022 = arith.constant 0 : i32
      %dma_wait3A_1023 = tpu.memref_slice %arg4[%dma_wait3A_1013, %dma_wait3A_1020, %dma_wait3A_1014, %dma_wait3A_1021, %dma_wait3A_1022] : memref<50x8x128x8x128xf32, #tpu.memory_space<hbm>> -> memref<1x8x1x8x128xf32, #tpu.memory_space<hbm>>
      %dma_wait3A_1024 = tpu.memref_squeeze %dma_wait3A_1023 : memref<1x8x1x8x128xf32, #tpu.memory_space<hbm>> -> memref<8x8x128xf32, #tpu.memory_space<hbm>>
      %dma_wait3A_1025 = arith.constant 0 : i32
      %dma_wait3A_1026 = arith.constant 0 : i32
      %dma_wait3A_1027 = arith.constant 0 : i32
      %dma_wait3A_1028 = tpu.memref_slice %arg4[%dma_wait3A_1013, %dma_wait3A_1025, %dma_wait3A_1014, %dma_wait3A_1026, %dma_wait3A_1027] : memref<50x8x128x8x128xf32, #tpu.memory_space<hbm>> -> memref<1x8x1x8x128xf32, #tpu.memory_space<hbm>>
      %dma_wait3A_1029 = tpu.memref_squeeze %dma_wait3A_1028 : memref<1x8x1x8x128xf32, #tpu.memory_space<hbm>> -> memref<8x8x128xf32, #tpu.memory_space<hbm>>
      %dma_wait3A_1030 = arith.constant 0 : i32
      %dma_wait3A_1031 = arith.constant 0 : i32
      %dma_wait3A_1032 = arith.constant 0 : i32
      %dma_wait3A_1033 = tpu.memref_slice %arg8[%dma_wait3A_1012, %dma_wait3A_1030, %dma_wait3A_1031, %dma_wait3A_1032] : memref<3x8x8x128xf32, #tpu.memory_space<vmem>> -> memref<1x8x8x128xf32, #tpu.memory_space<vmem>>
      %dma_wait3A_1034 = tpu.memref_squeeze %dma_wait3A_1033 : memref<1x8x8x128xf32, #tpu.memory_space<vmem>> -> memref<8x8x128xf32, #tpu.memory_space<vmem>>
      tpu.wait_dma2 semaphore(%arg13 : memref<!tpu.dma_semaphore, #tpu.memory_space<semaphore_mem>>) src(%dma_wait3A_1034 : memref<8x8x128xf32, #tpu.memory_space<vmem>>) dst(%dma_wait3A_1029 : memref<8x8x128xf32, #tpu.memory_space<hbm>>)
      %add3A_1035 = arith.constant 2 : i32
      %add3A_1036 = arith.addi %add3A_1011, %add3A_1035 : i32
      %jit3A_1037 = arith.constant 4 : i32
      %div3A_1038 = arith.divsi %add3A_1036, %jit3A_1037 : i32
      %sign3A_1039 = arith.constant 0 : i32
      %sign3A_1040 = arith.cmpi sgt, %add3A_1036, %sign3A_1039 : i32
      %sign3A_1041 = arith.extui %sign3A_1040 : i1 to i32
      %sign3A_1042 = arith.constant 0 : i32
      %sign3A_1043 = arith.cmpi slt, %add3A_1036, %sign3A_1042 : i32
      %sign3A_1044 = arith.extui %sign3A_1043 : i1 to i32
      %sign3A_1045 = arith.subi %sign3A_1041, %sign3A_1044 : i32
      %sign3A_1046 = arith.constant 0 : i32
      %sign3A_1047 = arith.cmpi sgt, %jit3A_1037, %sign3A_1046 : i32
      %sign3A_1048 = arith.extui %sign3A_1047 : i1 to i32
      %sign3A_1049 = arith.constant 0 : i32
      %sign3A_1050 = arith.cmpi slt, %jit3A_1037, %sign3A_1049 : i32
      %sign3A_1051 = arith.extui %sign3A_1050 : i1 to i32
      %sign3A_1052 = arith.subi %sign3A_1048, %sign3A_1051 : i32
      %ne3A_1053 = arith.cmpi ne, %sign3A_1045, %sign3A_1052 : i32
      %rem3A_1054 = arith.remsi %add3A_1036, %jit3A_1037 : i32
      %ne3A_1055 = arith.constant 0 : i32
      %ne3A_1056 = arith.cmpi ne, %rem3A_1054, %ne3A_1055 : i32
      %and3A_1057 = arith.andi %ne3A_1053, %ne3A_1056 : i1
      %sub3A_1058 = arith.constant 1 : i32
      %sub3A_1059 = arith.subi %div3A_1038, %sub3A_1058 : i32
      %select_n3A_1060 = arith.select %and3A_1057, %sub3A_1059, %div3A_1038 : i32
      %jit3A_1061 = arith.constant 4 : i32
      %eq3A_1062 = arith.constant 0 : i32
      %eq3A_1063 = arith.cmpi eq, %jit3A_1061, %eq3A_1062 : i32
      %jit3A_1064 = arith.constant 1 : i32
      %select_n3A_1065 = arith.select %eq3A_1063, %jit3A_1064, %jit3A_1061 : i32
      %rem3A_1066 = arith.remsi %add3A_1036, %select_n3A_1065 : i32
      %ne3A_1067 = arith.constant 0 : i32
      %ne3A_1068 = arith.cmpi ne, %rem3A_1066, %ne3A_1067 : i32
      %lt3A_1069 = arith.constant 0 : i32
      %lt3A_1070 = arith.cmpi slt, %rem3A_1066, %lt3A_1069 : i32
      %lt3A_1071 = arith.constant 0 : i32
      %lt3A_1072 = arith.cmpi slt, %select_n3A_1065, %lt3A_1071 : i32
      %ne3A_1073 = arith.xori %lt3A_1070, %lt3A_1072 : i1
      %and3A_1074 = arith.andi %ne3A_1073, %ne3A_1068 : i1
      %add3A_1075 = arith.addi %rem3A_1066, %select_n3A_1065 : i32
      %select_n3A_1076 = arith.select %and3A_1074, %add3A_1075, %rem3A_1066 : i32
      %mul3A_1077 = arith.constant 128 : i32
      %mul3A_1078 = arith.muli %select_n3A_1076, %mul3A_1077 : i32
      %add3A_1079 = arith.constant 0 : i32
      %add3A_1080 = arith.addi %mul3A_1078, %add3A_1079 : i32
      %mul3A_1081 = arith.constant 50 : i32
      %mul3A_1082 = arith.muli %add3A_1080, %mul3A_1081 : i32
      %add3A_1083 = arith.addi %mul3A_1082, %select_n3A_1060 : i32
      %add3A_1084 = vector.broadcast %add3A_1083 : i32 to vector<16xi32>
      %add3A_1085 = arith.addi %mul3A_7, %add3A_1084 : vector<16xi32>
      %gather3A_1086 = tpu.vector_load_idx %arg5[%add3A_1085] : memref<25600xi32, #tpu.memory_space<vmem>>[vector<16xi32>], vector<16xi32>,
      %swap3A_1087 = arith.constant 0 : i32
      %swap3A_1088 = arith.index_cast %swap3A_1087 : i32 to index
      %swap3A_1089 = arith.constant 0 : index
      %swap3A_1090 = tpu.vector_load %arg6[%swap3A_1088, %swap3A_1089] {strides = array<i32>} : memref<3x128xi32, #tpu.memory_space<vmem>>, vector<16xi32>,
      tpu.vector_store %arg6[%swap3A_1088, %swap3A_1089], %gather3A_1086 {strides = array<i32>} : memref<3x128xi32, #tpu.memory_space<vmem>>, vector<16xi32>,
      %add3A_1091 = arith.constant 16 : i32
      %add3A_1092 = arith.addi %mul3A_1078, %add3A_1091 : i32
      %mul3A_1093 = arith.constant 50 : i32
      %mul3A_1094 = arith.muli %add3A_1092, %mul3A_1093 : i32
      %add3A_1095 = arith.addi %mul3A_1094, %select_n3A_1060 : i32
      %add3A_1096 = vector.broadcast %add3A_1095 : i32 to vector<16xi32>
      %add3A_1097 = arith.addi %mul3A_7, %add3A_1096 : vector<16xi32>
      %gather3A_1098 = tpu.vector_load_idx %arg5[%add3A_1097] : memref<25600xi32, #tpu.memory_space<vmem>>[vector<16xi32>], vector<16xi32>,
      %swap3A_1099 = arith.constant 0 : i32
      %swap3A_1100 = arith.index_cast %swap3A_1099 : i32 to index
      %swap3A_1101 = arith.constant 16 : index
      %swap3A_1102 = tpu.vector_load %arg6[%swap3A_1100, %swap3A_1101] {strides = array<i32>} : memref<3x128xi32, #tpu.memory_space<vmem>>, vector<16xi32>,
      tpu.vector_store %arg6[%swap3A_1100, %swap3A_1101], %gather3A_1098 {strides = array<i32>} : memref<3x128xi32, #tpu.memory_space<vmem>>, vector<16xi32>,
      %add3A_1103 = arith.constant 32 : i32
      %add3A_1104 = arith.addi %mul3A_1078, %add3A_1103 : i32
      %mul3A_1105 = arith.constant 50 : i32
      %mul3A_1106 = arith.muli %add3A_1104, %mul3A_1105 : i32
      %add3A_1107 = arith.addi %mul3A_1106, %select_n3A_1060 : i32
      %add3A_1108 = vector.broadcast %add3A_1107 : i32 to vector<16xi32>
      %add3A_1109 = arith.addi %mul3A_7, %add3A_1108 : vector<16xi32>
      %gather3A_1110 = tpu.vector_load_idx %arg5[%add3A_1109] : memref<25600xi32, #tpu.memory_space<vmem>>[vector<16xi32>], vector<16xi32>,
      %swap3A_1111 = arith.constant 0 : i32
      %swap3A_1112 = arith.index_cast %swap3A_1111 : i32 to index
      %swap3A_1113 = arith.constant 32 : index
      %swap3A_1114 = tpu.vector_load %arg6[%swap3A_1112, %swap3A_1113] {strides = array<i32>} : memref<3x128xi32, #tpu.memory_space<vmem>>, vector<16xi32>,
      tpu.vector_store %arg6[%swap3A_1112, %swap3A_1113], %gather3A_1110 {strides = array<i32>} : memref<3x128xi32, #tpu.memory_space<vmem>>, vector<16xi32>,
      %add3A_1115 = arith.constant 48 : i32
      %add3A_1116 = arith.addi %mul3A_1078, %add3A_1115 : i32
      %mul3A_1117 = arith.constant 50 : i32
      %mul3A_1118 = arith.muli %add3A_1116, %mul3A_1117 : i32
      %add3A_1119 = arith.addi %mul3A_1118, %select_n3A_1060 : i32
      %add3A_1120 = vector.broadcast %add3A_1119 : i32 to vector<16xi32>
      %add3A_1121 = arith.addi %mul3A_7, %add3A_1120 : vector<16xi32>
      %gather3A_1122 = tpu.vector_load_idx %arg5[%add3A_1121] : memref<25600xi32, #tpu.memory_space<vmem>>[vector<16xi32>], vector<16xi32>,
      %swap3A_1123 = arith.constant 0 : i32
      %swap3A_1124 = arith.index_cast %swap3A_1123 : i32 to index
      %swap3A_1125 = arith.constant 48 : index
      %swap3A_1126 = tpu.vector_load %arg6[%swap3A_1124, %swap3A_1125] {strides = array<i32>} : memref<3x128xi32, #tpu.memory_space<vmem>>, vector<16xi32>,
      tpu.vector_store %arg6[%swap3A_1124, %swap3A_1125], %gather3A_1122 {strides = array<i32>} : memref<3x128xi32, #tpu.memory_space<vmem>>, vector<16xi32>,
      %add3A_1127 = arith.constant 64 : i32
      %add3A_1128 = arith.addi %mul3A_1078, %add3A_1127 : i32
      %mul3A_1129 = arith.constant 50 : i32
      %mul3A_1130 = arith.muli %add3A_1128, %mul3A_1129 : i32
      %add3A_1131 = arith.addi %mul3A_1130, %select_n3A_1060 : i32
      %add3A_1132 = vector.broadcast %add3A_1131 : i32 to vector<16xi32>
      %add3A_1133 = arith.addi %mul3A_7, %add3A_1132 : vector<16xi32>
      %gather3A_1134 = tpu.vector_load_idx %arg5[%add3A_1133] : memref<25600xi32, #tpu.memory_space<vmem>>[vector<16xi32>], vector<16xi32>,
      %swap3A_1135 = arith.constant 0 : i32
      %swap3A_1136 = arith.index_cast %swap3A_1135 : i32 to index
      %swap3A_1137 = arith.constant 64 : index
      %swap3A_1138 = tpu.vector_load %arg6[%swap3A_1136, %swap3A_1137] {strides = array<i32>} : memref<3x128xi32, #tpu.memory_space<vmem>>, vector<16xi32>,
      tpu.vector_store %arg6[%swap3A_1136, %swap3A_1137], %gather3A_1134 {strides = array<i32>} : memref<3x128xi32, #tpu.memory_space<vmem>>, vector<16xi32>,
      %add3A_1139 = arith.constant 80 : i32
      %add3A_1140 = arith.addi %mul3A_1078, %add3A_1139 : i32
      %mul3A_1141 = arith.constant 50 : i32
      %mul3A_1142 = arith.muli %add3A_1140, %mul3A_1141 : i32
      %add3A_1143 = arith.addi %mul3A_1142, %select_n3A_1060 : i32
      %add3A_1144 = vector.broadcast %add3A_1143 : i32 to vector<16xi32>
      %add3A_1145 = arith.addi %mul3A_7, %add3A_1144 : vector<16xi32>
      %gather3A_1146 = tpu.vector_load_idx %arg5[%add3A_1145] : memref<25600xi32, #tpu.memory_space<vmem>>[vector<16xi32>], vector<16xi32>,
      %swap3A_1147 = arith.constant 0 : i32
      %swap3A_1148 = arith.index_cast %swap3A_1147 : i32 to index
      %swap3A_1149 = arith.constant 80 : index
      %swap3A_1150 = tpu.vector_load %arg6[%swap3A_1148, %swap3A_1149] {strides = array<i32>} : memref<3x128xi32, #tpu.memory_space<vmem>>, vector<16xi32>,
      tpu.vector_store %arg6[%swap3A_1148, %swap3A_1149], %gather3A_1146 {strides = array<i32>} : memref<3x128xi32, #tpu.memory_space<vmem>>, vector<16xi32>,
      %add3A_1151 = arith.constant 96 : i32
      %add3A_1152 = arith.addi %mul3A_1078, %add3A_1151 : i32
      %mul3A_1153 = arith.constant 50 : i32
      %mul3A_1154 = arith.muli %add3A_1152, %mul3A_1153 : i32
      %add3A_1155 = arith.addi %mul3A_1154, %select_n3A_1060 : i32
      %add3A_1156 = vector.broadcast %add3A_1155 : i32 to vector<16xi32>
      %add3A_1157 = arith.addi %mul3A_7, %add3A_1156 : vector<16xi32>
      %gather3A_1158 = tpu.vector_load_idx %arg5[%add3A_1157] : memref<25600xi32, #tpu.memory_space<vmem>>[vector<16xi32>], vector<16xi32>,
      %swap3A_1159 = arith.constant 0 : i32
      %swap3A_1160 = arith.index_cast %swap3A_1159 : i32 to index
      %swap3A_1161 = arith.constant 96 : index
      %swap3A_1162 = tpu.vector_load %arg6[%swap3A_1160, %swap3A_1161] {strides = array<i32>} : memref<3x128xi32, #tpu.memory_space<vmem>>, vector<16xi32>,
      tpu.vector_store %arg6[%swap3A_1160, %swap3A_1161], %gather3A_1158 {strides = array<i32>} : memref<3x128xi32, #tpu.memory_space<vmem>>, vector<16xi32>,
      %add3A_1163 = arith.constant 112 : i32
      %add3A_1164 = arith.addi %mul3A_1078, %add3A_1163 : i32
      %mul3A_1165 = arith.constant 50 : i32
      %mul3A_1166 = arith.muli %add3A_1164, %mul3A_1165 : i32
      %add3A_1167 = arith.addi %mul3A_1166, %select_n3A_1060 : i32
      %add3A_1168 = vector.broadcast %add3A_1167 : i32 to vector<16xi32>
      %add3A_1169 = arith.addi %mul3A_7, %add3A_1168 : vector<16xi32>
      %gather3A_1170 = tpu.vector_load_idx %arg5[%add3A_1169] : memref<25600xi32, #tpu.memory_space<vmem>>[vector<16xi32>], vector<16xi32>,
      %swap3A_1171 = arith.constant 0 : i32
      %swap3A_1172 = arith.index_cast %swap3A_1171 : i32 to index
      %swap3A_1173 = arith.constant 112 : index
      %swap3A_1174 = tpu.vector_load %arg6[%swap3A_1172, %swap3A_1173] {strides = array<i32>} : memref<3x128xi32, #tpu.memory_space<vmem>>, vector<16xi32>,
      tpu.vector_store %arg6[%swap3A_1172, %swap3A_1173], %gather3A_1170 {strides = array<i32>} : memref<3x128xi32, #tpu.memory_space<vmem>>, vector<16xi32>,
      %dma_start3A_1175 = arith.constant 0 : i32
      %dma_start3A_1176 = arith.constant 0 : i32
      %dma_start3A_1177 = arith.constant 0 : i32
      %dma_start3A_1178 = arith.constant 0 : i32
      %dma_start3A_1179 = tpu.memref_slice %arg7[%dma_start3A_1176, %dma_start3A_1177, %dma_start3A_1178] : memref<3x128x64xf32, #tpu.memory_space<vmem>> -> memref<1x128x64xf32, #tpu.memory_space<vmem>>
      %dma_start3A_1180 = tpu.memref_squeeze %dma_start3A_1179 : memref<1x128x64xf32, #tpu.memory_space<vmem>> -> memref<128x64xf32, #tpu.memory_space<vmem>>
      %dma_start3A_1181 = arith.constant 0 : i32
      %dma_start3A_1182 = tpu.memref_slice %arg6[%dma_start3A_1175, %dma_start3A_1181] : memref<3x128xi32, #tpu.memory_space<vmem>> -> memref<1x128xi32, #tpu.memory_space<vmem>>
      %dma_start3A_1183 = tpu.memref_squeeze %dma_start3A_1182 : memref<1x128xi32, #tpu.memory_space<vmem>> -> memref<128xi32, #tpu.memory_space<vmem>>
      %dma_start3A_1184 = arith.constant 0 : i32
      %dma_start3A_1185 = arith.constant 0 : i32
      %dma_start3A_1186 = tpu.memref_slice %arg3[%dma_start3A_1184, %dma_start3A_1185] : memref<1000000x64xf32, #tpu.memory_space<hbm>> -> memref<1000000x64xf32, #tpu.memory_space<hbm>>
      tpu.enqueue_indirect_dma source(%dma_start3A_1186 : memref<1000000x64xf32, #tpu.memory_space<hbm>>) target(%dma_start3A_1180 : memref<128x64xf32, #tpu.memory_space<vmem>>) offsets(%dma_start3A_1183 : memref<128xi32, #tpu.memory_space<vmem>>) semaphore(%arg9 : memref<!tpu.dma_semaphore, #tpu.memory_space<semaphore_mem>>)
      %dma_wait3A_1187 = arith.constant 0 : i32
      %dma_wait3A_1188 = arith.constant 1 : i32
      %dma_wait3A_1189 = arith.constant 0 : i32
      %dma_wait3A_1190 = arith.constant 0 : i32
      %dma_wait3A_1191 = tpu.memref_slice %arg7[%dma_wait3A_1188, %dma_wait3A_1189, %dma_wait3A_1190] : memref<3x128x64xf32, #tpu.memory_space<vmem>> -> memref<1x128x64xf32, #tpu.memory_space<vmem>>
      %dma_wait3A_1192 = tpu.memref_squeeze %dma_wait3A_1191 : memref<1x128x64xf32, #tpu.memory_space<vmem>> -> memref<128x64xf32, #tpu.memory_space<vmem>>
      %dma_wait3A_1193 = arith.constant 0 : i32
      %dma_wait3A_1194 = tpu.memref_slice %arg6[%dma_wait3A_1187, %dma_wait3A_1193] : memref<3x128xi32, #tpu.memory_space<vmem>> -> memref<1x128xi32, #tpu.memory_space<vmem>>
      %dma_wait3A_1195 = tpu.memref_squeeze %dma_wait3A_1194 : memref<1x128xi32, #tpu.memory_space<vmem>> -> memref<128xi32, #tpu.memory_space<vmem>>
      %dma_wait3A_1196 = arith.constant 0 : i32
      %dma_wait3A_1197 = arith.constant 0 : i32
      %dma_wait3A_1198 = tpu.memref_slice %arg3[%dma_wait3A_1196, %dma_wait3A_1197] : memref<1000000x64xf32, #tpu.memory_space<hbm>> -> memref<1000000x64xf32, #tpu.memory_space<hbm>>
      tpu.wait_indirect_dma semaphore(%arg10 : memref<!tpu.dma_semaphore, #tpu.memory_space<semaphore_mem>>) src(%dma_wait3A_1198 : memref<1000000x64xf32, #tpu.memory_space<hbm>>) dst(%dma_wait3A_1192 : memref<128x64xf32, #tpu.memory_space<vmem>>)
      %scan3A_1199 = arith.constant 0 : i32
      %scan3A_1200 = arith.constant 1 : i32
      %scan3A_1201 = arith.constant 1 : i32
      %scan3A_1202 = arith.constant 0 : i32
      %scan3A_1203 = arith.constant 32 : i32
      %scan3A_1204 = arith.addi %scan3A_1202, %scan3A_1203 : i32
      %scan3A_1205 = arith.constant 1 : i32
      scf.for %scan3A_1532 = %scan3A_1202 to %scan3A_1204 step %scan3A_1205  : i32 {
        %mul3A_1533 = arith.constant 2 : i32
        %mul3A_1534 = arith.muli %scan3A_1532, %mul3A_1533 : i32
        %add3A_1535 = arith.constant 0 : i32
        %add3A_1536 = arith.addi %mul3A_1534, %add3A_1535 : i32
        %add3A_1537 = vector.broadcast %add3A_1536 : i32 to vector<16xi32>
        %add3A_1538 = arith.addi %iota3A, %add3A_1537 : vector<16xi32>
        %and3A_1539 = arith.constant 63 : i32
        %and3A_1540 = vector.broadcast %and3A_1539 : i32 to vector<16xi32>
        %and3A_1541 = arith.andi %add3A_1538, %and3A_1540 : vector<16xi32>
        %shift_right_logical3A = arith.constant 3 : i32
        %shift_right_logical3A_1542 = vector.broadcast %shift_right_logical3A : i32 to vector<16xi32>
        %shift_right_logical3A_1543 = arith.shrui %and3A_1541, %shift_right_logical3A_1542 : vector<16xi32>
        %and3A_1544 = arith.constant 7 : i32
        %and3A_1545 = vector.broadcast %and3A_1544 : i32 to vector<16xi32>
        %and3A_1546 = arith.andi %and3A_1541, %and3A_1545 : vector<16xi32>
        %gather3A_1547 = arith.constant 0 : i32
        %gather3A_1548 = arith.constant 0 : i32
        %gather3A_1549 = tpu.memref_slice %arg7[%scan3A_1200, %gather3A_1547, %gather3A_1548] : memref<3x128x64xf32, #tpu.memory_space<vmem>> -> memref<1x128x64xf32, #tpu.memory_space<vmem>>
        %gather3A_1550 = tpu.memref_squeeze %gather3A_1549 : memref<1x128x64xf32, #tpu.memory_space<vmem>> -> memref<128x64xf32, #tpu.memory_space<vmem>>
        %gather3A_1551 = tpu.vector_load_idx %gather3A_1550[%add3A_10, %and3A_1541] : memref<128x64xf32, #tpu.memory_space<vmem>>[vector<16xi32>, vector<16xi32>], vector<16xf32>,
        %gather3A_1552 = arith.constant 0 : i32
        %gather3A_1553 = arith.constant 0 : i32
        %gather3A_1554 = tpu.memref_slice %arg7[%scan3A_1200, %gather3A_1552, %gather3A_1553] : memref<3x128x64xf32, #tpu.memory_space<vmem>> -> memref<1x128x64xf32, #tpu.memory_space<vmem>>
        %gather3A_1555 = tpu.memref_squeeze %gather3A_1554 : memref<1x128x64xf32, #tpu.memory_space<vmem>> -> memref<128x64xf32, #tpu.memory_space<vmem>>
        %gather3A_1556 = tpu.vector_load_idx %gather3A_1555[%add3A_13, %and3A_1541] : memref<128x64xf32, #tpu.memory_space<vmem>>[vector<16xi32>, vector<16xi32>], vector<16xf32>,
        %gather3A_1557 = arith.constant 0 : i32
        %gather3A_1558 = arith.constant 0 : i32
        %gather3A_1559 = tpu.memref_slice %arg7[%scan3A_1200, %gather3A_1557, %gather3A_1558] : memref<3x128x64xf32, #tpu.memory_space<vmem>> -> memref<1x128x64xf32, #tpu.memory_space<vmem>>
        %gather3A_1560 = tpu.memref_squeeze %gather3A_1559 : memref<1x128x64xf32, #tpu.memory_space<vmem>> -> memref<128x64xf32, #tpu.memory_space<vmem>>
        %gather3A_1561 = tpu.vector_load_idx %gather3A_1560[%add3A_16, %and3A_1541] : memref<128x64xf32, #tpu.memory_space<vmem>>[vector<16xi32>, vector<16xi32>], vector<16xf32>,
        %gather3A_1562 = arith.constant 0 : i32
        %gather3A_1563 = arith.constant 0 : i32
        %gather3A_1564 = tpu.memref_slice %arg7[%scan3A_1200, %gather3A_1562, %gather3A_1563] : memref<3x128x64xf32, #tpu.memory_space<vmem>> -> memref<1x128x64xf32, #tpu.memory_space<vmem>>
        %gather3A_1565 = tpu.memref_squeeze %gather3A_1564 : memref<1x128x64xf32, #tpu.memory_space<vmem>> -> memref<128x64xf32, #tpu.memory_space<vmem>>
        %gather3A_1566 = tpu.vector_load_idx %gather3A_1565[%add3A_19, %and3A_1541] : memref<128x64xf32, #tpu.memory_space<vmem>>[vector<16xi32>, vector<16xi32>], vector<16xf32>,
        %gather3A_1567 = arith.constant 0 : i32
        %gather3A_1568 = arith.constant 0 : i32
        %gather3A_1569 = tpu.memref_slice %arg7[%scan3A_1200, %gather3A_1567, %gather3A_1568] : memref<3x128x64xf32, #tpu.memory_space<vmem>> -> memref<1x128x64xf32, #tpu.memory_space<vmem>>
        %gather3A_1570 = tpu.memref_squeeze %gather3A_1569 : memref<1x128x64xf32, #tpu.memory_space<vmem>> -> memref<128x64xf32, #tpu.memory_space<vmem>>
        %gather3A_1571 = tpu.vector_load_idx %gather3A_1570[%add3A_22, %and3A_1541] : memref<128x64xf32, #tpu.memory_space<vmem>>[vector<16xi32>, vector<16xi32>], vector<16xf32>,
        %gather3A_1572 = arith.constant 0 : i32
        %gather3A_1573 = arith.constant 0 : i32
        %gather3A_1574 = tpu.memref_slice %arg7[%scan3A_1200, %gather3A_1572, %gather3A_1573] : memref<3x128x64xf32, #tpu.memory_space<vmem>> -> memref<1x128x64xf32, #tpu.memory_space<vmem>>
        %gather3A_1575 = tpu.memref_squeeze %gather3A_1574 : memref<1x128x64xf32, #tpu.memory_space<vmem>> -> memref<128x64xf32, #tpu.memory_space<vmem>>
        %gather3A_1576 = tpu.vector_load_idx %gather3A_1575[%add3A_25, %and3A_1541] : memref<128x64xf32, #tpu.memory_space<vmem>>[vector<16xi32>, vector<16xi32>], vector<16xf32>,
        %gather3A_1577 = arith.constant 0 : i32
        %gather3A_1578 = arith.constant 0 : i32
        %gather3A_1579 = tpu.memref_slice %arg7[%scan3A_1200, %gather3A_1577, %gather3A_1578] : memref<3x128x64xf32, #tpu.memory_space<vmem>> -> memref<1x128x64xf32, #tpu.memory_space<vmem>>
        %gather3A_1580 = tpu.memref_squeeze %gather3A_1579 : memref<1x128x64xf32, #tpu.memory_space<vmem>> -> memref<128x64xf32, #tpu.memory_space<vmem>>
        %gather3A_1581 = tpu.vector_load_idx %gather3A_1580[%add3A_28, %and3A_1541] : memref<128x64xf32, #tpu.memory_space<vmem>>[vector<16xi32>, vector<16xi32>], vector<16xf32>,
        %gather3A_1582 = arith.constant 0 : i32
        %gather3A_1583 = arith.constant 0 : i32
        %gather3A_1584 = tpu.memref_slice %arg7[%scan3A_1200, %gather3A_1582, %gather3A_1583] : memref<3x128x64xf32, #tpu.memory_space<vmem>> -> memref<1x128x64xf32, #tpu.memory_space<vmem>>
        %gather3A_1585 = tpu.memref_squeeze %gather3A_1584 : memref<1x128x64xf32, #tpu.memory_space<vmem>> -> memref<128x64xf32, #tpu.memory_space<vmem>>
        %gather3A_1586 = tpu.vector_load_idx %gather3A_1585[%add3A_31, %and3A_1541] : memref<128x64xf32, #tpu.memory_space<vmem>>[vector<16xi32>, vector<16xi32>], vector<16xf32>,
        %scatter3A = arith.constant 0 : i32
        %scatter3A_1587 = arith.constant 0 : i32
        %scatter3A_1588 = arith.constant 0 : i32
        %scatter3A_1589 = tpu.memref_slice %arg8[%scan3A_1201, %scatter3A, %scatter3A_1587, %scatter3A_1588] : memref<3x8x8x128xf32, #tpu.memory_space<vmem>> -> memref<1x8x8x128xf32, #tpu.memory_space<vmem>>
        %scatter3A_1590 = tpu.memref_squeeze %scatter3A_1589 : memref<1x8x8x128xf32, #tpu.memory_space<vmem>> -> memref<8x8x128xf32, #tpu.memory_space<vmem>>
        tpu.vector_store_idx %scatter3A_1590[%shift_right_logical3A_1543, %and3A_1546, %add3A_10], %gather3A_1551 : memref<8x8x128xf32, #tpu.memory_space<vmem>>[vector<16xi32>, vector<16xi32>, vector<16xi32>], vector<16xf32>,
        %scatter3A_1591 = arith.constant 0 : i32
        %scatter3A_1592 = arith.constant 0 : i32
        %scatter3A_1593 = arith.constant 0 : i32
        %scatter3A_1594 = tpu.memref_slice %arg8[%scan3A_1201, %scatter3A_1591, %scatter3A_1592, %scatter3A_1593] : memref<3x8x8x128xf32, #tpu.memory_space<vmem>> -> memref<1x8x8x128xf32, #tpu.memory_space<vmem>>
        %scatter3A_1595 = tpu.memref_squeeze %scatter3A_1594 : memref<1x8x8x128xf32, #tpu.memory_space<vmem>> -> memref<8x8x128xf32, #tpu.memory_space<vmem>>
        tpu.vector_store_idx %scatter3A_1595[%shift_right_logical3A_1543, %and3A_1546, %add3A_13], %gather3A_1556 : memref<8x8x128xf32, #tpu.memory_space<vmem>>[vector<16xi32>, vector<16xi32>, vector<16xi32>], vector<16xf32>,
        %scatter3A_1596 = arith.constant 0 : i32
        %scatter3A_1597 = arith.constant 0 : i32
        %scatter3A_1598 = arith.constant 0 : i32
        %scatter3A_1599 = tpu.memref_slice %arg8[%scan3A_1201, %scatter3A_1596, %scatter3A_1597, %scatter3A_1598] : memref<3x8x8x128xf32, #tpu.memory_space<vmem>> -> memref<1x8x8x128xf32, #tpu.memory_space<vmem>>
        %scatter3A_1600 = tpu.memref_squeeze %scatter3A_1599 : memref<1x8x8x128xf32, #tpu.memory_space<vmem>> -> memref<8x8x128xf32, #tpu.memory_space<vmem>>
        tpu.vector_store_idx %scatter3A_1600[%shift_right_logical3A_1543, %and3A_1546, %add3A_16], %gather3A_1561 : memref<8x8x128xf32, #tpu.memory_space<vmem>>[vector<16xi32>, vector<16xi32>, vector<16xi32>], vector<16xf32>,
        %scatter3A_1601 = arith.constant 0 : i32
        %scatter3A_1602 = arith.constant 0 : i32
        %scatter3A_1603 = arith.constant 0 : i32
        %scatter3A_1604 = tpu.memref_slice %arg8[%scan3A_1201, %scatter3A_1601, %scatter3A_1602, %scatter3A_1603] : memref<3x8x8x128xf32, #tpu.memory_space<vmem>> -> memref<1x8x8x128xf32, #tpu.memory_space<vmem>>
        %scatter3A_1605 = tpu.memref_squeeze %scatter3A_1604 : memref<1x8x8x128xf32, #tpu.memory_space<vmem>> -> memref<8x8x128xf32, #tpu.memory_space<vmem>>
        tpu.vector_store_idx %scatter3A_1605[%shift_right_logical3A_1543, %and3A_1546, %add3A_19], %gather3A_1566 : memref<8x8x128xf32, #tpu.memory_space<vmem>>[vector<16xi32>, vector<16xi32>, vector<16xi32>], vector<16xf32>,
        %scatter3A_1606 = arith.constant 0 : i32
        %scatter3A_1607 = arith.constant 0 : i32
        %scatter3A_1608 = arith.constant 0 : i32
        %scatter3A_1609 = tpu.memref_slice %arg8[%scan3A_1201, %scatter3A_1606, %scatter3A_1607, %scatter3A_1608] : memref<3x8x8x128xf32, #tpu.memory_space<vmem>> -> memref<1x8x8x128xf32, #tpu.memory_space<vmem>>
        %scatter3A_1610 = tpu.memref_squeeze %scatter3A_1609 : memref<1x8x8x128xf32, #tpu.memory_space<vmem>> -> memref<8x8x128xf32, #tpu.memory_space<vmem>>
        tpu.vector_store_idx %scatter3A_1610[%shift_right_logical3A_1543, %and3A_1546, %add3A_22], %gather3A_1571 : memref<8x8x128xf32, #tpu.memory_space<vmem>>[vector<16xi32>, vector<16xi32>, vector<16xi32>], vector<16xf32>,
        %scatter3A_1611 = arith.constant 0 : i32
        %scatter3A_1612 = arith.constant 0 : i32
        %scatter3A_1613 = arith.constant 0 : i32
        %scatter3A_1614 = tpu.memref_slice %arg8[%scan3A_1201, %scatter3A_1611, %scatter3A_1612, %scatter3A_1613] : memref<3x8x8x128xf32, #tpu.memory_space<vmem>> -> memref<1x8x8x128xf32, #tpu.memory_space<vmem>>
        %scatter3A_1615 = tpu.memref_squeeze %scatter3A_1614 : memref<1x8x8x128xf32, #tpu.memory_space<vmem>> -> memref<8x8x128xf32, #tpu.memory_space<vmem>>
        tpu.vector_store_idx %scatter3A_1615[%shift_right_logical3A_1543, %and3A_1546, %add3A_25], %gather3A_1576 : memref<8x8x128xf32, #tpu.memory_space<vmem>>[vector<16xi32>, vector<16xi32>, vector<16xi32>], vector<16xf32>,
        %scatter3A_1616 = arith.constant 0 : i32
        %scatter3A_1617 = arith.constant 0 : i32
        %scatter3A_1618 = arith.constant 0 : i32
        %scatter3A_1619 = tpu.memref_slice %arg8[%scan3A_1201, %scatter3A_1616, %scatter3A_1617, %scatter3A_1618] : memref<3x8x8x128xf32, #tpu.memory_space<vmem>> -> memref<1x8x8x128xf32, #tpu.memory_space<vmem>>
        %scatter3A_1620 = tpu.memref_squeeze %scatter3A_1619 : memref<1x8x8x128xf32, #tpu.memory_space<vmem>> -> memref<8x8x128xf32, #tpu.memory_space<vmem>>
        tpu.vector_store_idx %scatter3A_1620[%shift_right_logical3A_1543, %and3A_1546, %add3A_28], %gather3A_1581 : memref<8x8x128xf32, #tpu.memory_space<vmem>>[vector<16xi32>, vector<16xi32>, vector<16xi32>], vector<16xf32>,
        %scatter3A_1621 = arith.constant 0 : i32
        %scatter3A_1622 = arith.constant 0 : i32
        %scatter3A_1623 = arith.constant 0 : i32
        %scatter3A_1624 = tpu.memref_slice %arg8[%scan3A_1201, %scatter3A_1621, %scatter3A_1622, %scatter3A_1623] : memref<3x8x8x128xf32, #tpu.memory_space<vmem>> -> memref<1x8x8x128xf32, #tpu.memory_space<vmem>>
        %scatter3A_1625 = tpu.memref_squeeze %scatter3A_1624 : memref<1x8x8x128xf32, #tpu.memory_space<vmem>> -> memref<8x8x128xf32, #tpu.memory_space<vmem>>
        tpu.vector_store_idx %scatter3A_1625[%shift_right_logical3A_1543, %and3A_1546, %add3A_31], %gather3A_1586 : memref<8x8x128xf32, #tpu.memory_space<vmem>>[vector<16xi32>, vector<16xi32>, vector<16xi32>], vector<16xf32>,
        %mul3A_1626 = arith.constant 2 : i32
        %mul3A_1627 = arith.muli %scan3A_1532, %mul3A_1626 : i32
        %add3A_1628 = arith.constant 1 : i32
        %add3A_1629 = arith.addi %mul3A_1627, %add3A_1628 : i32
        %add3A_1630 = vector.broadcast %add3A_1629 : i32 to vector<16xi32>
        %add3A_1631 = arith.addi %iota3A, %add3A_1630 : vector<16xi32>
        %and3A_1632 = arith.constant 63 : i32
        %and3A_1633 = vector.broadcast %and3A_1632 : i32 to vector<16xi32>
        %and3A_1634 = arith.andi %add3A_1631, %and3A_1633 : vector<16xi32>
        %shift_right_logical3A_1635 = arith.constant 3 : i32
        %shift_right_logical3A_1636 = vector.broadcast %shift_right_logical3A_1635 : i32 to vector<16xi32>
        %shift_right_logical3A_1637 = arith.shrui %and3A_1634, %shift_right_logical3A_1636 : vector<16xi32>
        %and3A_1638 = arith.constant 7 : i32
        %and3A_1639 = vector.broadcast %and3A_1638 : i32 to vector<16xi32>
        %and3A_1640 = arith.andi %and3A_1634, %and3A_1639 : vector<16xi32>
        %gather3A_1641 = arith.constant 0 : i32
        %gather3A_1642 = arith.constant 0 : i32
        %gather3A_1643 = tpu.memref_slice %arg7[%scan3A_1200, %gather3A_1641, %gather3A_1642] : memref<3x128x64xf32, #tpu.memory_space<vmem>> -> memref<1x128x64xf32, #tpu.memory_space<vmem>>
        %gather3A_1644 = tpu.memref_squeeze %gather3A_1643 : memref<1x128x64xf32, #tpu.memory_space<vmem>> -> memref<128x64xf32, #tpu.memory_space<vmem>>
        %gather3A_1645 = tpu.vector_load_idx %gather3A_1644[%add3A_10, %and3A_1634] : memref<128x64xf32, #tpu.memory_space<vmem>>[vector<16xi32>, vector<16xi32>], vector<16xf32>,
        %gather3A_1646 = arith.constant 0 : i32
        %gather3A_1647 = arith.constant 0 : i32
        %gather3A_1648 = tpu.memref_slice %arg7[%scan3A_1200, %gather3A_1646, %gather3A_1647] : memref<3x128x64xf32, #tpu.memory_space<vmem>> -> memref<1x128x64xf32, #tpu.memory_space<vmem>>
        %gather3A_1649 = tpu.memref_squeeze %gather3A_1648 : memref<1x128x64xf32, #tpu.memory_space<vmem>> -> memref<128x64xf32, #tpu.memory_space<vmem>>
        %gather3A_1650 = tpu.vector_load_idx %gather3A_1649[%add3A_13, %and3A_1634] : memref<128x64xf32, #tpu.memory_space<vmem>>[vector<16xi32>, vector<16xi32>], vector<16xf32>,
        %gather3A_1651 = arith.constant 0 : i32
        %gather3A_1652 = arith.constant 0 : i32
        %gather3A_1653 = tpu.memref_slice %arg7[%scan3A_1200, %gather3A_1651, %gather3A_1652] : memref<3x128x64xf32, #tpu.memory_space<vmem>> -> memref<1x128x64xf32, #tpu.memory_space<vmem>>
        %gather3A_1654 = tpu.memref_squeeze %gather3A_1653 : memref<1x128x64xf32, #tpu.memory_space<vmem>> -> memref<128x64xf32, #tpu.memory_space<vmem>>
        %gather3A_1655 = tpu.vector_load_idx %gather3A_1654[%add3A_16, %and3A_1634] : memref<128x64xf32, #tpu.memory_space<vmem>>[vector<16xi32>, vector<16xi32>], vector<16xf32>,
        %gather3A_1656 = arith.constant 0 : i32
        %gather3A_1657 = arith.constant 0 : i32
        %gather3A_1658 = tpu.memref_slice %arg7[%scan3A_1200, %gather3A_1656, %gather3A_1657] : memref<3x128x64xf32, #tpu.memory_space<vmem>> -> memref<1x128x64xf32, #tpu.memory_space<vmem>>
        %gather3A_1659 = tpu.memref_squeeze %gather3A_1658 : memref<1x128x64xf32, #tpu.memory_space<vmem>> -> memref<128x64xf32, #tpu.memory_space<vmem>>
        %gather3A_1660 = tpu.vector_load_idx %gather3A_1659[%add3A_19, %and3A_1634] : memref<128x64xf32, #tpu.memory_space<vmem>>[vector<16xi32>, vector<16xi32>], vector<16xf32>,
        %gather3A_1661 = arith.constant 0 : i32
        %gather3A_1662 = arith.constant 0 : i32
        %gather3A_1663 = tpu.memref_slice %arg7[%scan3A_1200, %gather3A_1661, %gather3A_1662] : memref<3x128x64xf32, #tpu.memory_space<vmem>> -> memref<1x128x64xf32, #tpu.memory_space<vmem>>
        %gather3A_1664 = tpu.memref_squeeze %gather3A_1663 : memref<1x128x64xf32, #tpu.memory_space<vmem>> -> memref<128x64xf32, #tpu.memory_space<vmem>>
        %gather3A_1665 = tpu.vector_load_idx %gather3A_1664[%add3A_22, %and3A_1634] : memref<128x64xf32, #tpu.memory_space<vmem>>[vector<16xi32>, vector<16xi32>], vector<16xf32>,
        %gather3A_1666 = arith.constant 0 : i32
        %gather3A_1667 = arith.constant 0 : i32
        %gather3A_1668 = tpu.memref_slice %arg7[%scan3A_1200, %gather3A_1666, %gather3A_1667] : memref<3x128x64xf32, #tpu.memory_space<vmem>> -> memref<1x128x64xf32, #tpu.memory_space<vmem>>
        %gather3A_1669 = tpu.memref_squeeze %gather3A_1668 : memref<1x128x64xf32, #tpu.memory_space<vmem>> -> memref<128x64xf32, #tpu.memory_space<vmem>>
        %gather3A_1670 = tpu.vector_load_idx %gather3A_1669[%add3A_25, %and3A_1634] : memref<128x64xf32, #tpu.memory_space<vmem>>[vector<16xi32>, vector<16xi32>], vector<16xf32>,
        %gather3A_1671 = arith.constant 0 : i32
        %gather3A_1672 = arith.constant 0 : i32
        %gather3A_1673 = tpu.memref_slice %arg7[%scan3A_1200, %gather3A_1671, %gather3A_1672] : memref<3x128x64xf32, #tpu.memory_space<vmem>> -> memref<1x128x64xf32, #tpu.memory_space<vmem>>
        %gather3A_1674 = tpu.memref_squeeze %gather3A_1673 : memref<1x128x64xf32, #tpu.memory_space<vmem>> -> memref<128x64xf32, #tpu.memory_space<vmem>>
        %gather3A_1675 = tpu.vector_load_idx %gather3A_1674[%add3A_28, %and3A_1634] : memref<128x64xf32, #tpu.memory_space<vmem>>[vector<16xi32>, vector<16xi32>], vector<16xf32>,
        %gather3A_1676 = arith.constant 0 : i32
        %gather3A_1677 = arith.constant 0 : i32
        %gather3A_1678 = tpu.memref_slice %arg7[%scan3A_1200, %gather3A_1676, %gather3A_1677] : memref<3x128x64xf32, #tpu.memory_space<vmem>> -> memref<1x128x64xf32, #tpu.memory_space<vmem>>
        %gather3A_1679 = tpu.memref_squeeze %gather3A_1678 : memref<1x128x64xf32, #tpu.memory_space<vmem>> -> memref<128x64xf32, #tpu.memory_space<vmem>>
        %gather3A_1680 = tpu.vector_load_idx %gather3A_1679[%add3A_31, %and3A_1634] : memref<128x64xf32, #tpu.memory_space<vmem>>[vector<16xi32>, vector<16xi32>], vector<16xf32>,
        %scatter3A_1681 = arith.constant 0 : i32
        %scatter3A_1682 = arith.constant 0 : i32
        %scatter3A_1683 = arith.constant 0 : i32
        %scatter3A_1684 = tpu.memref_slice %arg8[%scan3A_1201, %scatter3A_1681, %scatter3A_1682, %scatter3A_1683] : memref<3x8x8x128xf32, #tpu.memory_space<vmem>> -> memref<1x8x8x128xf32, #tpu.memory_space<vmem>>
        %scatter3A_1685 = tpu.memref_squeeze %scatter3A_1684 : memref<1x8x8x128xf32, #tpu.memory_space<vmem>> -> memref<8x8x128xf32, #tpu.memory_space<vmem>>
        tpu.vector_store_idx %scatter3A_1685[%shift_right_logical3A_1637, %and3A_1640, %add3A_10], %gather3A_1645 : memref<8x8x128xf32, #tpu.memory_space<vmem>>[vector<16xi32>, vector<16xi32>, vector<16xi32>], vector<16xf32>,
        %scatter3A_1686 = arith.constant 0 : i32
        %scatter3A_1687 = arith.constant 0 : i32
        %scatter3A_1688 = arith.constant 0 : i32
        %scatter3A_1689 = tpu.memref_slice %arg8[%scan3A_1201, %scatter3A_1686, %scatter3A_1687, %scatter3A_1688] : memref<3x8x8x128xf32, #tpu.memory_space<vmem>> -> memref<1x8x8x128xf32, #tpu.memory_space<vmem>>
        %scatter3A_1690 = tpu.memref_squeeze %scatter3A_1689 : memref<1x8x8x128xf32, #tpu.memory_space<vmem>> -> memref<8x8x128xf32, #tpu.memory_space<vmem>>
        tpu.vector_store_idx %scatter3A_1690[%shift_right_logical3A_1637, %and3A_1640, %add3A_13], %gather3A_1650 : memref<8x8x128xf32, #tpu.memory_space<vmem>>[vector<16xi32>, vector<16xi32>, vector<16xi32>], vector<16xf32>,
        %scatter3A_1691 = arith.constant 0 : i32
        %scatter3A_1692 = arith.constant 0 : i32
        %scatter3A_1693 = arith.constant 0 : i32
        %scatter3A_1694 = tpu.memref_slice %arg8[%scan3A_1201, %scatter3A_1691, %scatter3A_1692, %scatter3A_1693] : memref<3x8x8x128xf32, #tpu.memory_space<vmem>> -> memref<1x8x8x128xf32, #tpu.memory_space<vmem>>
        %scatter3A_1695 = tpu.memref_squeeze %scatter3A_1694 : memref<1x8x8x128xf32, #tpu.memory_space<vmem>> -> memref<8x8x128xf32, #tpu.memory_space<vmem>>
        tpu.vector_store_idx %scatter3A_1695[%shift_right_logical3A_1637, %and3A_1640, %add3A_16], %gather3A_1655 : memref<8x8x128xf32, #tpu.memory_space<vmem>>[vector<16xi32>, vector<16xi32>, vector<16xi32>], vector<16xf32>,
        %scatter3A_1696 = arith.constant 0 : i32
        %scatter3A_1697 = arith.constant 0 : i32
        %scatter3A_1698 = arith.constant 0 : i32
        %scatter3A_1699 = tpu.memref_slice %arg8[%scan3A_1201, %scatter3A_1696, %scatter3A_1697, %scatter3A_1698] : memref<3x8x8x128xf32, #tpu.memory_space<vmem>> -> memref<1x8x8x128xf32, #tpu.memory_space<vmem>>
        %scatter3A_1700 = tpu.memref_squeeze %scatter3A_1699 : memref<1x8x8x128xf32, #tpu.memory_space<vmem>> -> memref<8x8x128xf32, #tpu.memory_space<vmem>>
        tpu.vector_store_idx %scatter3A_1700[%shift_right_logical3A_1637, %and3A_1640, %add3A_19], %gather3A_1660 : memref<8x8x128xf32, #tpu.memory_space<vmem>>[vector<16xi32>, vector<16xi32>, vector<16xi32>], vector<16xf32>,
        %scatter3A_1701 = arith.constant 0 : i32
        %scatter3A_1702 = arith.constant 0 : i32
        %scatter3A_1703 = arith.constant 0 : i32
        %scatter3A_1704 = tpu.memref_slice %arg8[%scan3A_1201, %scatter3A_1701, %scatter3A_1702, %scatter3A_1703] : memref<3x8x8x128xf32, #tpu.memory_space<vmem>> -> memref<1x8x8x128xf32, #tpu.memory_space<vmem>>
        %scatter3A_1705 = tpu.memref_squeeze %scatter3A_1704 : memref<1x8x8x128xf32, #tpu.memory_space<vmem>> -> memref<8x8x128xf32, #tpu.memory_space<vmem>>
        tpu.vector_store_idx %scatter3A_1705[%shift_right_logical3A_1637, %and3A_1640, %add3A_22], %gather3A_1665 : memref<8x8x128xf32, #tpu.memory_space<vmem>>[vector<16xi32>, vector<16xi32>, vector<16xi32>], vector<16xf32>,
        %scatter3A_1706 = arith.constant 0 : i32
        %scatter3A_1707 = arith.constant 0 : i32
        %scatter3A_1708 = arith.constant 0 : i32
        %scatter3A_1709 = tpu.memref_slice %arg8[%scan3A_1201, %scatter3A_1706, %scatter3A_1707, %scatter3A_1708] : memref<3x8x8x128xf32, #tpu.memory_space<vmem>> -> memref<1x8x8x128xf32, #tpu.memory_space<vmem>>
        %scatter3A_1710 = tpu.memref_squeeze %scatter3A_1709 : memref<1x8x8x128xf32, #tpu.memory_space<vmem>> -> memref<8x8x128xf32, #tpu.memory_space<vmem>>
        tpu.vector_store_idx %scatter3A_1710[%shift_right_logical3A_1637, %and3A_1640, %add3A_25], %gather3A_1670 : memref<8x8x128xf32, #tpu.memory_space<vmem>>[vector<16xi32>, vector<16xi32>, vector<16xi32>], vector<16xf32>,
        %scatter3A_1711 = arith.constant 0 : i32
        %scatter3A_1712 = arith.constant 0 : i32
        %scatter3A_1713 = arith.constant 0 : i32
        %scatter3A_1714 = tpu.memref_slice %arg8[%scan3A_1201, %scatter3A_1711, %scatter3A_1712, %scatter3A_1713] : memref<3x8x8x128xf32, #tpu.memory_space<vmem>> -> memref<1x8x8x128xf32, #tpu.memory_space<vmem>>
        %scatter3A_1715 = tpu.memref_squeeze %scatter3A_1714 : memref<1x8x8x128xf32, #tpu.memory_space<vmem>> -> memref<8x8x128xf32, #tpu.memory_space<vmem>>
        tpu.vector_store_idx %scatter3A_1715[%shift_right_logical3A_1637, %and3A_1640, %add3A_28], %gather3A_1675 : memref<8x8x128xf32, #tpu.memory_space<vmem>>[vector<16xi32>, vector<16xi32>, vector<16xi32>], vector<16xf32>,
        %scatter3A_1716 = arith.constant 0 : i32
        %scatter3A_1717 = arith.constant 0 : i32
        %scatter3A_1718 = arith.constant 0 : i32
        %scatter3A_1719 = tpu.memref_slice %arg8[%scan3A_1201, %scatter3A_1716, %scatter3A_1717, %scatter3A_1718] : memref<3x8x8x128xf32, #tpu.memory_space<vmem>> -> memref<1x8x8x128xf32, #tpu.memory_space<vmem>>
        %scatter3A_1720 = tpu.memref_squeeze %scatter3A_1719 : memref<1x8x8x128xf32, #tpu.memory_space<vmem>> -> memref<8x8x128xf32, #tpu.memory_space<vmem>>
        tpu.vector_store_idx %scatter3A_1720[%shift_right_logical3A_1637, %and3A_1640, %add3A_31], %gather3A_1680 : memref<8x8x128xf32, #tpu.memory_space<vmem>>[vector<16xi32>, vector<16xi32>, vector<16xi32>], vector<16xf32>,
      }
      %scan3A_1206 = arith.constant 32 : i32
      %jit3A_1207 = arith.constant 4 : i32
      %div3A_1208 = arith.divsi %add3A_1011, %jit3A_1207 : i32
      %sign3A_1209 = arith.constant 0 : i32
      %sign3A_1210 = arith.cmpi sgt, %add3A_1011, %sign3A_1209 : i32
      %sign3A_1211 = arith.extui %sign3A_1210 : i1 to i32
      %sign3A_1212 = arith.constant 0 : i32
      %sign3A_1213 = arith.cmpi slt, %add3A_1011, %sign3A_1212 : i32
      %sign3A_1214 = arith.extui %sign3A_1213 : i1 to i32
      %sign3A_1215 = arith.subi %sign3A_1211, %sign3A_1214 : i32
      %sign3A_1216 = arith.constant 0 : i32
      %sign3A_1217 = arith.cmpi sgt, %jit3A_1207, %sign3A_1216 : i32
      %sign3A_1218 = arith.extui %sign3A_1217 : i1 to i32
      %sign3A_1219 = arith.constant 0 : i32
      %sign3A_1220 = arith.cmpi slt, %jit3A_1207, %sign3A_1219 : i32
      %sign3A_1221 = arith.extui %sign3A_1220 : i1 to i32
      %sign3A_1222 = arith.subi %sign3A_1218, %sign3A_1221 : i32
      %ne3A_1223 = arith.cmpi ne, %sign3A_1215, %sign3A_1222 : i32
      %rem3A_1224 = arith.remsi %add3A_1011, %jit3A_1207 : i32
      %ne3A_1225 = arith.constant 0 : i32
      %ne3A_1226 = arith.cmpi ne, %rem3A_1224, %ne3A_1225 : i32
      %and3A_1227 = arith.andi %ne3A_1223, %ne3A_1226 : i1
      %sub3A_1228 = arith.constant 1 : i32
      %sub3A_1229 = arith.subi %div3A_1208, %sub3A_1228 : i32
      %select_n3A_1230 = arith.select %and3A_1227, %sub3A_1229, %div3A_1208 : i32
      %mul3A_1231 = arith.constant 4 : i32
      %mul3A_1232 = arith.muli %add3A, %mul3A_1231 : i32
      %jit3A_1233 = arith.constant 4 : i32
      %eq3A_1234 = arith.constant 0 : i32
      %eq3A_1235 = arith.cmpi eq, %jit3A_1233, %eq3A_1234 : i32
      %jit3A_1236 = arith.constant 1 : i32
      %select_n3A_1237 = arith.select %eq3A_1235, %jit3A_1236, %jit3A_1233 : i32
      %rem3A_1238 = arith.remsi %add3A_1011, %select_n3A_1237 : i32
      %ne3A_1239 = arith.constant 0 : i32
      %ne3A_1240 = arith.cmpi ne, %rem3A_1238, %ne3A_1239 : i32
      %lt3A_1241 = arith.constant 0 : i32
      %lt3A_1242 = arith.cmpi slt, %rem3A_1238, %lt3A_1241 : i32
      %lt3A_1243 = arith.constant 0 : i32
      %lt3A_1244 = arith.cmpi slt, %select_n3A_1237, %lt3A_1243 : i32
      %ne3A_1245 = arith.xori %lt3A_1242, %lt3A_1244 : i1
      %and3A_1246 = arith.andi %ne3A_1245, %ne3A_1240 : i1
      %add3A_1247 = arith.addi %rem3A_1238, %select_n3A_1237 : i32
      %select_n3A_1248 = arith.select %and3A_1246, %add3A_1247, %rem3A_1238 : i32
      %add3A_1249 = arith.addi %mul3A_1232, %select_n3A_1248 : i32
      %dma_start3A_1250 = arith.constant 1 : i32
      %dma_start3A_1251 = arith.constant 0 : i32
      %dma_start3A_1252 = arith.constant 0 : i32
      %dma_start3A_1253 = arith.constant 0 : i32
      %dma_start3A_1254 = tpu.memref_slice %arg8[%dma_start3A_1250, %dma_start3A_1251, %dma_start3A_1252, %dma_start3A_1253] : memref<3x8x8x128xf32, #tpu.memory_space<vmem>> -> memref<1x8x8x128xf32, #tpu.memory_space<vmem>>
      %dma_start3A_1255 = tpu.memref_squeeze %dma_start3A_1254 : memref<1x8x8x128xf32, #tpu.memory_space<vmem>> -> memref<8x8x128xf32, #tpu.memory_space<vmem>>
      %dma_start3A_1256 = arith.constant 0 : i32
      %dma_start3A_1257 = arith.constant 0 : i32
      %dma_start3A_1258 = arith.constant 0 : i32
      %dma_start3A_1259 = tpu.memref_slice %arg4[%select_n3A_1230, %dma_start3A_1256, %add3A_1249, %dma_start3A_1257, %dma_start3A_1258] : memref<50x8x128x8x128xf32, #tpu.memory_space<hbm>> -> memref<1x8x1x8x128xf32, #tpu.memory_space<hbm>>
      %dma_start3A_1260 = tpu.memref_squeeze %dma_start3A_1259 : memref<1x8x1x8x128xf32, #tpu.memory_space<hbm>> -> memref<8x8x128xf32, #tpu.memory_space<hbm>>
      %dma_start3A_1261 = arith.constant 0 : i32
      %dma_start3A_1262 = arith.constant 0 : i32
      %dma_start3A_1263 = arith.constant 0 : i32
      %dma_start3A_1264 = tpu.memref_slice %arg4[%select_n3A_1230, %dma_start3A_1261, %add3A_1249, %dma_start3A_1262, %dma_start3A_1263] : memref<50x8x128x8x128xf32, #tpu.memory_space<hbm>> -> memref<1x8x1x8x128xf32, #tpu.memory_space<hbm>>
      %dma_start3A_1265 = tpu.memref_squeeze %dma_start3A_1264 : memref<1x8x1x8x128xf32, #tpu.memory_space<hbm>> -> memref<8x8x128xf32, #tpu.memory_space<hbm>>
      %dma_start3A_1266 = arith.constant 0 : i32
      %dma_start3A_1267 = arith.constant 0 : i32
      %dma_start3A_1268 = arith.constant 0 : i32
      %dma_start3A_1269 = tpu.memref_slice %arg8[%dma_start3A_1250, %dma_start3A_1266, %dma_start3A_1267, %dma_start3A_1268] : memref<3x8x8x128xf32, #tpu.memory_space<vmem>> -> memref<1x8x8x128xf32, #tpu.memory_space<vmem>>
      %dma_start3A_1270 = tpu.memref_squeeze %dma_start3A_1269 : memref<1x8x8x128xf32, #tpu.memory_space<vmem>> -> memref<8x8x128xf32, #tpu.memory_space<vmem>>
      tpu.enqueue_dma source(%dma_start3A_1270 : memref<8x8x128xf32, #tpu.memory_space<vmem>>) target(%dma_start3A_1265 : memref<8x8x128xf32, #tpu.memory_space<hbm>>) target_semaphore(%arg13 : memref<!tpu.dma_semaphore, #tpu.memory_space<semaphore_mem>>)
      %add3A_1271 = arith.constant 2 : i32
      %add3A_1272 = arith.addi %mul3A_760, %add3A_1271 : i32
      %dma_wait3A_1273 = arith.constant 2 : i32
      %dma_wait3A_1274 = arith.constant 0 : i32
      %dma_wait3A_1275 = arith.constant 0 : i32
      %dma_wait3A_1276 = arith.constant 0 : i32
      %dma_wait3A_1277 = arith.constant 0 : i32
      %dma_wait3A_1278 = arith.constant 0 : i32
      %dma_wait3A_1279 = tpu.memref_slice %arg8[%dma_wait3A_1273, %dma_wait3A_1276, %dma_wait3A_1277, %dma_wait3A_1278] : memref<3x8x8x128xf32, #tpu.memory_space<vmem>> -> memref<1x8x8x128xf32, #tpu.memory_space<vmem>>
      %dma_wait3A_1280 = tpu.memref_squeeze %dma_wait3A_1279 : memref<1x8x8x128xf32, #tpu.memory_space<vmem>> -> memref<8x8x128xf32, #tpu.memory_space<vmem>>
      %dma_wait3A_1281 = arith.constant 0 : i32
      %dma_wait3A_1282 = arith.constant 0 : i32
      %dma_wait3A_1283 = arith.constant 0 : i32
      %dma_wait3A_1284 = tpu.memref_slice %arg4[%dma_wait3A_1274, %dma_wait3A_1281, %dma_wait3A_1275, %dma_wait3A_1282, %dma_wait3A_1283] : memref<50x8x128x8x128xf32, #tpu.memory_space<hbm>> -> memref<1x8x1x8x128xf32, #tpu.memory_space<hbm>>
      %dma_wait3A_1285 = tpu.memref_squeeze %dma_wait3A_1284 : memref<1x8x1x8x128xf32, #tpu.memory_space<hbm>> -> memref<8x8x128xf32, #tpu.memory_space<hbm>>
      %dma_wait3A_1286 = arith.constant 0 : i32
      %dma_wait3A_1287 = arith.constant 0 : i32
      %dma_wait3A_1288 = arith.constant 0 : i32
      %dma_wait3A_1289 = tpu.memref_slice %arg4[%dma_wait3A_1274, %dma_wait3A_1286, %dma_wait3A_1275, %dma_wait3A_1287, %dma_wait3A_1288] : memref<50x8x128x8x128xf32, #tpu.memory_space<hbm>> -> memref<1x8x1x8x128xf32, #tpu.memory_space<hbm>>
      %dma_wait3A_1290 = tpu.memref_squeeze %dma_wait3A_1289 : memref<1x8x1x8x128xf32, #tpu.memory_space<hbm>> -> memref<8x8x128xf32, #tpu.memory_space<hbm>>
      %dma_wait3A_1291 = arith.constant 0 : i32
      %dma_wait3A_1292 = arith.constant 0 : i32
      %dma_wait3A_1293 = arith.constant 0 : i32
      %dma_wait3A_1294 = tpu.memref_slice %arg8[%dma_wait3A_1273, %dma_wait3A_1291, %dma_wait3A_1292, %dma_wait3A_1293] : memref<3x8x8x128xf32, #tpu.memory_space<vmem>> -> memref<1x8x8x128xf32, #tpu.memory_space<vmem>>
      %dma_wait3A_1295 = tpu.memref_squeeze %dma_wait3A_1294 : memref<1x8x8x128xf32, #tpu.memory_space<vmem>> -> memref<8x8x128xf32, #tpu.memory_space<vmem>>
      tpu.wait_dma2 semaphore(%arg14 : memref<!tpu.dma_semaphore, #tpu.memory_space<semaphore_mem>>) src(%dma_wait3A_1295 : memref<8x8x128xf32, #tpu.memory_space<vmem>>) dst(%dma_wait3A_1290 : memref<8x8x128xf32, #tpu.memory_space<hbm>>)
      %add3A_1296 = arith.constant 2 : i32
      %add3A_1297 = arith.addi %add3A_1272, %add3A_1296 : i32
      %jit3A_1298 = arith.constant 4 : i32
      %div3A_1299 = arith.divsi %add3A_1297, %jit3A_1298 : i32
      %sign3A_1300 = arith.constant 0 : i32
      %sign3A_1301 = arith.cmpi sgt, %add3A_1297, %sign3A_1300 : i32
      %sign3A_1302 = arith.extui %sign3A_1301 : i1 to i32
      %sign3A_1303 = arith.constant 0 : i32
      %sign3A_1304 = arith.cmpi slt, %add3A_1297, %sign3A_1303 : i32
      %sign3A_1305 = arith.extui %sign3A_1304 : i1 to i32
      %sign3A_1306 = arith.subi %sign3A_1302, %sign3A_1305 : i32
      %sign3A_1307 = arith.constant 0 : i32
      %sign3A_1308 = arith.cmpi sgt, %jit3A_1298, %sign3A_1307 : i32
      %sign3A_1309 = arith.extui %sign3A_1308 : i1 to i32
      %sign3A_1310 = arith.constant 0 : i32
      %sign3A_1311 = arith.cmpi slt, %jit3A_1298, %sign3A_1310 : i32
      %sign3A_1312 = arith.extui %sign3A_1311 : i1 to i32
      %sign3A_1313 = arith.subi %sign3A_1309, %sign3A_1312 : i32
      %ne3A_1314 = arith.cmpi ne, %sign3A_1306, %sign3A_1313 : i32
      %rem3A_1315 = arith.remsi %add3A_1297, %jit3A_1298 : i32
      %ne3A_1316 = arith.constant 0 : i32
      %ne3A_1317 = arith.cmpi ne, %rem3A_1315, %ne3A_1316 : i32
      %and3A_1318 = arith.andi %ne3A_1314, %ne3A_1317 : i1
      %sub3A_1319 = arith.constant 1 : i32
      %sub3A_1320 = arith.subi %div3A_1299, %sub3A_1319 : i32
      %select_n3A_1321 = arith.select %and3A_1318, %sub3A_1320, %div3A_1299 : i32
      %jit3A_1322 = arith.constant 4 : i32
      %eq3A_1323 = arith.constant 0 : i32
      %eq3A_1324 = arith.cmpi eq, %jit3A_1322, %eq3A_1323 : i32
      %jit3A_1325 = arith.constant 1 : i32
      %select_n3A_1326 = arith.select %eq3A_1324, %jit3A_1325, %jit3A_1322 : i32
      %rem3A_1327 = arith.remsi %add3A_1297, %select_n3A_1326 : i32
      %ne3A_1328 = arith.constant 0 : i32
      %ne3A_1329 = arith.cmpi ne, %rem3A_1327, %ne3A_1328 : i32
      %lt3A_1330 = arith.constant 0 : i32
      %lt3A_1331 = arith.cmpi slt, %rem3A_1327, %lt3A_1330 : i32
      %lt3A_1332 = arith.constant 0 : i32
      %lt3A_1333 = arith.cmpi slt, %select_n3A_1326, %lt3A_1332 : i32
      %ne3A_1334 = arith.xori %lt3A_1331, %lt3A_1333 : i1
      %and3A_1335 = arith.andi %ne3A_1334, %ne3A_1329 : i1
      %add3A_1336 = arith.addi %rem3A_1327, %select_n3A_1326 : i32
      %select_n3A_1337 = arith.select %and3A_1335, %add3A_1336, %rem3A_1327 : i32
      %mul3A_1338 = arith.constant 128 : i32
      %mul3A_1339 = arith.muli %select_n3A_1337, %mul3A_1338 : i32
      %add3A_1340 = arith.constant 0 : i32
      %add3A_1341 = arith.addi %mul3A_1339, %add3A_1340 : i32
      %mul3A_1342 = arith.constant 50 : i32
      %mul3A_1343 = arith.muli %add3A_1341, %mul3A_1342 : i32
      %add3A_1344 = arith.addi %mul3A_1343, %select_n3A_1321 : i32
      %add3A_1345 = vector.broadcast %add3A_1344 : i32 to vector<16xi32>
      %add3A_1346 = arith.addi %mul3A_7, %add3A_1345 : vector<16xi32>
      %gather3A_1347 = tpu.vector_load_idx %arg5[%add3A_1346] : memref<25600xi32, #tpu.memory_space<vmem>>[vector<16xi32>], vector<16xi32>,
      %swap3A_1348 = arith.constant 1 : i32
      %swap3A_1349 = arith.index_cast %swap3A_1348 : i32 to index
      %swap3A_1350 = arith.constant 0 : index
      %swap3A_1351 = tpu.vector_load %arg6[%swap3A_1349, %swap3A_1350] {strides = array<i32>} : memref<3x128xi32, #tpu.memory_space<vmem>>, vector<16xi32>,
      tpu.vector_store %arg6[%swap3A_1349, %swap3A_1350], %gather3A_1347 {strides = array<i32>} : memref<3x128xi32, #tpu.memory_space<vmem>>, vector<16xi32>,
      %add3A_1352 = arith.constant 16 : i32
      %add3A_1353 = arith.addi %mul3A_1339, %add3A_1352 : i32
      %mul3A_1354 = arith.constant 50 : i32
      %mul3A_1355 = arith.muli %add3A_1353, %mul3A_1354 : i32
      %add3A_1356 = arith.addi %mul3A_1355, %select_n3A_1321 : i32
      %add3A_1357 = vector.broadcast %add3A_1356 : i32 to vector<16xi32>
      %add3A_1358 = arith.addi %mul3A_7, %add3A_1357 : vector<16xi32>
      %gather3A_1359 = tpu.vector_load_idx %arg5[%add3A_1358] : memref<25600xi32, #tpu.memory_space<vmem>>[vector<16xi32>], vector<16xi32>,
      %swap3A_1360 = arith.constant 1 : i32
      %swap3A_1361 = arith.index_cast %swap3A_1360 : i32 to index
      %swap3A_1362 = arith.constant 16 : index
      %swap3A_1363 = tpu.vector_load %arg6[%swap3A_1361, %swap3A_1362] {strides = array<i32>} : memref<3x128xi32, #tpu.memory_space<vmem>>, vector<16xi32>,
      tpu.vector_store %arg6[%swap3A_1361, %swap3A_1362], %gather3A_1359 {strides = array<i32>} : memref<3x128xi32, #tpu.memory_space<vmem>>, vector<16xi32>,
      %add3A_1364 = arith.constant 32 : i32
      %add3A_1365 = arith.addi %mul3A_1339, %add3A_1364 : i32
      %mul3A_1366 = arith.constant 50 : i32
      %mul3A_1367 = arith.muli %add3A_1365, %mul3A_1366 : i32
      %add3A_1368 = arith.addi %mul3A_1367, %select_n3A_1321 : i32
      %add3A_1369 = vector.broadcast %add3A_1368 : i32 to vector<16xi32>
      %add3A_1370 = arith.addi %mul3A_7, %add3A_1369 : vector<16xi32>
      %gather3A_1371 = tpu.vector_load_idx %arg5[%add3A_1370] : memref<25600xi32, #tpu.memory_space<vmem>>[vector<16xi32>], vector<16xi32>,
      %swap3A_1372 = arith.constant 1 : i32
      %swap3A_1373 = arith.index_cast %swap3A_1372 : i32 to index
      %swap3A_1374 = arith.constant 32 : index
      %swap3A_1375 = tpu.vector_load %arg6[%swap3A_1373, %swap3A_1374] {strides = array<i32>} : memref<3x128xi32, #tpu.memory_space<vmem>>, vector<16xi32>,
      tpu.vector_store %arg6[%swap3A_1373, %swap3A_1374], %gather3A_1371 {strides = array<i32>} : memref<3x128xi32, #tpu.memory_space<vmem>>, vector<16xi32>,
      %add3A_1376 = arith.constant 48 : i32
      %add3A_1377 = arith.addi %mul3A_1339, %add3A_1376 : i32
      %mul3A_1378 = arith.constant 50 : i32
      %mul3A_1379 = arith.muli %add3A_1377, %mul3A_1378 : i32
      %add3A_1380 = arith.addi %mul3A_1379, %select_n3A_1321 : i32
      %add3A_1381 = vector.broadcast %add3A_1380 : i32 to vector<16xi32>
      %add3A_1382 = arith.addi %mul3A_7, %add3A_1381 : vector<16xi32>
      %gather3A_1383 = tpu.vector_load_idx %arg5[%add3A_1382] : memref<25600xi32, #tpu.memory_space<vmem>>[vector<16xi32>], vector<16xi32>,
      %swap3A_1384 = arith.constant 1 : i32
      %swap3A_1385 = arith.index_cast %swap3A_1384 : i32 to index
      %swap3A_1386 = arith.constant 48 : index
      %swap3A_1387 = tpu.vector_load %arg6[%swap3A_1385, %swap3A_1386] {strides = array<i32>} : memref<3x128xi32, #tpu.memory_space<vmem>>, vector<16xi32>,
      tpu.vector_store %arg6[%swap3A_1385, %swap3A_1386], %gather3A_1383 {strides = array<i32>} : memref<3x128xi32, #tpu.memory_space<vmem>>, vector<16xi32>,
      %add3A_1388 = arith.constant 64 : i32
      %add3A_1389 = arith.addi %mul3A_1339, %add3A_1388 : i32
      %mul3A_1390 = arith.constant 50 : i32
      %mul3A_1391 = arith.muli %add3A_1389, %mul3A_1390 : i32
      %add3A_1392 = arith.addi %mul3A_1391, %select_n3A_1321 : i32
      %add3A_1393 = vector.broadcast %add3A_1392 : i32 to vector<16xi32>
      %add3A_1394 = arith.addi %mul3A_7, %add3A_1393 : vector<16xi32>
      %gather3A_1395 = tpu.vector_load_idx %arg5[%add3A_1394] : memref<25600xi32, #tpu.memory_space<vmem>>[vector<16xi32>], vector<16xi32>,
      %swap3A_1396 = arith.constant 1 : i32
      %swap3A_1397 = arith.index_cast %swap3A_1396 : i32 to index
      %swap3A_1398 = arith.constant 64 : index
      %swap3A_1399 = tpu.vector_load %arg6[%swap3A_1397, %swap3A_1398] {strides = array<i32>} : memref<3x128xi32, #tpu.memory_space<vmem>>, vector<16xi32>,
      tpu.vector_store %arg6[%swap3A_1397, %swap3A_1398], %gather3A_1395 {strides = array<i32>} : memref<3x128xi32, #tpu.memory_space<vmem>>, vector<16xi32>,
      %add3A_1400 = arith.constant 80 : i32
      %add3A_1401 = arith.addi %mul3A_1339, %add3A_1400 : i32
      %mul3A_1402 = arith.constant 50 : i32
      %mul3A_1403 = arith.muli %add3A_1401, %mul3A_1402 : i32
      %add3A_1404 = arith.addi %mul3A_1403, %select_n3A_1321 : i32
      %add3A_1405 = vector.broadcast %add3A_1404 : i32 to vector<16xi32>
      %add3A_1406 = arith.addi %mul3A_7, %add3A_1405 : vector<16xi32>
      %gather3A_1407 = tpu.vector_load_idx %arg5[%add3A_1406] : memref<25600xi32, #tpu.memory_space<vmem>>[vector<16xi32>], vector<16xi32>,
      %swap3A_1408 = arith.constant 1 : i32
      %swap3A_1409 = arith.index_cast %swap3A_1408 : i32 to index
      %swap3A_1410 = arith.constant 80 : index
      %swap3A_1411 = tpu.vector_load %arg6[%swap3A_1409, %swap3A_1410] {strides = array<i32>} : memref<3x128xi32, #tpu.memory_space<vmem>>, vector<16xi32>,
      tpu.vector_store %arg6[%swap3A_1409, %swap3A_1410], %gather3A_1407 {strides = array<i32>} : memref<3x128xi32, #tpu.memory_space<vmem>>, vector<16xi32>,
      %add3A_1412 = arith.constant 96 : i32
      %add3A_1413 = arith.addi %mul3A_1339, %add3A_1412 : i32
      %mul3A_1414 = arith.constant 50 : i32
      %mul3A_1415 = arith.muli %add3A_1413, %mul3A_1414 : i32
      %add3A_1416 = arith.addi %mul3A_1415, %select_n3A_1321 : i32
      %add3A_1417 = vector.broadcast %add3A_1416 : i32 to vector<16xi32>
      %add3A_1418 = arith.addi %mul3A_7, %add3A_1417 : vector<16xi32>
      %gather3A_1419 = tpu.vector_load_idx %arg5[%add3A_1418] : memref<25600xi32, #tpu.memory_space<vmem>>[vector<16xi32>], vector<16xi32>,
      %swap3A_1420 = arith.constant 1 : i32
      %swap3A_1421 = arith.index_cast %swap3A_1420 : i32 to index
      %swap3A_1422 = arith.constant 96 : index
      %swap3A_1423 = tpu.vector_load %arg6[%swap3A_1421, %swap3A_1422] {strides = array<i32>} : memref<3x128xi32, #tpu.memory_space<vmem>>, vector<16xi32>,
      tpu.vector_store %arg6[%swap3A_1421, %swap3A_1422], %gather3A_1419 {strides = array<i32>} : memref<3x128xi32, #tpu.memory_space<vmem>>, vector<16xi32>,
      %add3A_1424 = arith.constant 112 : i32
      %add3A_1425 = arith.addi %mul3A_1339, %add3A_1424 : i32
      %mul3A_1426 = arith.constant 50 : i32
      %mul3A_1427 = arith.muli %add3A_1425, %mul3A_1426 : i32
      %add3A_1428 = arith.addi %mul3A_1427, %select_n3A_1321 : i32
      %add3A_1429 = vector.broadcast %add3A_1428 : i32 to vector<16xi32>
      %add3A_1430 = arith.addi %mul3A_7, %add3A_1429 : vector<16xi32>
      %gather3A_1431 = tpu.vector_load_idx %arg5[%add3A_1430] : memref<25600xi32, #tpu.memory_space<vmem>>[vector<16xi32>], vector<16xi32>,
      %swap3A_1432 = arith.constant 1 : i32
      %swap3A_1433 = arith.index_cast %swap3A_1432 : i32 to index
      %swap3A_1434 = arith.constant 112 : index
      %swap3A_1435 = tpu.vector_load %arg6[%swap3A_1433, %swap3A_1434] {strides = array<i32>} : memref<3x128xi32, #tpu.memory_space<vmem>>, vector<16xi32>,
      tpu.vector_store %arg6[%swap3A_1433, %swap3A_1434], %gather3A_1431 {strides = array<i32>} : memref<3x128xi32, #tpu.memory_space<vmem>>, vector<16xi32>,
      %dma_start3A_1436 = arith.constant 1 : i32
      %dma_start3A_1437 = arith.constant 1 : i32
      %dma_start3A_1438 = arith.constant 0 : i32
      %dma_start3A_1439 = arith.constant 0 : i32
      %dma_start3A_1440 = tpu.memref_slice %arg7[%dma_start3A_1437, %dma_start3A_1438, %dma_start3A_1439] : memref<3x128x64xf32, #tpu.memory_space<vmem>> -> memref<1x128x64xf32, #tpu.memory_space<vmem>>
      %dma_start3A_1441 = tpu.memref_squeeze %dma_start3A_1440 : memref<1x128x64xf32, #tpu.memory_space<vmem>> -> memref<128x64xf32, #tpu.memory_space<vmem>>
      %dma_start3A_1442 = arith.constant 0 : i32
      %dma_start3A_1443 = tpu.memref_slice %arg6[%dma_start3A_1436, %dma_start3A_1442] : memref<3x128xi32, #tpu.memory_space<vmem>> -> memref<1x128xi32, #tpu.memory_space<vmem>>
      %dma_start3A_1444 = tpu.memref_squeeze %dma_start3A_1443 : memref<1x128xi32, #tpu.memory_space<vmem>> -> memref<128xi32, #tpu.memory_space<vmem>>
      %dma_start3A_1445 = arith.constant 0 : i32
      %dma_start3A_1446 = arith.constant 0 : i32
      %dma_start3A_1447 = tpu.memref_slice %arg3[%dma_start3A_1445, %dma_start3A_1446] : memref<1000000x64xf32, #tpu.memory_space<hbm>> -> memref<1000000x64xf32, #tpu.memory_space<hbm>>
      tpu.enqueue_indirect_dma source(%dma_start3A_1447 : memref<1000000x64xf32, #tpu.memory_space<hbm>>) target(%dma_start3A_1441 : memref<128x64xf32, #tpu.memory_space<vmem>>) offsets(%dma_start3A_1444 : memref<128xi32, #tpu.memory_space<vmem>>) semaphore(%arg10 : memref<!tpu.dma_semaphore, #tpu.memory_space<semaphore_mem>>)
      %dma_wait3A_1448 = arith.constant 0 : i32
      %dma_wait3A_1449 = arith.constant 2 : i32
      %dma_wait3A_1450 = arith.constant 0 : i32
      %dma_wait3A_1451 = arith.constant 0 : i32
      %dma_wait3A_1452 = tpu.memref_slice %arg7[%dma_wait3A_1449, %dma_wait3A_1450, %dma_wait3A_1451] : memref<3x128x64xf32, #tpu.memory_space<vmem>> -> memref<1x128x64xf32, #tpu.memory_space<vmem>>
      %dma_wait3A_1453 = tpu.memref_squeeze %dma_wait3A_1452 : memref<1x128x64xf32, #tpu.memory_space<vmem>> -> memref<128x64xf32, #tpu.memory_space<vmem>>
      %dma_wait3A_1454 = arith.constant 0 : i32
      %dma_wait3A_1455 = tpu.memref_slice %arg6[%dma_wait3A_1448, %dma_wait3A_1454] : memref<3x128xi32, #tpu.memory_space<vmem>> -> memref<1x128xi32, #tpu.memory_space<vmem>>
      %dma_wait3A_1456 = tpu.memref_squeeze %dma_wait3A_1455 : memref<1x128xi32, #tpu.memory_space<vmem>> -> memref<128xi32, #tpu.memory_space<vmem>>
      %dma_wait3A_1457 = arith.constant 0 : i32
      %dma_wait3A_1458 = arith.constant 0 : i32
      %dma_wait3A_1459 = tpu.memref_slice %arg3[%dma_wait3A_1457, %dma_wait3A_1458] : memref<1000000x64xf32, #tpu.memory_space<hbm>> -> memref<1000000x64xf32, #tpu.memory_space<hbm>>
      tpu.wait_indirect_dma semaphore(%arg11 : memref<!tpu.dma_semaphore, #tpu.memory_space<semaphore_mem>>) src(%dma_wait3A_1459 : memref<1000000x64xf32, #tpu.memory_space<hbm>>) dst(%dma_wait3A_1453 : memref<128x64xf32, #tpu.memory_space<vmem>>)
      %scan3A_1460 = arith.constant 0 : i32
      %scan3A_1461 = arith.constant 2 : i32
      %scan3A_1462 = arith.constant 2 : i32
      %scan3A_1463 = arith.constant 0 : i32
      %scan3A_1464 = arith.constant 32 : i32
      %scan3A_1465 = arith.addi %scan3A_1463, %scan3A_1464 : i32
      %scan3A_1466 = arith.constant 1 : i32
      scf.for %scan3A_1532 = %scan3A_1463 to %scan3A_1465 step %scan3A_1466  : i32 {
        %mul3A_1533 = arith.constant 2 : i32
        %mul3A_1534 = arith.muli %scan3A_1532, %mul3A_1533 : i32
        %add3A_1535 = arith.constant 0 : i32
        %add3A_1536 = arith.addi %mul3A_1534, %add3A_1535 : i32
        %add3A_1537 = vector.broadcast %add3A_1536 : i32 to vector<16xi32>
        %add3A_1538 = arith.addi %iota3A, %add3A_1537 : vector<16xi32>
        %and3A_1539 = arith.constant 63 : i32
        %and3A_1540 = vector.broadcast %and3A_1539 : i32 to vector<16xi32>
        %and3A_1541 = arith.andi %add3A_1538, %and3A_1540 : vector<16xi32>
        %shift_right_logical3A = arith.constant 3 : i32
        %shift_right_logical3A_1542 = vector.broadcast %shift_right_logical3A : i32 to vector<16xi32>
        %shift_right_logical3A_1543 = arith.shrui %and3A_1541, %shift_right_logical3A_1542 : vector<16xi32>
        %and3A_1544 = arith.constant 7 : i32
        %and3A_1545 = vector.broadcast %and3A_1544 : i32 to vector<16xi32>
        %and3A_1546 = arith.andi %and3A_1541, %and3A_1545 : vector<16xi32>
        %gather3A_1547 = arith.constant 0 : i32
        %gather3A_1548 = arith.constant 0 : i32
        %gather3A_1549 = tpu.memref_slice %arg7[%scan3A_1461, %gather3A_1547, %gather3A_1548] : memref<3x128x64xf32, #tpu.memory_space<vmem>> -> memref<1x128x64xf32, #tpu.memory_space<vmem>>
        %gather3A_1550 = tpu.memref_squeeze %gather3A_1549 : memref<1x128x64xf32, #tpu.memory_space<vmem>> -> memref<128x64xf32, #tpu.memory_space<vmem>>
        %gather3A_1551 = tpu.vector_load_idx %gather3A_1550[%add3A_10, %and3A_1541] : memref<128x64xf32, #tpu.memory_space<vmem>>[vector<16xi32>, vector<16xi32>], vector<16xf32>,
        %gather3A_1552 = arith.constant 0 : i32
        %gather3A_1553 = arith.constant 0 : i32
        %gather3A_1554 = tpu.memref_slice %arg7[%scan3A_1461, %gather3A_1552, %gather3A_1553] : memref<3x128x64xf32, #tpu.memory_space<vmem>> -> memref<1x128x64xf32, #tpu.memory_space<vmem>>
        %gather3A_1555 = tpu.memref_squeeze %gather3A_1554 : memref<1x128x64xf32, #tpu.memory_space<vmem>> -> memref<128x64xf32, #tpu.memory_space<vmem>>
        %gather3A_1556 = tpu.vector_load_idx %gather3A_1555[%add3A_13, %and3A_1541] : memref<128x64xf32, #tpu.memory_space<vmem>>[vector<16xi32>, vector<16xi32>], vector<16xf32>,
        %gather3A_1557 = arith.constant 0 : i32
        %gather3A_1558 = arith.constant 0 : i32
        %gather3A_1559 = tpu.memref_slice %arg7[%scan3A_1461, %gather3A_1557, %gather3A_1558] : memref<3x128x64xf32, #tpu.memory_space<vmem>> -> memref<1x128x64xf32, #tpu.memory_space<vmem>>
        %gather3A_1560 = tpu.memref_squeeze %gather3A_1559 : memref<1x128x64xf32, #tpu.memory_space<vmem>> -> memref<128x64xf32, #tpu.memory_space<vmem>>
        %gather3A_1561 = tpu.vector_load_idx %gather3A_1560[%add3A_16, %and3A_1541] : memref<128x64xf32, #tpu.memory_space<vmem>>[vector<16xi32>, vector<16xi32>], vector<16xf32>,
        %gather3A_1562 = arith.constant 0 : i32
        %gather3A_1563 = arith.constant 0 : i32
        %gather3A_1564 = tpu.memref_slice %arg7[%scan3A_1461, %gather3A_1562, %gather3A_1563] : memref<3x128x64xf32, #tpu.memory_space<vmem>> -> memref<1x128x64xf32, #tpu.memory_space<vmem>>
        %gather3A_1565 = tpu.memref_squeeze %gather3A_1564 : memref<1x128x64xf32, #tpu.memory_space<vmem>> -> memref<128x64xf32, #tpu.memory_space<vmem>>
        %gather3A_1566 = tpu.vector_load_idx %gather3A_1565[%add3A_19, %and3A_1541] : memref<128x64xf32, #tpu.memory_space<vmem>>[vector<16xi32>, vector<16xi32>], vector<16xf32>,
        %gather3A_1567 = arith.constant 0 : i32
        %gather3A_1568 = arith.constant 0 : i32
        %gather3A_1569 = tpu.memref_slice %arg7[%scan3A_1461, %gather3A_1567, %gather3A_1568] : memref<3x128x64xf32, #tpu.memory_space<vmem>> -> memref<1x128x64xf32, #tpu.memory_space<vmem>>
        %gather3A_1570 = tpu.memref_squeeze %gather3A_1569 : memref<1x128x64xf32, #tpu.memory_space<vmem>> -> memref<128x64xf32, #tpu.memory_space<vmem>>
        %gather3A_1571 = tpu.vector_load_idx %gather3A_1570[%add3A_22, %and3A_1541] : memref<128x64xf32, #tpu.memory_space<vmem>>[vector<16xi32>, vector<16xi32>], vector<16xf32>,
        %gather3A_1572 = arith.constant 0 : i32
        %gather3A_1573 = arith.constant 0 : i32
        %gather3A_1574 = tpu.memref_slice %arg7[%scan3A_1461, %gather3A_1572, %gather3A_1573] : memref<3x128x64xf32, #tpu.memory_space<vmem>> -> memref<1x128x64xf32, #tpu.memory_space<vmem>>
        %gather3A_1575 = tpu.memref_squeeze %gather3A_1574 : memref<1x128x64xf32, #tpu.memory_space<vmem>> -> memref<128x64xf32, #tpu.memory_space<vmem>>
        %gather3A_1576 = tpu.vector_load_idx %gather3A_1575[%add3A_25, %and3A_1541] : memref<128x64xf32, #tpu.memory_space<vmem>>[vector<16xi32>, vector<16xi32>], vector<16xf32>,
        %gather3A_1577 = arith.constant 0 : i32
        %gather3A_1578 = arith.constant 0 : i32
        %gather3A_1579 = tpu.memref_slice %arg7[%scan3A_1461, %gather3A_1577, %gather3A_1578] : memref<3x128x64xf32, #tpu.memory_space<vmem>> -> memref<1x128x64xf32, #tpu.memory_space<vmem>>
        %gather3A_1580 = tpu.memref_squeeze %gather3A_1579 : memref<1x128x64xf32, #tpu.memory_space<vmem>> -> memref<128x64xf32, #tpu.memory_space<vmem>>
        %gather3A_1581 = tpu.vector_load_idx %gather3A_1580[%add3A_28, %and3A_1541] : memref<128x64xf32, #tpu.memory_space<vmem>>[vector<16xi32>, vector<16xi32>], vector<16xf32>,
        %gather3A_1582 = arith.constant 0 : i32
        %gather3A_1583 = arith.constant 0 : i32
        %gather3A_1584 = tpu.memref_slice %arg7[%scan3A_1461, %gather3A_1582, %gather3A_1583] : memref<3x128x64xf32, #tpu.memory_space<vmem>> -> memref<1x128x64xf32, #tpu.memory_space<vmem>>
        %gather3A_1585 = tpu.memref_squeeze %gather3A_1584 : memref<1x128x64xf32, #tpu.memory_space<vmem>> -> memref<128x64xf32, #tpu.memory_space<vmem>>
        %gather3A_1586 = tpu.vector_load_idx %gather3A_1585[%add3A_31, %and3A_1541] : memref<128x64xf32, #tpu.memory_space<vmem>>[vector<16xi32>, vector<16xi32>], vector<16xf32>,
        %scatter3A = arith.constant 0 : i32
        %scatter3A_1587 = arith.constant 0 : i32
        %scatter3A_1588 = arith.constant 0 : i32
        %scatter3A_1589 = tpu.memref_slice %arg8[%scan3A_1462, %scatter3A, %scatter3A_1587, %scatter3A_1588] : memref<3x8x8x128xf32, #tpu.memory_space<vmem>> -> memref<1x8x8x128xf32, #tpu.memory_space<vmem>>
        %scatter3A_1590 = tpu.memref_squeeze %scatter3A_1589 : memref<1x8x8x128xf32, #tpu.memory_space<vmem>> -> memref<8x8x128xf32, #tpu.memory_space<vmem>>
        tpu.vector_store_idx %scatter3A_1590[%shift_right_logical3A_1543, %and3A_1546, %add3A_10], %gather3A_1551 : memref<8x8x128xf32, #tpu.memory_space<vmem>>[vector<16xi32>, vector<16xi32>, vector<16xi32>], vector<16xf32>,
        %scatter3A_1591 = arith.constant 0 : i32
        %scatter3A_1592 = arith.constant 0 : i32
        %scatter3A_1593 = arith.constant 0 : i32
        %scatter3A_1594 = tpu.memref_slice %arg8[%scan3A_1462, %scatter3A_1591, %scatter3A_1592, %scatter3A_1593] : memref<3x8x8x128xf32, #tpu.memory_space<vmem>> -> memref<1x8x8x128xf32, #tpu.memory_space<vmem>>
        %scatter3A_1595 = tpu.memref_squeeze %scatter3A_1594 : memref<1x8x8x128xf32, #tpu.memory_space<vmem>> -> memref<8x8x128xf32, #tpu.memory_space<vmem>>
        tpu.vector_store_idx %scatter3A_1595[%shift_right_logical3A_1543, %and3A_1546, %add3A_13], %gather3A_1556 : memref<8x8x128xf32, #tpu.memory_space<vmem>>[vector<16xi32>, vector<16xi32>, vector<16xi32>], vector<16xf32>,
        %scatter3A_1596 = arith.constant 0 : i32
        %scatter3A_1597 = arith.constant 0 : i32
        %scatter3A_1598 = arith.constant 0 : i32
        %scatter3A_1599 = tpu.memref_slice %arg8[%scan3A_1462, %scatter3A_1596, %scatter3A_1597, %scatter3A_1598] : memref<3x8x8x128xf32, #tpu.memory_space<vmem>> -> memref<1x8x8x128xf32, #tpu.memory_space<vmem>>
        %scatter3A_1600 = tpu.memref_squeeze %scatter3A_1599 : memref<1x8x8x128xf32, #tpu.memory_space<vmem>> -> memref<8x8x128xf32, #tpu.memory_space<vmem>>
        tpu.vector_store_idx %scatter3A_1600[%shift_right_logical3A_1543, %and3A_1546, %add3A_16], %gather3A_1561 : memref<8x8x128xf32, #tpu.memory_space<vmem>>[vector<16xi32>, vector<16xi32>, vector<16xi32>], vector<16xf32>,
        %scatter3A_1601 = arith.constant 0 : i32
        %scatter3A_1602 = arith.constant 0 : i32
        %scatter3A_1603 = arith.constant 0 : i32
        %scatter3A_1604 = tpu.memref_slice %arg8[%scan3A_1462, %scatter3A_1601, %scatter3A_1602, %scatter3A_1603] : memref<3x8x8x128xf32, #tpu.memory_space<vmem>> -> memref<1x8x8x128xf32, #tpu.memory_space<vmem>>
        %scatter3A_1605 = tpu.memref_squeeze %scatter3A_1604 : memref<1x8x8x128xf32, #tpu.memory_space<vmem>> -> memref<8x8x128xf32, #tpu.memory_space<vmem>>
        tpu.vector_store_idx %scatter3A_1605[%shift_right_logical3A_1543, %and3A_1546, %add3A_19], %gather3A_1566 : memref<8x8x128xf32, #tpu.memory_space<vmem>>[vector<16xi32>, vector<16xi32>, vector<16xi32>], vector<16xf32>,
        %scatter3A_1606 = arith.constant 0 : i32
        %scatter3A_1607 = arith.constant 0 : i32
        %scatter3A_1608 = arith.constant 0 : i32
        %scatter3A_1609 = tpu.memref_slice %arg8[%scan3A_1462, %scatter3A_1606, %scatter3A_1607, %scatter3A_1608] : memref<3x8x8x128xf32, #tpu.memory_space<vmem>> -> memref<1x8x8x128xf32, #tpu.memory_space<vmem>>
        %scatter3A_1610 = tpu.memref_squeeze %scatter3A_1609 : memref<1x8x8x128xf32, #tpu.memory_space<vmem>> -> memref<8x8x128xf32, #tpu.memory_space<vmem>>
        tpu.vector_store_idx %scatter3A_1610[%shift_right_logical3A_1543, %and3A_1546, %add3A_22], %gather3A_1571 : memref<8x8x128xf32, #tpu.memory_space<vmem>>[vector<16xi32>, vector<16xi32>, vector<16xi32>], vector<16xf32>,
        %scatter3A_1611 = arith.constant 0 : i32
        %scatter3A_1612 = arith.constant 0 : i32
        %scatter3A_1613 = arith.constant 0 : i32
        %scatter3A_1614 = tpu.memref_slice %arg8[%scan3A_1462, %scatter3A_1611, %scatter3A_1612, %scatter3A_1613] : memref<3x8x8x128xf32, #tpu.memory_space<vmem>> -> memref<1x8x8x128xf32, #tpu.memory_space<vmem>>
        %scatter3A_1615 = tpu.memref_squeeze %scatter3A_1614 : memref<1x8x8x128xf32, #tpu.memory_space<vmem>> -> memref<8x8x128xf32, #tpu.memory_space<vmem>>
        tpu.vector_store_idx %scatter3A_1615[%shift_right_logical3A_1543, %and3A_1546, %add3A_25], %gather3A_1576 : memref<8x8x128xf32, #tpu.memory_space<vmem>>[vector<16xi32>, vector<16xi32>, vector<16xi32>], vector<16xf32>,
        %scatter3A_1616 = arith.constant 0 : i32
        %scatter3A_1617 = arith.constant 0 : i32
        %scatter3A_1618 = arith.constant 0 : i32
        %scatter3A_1619 = tpu.memref_slice %arg8[%scan3A_1462, %scatter3A_1616, %scatter3A_1617, %scatter3A_1618] : memref<3x8x8x128xf32, #tpu.memory_space<vmem>> -> memref<1x8x8x128xf32, #tpu.memory_space<vmem>>
        %scatter3A_1620 = tpu.memref_squeeze %scatter3A_1619 : memref<1x8x8x128xf32, #tpu.memory_space<vmem>> -> memref<8x8x128xf32, #tpu.memory_space<vmem>>
        tpu.vector_store_idx %scatter3A_1620[%shift_right_logical3A_1543, %and3A_1546, %add3A_28], %gather3A_1581 : memref<8x8x128xf32, #tpu.memory_space<vmem>>[vector<16xi32>, vector<16xi32>, vector<16xi32>], vector<16xf32>,
        %scatter3A_1621 = arith.constant 0 : i32
        %scatter3A_1622 = arith.constant 0 : i32
        %scatter3A_1623 = arith.constant 0 : i32
        %scatter3A_1624 = tpu.memref_slice %arg8[%scan3A_1462, %scatter3A_1621, %scatter3A_1622, %scatter3A_1623] : memref<3x8x8x128xf32, #tpu.memory_space<vmem>> -> memref<1x8x8x128xf32, #tpu.memory_space<vmem>>
        %scatter3A_1625 = tpu.memref_squeeze %scatter3A_1624 : memref<1x8x8x128xf32, #tpu.memory_space<vmem>> -> memref<8x8x128xf32, #tpu.memory_space<vmem>>
        tpu.vector_store_idx %scatter3A_1625[%shift_right_logical3A_1543, %and3A_1546, %add3A_31], %gather3A_1586 : memref<8x8x128xf32, #tpu.memory_space<vmem>>[vector<16xi32>, vector<16xi32>, vector<16xi32>], vector<16xf32>,
        %mul3A_1626 = arith.constant 2 : i32
        %mul3A_1627 = arith.muli %scan3A_1532, %mul3A_1626 : i32
        %add3A_1628 = arith.constant 1 : i32
        %add3A_1629 = arith.addi %mul3A_1627, %add3A_1628 : i32
        %add3A_1630 = vector.broadcast %add3A_1629 : i32 to vector<16xi32>
        %add3A_1631 = arith.addi %iota3A, %add3A_1630 : vector<16xi32>
        %and3A_1632 = arith.constant 63 : i32
        %and3A_1633 = vector.broadcast %and3A_1632 : i32 to vector<16xi32>
        %and3A_1634 = arith.andi %add3A_1631, %and3A_1633 : vector<16xi32>
        %shift_right_logical3A_1635 = arith.constant 3 : i32
        %shift_right_logical3A_1636 = vector.broadcast %shift_right_logical3A_1635 : i32 to vector<16xi32>
        %shift_right_logical3A_1637 = arith.shrui %and3A_1634, %shift_right_logical3A_1636 : vector<16xi32>
        %and3A_1638 = arith.constant 7 : i32
        %and3A_1639 = vector.broadcast %and3A_1638 : i32 to vector<16xi32>
        %and3A_1640 = arith.andi %and3A_1634, %and3A_1639 : vector<16xi32>
        %gather3A_1641 = arith.constant 0 : i32
        %gather3A_1642 = arith.constant 0 : i32
        %gather3A_1643 = tpu.memref_slice %arg7[%scan3A_1461, %gather3A_1641, %gather3A_1642] : memref<3x128x64xf32, #tpu.memory_space<vmem>> -> memref<1x128x64xf32, #tpu.memory_space<vmem>>
        %gather3A_1644 = tpu.memref_squeeze %gather3A_1643 : memref<1x128x64xf32, #tpu.memory_space<vmem>> -> memref<128x64xf32, #tpu.memory_space<vmem>>
        %gather3A_1645 = tpu.vector_load_idx %gather3A_1644[%add3A_10, %and3A_1634] : memref<128x64xf32, #tpu.memory_space<vmem>>[vector<16xi32>, vector<16xi32>], vector<16xf32>,
        %gather3A_1646 = arith.constant 0 : i32
        %gather3A_1647 = arith.constant 0 : i32
        %gather3A_1648 = tpu.memref_slice %arg7[%scan3A_1461, %gather3A_1646, %gather3A_1647] : memref<3x128x64xf32, #tpu.memory_space<vmem>> -> memref<1x128x64xf32, #tpu.memory_space<vmem>>
        %gather3A_1649 = tpu.memref_squeeze %gather3A_1648 : memref<1x128x64xf32, #tpu.memory_space<vmem>> -> memref<128x64xf32, #tpu.memory_space<vmem>>
        %gather3A_1650 = tpu.vector_load_idx %gather3A_1649[%add3A_13, %and3A_1634] : memref<128x64xf32, #tpu.memory_space<vmem>>[vector<16xi32>, vector<16xi32>], vector<16xf32>,
        %gather3A_1651 = arith.constant 0 : i32
        %gather3A_1652 = arith.constant 0 : i32
        %gather3A_1653 = tpu.memref_slice %arg7[%scan3A_1461, %gather3A_1651, %gather3A_1652] : memref<3x128x64xf32, #tpu.memory_space<vmem>> -> memref<1x128x64xf32, #tpu.memory_space<vmem>>
        %gather3A_1654 = tpu.memref_squeeze %gather3A_1653 : memref<1x128x64xf32, #tpu.memory_space<vmem>> -> memref<128x64xf32, #tpu.memory_space<vmem>>
        %gather3A_1655 = tpu.vector_load_idx %gather3A_1654[%add3A_16, %and3A_1634] : memref<128x64xf32, #tpu.memory_space<vmem>>[vector<16xi32>, vector<16xi32>], vector<16xf32>,
        %gather3A_1656 = arith.constant 0 : i32
        %gather3A_1657 = arith.constant 0 : i32
        %gather3A_1658 = tpu.memref_slice %arg7[%scan3A_1461, %gather3A_1656, %gather3A_1657] : memref<3x128x64xf32, #tpu.memory_space<vmem>> -> memref<1x128x64xf32, #tpu.memory_space<vmem>>
        %gather3A_1659 = tpu.memref_squeeze %gather3A_1658 : memref<1x128x64xf32, #tpu.memory_space<vmem>> -> memref<128x64xf32, #tpu.memory_space<vmem>>
        %gather3A_1660 = tpu.vector_load_idx %gather3A_1659[%add3A_19, %and3A_1634] : memref<128x64xf32, #tpu.memory_space<vmem>>[vector<16xi32>, vector<16xi32>], vector<16xf32>,
        %gather3A_1661 = arith.constant 0 : i32
        %gather3A_1662 = arith.constant 0 : i32
        %gather3A_1663 = tpu.memref_slice %arg7[%scan3A_1461, %gather3A_1661, %gather3A_1662] : memref<3x128x64xf32, #tpu.memory_space<vmem>> -> memref<1x128x64xf32, #tpu.memory_space<vmem>>
        %gather3A_1664 = tpu.memref_squeeze %gather3A_1663 : memref<1x128x64xf32, #tpu.memory_space<vmem>> -> memref<128x64xf32, #tpu.memory_space<vmem>>
        %gather3A_1665 = tpu.vector_load_idx %gather3A_1664[%add3A_22, %and3A_1634] : memref<128x64xf32, #tpu.memory_space<vmem>>[vector<16xi32>, vector<16xi32>], vector<16xf32>,
        %gather3A_1666 = arith.constant 0 : i32
        %gather3A_1667 = arith.constant 0 : i32
        %gather3A_1668 = tpu.memref_slice %arg7[%scan3A_1461, %gather3A_1666, %gather3A_1667] : memref<3x128x64xf32, #tpu.memory_space<vmem>> -> memref<1x128x64xf32, #tpu.memory_space<vmem>>
        %gather3A_1669 = tpu.memref_squeeze %gather3A_1668 : memref<1x128x64xf32, #tpu.memory_space<vmem>> -> memref<128x64xf32, #tpu.memory_space<vmem>>
        %gather3A_1670 = tpu.vector_load_idx %gather3A_1669[%add3A_25, %and3A_1634] : memref<128x64xf32, #tpu.memory_space<vmem>>[vector<16xi32>, vector<16xi32>], vector<16xf32>,
        %gather3A_1671 = arith.constant 0 : i32
        %gather3A_1672 = arith.constant 0 : i32
        %gather3A_1673 = tpu.memref_slice %arg7[%scan3A_1461, %gather3A_1671, %gather3A_1672] : memref<3x128x64xf32, #tpu.memory_space<vmem>> -> memref<1x128x64xf32, #tpu.memory_space<vmem>>
        %gather3A_1674 = tpu.memref_squeeze %gather3A_1673 : memref<1x128x64xf32, #tpu.memory_space<vmem>> -> memref<128x64xf32, #tpu.memory_space<vmem>>
        %gather3A_1675 = tpu.vector_load_idx %gather3A_1674[%add3A_28, %and3A_1634] : memref<128x64xf32, #tpu.memory_space<vmem>>[vector<16xi32>, vector<16xi32>], vector<16xf32>,
        %gather3A_1676 = arith.constant 0 : i32
        %gather3A_1677 = arith.constant 0 : i32
        %gather3A_1678 = tpu.memref_slice %arg7[%scan3A_1461, %gather3A_1676, %gather3A_1677] : memref<3x128x64xf32, #tpu.memory_space<vmem>> -> memref<1x128x64xf32, #tpu.memory_space<vmem>>
        %gather3A_1679 = tpu.memref_squeeze %gather3A_1678 : memref<1x128x64xf32, #tpu.memory_space<vmem>> -> memref<128x64xf32, #tpu.memory_space<vmem>>
        %gather3A_1680 = tpu.vector_load_idx %gather3A_1679[%add3A_31, %and3A_1634] : memref<128x64xf32, #tpu.memory_space<vmem>>[vector<16xi32>, vector<16xi32>], vector<16xf32>,
        %scatter3A_1681 = arith.constant 0 : i32
        %scatter3A_1682 = arith.constant 0 : i32
        %scatter3A_1683 = arith.constant 0 : i32
        %scatter3A_1684 = tpu.memref_slice %arg8[%scan3A_1462, %scatter3A_1681, %scatter3A_1682, %scatter3A_1683] : memref<3x8x8x128xf32, #tpu.memory_space<vmem>> -> memref<1x8x8x128xf32, #tpu.memory_space<vmem>>
        %scatter3A_1685 = tpu.memref_squeeze %scatter3A_1684 : memref<1x8x8x128xf32, #tpu.memory_space<vmem>> -> memref<8x8x128xf32, #tpu.memory_space<vmem>>
        tpu.vector_store_idx %scatter3A_1685[%shift_right_logical3A_1637, %and3A_1640, %add3A_10], %gather3A_1645 : memref<8x8x128xf32, #tpu.memory_space<vmem>>[vector<16xi32>, vector<16xi32>, vector<16xi32>], vector<16xf32>,
        %scatter3A_1686 = arith.constant 0 : i32
        %scatter3A_1687 = arith.constant 0 : i32
        %scatter3A_1688 = arith.constant 0 : i32
        %scatter3A_1689 = tpu.memref_slice %arg8[%scan3A_1462, %scatter3A_1686, %scatter3A_1687, %scatter3A_1688] : memref<3x8x8x128xf32, #tpu.memory_space<vmem>> -> memref<1x8x8x128xf32, #tpu.memory_space<vmem>>
        %scatter3A_1690 = tpu.memref_squeeze %scatter3A_1689 : memref<1x8x8x128xf32, #tpu.memory_space<vmem>> -> memref<8x8x128xf32, #tpu.memory_space<vmem>>
        tpu.vector_store_idx %scatter3A_1690[%shift_right_logical3A_1637, %and3A_1640, %add3A_13], %gather3A_1650 : memref<8x8x128xf32, #tpu.memory_space<vmem>>[vector<16xi32>, vector<16xi32>, vector<16xi32>], vector<16xf32>,
        %scatter3A_1691 = arith.constant 0 : i32
        %scatter3A_1692 = arith.constant 0 : i32
        %scatter3A_1693 = arith.constant 0 : i32
        %scatter3A_1694 = tpu.memref_slice %arg8[%scan3A_1462, %scatter3A_1691, %scatter3A_1692, %scatter3A_1693] : memref<3x8x8x128xf32, #tpu.memory_space<vmem>> -> memref<1x8x8x128xf32, #tpu.memory_space<vmem>>
        %scatter3A_1695 = tpu.memref_squeeze %scatter3A_1694 : memref<1x8x8x128xf32, #tpu.memory_space<vmem>> -> memref<8x8x128xf32, #tpu.memory_space<vmem>>
        tpu.vector_store_idx %scatter3A_1695[%shift_right_logical3A_1637, %and3A_1640, %add3A_16], %gather3A_1655 : memref<8x8x128xf32, #tpu.memory_space<vmem>>[vector<16xi32>, vector<16xi32>, vector<16xi32>], vector<16xf32>,
        %scatter3A_1696 = arith.constant 0 : i32
        %scatter3A_1697 = arith.constant 0 : i32
        %scatter3A_1698 = arith.constant 0 : i32
        %scatter3A_1699 = tpu.memref_slice %arg8[%scan3A_1462, %scatter3A_1696, %scatter3A_1697, %scatter3A_1698] : memref<3x8x8x128xf32, #tpu.memory_space<vmem>> -> memref<1x8x8x128xf32, #tpu.memory_space<vmem>>
        %scatter3A_1700 = tpu.memref_squeeze %scatter3A_1699 : memref<1x8x8x128xf32, #tpu.memory_space<vmem>> -> memref<8x8x128xf32, #tpu.memory_space<vmem>>
        tpu.vector_store_idx %scatter3A_1700[%shift_right_logical3A_1637, %and3A_1640, %add3A_19], %gather3A_1660 : memref<8x8x128xf32, #tpu.memory_space<vmem>>[vector<16xi32>, vector<16xi32>, vector<16xi32>], vector<16xf32>,
        %scatter3A_1701 = arith.constant 0 : i32
        %scatter3A_1702 = arith.constant 0 : i32
        %scatter3A_1703 = arith.constant 0 : i32
        %scatter3A_1704 = tpu.memref_slice %arg8[%scan3A_1462, %scatter3A_1701, %scatter3A_1702, %scatter3A_1703] : memref<3x8x8x128xf32, #tpu.memory_space<vmem>> -> memref<1x8x8x128xf32, #tpu.memory_space<vmem>>
        %scatter3A_1705 = tpu.memref_squeeze %scatter3A_1704 : memref<1x8x8x128xf32, #tpu.memory_space<vmem>> -> memref<8x8x128xf32, #tpu.memory_space<vmem>>
        tpu.vector_store_idx %scatter3A_1705[%shift_right_logical3A_1637, %and3A_1640, %add3A_22], %gather3A_1665 : memref<8x8x128xf32, #tpu.memory_space<vmem>>[vector<16xi32>, vector<16xi32>, vector<16xi32>], vector<16xf32>,
        %scatter3A_1706 = arith.constant 0 : i32
        %scatter3A_1707 = arith.constant 0 : i32
        %scatter3A_1708 = arith.constant 0 : i32
        %scatter3A_1709 = tpu.memref_slice %arg8[%scan3A_1462, %scatter3A_1706, %scatter3A_1707, %scatter3A_1708] : memref<3x8x8x128xf32, #tpu.memory_space<vmem>> -> memref<1x8x8x128xf32, #tpu.memory_space<vmem>>
        %scatter3A_1710 = tpu.memref_squeeze %scatter3A_1709 : memref<1x8x8x128xf32, #tpu.memory_space<vmem>> -> memref<8x8x128xf32, #tpu.memory_space<vmem>>
        tpu.vector_store_idx %scatter3A_1710[%shift_right_logical3A_1637, %and3A_1640, %add3A_25], %gather3A_1670 : memref<8x8x128xf32, #tpu.memory_space<vmem>>[vector<16xi32>, vector<16xi32>, vector<16xi32>], vector<16xf32>,
        %scatter3A_1711 = arith.constant 0 : i32
        %scatter3A_1712 = arith.constant 0 : i32
        %scatter3A_1713 = arith.constant 0 : i32
        %scatter3A_1714 = tpu.memref_slice %arg8[%scan3A_1462, %scatter3A_1711, %scatter3A_1712, %scatter3A_1713] : memref<3x8x8x128xf32, #tpu.memory_space<vmem>> -> memref<1x8x8x128xf32, #tpu.memory_space<vmem>>
        %scatter3A_1715 = tpu.memref_squeeze %scatter3A_1714 : memref<1x8x8x128xf32, #tpu.memory_space<vmem>> -> memref<8x8x128xf32, #tpu.memory_space<vmem>>
        tpu.vector_store_idx %scatter3A_1715[%shift_right_logical3A_1637, %and3A_1640, %add3A_28], %gather3A_1675 : memref<8x8x128xf32, #tpu.memory_space<vmem>>[vector<16xi32>, vector<16xi32>, vector<16xi32>], vector<16xf32>,
        %scatter3A_1716 = arith.constant 0 : i32
        %scatter3A_1717 = arith.constant 0 : i32
        %scatter3A_1718 = arith.constant 0 : i32
        %scatter3A_1719 = tpu.memref_slice %arg8[%scan3A_1462, %scatter3A_1716, %scatter3A_1717, %scatter3A_1718] : memref<3x8x8x128xf32, #tpu.memory_space<vmem>> -> memref<1x8x8x128xf32, #tpu.memory_space<vmem>>
        %scatter3A_1720 = tpu.memref_squeeze %scatter3A_1719 : memref<1x8x8x128xf32, #tpu.memory_space<vmem>> -> memref<8x8x128xf32, #tpu.memory_space<vmem>>
        tpu.vector_store_idx %scatter3A_1720[%shift_right_logical3A_1637, %and3A_1640, %add3A_31], %gather3A_1680 : memref<8x8x128xf32, #tpu.memory_space<vmem>>[vector<16xi32>, vector<16xi32>, vector<16xi32>], vector<16xf32>,
      }
      %scan3A_1467 = arith.constant 32 : i32
      %jit3A_1468 = arith.constant 4 : i32
      %div3A_1469 = arith.divsi %add3A_1272, %jit3A_1468 : i32
      %sign3A_1470 = arith.constant 0 : i32
      %sign3A_1471 = arith.cmpi sgt, %add3A_1272, %sign3A_1470 : i32
      %sign3A_1472 = arith.extui %sign3A_1471 : i1 to i32
      %sign3A_1473 = arith.constant 0 : i32
      %sign3A_1474 = arith.cmpi slt, %add3A_1272, %sign3A_1473 : i32
      %sign3A_1475 = arith.extui %sign3A_1474 : i1 to i32
      %sign3A_1476 = arith.subi %sign3A_1472, %sign3A_1475 : i32
      %sign3A_1477 = arith.constant 0 : i32
      %sign3A_1478 = arith.cmpi sgt, %jit3A_1468, %sign3A_1477 : i32
      %sign3A_1479 = arith.extui %sign3A_1478 : i1 to i32
      %sign3A_1480 = arith.constant 0 : i32
      %sign3A_1481 = arith.cmpi slt, %jit3A_1468, %sign3A_1480 : i32
      %sign3A_1482 = arith.extui %sign3A_1481 : i1 to i32
      %sign3A_1483 = arith.subi %sign3A_1479, %sign3A_1482 : i32
      %ne3A_1484 = arith.cmpi ne, %sign3A_1476, %sign3A_1483 : i32
      %rem3A_1485 = arith.remsi %add3A_1272, %jit3A_1468 : i32
      %ne3A_1486 = arith.constant 0 : i32
      %ne3A_1487 = arith.cmpi ne, %rem3A_1485, %ne3A_1486 : i32
      %and3A_1488 = arith.andi %ne3A_1484, %ne3A_1487 : i1
      %sub3A_1489 = arith.constant 1 : i32
      %sub3A_1490 = arith.subi %div3A_1469, %sub3A_1489 : i32
      %select_n3A_1491 = arith.select %and3A_1488, %sub3A_1490, %div3A_1469 : i32
      %mul3A_1492 = arith.constant 4 : i32
      %mul3A_1493 = arith.muli %add3A, %mul3A_1492 : i32
      %jit3A_1494 = arith.constant 4 : i32
      %eq3A_1495 = arith.constant 0 : i32
      %eq3A_1496 = arith.cmpi eq, %jit3A_1494, %eq3A_1495 : i32
      %jit3A_1497 = arith.constant 1 : i32
      %select_n3A_1498 = arith.select %eq3A_1496, %jit3A_1497, %jit3A_1494 : i32
      %rem3A_1499 = arith.remsi %add3A_1272, %select_n3A_1498 : i32
      %ne3A_1500 = arith.constant 0 : i32
      %ne3A_1501 = arith.cmpi ne, %rem3A_1499, %ne3A_1500 : i32
      %lt3A_1502 = arith.constant 0 : i32
      %lt3A_1503 = arith.cmpi slt, %rem3A_1499, %lt3A_1502 : i32
      %lt3A_1504 = arith.constant 0 : i32
      %lt3A_1505 = arith.cmpi slt, %select_n3A_1498, %lt3A_1504 : i32
      %ne3A_1506 = arith.xori %lt3A_1503, %lt3A_1505 : i1
      %and3A_1507 = arith.andi %ne3A_1506, %ne3A_1501 : i1
      %add3A_1508 = arith.addi %rem3A_1499, %select_n3A_1498 : i32
      %select_n3A_1509 = arith.select %and3A_1507, %add3A_1508, %rem3A_1499 : i32
      %add3A_1510 = arith.addi %mul3A_1493, %select_n3A_1509 : i32
      %dma_start3A_1511 = arith.constant 2 : i32
      %dma_start3A_1512 = arith.constant 0 : i32
      %dma_start3A_1513 = arith.constant 0 : i32
      %dma_start3A_1514 = arith.constant 0 : i32
      %dma_start3A_1515 = tpu.memref_slice %arg8[%dma_start3A_1511, %dma_start3A_1512, %dma_start3A_1513, %dma_start3A_1514] : memref<3x8x8x128xf32, #tpu.memory_space<vmem>> -> memref<1x8x8x128xf32, #tpu.memory_space<vmem>>
      %dma_start3A_1516 = tpu.memref_squeeze %dma_start3A_1515 : memref<1x8x8x128xf32, #tpu.memory_space<vmem>> -> memref<8x8x128xf32, #tpu.memory_space<vmem>>
      %dma_start3A_1517 = arith.constant 0 : i32
      %dma_start3A_1518 = arith.constant 0 : i32
      %dma_start3A_1519 = arith.constant 0 : i32
      %dma_start3A_1520 = tpu.memref_slice %arg4[%select_n3A_1491, %dma_start3A_1517, %add3A_1510, %dma_start3A_1518, %dma_start3A_1519] : memref<50x8x128x8x128xf32, #tpu.memory_space<hbm>> -> memref<1x8x1x8x128xf32, #tpu.memory_space<hbm>>
      %dma_start3A_1521 = tpu.memref_squeeze %dma_start3A_1520 : memref<1x8x1x8x128xf32, #tpu.memory_space<hbm>> -> memref<8x8x128xf32, #tpu.memory_space<hbm>>
      %dma_start3A_1522 = arith.constant 0 : i32
      %dma_start3A_1523 = arith.constant 0 : i32
      %dma_start3A_1524 = arith.constant 0 : i32
      %dma_start3A_1525 = tpu.memref_slice %arg4[%select_n3A_1491, %dma_start3A_1522, %add3A_1510, %dma_start3A_1523, %dma_start3A_1524] : memref<50x8x128x8x128xf32, #tpu.memory_space<hbm>> -> memref<1x8x1x8x128xf32, #tpu.memory_space<hbm>>
      %dma_start3A_1526 = tpu.memref_squeeze %dma_start3A_1525 : memref<1x8x1x8x128xf32, #tpu.memory_space<hbm>> -> memref<8x8x128xf32, #tpu.memory_space<hbm>>
      %dma_start3A_1527 = arith.constant 0 : i32
      %dma_start3A_1528 = arith.constant 0 : i32
      %dma_start3A_1529 = arith.constant 0 : i32
      %dma_start3A_1530 = tpu.memref_slice %arg8[%dma_start3A_1511, %dma_start3A_1527, %dma_start3A_1528, %dma_start3A_1529] : memref<3x8x8x128xf32, #tpu.memory_space<vmem>> -> memref<1x8x8x128xf32, #tpu.memory_space<vmem>>
      %dma_start3A_1531 = tpu.memref_squeeze %dma_start3A_1530 : memref<1x8x8x128xf32, #tpu.memory_space<vmem>> -> memref<8x8x128xf32, #tpu.memory_space<vmem>>
      tpu.enqueue_dma source(%dma_start3A_1531 : memref<8x8x128xf32, #tpu.memory_space<vmem>>) target(%dma_start3A_1526 : memref<8x8x128xf32, #tpu.memory_space<hbm>>) target_semaphore(%arg14 : memref<!tpu.dma_semaphore, #tpu.memory_space<semaphore_mem>>)
    }
    %scan3A_550 = arith.constant 65 : i32
    %dma_wait3A_551 = arith.constant 0 : i32
    %dma_wait3A_552 = arith.constant 0 : i32
    %dma_wait3A_553 = arith.constant 0 : i32
    %dma_wait3A_554 = arith.constant 0 : i32
    %dma_wait3A_555 = arith.constant 0 : i32
    %dma_wait3A_556 = arith.constant 0 : i32
    %dma_wait3A_557 = tpu.memref_slice %arg8[%dma_wait3A_551, %dma_wait3A_554, %dma_wait3A_555, %dma_wait3A_556] : memref<3x8x8x128xf32, #tpu.memory_space<vmem>> -> memref<1x8x8x128xf32, #tpu.memory_space<vmem>>
    %dma_wait3A_558 = tpu.memref_squeeze %dma_wait3A_557 : memref<1x8x8x128xf32, #tpu.memory_space<vmem>> -> memref<8x8x128xf32, #tpu.memory_space<vmem>>
    %dma_wait3A_559 = arith.constant 0 : i32
    %dma_wait3A_560 = arith.constant 0 : i32
    %dma_wait3A_561 = arith.constant 0 : i32
    %dma_wait3A_562 = tpu.memref_slice %arg4[%dma_wait3A_552, %dma_wait3A_559, %dma_wait3A_553, %dma_wait3A_560, %dma_wait3A_561] : memref<50x8x128x8x128xf32, #tpu.memory_space<hbm>> -> memref<1x8x1x8x128xf32, #tpu.memory_space<hbm>>
    %dma_wait3A_563 = tpu.memref_squeeze %dma_wait3A_562 : memref<1x8x1x8x128xf32, #tpu.memory_space<hbm>> -> memref<8x8x128xf32, #tpu.memory_space<hbm>>
    %dma_wait3A_564 = arith.constant 0 : i32
    %dma_wait3A_565 = arith.constant 0 : i32
    %dma_wait3A_566 = arith.constant 0 : i32
    %dma_wait3A_567 = tpu.memref_slice %arg4[%dma_wait3A_552, %dma_wait3A_564, %dma_wait3A_553, %dma_wait3A_565, %dma_wait3A_566] : memref<50x8x128x8x128xf32, #tpu.memory_space<hbm>> -> memref<1x8x1x8x128xf32, #tpu.memory_space<hbm>>
    %dma_wait3A_568 = tpu.memref_squeeze %dma_wait3A_567 : memref<1x8x1x8x128xf32, #tpu.memory_space<hbm>> -> memref<8x8x128xf32, #tpu.memory_space<hbm>>
    %dma_wait3A_569 = arith.constant 0 : i32
    %dma_wait3A_570 = arith.constant 0 : i32
    %dma_wait3A_571 = arith.constant 0 : i32
    %dma_wait3A_572 = tpu.memref_slice %arg8[%dma_wait3A_551, %dma_wait3A_569, %dma_wait3A_570, %dma_wait3A_571] : memref<3x8x8x128xf32, #tpu.memory_space<vmem>> -> memref<1x8x8x128xf32, #tpu.memory_space<vmem>>
    %dma_wait3A_573 = tpu.memref_squeeze %dma_wait3A_572 : memref<1x8x8x128xf32, #tpu.memory_space<vmem>> -> memref<8x8x128xf32, #tpu.memory_space<vmem>>
    tpu.wait_dma2 semaphore(%arg12 : memref<!tpu.dma_semaphore, #tpu.memory_space<semaphore_mem>>) src(%dma_wait3A_573 : memref<8x8x128xf32, #tpu.memory_space<vmem>>) dst(%dma_wait3A_568 : memref<8x8x128xf32, #tpu.memory_space<hbm>>)
    %dma_wait3A_574 = arith.constant 0 : i32
    %dma_wait3A_575 = arith.constant 0 : i32
    %dma_wait3A_576 = arith.constant 0 : i32
    %dma_wait3A_577 = arith.constant 0 : i32
    %dma_wait3A_578 = tpu.memref_slice %arg7[%dma_wait3A_575, %dma_wait3A_576, %dma_wait3A_577] : memref<3x128x64xf32, #tpu.memory_space<vmem>> -> memref<1x128x64xf32, #tpu.memory_space<vmem>>
    %dma_wait3A_579 = tpu.memref_squeeze %dma_wait3A_578 : memref<1x128x64xf32, #tpu.memory_space<vmem>> -> memref<128x64xf32, #tpu.memory_space<vmem>>
    %dma_wait3A_580 = arith.constant 0 : i32
    %dma_wait3A_581 = tpu.memref_slice %arg6[%dma_wait3A_574, %dma_wait3A_580] : memref<3x128xi32, #tpu.memory_space<vmem>> -> memref<1x128xi32, #tpu.memory_space<vmem>>
    %dma_wait3A_582 = tpu.memref_squeeze %dma_wait3A_581 : memref<1x128xi32, #tpu.memory_space<vmem>> -> memref<128xi32, #tpu.memory_space<vmem>>
    %dma_wait3A_583 = arith.constant 0 : i32
    %dma_wait3A_584 = arith.constant 0 : i32
    %dma_wait3A_585 = tpu.memref_slice %arg3[%dma_wait3A_583, %dma_wait3A_584] : memref<1000000x64xf32, #tpu.memory_space<hbm>> -> memref<1000000x64xf32, #tpu.memory_space<hbm>>
    tpu.wait_indirect_dma semaphore(%arg9 : memref<!tpu.dma_semaphore, #tpu.memory_space<semaphore_mem>>) src(%dma_wait3A_585 : memref<1000000x64xf32, #tpu.memory_space<hbm>>) dst(%dma_wait3A_579 : memref<128x64xf32, #tpu.memory_space<vmem>>)
    %scan3A_586 = arith.constant 0 : i32
    %scan3A_587 = arith.constant 0 : i32
    %scan3A_588 = arith.constant 0 : i32
    %scan3A_589 = arith.constant 0 : i32
    %scan3A_590 = arith.constant 32 : i32
    %scan3A_591 = arith.addi %scan3A_589, %scan3A_590 : i32
    %scan3A_592 = arith.constant 1 : i32
    scf.for %scan3A_758 = %scan3A_589 to %scan3A_591 step %scan3A_592  : i32 {
      %mul3A_759 = arith.constant 2 : i32
      %mul3A_760 = arith.muli %scan3A_758, %mul3A_759 : i32
      %add3A_761 = arith.constant 0 : i32
      %add3A_762 = arith.addi %mul3A_760, %add3A_761 : i32
      %add3A_763 = vector.broadcast %add3A_762 : i32 to vector<16xi32>
      %add3A_764 = arith.addi %iota3A, %add3A_763 : vector<16xi32>
      %and3A = arith.constant 63 : i32
      %and3A_765 = vector.broadcast %and3A : i32 to vector<16xi32>
      %and3A_766 = arith.andi %add3A_764, %and3A_765 : vector<16xi32>
      %shift_right_logical3A = arith.constant 3 : i32
      %shift_right_logical3A_767 = vector.broadcast %shift_right_logical3A : i32 to vector<16xi32>
      %shift_right_logical3A_768 = arith.shrui %and3A_766, %shift_right_logical3A_767 : vector<16xi32>
      %and3A_769 = arith.constant 7 : i32
      %and3A_770 = vector.broadcast %and3A_769 : i32 to vector<16xi32>
      %and3A_771 = arith.andi %and3A_766, %and3A_770 : vector<16xi32>
      %gather3A_772 = arith.constant 0 : i32
      %gather3A_773 = arith.constant 0 : i32
      %gather3A_774 = tpu.memref_slice %arg7[%scan3A_587, %gather3A_772, %gather3A_773] : memref<3x128x64xf32, #tpu.memory_space<vmem>> -> memref<1x128x64xf32, #tpu.memory_space<vmem>>
      %gather3A_775 = tpu.memref_squeeze %gather3A_774 : memref<1x128x64xf32, #tpu.memory_space<vmem>> -> memref<128x64xf32, #tpu.memory_space<vmem>>
      %gather3A_776 = tpu.vector_load_idx %gather3A_775[%add3A_10, %and3A_766] : memref<128x64xf32, #tpu.memory_space<vmem>>[vector<16xi32>, vector<16xi32>], vector<16xf32>,
      %gather3A_777 = arith.constant 0 : i32
      %gather3A_778 = arith.constant 0 : i32
      %gather3A_779 = tpu.memref_slice %arg7[%scan3A_587, %gather3A_777, %gather3A_778] : memref<3x128x64xf32, #tpu.memory_space<vmem>> -> memref<1x128x64xf32, #tpu.memory_space<vmem>>
      %gather3A_780 = tpu.memref_squeeze %gather3A_779 : memref<1x128x64xf32, #tpu.memory_space<vmem>> -> memref<128x64xf32, #tpu.memory_space<vmem>>
      %gather3A_781 = tpu.vector_load_idx %gather3A_780[%add3A_13, %and3A_766] : memref<128x64xf32, #tpu.memory_space<vmem>>[vector<16xi32>, vector<16xi32>], vector<16xf32>,
      %gather3A_782 = arith.constant 0 : i32
      %gather3A_783 = arith.constant 0 : i32
      %gather3A_784 = tpu.memref_slice %arg7[%scan3A_587, %gather3A_782, %gather3A_783] : memref<3x128x64xf32, #tpu.memory_space<vmem>> -> memref<1x128x64xf32, #tpu.memory_space<vmem>>
      %gather3A_785 = tpu.memref_squeeze %gather3A_784 : memref<1x128x64xf32, #tpu.memory_space<vmem>> -> memref<128x64xf32, #tpu.memory_space<vmem>>
      %gather3A_786 = tpu.vector_load_idx %gather3A_785[%add3A_16, %and3A_766] : memref<128x64xf32, #tpu.memory_space<vmem>>[vector<16xi32>, vector<16xi32>], vector<16xf32>,
      %gather3A_787 = arith.constant 0 : i32
      %gather3A_788 = arith.constant 0 : i32
      %gather3A_789 = tpu.memref_slice %arg7[%scan3A_587, %gather3A_787, %gather3A_788] : memref<3x128x64xf32, #tpu.memory_space<vmem>> -> memref<1x128x64xf32, #tpu.memory_space<vmem>>
      %gather3A_790 = tpu.memref_squeeze %gather3A_789 : memref<1x128x64xf32, #tpu.memory_space<vmem>> -> memref<128x64xf32, #tpu.memory_space<vmem>>
      %gather3A_791 = tpu.vector_load_idx %gather3A_790[%add3A_19, %and3A_766] : memref<128x64xf32, #tpu.memory_space<vmem>>[vector<16xi32>, vector<16xi32>], vector<16xf32>,
      %gather3A_792 = arith.constant 0 : i32
      %gather3A_793 = arith.constant 0 : i32
      %gather3A_794 = tpu.memref_slice %arg7[%scan3A_587, %gather3A_792, %gather3A_793] : memref<3x128x64xf32, #tpu.memory_space<vmem>> -> memref<1x128x64xf32, #tpu.memory_space<vmem>>
      %gather3A_795 = tpu.memref_squeeze %gather3A_794 : memref<1x128x64xf32, #tpu.memory_space<vmem>> -> memref<128x64xf32, #tpu.memory_space<vmem>>
      %gather3A_796 = tpu.vector_load_idx %gather3A_795[%add3A_22, %and3A_766] : memref<128x64xf32, #tpu.memory_space<vmem>>[vector<16xi32>, vector<16xi32>], vector<16xf32>,
      %gather3A_797 = arith.constant 0 : i32
      %gather3A_798 = arith.constant 0 : i32
      %gather3A_799 = tpu.memref_slice %arg7[%scan3A_587, %gather3A_797, %gather3A_798] : memref<3x128x64xf32, #tpu.memory_space<vmem>> -> memref<1x128x64xf32, #tpu.memory_space<vmem>>
      %gather3A_800 = tpu.memref_squeeze %gather3A_799 : memref<1x128x64xf32, #tpu.memory_space<vmem>> -> memref<128x64xf32, #tpu.memory_space<vmem>>
      %gather3A_801 = tpu.vector_load_idx %gather3A_800[%add3A_25, %and3A_766] : memref<128x64xf32, #tpu.memory_space<vmem>>[vector<16xi32>, vector<16xi32>], vector<16xf32>,
      %gather3A_802 = arith.constant 0 : i32
      %gather3A_803 = arith.constant 0 : i32
      %gather3A_804 = tpu.memref_slice %arg7[%scan3A_587, %gather3A_802, %gather3A_803] : memref<3x128x64xf32, #tpu.memory_space<vmem>> -> memref<1x128x64xf32, #tpu.memory_space<vmem>>
      %gather3A_805 = tpu.memref_squeeze %gather3A_804 : memref<1x128x64xf32, #tpu.memory_space<vmem>> -> memref<128x64xf32, #tpu.memory_space<vmem>>
      %gather3A_806 = tpu.vector_load_idx %gather3A_805[%add3A_28, %and3A_766] : memref<128x64xf32, #tpu.memory_space<vmem>>[vector<16xi32>, vector<16xi32>], vector<16xf32>,
      %gather3A_807 = arith.constant 0 : i32
      %gather3A_808 = arith.constant 0 : i32
      %gather3A_809 = tpu.memref_slice %arg7[%scan3A_587, %gather3A_807, %gather3A_808] : memref<3x128x64xf32, #tpu.memory_space<vmem>> -> memref<1x128x64xf32, #tpu.memory_space<vmem>>
      %gather3A_810 = tpu.memref_squeeze %gather3A_809 : memref<1x128x64xf32, #tpu.memory_space<vmem>> -> memref<128x64xf32, #tpu.memory_space<vmem>>
      %gather3A_811 = tpu.vector_load_idx %gather3A_810[%add3A_31, %and3A_766] : memref<128x64xf32, #tpu.memory_space<vmem>>[vector<16xi32>, vector<16xi32>], vector<16xf32>,
      %scatter3A = arith.constant 0 : i32
      %scatter3A_812 = arith.constant 0 : i32
      %scatter3A_813 = arith.constant 0 : i32
      %scatter3A_814 = tpu.memref_slice %arg8[%scan3A_588, %scatter3A, %scatter3A_812, %scatter3A_813] : memref<3x8x8x128xf32, #tpu.memory_space<vmem>> -> memref<1x8x8x128xf32, #tpu.memory_space<vmem>>
      %scatter3A_815 = tpu.memref_squeeze %scatter3A_814 : memref<1x8x8x128xf32, #tpu.memory_space<vmem>> -> memref<8x8x128xf32, #tpu.memory_space<vmem>>
      tpu.vector_store_idx %scatter3A_815[%shift_right_logical3A_768, %and3A_771, %add3A_10], %gather3A_776 : memref<8x8x128xf32, #tpu.memory_space<vmem>>[vector<16xi32>, vector<16xi32>, vector<16xi32>], vector<16xf32>,
      %scatter3A_816 = arith.constant 0 : i32
      %scatter3A_817 = arith.constant 0 : i32
      %scatter3A_818 = arith.constant 0 : i32
      %scatter3A_819 = tpu.memref_slice %arg8[%scan3A_588, %scatter3A_816, %scatter3A_817, %scatter3A_818] : memref<3x8x8x128xf32, #tpu.memory_space<vmem>> -> memref<1x8x8x128xf32, #tpu.memory_space<vmem>>
      %scatter3A_820 = tpu.memref_squeeze %scatter3A_819 : memref<1x8x8x128xf32, #tpu.memory_space<vmem>> -> memref<8x8x128xf32, #tpu.memory_space<vmem>>
      tpu.vector_store_idx %scatter3A_820[%shift_right_logical3A_768, %and3A_771, %add3A_13], %gather3A_781 : memref<8x8x128xf32, #tpu.memory_space<vmem>>[vector<16xi32>, vector<16xi32>, vector<16xi32>], vector<16xf32>,
      %scatter3A_821 = arith.constant 0 : i32
      %scatter3A_822 = arith.constant 0 : i32
      %scatter3A_823 = arith.constant 0 : i32
      %scatter3A_824 = tpu.memref_slice %arg8[%scan3A_588, %scatter3A_821, %scatter3A_822, %scatter3A_823] : memref<3x8x8x128xf32, #tpu.memory_space<vmem>> -> memref<1x8x8x128xf32, #tpu.memory_space<vmem>>
      %scatter3A_825 = tpu.memref_squeeze %scatter3A_824 : memref<1x8x8x128xf32, #tpu.memory_space<vmem>> -> memref<8x8x128xf32, #tpu.memory_space<vmem>>
      tpu.vector_store_idx %scatter3A_825[%shift_right_logical3A_768, %and3A_771, %add3A_16], %gather3A_786 : memref<8x8x128xf32, #tpu.memory_space<vmem>>[vector<16xi32>, vector<16xi32>, vector<16xi32>], vector<16xf32>,
      %scatter3A_826 = arith.constant 0 : i32
      %scatter3A_827 = arith.constant 0 : i32
      %scatter3A_828 = arith.constant 0 : i32
      %scatter3A_829 = tpu.memref_slice %arg8[%scan3A_588, %scatter3A_826, %scatter3A_827, %scatter3A_828] : memref<3x8x8x128xf32, #tpu.memory_space<vmem>> -> memref<1x8x8x128xf32, #tpu.memory_space<vmem>>
      %scatter3A_830 = tpu.memref_squeeze %scatter3A_829 : memref<1x8x8x128xf32, #tpu.memory_space<vmem>> -> memref<8x8x128xf32, #tpu.memory_space<vmem>>
      tpu.vector_store_idx %scatter3A_830[%shift_right_logical3A_768, %and3A_771, %add3A_19], %gather3A_791 : memref<8x8x128xf32, #tpu.memory_space<vmem>>[vector<16xi32>, vector<16xi32>, vector<16xi32>], vector<16xf32>,
      %scatter3A_831 = arith.constant 0 : i32
      %scatter3A_832 = arith.constant 0 : i32
      %scatter3A_833 = arith.constant 0 : i32
      %scatter3A_834 = tpu.memref_slice %arg8[%scan3A_588, %scatter3A_831, %scatter3A_832, %scatter3A_833] : memref<3x8x8x128xf32, #tpu.memory_space<vmem>> -> memref<1x8x8x128xf32, #tpu.memory_space<vmem>>
      %scatter3A_835 = tpu.memref_squeeze %scatter3A_834 : memref<1x8x8x128xf32, #tpu.memory_space<vmem>> -> memref<8x8x128xf32, #tpu.memory_space<vmem>>
      tpu.vector_store_idx %scatter3A_835[%shift_right_logical3A_768, %and3A_771, %add3A_22], %gather3A_796 : memref<8x8x128xf32, #tpu.memory_space<vmem>>[vector<16xi32>, vector<16xi32>, vector<16xi32>], vector<16xf32>,
      %scatter3A_836 = arith.constant 0 : i32
      %scatter3A_837 = arith.constant 0 : i32
      %scatter3A_838 = arith.constant 0 : i32
      %scatter3A_839 = tpu.memref_slice %arg8[%scan3A_588, %scatter3A_836, %scatter3A_837, %scatter3A_838] : memref<3x8x8x128xf32, #tpu.memory_space<vmem>> -> memref<1x8x8x128xf32, #tpu.memory_space<vmem>>
      %scatter3A_840 = tpu.memref_squeeze %scatter3A_839 : memref<1x8x8x128xf32, #tpu.memory_space<vmem>> -> memref<8x8x128xf32, #tpu.memory_space<vmem>>
      tpu.vector_store_idx %scatter3A_840[%shift_right_logical3A_768, %and3A_771, %add3A_25], %gather3A_801 : memref<8x8x128xf32, #tpu.memory_space<vmem>>[vector<16xi32>, vector<16xi32>, vector<16xi32>], vector<16xf32>,
      %scatter3A_841 = arith.constant 0 : i32
      %scatter3A_842 = arith.constant 0 : i32
      %scatter3A_843 = arith.constant 0 : i32
      %scatter3A_844 = tpu.memref_slice %arg8[%scan3A_588, %scatter3A_841, %scatter3A_842, %scatter3A_843] : memref<3x8x8x128xf32, #tpu.memory_space<vmem>> -> memref<1x8x8x128xf32, #tpu.memory_space<vmem>>
      %scatter3A_845 = tpu.memref_squeeze %scatter3A_844 : memref<1x8x8x128xf32, #tpu.memory_space<vmem>> -> memref<8x8x128xf32, #tpu.memory_space<vmem>>
      tpu.vector_store_idx %scatter3A_845[%shift_right_logical3A_768, %and3A_771, %add3A_28], %gather3A_806 : memref<8x8x128xf32, #tpu.memory_space<vmem>>[vector<16xi32>, vector<16xi32>, vector<16xi32>], vector<16xf32>,
      %scatter3A_846 = arith.constant 0 : i32
      %scatter3A_847 = arith.constant 0 : i32
      %scatter3A_848 = arith.constant 0 : i32
      %scatter3A_849 = tpu.memref_slice %arg8[%scan3A_588, %scatter3A_846, %scatter3A_847, %scatter3A_848] : memref<3x8x8x128xf32, #tpu.memory_space<vmem>> -> memref<1x8x8x128xf32, #tpu.memory_space<vmem>>
      %scatter3A_850 = tpu.memref_squeeze %scatter3A_849 : memref<1x8x8x128xf32, #tpu.memory_space<vmem>> -> memref<8x8x128xf32, #tpu.memory_space<vmem>>
      tpu.vector_store_idx %scatter3A_850[%shift_right_logical3A_768, %and3A_771, %add3A_31], %gather3A_811 : memref<8x8x128xf32, #tpu.memory_space<vmem>>[vector<16xi32>, vector<16xi32>, vector<16xi32>], vector<16xf32>,
      %mul3A_851 = arith.constant 2 : i32
      %mul3A_852 = arith.muli %scan3A_758, %mul3A_851 : i32
      %add3A_853 = arith.constant 1 : i32
      %add3A_854 = arith.addi %mul3A_852, %add3A_853 : i32
      %add3A_855 = vector.broadcast %add3A_854 : i32 to vector<16xi32>
      %add3A_856 = arith.addi %iota3A, %add3A_855 : vector<16xi32>
      %and3A_857 = arith.constant 63 : i32
      %and3A_858 = vector.broadcast %and3A_857 : i32 to vector<16xi32>
      %and3A_859 = arith.andi %add3A_856, %and3A_858 : vector<16xi32>
      %shift_right_logical3A_860 = arith.constant 3 : i32
      %shift_right_logical3A_861 = vector.broadcast %shift_right_logical3A_860 : i32 to vector<16xi32>
      %shift_right_logical3A_862 = arith.shrui %and3A_859, %shift_right_logical3A_861 : vector<16xi32>
      %and3A_863 = arith.constant 7 : i32
      %and3A_864 = vector.broadcast %and3A_863 : i32 to vector<16xi32>
      %and3A_865 = arith.andi %and3A_859, %and3A_864 : vector<16xi32>
      %gather3A_866 = arith.constant 0 : i32
      %gather3A_867 = arith.constant 0 : i32
      %gather3A_868 = tpu.memref_slice %arg7[%scan3A_587, %gather3A_866, %gather3A_867] : memref<3x128x64xf32, #tpu.memory_space<vmem>> -> memref<1x128x64xf32, #tpu.memory_space<vmem>>
      %gather3A_869 = tpu.memref_squeeze %gather3A_868 : memref<1x128x64xf32, #tpu.memory_space<vmem>> -> memref<128x64xf32, #tpu.memory_space<vmem>>
      %gather3A_870 = tpu.vector_load_idx %gather3A_869[%add3A_10, %and3A_859] : memref<128x64xf32, #tpu.memory_space<vmem>>[vector<16xi32>, vector<16xi32>], vector<16xf32>,
      %gather3A_871 = arith.constant 0 : i32
      %gather3A_872 = arith.constant 0 : i32
      %gather3A_873 = tpu.memref_slice %arg7[%scan3A_587, %gather3A_871, %gather3A_872] : memref<3x128x64xf32, #tpu.memory_space<vmem>> -> memref<1x128x64xf32, #tpu.memory_space<vmem>>
      %gather3A_874 = tpu.memref_squeeze %gather3A_873 : memref<1x128x64xf32, #tpu.memory_space<vmem>> -> memref<128x64xf32, #tpu.memory_space<vmem>>
      %gather3A_875 = tpu.vector_load_idx %gather3A_874[%add3A_13, %and3A_859] : memref<128x64xf32, #tpu.memory_space<vmem>>[vector<16xi32>, vector<16xi32>], vector<16xf32>,
      %gather3A_876 = arith.constant 0 : i32
      %gather3A_877 = arith.constant 0 : i32
      %gather3A_878 = tpu.memref_slice %arg7[%scan3A_587, %gather3A_876, %gather3A_877] : memref<3x128x64xf32, #tpu.memory_space<vmem>> -> memref<1x128x64xf32, #tpu.memory_space<vmem>>
      %gather3A_879 = tpu.memref_squeeze %gather3A_878 : memref<1x128x64xf32, #tpu.memory_space<vmem>> -> memref<128x64xf32, #tpu.memory_space<vmem>>
      %gather3A_880 = tpu.vector_load_idx %gather3A_879[%add3A_16, %and3A_859] : memref<128x64xf32, #tpu.memory_space<vmem>>[vector<16xi32>, vector<16xi32>], vector<16xf32>,
      %gather3A_881 = arith.constant 0 : i32
      %gather3A_882 = arith.constant 0 : i32
      %gather3A_883 = tpu.memref_slice %arg7[%scan3A_587, %gather3A_881, %gather3A_882] : memref<3x128x64xf32, #tpu.memory_space<vmem>> -> memref<1x128x64xf32, #tpu.memory_space<vmem>>
      %gather3A_884 = tpu.memref_squeeze %gather3A_883 : memref<1x128x64xf32, #tpu.memory_space<vmem>> -> memref<128x64xf32, #tpu.memory_space<vmem>>
      %gather3A_885 = tpu.vector_load_idx %gather3A_884[%add3A_19, %and3A_859] : memref<128x64xf32, #tpu.memory_space<vmem>>[vector<16xi32>, vector<16xi32>], vector<16xf32>,
      %gather3A_886 = arith.constant 0 : i32
      %gather3A_887 = arith.constant 0 : i32
      %gather3A_888 = tpu.memref_slice %arg7[%scan3A_587, %gather3A_886, %gather3A_887] : memref<3x128x64xf32, #tpu.memory_space<vmem>> -> memref<1x128x64xf32, #tpu.memory_space<vmem>>
      %gather3A_889 = tpu.memref_squeeze %gather3A_888 : memref<1x128x64xf32, #tpu.memory_space<vmem>> -> memref<128x64xf32, #tpu.memory_space<vmem>>
      %gather3A_890 = tpu.vector_load_idx %gather3A_889[%add3A_22, %and3A_859] : memref<128x64xf32, #tpu.memory_space<vmem>>[vector<16xi32>, vector<16xi32>], vector<16xf32>,
      %gather3A_891 = arith.constant 0 : i32
      %gather3A_892 = arith.constant 0 : i32
      %gather3A_893 = tpu.memref_slice %arg7[%scan3A_587, %gather3A_891, %gather3A_892] : memref<3x128x64xf32, #tpu.memory_space<vmem>> -> memref<1x128x64xf32, #tpu.memory_space<vmem>>
      %gather3A_894 = tpu.memref_squeeze %gather3A_893 : memref<1x128x64xf32, #tpu.memory_space<vmem>> -> memref<128x64xf32, #tpu.memory_space<vmem>>
      %gather3A_895 = tpu.vector_load_idx %gather3A_894[%add3A_25, %and3A_859] : memref<128x64xf32, #tpu.memory_space<vmem>>[vector<16xi32>, vector<16xi32>], vector<16xf32>,
      %gather3A_896 = arith.constant 0 : i32
      %gather3A_897 = arith.constant 0 : i32
      %gather3A_898 = tpu.memref_slice %arg7[%scan3A_587, %gather3A_896, %gather3A_897] : memref<3x128x64xf32, #tpu.memory_space<vmem>> -> memref<1x128x64xf32, #tpu.memory_space<vmem>>
      %gather3A_899 = tpu.memref_squeeze %gather3A_898 : memref<1x128x64xf32, #tpu.memory_space<vmem>> -> memref<128x64xf32, #tpu.memory_space<vmem>>
      %gather3A_900 = tpu.vector_load_idx %gather3A_899[%add3A_28, %and3A_859] : memref<128x64xf32, #tpu.memory_space<vmem>>[vector<16xi32>, vector<16xi32>], vector<16xf32>,
      %gather3A_901 = arith.constant 0 : i32
      %gather3A_902 = arith.constant 0 : i32
      %gather3A_903 = tpu.memref_slice %arg7[%scan3A_587, %gather3A_901, %gather3A_902] : memref<3x128x64xf32, #tpu.memory_space<vmem>> -> memref<1x128x64xf32, #tpu.memory_space<vmem>>
      %gather3A_904 = tpu.memref_squeeze %gather3A_903 : memref<1x128x64xf32, #tpu.memory_space<vmem>> -> memref<128x64xf32, #tpu.memory_space<vmem>>
      %gather3A_905 = tpu.vector_load_idx %gather3A_904[%add3A_31, %and3A_859] : memref<128x64xf32, #tpu.memory_space<vmem>>[vector<16xi32>, vector<16xi32>], vector<16xf32>,
      %scatter3A_906 = arith.constant 0 : i32
      %scatter3A_907 = arith.constant 0 : i32
      %scatter3A_908 = arith.constant 0 : i32
      %scatter3A_909 = tpu.memref_slice %arg8[%scan3A_588, %scatter3A_906, %scatter3A_907, %scatter3A_908] : memref<3x8x8x128xf32, #tpu.memory_space<vmem>> -> memref<1x8x8x128xf32, #tpu.memory_space<vmem>>
      %scatter3A_910 = tpu.memref_squeeze %scatter3A_909 : memref<1x8x8x128xf32, #tpu.memory_space<vmem>> -> memref<8x8x128xf32, #tpu.memory_space<vmem>>
      tpu.vector_store_idx %scatter3A_910[%shift_right_logical3A_862, %and3A_865, %add3A_10], %gather3A_870 : memref<8x8x128xf32, #tpu.memory_space<vmem>>[vector<16xi32>, vector<16xi32>, vector<16xi32>], vector<16xf32>,
      %scatter3A_911 = arith.constant 0 : i32
      %scatter3A_912 = arith.constant 0 : i32
      %scatter3A_913 = arith.constant 0 : i32
      %scatter3A_914 = tpu.memref_slice %arg8[%scan3A_588, %scatter3A_911, %scatter3A_912, %scatter3A_913] : memref<3x8x8x128xf32, #tpu.memory_space<vmem>> -> memref<1x8x8x128xf32, #tpu.memory_space<vmem>>
      %scatter3A_915 = tpu.memref_squeeze %scatter3A_914 : memref<1x8x8x128xf32, #tpu.memory_space<vmem>> -> memref<8x8x128xf32, #tpu.memory_space<vmem>>
      tpu.vector_store_idx %scatter3A_915[%shift_right_logical3A_862, %and3A_865, %add3A_13], %gather3A_875 : memref<8x8x128xf32, #tpu.memory_space<vmem>>[vector<16xi32>, vector<16xi32>, vector<16xi32>], vector<16xf32>,
      %scatter3A_916 = arith.constant 0 : i32
      %scatter3A_917 = arith.constant 0 : i32
      %scatter3A_918 = arith.constant 0 : i32
      %scatter3A_919 = tpu.memref_slice %arg8[%scan3A_588, %scatter3A_916, %scatter3A_917, %scatter3A_918] : memref<3x8x8x128xf32, #tpu.memory_space<vmem>> -> memref<1x8x8x128xf32, #tpu.memory_space<vmem>>
      %scatter3A_920 = tpu.memref_squeeze %scatter3A_919 : memref<1x8x8x128xf32, #tpu.memory_space<vmem>> -> memref<8x8x128xf32, #tpu.memory_space<vmem>>
      tpu.vector_store_idx %scatter3A_920[%shift_right_logical3A_862, %and3A_865, %add3A_16], %gather3A_880 : memref<8x8x128xf32, #tpu.memory_space<vmem>>[vector<16xi32>, vector<16xi32>, vector<16xi32>], vector<16xf32>,
      %scatter3A_921 = arith.constant 0 : i32
      %scatter3A_922 = arith.constant 0 : i32
      %scatter3A_923 = arith.constant 0 : i32
      %scatter3A_924 = tpu.memref_slice %arg8[%scan3A_588, %scatter3A_921, %scatter3A_922, %scatter3A_923] : memref<3x8x8x128xf32, #tpu.memory_space<vmem>> -> memref<1x8x8x128xf32, #tpu.memory_space<vmem>>
      %scatter3A_925 = tpu.memref_squeeze %scatter3A_924 : memref<1x8x8x128xf32, #tpu.memory_space<vmem>> -> memref<8x8x128xf32, #tpu.memory_space<vmem>>
      tpu.vector_store_idx %scatter3A_925[%shift_right_logical3A_862, %and3A_865, %add3A_19], %gather3A_885 : memref<8x8x128xf32, #tpu.memory_space<vmem>>[vector<16xi32>, vector<16xi32>, vector<16xi32>], vector<16xf32>,
      %scatter3A_926 = arith.constant 0 : i32
      %scatter3A_927 = arith.constant 0 : i32
      %scatter3A_928 = arith.constant 0 : i32
      %scatter3A_929 = tpu.memref_slice %arg8[%scan3A_588, %scatter3A_926, %scatter3A_927, %scatter3A_928] : memref<3x8x8x128xf32, #tpu.memory_space<vmem>> -> memref<1x8x8x128xf32, #tpu.memory_space<vmem>>
      %scatter3A_930 = tpu.memref_squeeze %scatter3A_929 : memref<1x8x8x128xf32, #tpu.memory_space<vmem>> -> memref<8x8x128xf32, #tpu.memory_space<vmem>>
      tpu.vector_store_idx %scatter3A_930[%shift_right_logical3A_862, %and3A_865, %add3A_22], %gather3A_890 : memref<8x8x128xf32, #tpu.memory_space<vmem>>[vector<16xi32>, vector<16xi32>, vector<16xi32>], vector<16xf32>,
      %scatter3A_931 = arith.constant 0 : i32
      %scatter3A_932 = arith.constant 0 : i32
      %scatter3A_933 = arith.constant 0 : i32
      %scatter3A_934 = tpu.memref_slice %arg8[%scan3A_588, %scatter3A_931, %scatter3A_932, %scatter3A_933] : memref<3x8x8x128xf32, #tpu.memory_space<vmem>> -> memref<1x8x8x128xf32, #tpu.memory_space<vmem>>
      %scatter3A_935 = tpu.memref_squeeze %scatter3A_934 : memref<1x8x8x128xf32, #tpu.memory_space<vmem>> -> memref<8x8x128xf32, #tpu.memory_space<vmem>>
      tpu.vector_store_idx %scatter3A_935[%shift_right_logical3A_862, %and3A_865, %add3A_25], %gather3A_895 : memref<8x8x128xf32, #tpu.memory_space<vmem>>[vector<16xi32>, vector<16xi32>, vector<16xi32>], vector<16xf32>,
      %scatter3A_936 = arith.constant 0 : i32
      %scatter3A_937 = arith.constant 0 : i32
      %scatter3A_938 = arith.constant 0 : i32
      %scatter3A_939 = tpu.memref_slice %arg8[%scan3A_588, %scatter3A_936, %scatter3A_937, %scatter3A_938] : memref<3x8x8x128xf32, #tpu.memory_space<vmem>> -> memref<1x8x8x128xf32, #tpu.memory_space<vmem>>
      %scatter3A_940 = tpu.memref_squeeze %scatter3A_939 : memref<1x8x8x128xf32, #tpu.memory_space<vmem>> -> memref<8x8x128xf32, #tpu.memory_space<vmem>>
      tpu.vector_store_idx %scatter3A_940[%shift_right_logical3A_862, %and3A_865, %add3A_28], %gather3A_900 : memref<8x8x128xf32, #tpu.memory_space<vmem>>[vector<16xi32>, vector<16xi32>, vector<16xi32>], vector<16xf32>,
      %scatter3A_941 = arith.constant 0 : i32
      %scatter3A_942 = arith.constant 0 : i32
      %scatter3A_943 = arith.constant 0 : i32
      %scatter3A_944 = tpu.memref_slice %arg8[%scan3A_588, %scatter3A_941, %scatter3A_942, %scatter3A_943] : memref<3x8x8x128xf32, #tpu.memory_space<vmem>> -> memref<1x8x8x128xf32, #tpu.memory_space<vmem>>
      %scatter3A_945 = tpu.memref_squeeze %scatter3A_944 : memref<1x8x8x128xf32, #tpu.memory_space<vmem>> -> memref<8x8x128xf32, #tpu.memory_space<vmem>>
      tpu.vector_store_idx %scatter3A_945[%shift_right_logical3A_862, %and3A_865, %add3A_31], %gather3A_905 : memref<8x8x128xf32, #tpu.memory_space<vmem>>[vector<16xi32>, vector<16xi32>, vector<16xi32>], vector<16xf32>,
    }
    %scan3A_593 = arith.constant 32 : i32
    %mul3A_594 = arith.constant 4 : i32
    %mul3A_595 = arith.muli %add3A, %mul3A_594 : i32
    %add3A_596 = arith.constant 2 : i32
    %add3A_597 = arith.addi %mul3A_595, %add3A_596 : i32
    %dma_start3A_598 = arith.constant 0 : i32
    %dma_start3A_599 = arith.constant 49 : i32
    %dma_start3A_600 = arith.constant 0 : i32
    %dma_start3A_601 = arith.constant 0 : i32
    %dma_start3A_602 = arith.constant 0 : i32
    %dma_start3A_603 = tpu.memref_slice %arg8[%dma_start3A_598, %dma_start3A_600, %dma_start3A_601, %dma_start3A_602] : memref<3x8x8x128xf32, #tpu.memory_space<vmem>> -> memref<1x8x8x128xf32, #tpu.memory_space<vmem>>
    %dma_start3A_604 = tpu.memref_squeeze %dma_start3A_603 : memref<1x8x8x128xf32, #tpu.memory_space<vmem>> -> memref<8x8x128xf32, #tpu.memory_space<vmem>>
    %dma_start3A_605 = arith.constant 0 : i32
    %dma_start3A_606 = arith.constant 0 : i32
    %dma_start3A_607 = arith.constant 0 : i32
    %dma_start3A_608 = tpu.memref_slice %arg4[%dma_start3A_599, %dma_start3A_605, %add3A_597, %dma_start3A_606, %dma_start3A_607] : memref<50x8x128x8x128xf32, #tpu.memory_space<hbm>> -> memref<1x8x1x8x128xf32, #tpu.memory_space<hbm>>
    %dma_start3A_609 = tpu.memref_squeeze %dma_start3A_608 : memref<1x8x1x8x128xf32, #tpu.memory_space<hbm>> -> memref<8x8x128xf32, #tpu.memory_space<hbm>>
    %dma_start3A_610 = arith.constant 0 : i32
    %dma_start3A_611 = arith.constant 0 : i32
    %dma_start3A_612 = arith.constant 0 : i32
    %dma_start3A_613 = tpu.memref_slice %arg4[%dma_start3A_599, %dma_start3A_610, %add3A_597, %dma_start3A_611, %dma_start3A_612] : memref<50x8x128x8x128xf32, #tpu.memory_space<hbm>> -> memref<1x8x1x8x128xf32, #tpu.memory_space<hbm>>
    %dma_start3A_614 = tpu.memref_squeeze %dma_start3A_613 : memref<1x8x1x8x128xf32, #tpu.memory_space<hbm>> -> memref<8x8x128xf32, #tpu.memory_space<hbm>>
    %dma_start3A_615 = arith.constant 0 : i32
    %dma_start3A_616 = arith.constant 0 : i32
    %dma_start3A_617 = arith.constant 0 : i32
    %dma_start3A_618 = tpu.memref_slice %arg8[%dma_start3A_598, %dma_start3A_615, %dma_start3A_616, %dma_start3A_617] : memref<3x8x8x128xf32, #tpu.memory_space<vmem>> -> memref<1x8x8x128xf32, #tpu.memory_space<vmem>>
    %dma_start3A_619 = tpu.memref_squeeze %dma_start3A_618 : memref<1x8x8x128xf32, #tpu.memory_space<vmem>> -> memref<8x8x128xf32, #tpu.memory_space<vmem>>
    tpu.enqueue_dma source(%dma_start3A_619 : memref<8x8x128xf32, #tpu.memory_space<vmem>>) target(%dma_start3A_614 : memref<8x8x128xf32, #tpu.memory_space<hbm>>) target_semaphore(%arg12 : memref<!tpu.dma_semaphore, #tpu.memory_space<semaphore_mem>>)
    %dma_wait3A_620 = arith.constant 1 : i32
    %dma_wait3A_621 = arith.constant 0 : i32
    %dma_wait3A_622 = arith.constant 0 : i32
    %dma_wait3A_623 = arith.constant 0 : i32
    %dma_wait3A_624 = arith.constant 0 : i32
    %dma_wait3A_625 = arith.constant 0 : i32
    %dma_wait3A_626 = tpu.memref_slice %arg8[%dma_wait3A_620, %dma_wait3A_623, %dma_wait3A_624, %dma_wait3A_625] : memref<3x8x8x128xf32, #tpu.memory_space<vmem>> -> memref<1x8x8x128xf32, #tpu.memory_space<vmem>>
    %dma_wait3A_627 = tpu.memref_squeeze %dma_wait3A_626 : memref<1x8x8x128xf32, #tpu.memory_space<vmem>> -> memref<8x8x128xf32, #tpu.memory_space<vmem>>
    %dma_wait3A_628 = arith.constant 0 : i32
    %dma_wait3A_629 = arith.constant 0 : i32
    %dma_wait3A_630 = arith.constant 0 : i32
    %dma_wait3A_631 = tpu.memref_slice %arg4[%dma_wait3A_621, %dma_wait3A_628, %dma_wait3A_622, %dma_wait3A_629, %dma_wait3A_630] : memref<50x8x128x8x128xf32, #tpu.memory_space<hbm>> -> memref<1x8x1x8x128xf32, #tpu.memory_space<hbm>>
    %dma_wait3A_632 = tpu.memref_squeeze %dma_wait3A_631 : memref<1x8x1x8x128xf32, #tpu.memory_space<hbm>> -> memref<8x8x128xf32, #tpu.memory_space<hbm>>
    %dma_wait3A_633 = arith.constant 0 : i32
    %dma_wait3A_634 = arith.constant 0 : i32
    %dma_wait3A_635 = arith.constant 0 : i32
    %dma_wait3A_636 = tpu.memref_slice %arg4[%dma_wait3A_621, %dma_wait3A_633, %dma_wait3A_622, %dma_wait3A_634, %dma_wait3A_635] : memref<50x8x128x8x128xf32, #tpu.memory_space<hbm>> -> memref<1x8x1x8x128xf32, #tpu.memory_space<hbm>>
    %dma_wait3A_637 = tpu.memref_squeeze %dma_wait3A_636 : memref<1x8x1x8x128xf32, #tpu.memory_space<hbm>> -> memref<8x8x128xf32, #tpu.memory_space<hbm>>
    %dma_wait3A_638 = arith.constant 0 : i32
    %dma_wait3A_639 = arith.constant 0 : i32
    %dma_wait3A_640 = arith.constant 0 : i32
    %dma_wait3A_641 = tpu.memref_slice %arg8[%dma_wait3A_620, %dma_wait3A_638, %dma_wait3A_639, %dma_wait3A_640] : memref<3x8x8x128xf32, #tpu.memory_space<vmem>> -> memref<1x8x8x128xf32, #tpu.memory_space<vmem>>
    %dma_wait3A_642 = tpu.memref_squeeze %dma_wait3A_641 : memref<1x8x8x128xf32, #tpu.memory_space<vmem>> -> memref<8x8x128xf32, #tpu.memory_space<vmem>>
    tpu.wait_dma2 semaphore(%arg13 : memref<!tpu.dma_semaphore, #tpu.memory_space<semaphore_mem>>) src(%dma_wait3A_642 : memref<8x8x128xf32, #tpu.memory_space<vmem>>) dst(%dma_wait3A_637 : memref<8x8x128xf32, #tpu.memory_space<hbm>>)
    %dma_wait3A_643 = arith.constant 0 : i32
    %dma_wait3A_644 = arith.constant 1 : i32
    %dma_wait3A_645 = arith.constant 0 : i32
    %dma_wait3A_646 = arith.constant 0 : i32
    %dma_wait3A_647 = tpu.memref_slice %arg7[%dma_wait3A_644, %dma_wait3A_645, %dma_wait3A_646] : memref<3x128x64xf32, #tpu.memory_space<vmem>> -> memref<1x128x64xf32, #tpu.memory_space<vmem>>
    %dma_wait3A_648 = tpu.memref_squeeze %dma_wait3A_647 : memref<1x128x64xf32, #tpu.memory_space<vmem>> -> memref<128x64xf32, #tpu.memory_space<vmem>>
    %dma_wait3A_649 = arith.constant 0 : i32
    %dma_wait3A_650 = tpu.memref_slice %arg6[%dma_wait3A_643, %dma_wait3A_649] : memref<3x128xi32, #tpu.memory_space<vmem>> -> memref<1x128xi32, #tpu.memory_space<vmem>>
    %dma_wait3A_651 = tpu.memref_squeeze %dma_wait3A_650 : memref<1x128xi32, #tpu.memory_space<vmem>> -> memref<128xi32, #tpu.memory_space<vmem>>
    %dma_wait3A_652 = arith.constant 0 : i32
    %dma_wait3A_653 = arith.constant 0 : i32
    %dma_wait3A_654 = tpu.memref_slice %arg3[%dma_wait3A_652, %dma_wait3A_653] : memref<1000000x64xf32, #tpu.memory_space<hbm>> -> memref<1000000x64xf32, #tpu.memory_space<hbm>>
    tpu.wait_indirect_dma semaphore(%arg10 : memref<!tpu.dma_semaphore, #tpu.memory_space<semaphore_mem>>) src(%dma_wait3A_654 : memref<1000000x64xf32, #tpu.memory_space<hbm>>) dst(%dma_wait3A_648 : memref<128x64xf32, #tpu.memory_space<vmem>>)
    %scan3A_655 = arith.constant 0 : i32
    %scan3A_656 = arith.constant 1 : i32
    %scan3A_657 = arith.constant 1 : i32
    %scan3A_658 = arith.constant 0 : i32
    %scan3A_659 = arith.constant 32 : i32
    %scan3A_660 = arith.addi %scan3A_658, %scan3A_659 : i32
    %scan3A_661 = arith.constant 1 : i32
    scf.for %scan3A_758 = %scan3A_658 to %scan3A_660 step %scan3A_661  : i32 {
      %mul3A_759 = arith.constant 2 : i32
      %mul3A_760 = arith.muli %scan3A_758, %mul3A_759 : i32
      %add3A_761 = arith.constant 0 : i32
      %add3A_762 = arith.addi %mul3A_760, %add3A_761 : i32
      %add3A_763 = vector.broadcast %add3A_762 : i32 to vector<16xi32>
      %add3A_764 = arith.addi %iota3A, %add3A_763 : vector<16xi32>
      %and3A = arith.constant 63 : i32
      %and3A_765 = vector.broadcast %and3A : i32 to vector<16xi32>
      %and3A_766 = arith.andi %add3A_764, %and3A_765 : vector<16xi32>
      %shift_right_logical3A = arith.constant 3 : i32
      %shift_right_logical3A_767 = vector.broadcast %shift_right_logical3A : i32 to vector<16xi32>
      %shift_right_logical3A_768 = arith.shrui %and3A_766, %shift_right_logical3A_767 : vector<16xi32>
      %and3A_769 = arith.constant 7 : i32
      %and3A_770 = vector.broadcast %and3A_769 : i32 to vector<16xi32>
      %and3A_771 = arith.andi %and3A_766, %and3A_770 : vector<16xi32>
      %gather3A_772 = arith.constant 0 : i32
      %gather3A_773 = arith.constant 0 : i32
      %gather3A_774 = tpu.memref_slice %arg7[%scan3A_656, %gather3A_772, %gather3A_773] : memref<3x128x64xf32, #tpu.memory_space<vmem>> -> memref<1x128x64xf32, #tpu.memory_space<vmem>>
      %gather3A_775 = tpu.memref_squeeze %gather3A_774 : memref<1x128x64xf32, #tpu.memory_space<vmem>> -> memref<128x64xf32, #tpu.memory_space<vmem>>
      %gather3A_776 = tpu.vector_load_idx %gather3A_775[%add3A_10, %and3A_766] : memref<128x64xf32, #tpu.memory_space<vmem>>[vector<16xi32>, vector<16xi32>], vector<16xf32>,
      %gather3A_777 = arith.constant 0 : i32
      %gather3A_778 = arith.constant 0 : i32
      %gather3A_779 = tpu.memref_slice %arg7[%scan3A_656, %gather3A_777, %gather3A_778] : memref<3x128x64xf32, #tpu.memory_space<vmem>> -> memref<1x128x64xf32, #tpu.memory_space<vmem>>
      %gather3A_780 = tpu.memref_squeeze %gather3A_779 : memref<1x128x64xf32, #tpu.memory_space<vmem>> -> memref<128x64xf32, #tpu.memory_space<vmem>>
      %gather3A_781 = tpu.vector_load_idx %gather3A_780[%add3A_13, %and3A_766] : memref<128x64xf32, #tpu.memory_space<vmem>>[vector<16xi32>, vector<16xi32>], vector<16xf32>,
      %gather3A_782 = arith.constant 0 : i32
      %gather3A_783 = arith.constant 0 : i32
      %gather3A_784 = tpu.memref_slice %arg7[%scan3A_656, %gather3A_782, %gather3A_783] : memref<3x128x64xf32, #tpu.memory_space<vmem>> -> memref<1x128x64xf32, #tpu.memory_space<vmem>>
      %gather3A_785 = tpu.memref_squeeze %gather3A_784 : memref<1x128x64xf32, #tpu.memory_space<vmem>> -> memref<128x64xf32, #tpu.memory_space<vmem>>
      %gather3A_786 = tpu.vector_load_idx %gather3A_785[%add3A_16, %and3A_766] : memref<128x64xf32, #tpu.memory_space<vmem>>[vector<16xi32>, vector<16xi32>], vector<16xf32>,
      %gather3A_787 = arith.constant 0 : i32
      %gather3A_788 = arith.constant 0 : i32
      %gather3A_789 = tpu.memref_slice %arg7[%scan3A_656, %gather3A_787, %gather3A_788] : memref<3x128x64xf32, #tpu.memory_space<vmem>> -> memref<1x128x64xf32, #tpu.memory_space<vmem>>
      %gather3A_790 = tpu.memref_squeeze %gather3A_789 : memref<1x128x64xf32, #tpu.memory_space<vmem>> -> memref<128x64xf32, #tpu.memory_space<vmem>>
      %gather3A_791 = tpu.vector_load_idx %gather3A_790[%add3A_19, %and3A_766] : memref<128x64xf32, #tpu.memory_space<vmem>>[vector<16xi32>, vector<16xi32>], vector<16xf32>,
      %gather3A_792 = arith.constant 0 : i32
      %gather3A_793 = arith.constant 0 : i32
      %gather3A_794 = tpu.memref_slice %arg7[%scan3A_656, %gather3A_792, %gather3A_793] : memref<3x128x64xf32, #tpu.memory_space<vmem>> -> memref<1x128x64xf32, #tpu.memory_space<vmem>>
      %gather3A_795 = tpu.memref_squeeze %gather3A_794 : memref<1x128x64xf32, #tpu.memory_space<vmem>> -> memref<128x64xf32, #tpu.memory_space<vmem>>
      %gather3A_796 = tpu.vector_load_idx %gather3A_795[%add3A_22, %and3A_766] : memref<128x64xf32, #tpu.memory_space<vmem>>[vector<16xi32>, vector<16xi32>], vector<16xf32>,
      %gather3A_797 = arith.constant 0 : i32
      %gather3A_798 = arith.constant 0 : i32
      %gather3A_799 = tpu.memref_slice %arg7[%scan3A_656, %gather3A_797, %gather3A_798] : memref<3x128x64xf32, #tpu.memory_space<vmem>> -> memref<1x128x64xf32, #tpu.memory_space<vmem>>
      %gather3A_800 = tpu.memref_squeeze %gather3A_799 : memref<1x128x64xf32, #tpu.memory_space<vmem>> -> memref<128x64xf32, #tpu.memory_space<vmem>>
      %gather3A_801 = tpu.vector_load_idx %gather3A_800[%add3A_25, %and3A_766] : memref<128x64xf32, #tpu.memory_space<vmem>>[vector<16xi32>, vector<16xi32>], vector<16xf32>,
      %gather3A_802 = arith.constant 0 : i32
      %gather3A_803 = arith.constant 0 : i32
      %gather3A_804 = tpu.memref_slice %arg7[%scan3A_656, %gather3A_802, %gather3A_803] : memref<3x128x64xf32, #tpu.memory_space<vmem>> -> memref<1x128x64xf32, #tpu.memory_space<vmem>>
      %gather3A_805 = tpu.memref_squeeze %gather3A_804 : memref<1x128x64xf32, #tpu.memory_space<vmem>> -> memref<128x64xf32, #tpu.memory_space<vmem>>
      %gather3A_806 = tpu.vector_load_idx %gather3A_805[%add3A_28, %and3A_766] : memref<128x64xf32, #tpu.memory_space<vmem>>[vector<16xi32>, vector<16xi32>], vector<16xf32>,
      %gather3A_807 = arith.constant 0 : i32
      %gather3A_808 = arith.constant 0 : i32
      %gather3A_809 = tpu.memref_slice %arg7[%scan3A_656, %gather3A_807, %gather3A_808] : memref<3x128x64xf32, #tpu.memory_space<vmem>> -> memref<1x128x64xf32, #tpu.memory_space<vmem>>
      %gather3A_810 = tpu.memref_squeeze %gather3A_809 : memref<1x128x64xf32, #tpu.memory_space<vmem>> -> memref<128x64xf32, #tpu.memory_space<vmem>>
      %gather3A_811 = tpu.vector_load_idx %gather3A_810[%add3A_31, %and3A_766] : memref<128x64xf32, #tpu.memory_space<vmem>>[vector<16xi32>, vector<16xi32>], vector<16xf32>,
      %scatter3A = arith.constant 0 : i32
      %scatter3A_812 = arith.constant 0 : i32
      %scatter3A_813 = arith.constant 0 : i32
      %scatter3A_814 = tpu.memref_slice %arg8[%scan3A_657, %scatter3A, %scatter3A_812, %scatter3A_813] : memref<3x8x8x128xf32, #tpu.memory_space<vmem>> -> memref<1x8x8x128xf32, #tpu.memory_space<vmem>>
      %scatter3A_815 = tpu.memref_squeeze %scatter3A_814 : memref<1x8x8x128xf32, #tpu.memory_space<vmem>> -> memref<8x8x128xf32, #tpu.memory_space<vmem>>
      tpu.vector_store_idx %scatter3A_815[%shift_right_logical3A_768, %and3A_771, %add3A_10], %gather3A_776 : memref<8x8x128xf32, #tpu.memory_space<vmem>>[vector<16xi32>, vector<16xi32>, vector<16xi32>], vector<16xf32>,
      %scatter3A_816 = arith.constant 0 : i32
      %scatter3A_817 = arith.constant 0 : i32
      %scatter3A_818 = arith.constant 0 : i32
      %scatter3A_819 = tpu.memref_slice %arg8[%scan3A_657, %scatter3A_816, %scatter3A_817, %scatter3A_818] : memref<3x8x8x128xf32, #tpu.memory_space<vmem>> -> memref<1x8x8x128xf32, #tpu.memory_space<vmem>>
      %scatter3A_820 = tpu.memref_squeeze %scatter3A_819 : memref<1x8x8x128xf32, #tpu.memory_space<vmem>> -> memref<8x8x128xf32, #tpu.memory_space<vmem>>
      tpu.vector_store_idx %scatter3A_820[%shift_right_logical3A_768, %and3A_771, %add3A_13], %gather3A_781 : memref<8x8x128xf32, #tpu.memory_space<vmem>>[vector<16xi32>, vector<16xi32>, vector<16xi32>], vector<16xf32>,
      %scatter3A_821 = arith.constant 0 : i32
      %scatter3A_822 = arith.constant 0 : i32
      %scatter3A_823 = arith.constant 0 : i32
      %scatter3A_824 = tpu.memref_slice %arg8[%scan3A_657, %scatter3A_821, %scatter3A_822, %scatter3A_823] : memref<3x8x8x128xf32, #tpu.memory_space<vmem>> -> memref<1x8x8x128xf32, #tpu.memory_space<vmem>>
      %scatter3A_825 = tpu.memref_squeeze %scatter3A_824 : memref<1x8x8x128xf32, #tpu.memory_space<vmem>> -> memref<8x8x128xf32, #tpu.memory_space<vmem>>
      tpu.vector_store_idx %scatter3A_825[%shift_right_logical3A_768, %and3A_771, %add3A_16], %gather3A_786 : memref<8x8x128xf32, #tpu.memory_space<vmem>>[vector<16xi32>, vector<16xi32>, vector<16xi32>], vector<16xf32>,
      %scatter3A_826 = arith.constant 0 : i32
      %scatter3A_827 = arith.constant 0 : i32
      %scatter3A_828 = arith.constant 0 : i32
      %scatter3A_829 = tpu.memref_slice %arg8[%scan3A_657, %scatter3A_826, %scatter3A_827, %scatter3A_828] : memref<3x8x8x128xf32, #tpu.memory_space<vmem>> -> memref<1x8x8x128xf32, #tpu.memory_space<vmem>>
      %scatter3A_830 = tpu.memref_squeeze %scatter3A_829 : memref<1x8x8x128xf32, #tpu.memory_space<vmem>> -> memref<8x8x128xf32, #tpu.memory_space<vmem>>
      tpu.vector_store_idx %scatter3A_830[%shift_right_logical3A_768, %and3A_771, %add3A_19], %gather3A_791 : memref<8x8x128xf32, #tpu.memory_space<vmem>>[vector<16xi32>, vector<16xi32>, vector<16xi32>], vector<16xf32>,
      %scatter3A_831 = arith.constant 0 : i32
      %scatter3A_832 = arith.constant 0 : i32
      %scatter3A_833 = arith.constant 0 : i32
      %scatter3A_834 = tpu.memref_slice %arg8[%scan3A_657, %scatter3A_831, %scatter3A_832, %scatter3A_833] : memref<3x8x8x128xf32, #tpu.memory_space<vmem>> -> memref<1x8x8x128xf32, #tpu.memory_space<vmem>>
      %scatter3A_835 = tpu.memref_squeeze %scatter3A_834 : memref<1x8x8x128xf32, #tpu.memory_space<vmem>> -> memref<8x8x128xf32, #tpu.memory_space<vmem>>
      tpu.vector_store_idx %scatter3A_835[%shift_right_logical3A_768, %and3A_771, %add3A_22], %gather3A_796 : memref<8x8x128xf32, #tpu.memory_space<vmem>>[vector<16xi32>, vector<16xi32>, vector<16xi32>], vector<16xf32>,
      %scatter3A_836 = arith.constant 0 : i32
      %scatter3A_837 = arith.constant 0 : i32
      %scatter3A_838 = arith.constant 0 : i32
      %scatter3A_839 = tpu.memref_slice %arg8[%scan3A_657, %scatter3A_836, %scatter3A_837, %scatter3A_838] : memref<3x8x8x128xf32, #tpu.memory_space<vmem>> -> memref<1x8x8x128xf32, #tpu.memory_space<vmem>>
      %scatter3A_840 = tpu.memref_squeeze %scatter3A_839 : memref<1x8x8x128xf32, #tpu.memory_space<vmem>> -> memref<8x8x128xf32, #tpu.memory_space<vmem>>
      tpu.vector_store_idx %scatter3A_840[%shift_right_logical3A_768, %and3A_771, %add3A_25], %gather3A_801 : memref<8x8x128xf32, #tpu.memory_space<vmem>>[vector<16xi32>, vector<16xi32>, vector<16xi32>], vector<16xf32>,
      %scatter3A_841 = arith.constant 0 : i32
      %scatter3A_842 = arith.constant 0 : i32
      %scatter3A_843 = arith.constant 0 : i32
      %scatter3A_844 = tpu.memref_slice %arg8[%scan3A_657, %scatter3A_841, %scatter3A_842, %scatter3A_843] : memref<3x8x8x128xf32, #tpu.memory_space<vmem>> -> memref<1x8x8x128xf32, #tpu.memory_space<vmem>>
      %scatter3A_845 = tpu.memref_squeeze %scatter3A_844 : memref<1x8x8x128xf32, #tpu.memory_space<vmem>> -> memref<8x8x128xf32, #tpu.memory_space<vmem>>
      tpu.vector_store_idx %scatter3A_845[%shift_right_logical3A_768, %and3A_771, %add3A_28], %gather3A_806 : memref<8x8x128xf32, #tpu.memory_space<vmem>>[vector<16xi32>, vector<16xi32>, vector<16xi32>], vector<16xf32>,
      %scatter3A_846 = arith.constant 0 : i32
      %scatter3A_847 = arith.constant 0 : i32
      %scatter3A_848 = arith.constant 0 : i32
      %scatter3A_849 = tpu.memref_slice %arg8[%scan3A_657, %scatter3A_846, %scatter3A_847, %scatter3A_848] : memref<3x8x8x128xf32, #tpu.memory_space<vmem>> -> memref<1x8x8x128xf32, #tpu.memory_space<vmem>>
      %scatter3A_850 = tpu.memref_squeeze %scatter3A_849 : memref<1x8x8x128xf32, #tpu.memory_space<vmem>> -> memref<8x8x128xf32, #tpu.memory_space<vmem>>
      tpu.vector_store_idx %scatter3A_850[%shift_right_logical3A_768, %and3A_771, %add3A_31], %gather3A_811 : memref<8x8x128xf32, #tpu.memory_space<vmem>>[vector<16xi32>, vector<16xi32>, vector<16xi32>], vector<16xf32>,
      %mul3A_851 = arith.constant 2 : i32
      %mul3A_852 = arith.muli %scan3A_758, %mul3A_851 : i32
      %add3A_853 = arith.constant 1 : i32
      %add3A_854 = arith.addi %mul3A_852, %add3A_853 : i32
      %add3A_855 = vector.broadcast %add3A_854 : i32 to vector<16xi32>
      %add3A_856 = arith.addi %iota3A, %add3A_855 : vector<16xi32>
      %and3A_857 = arith.constant 63 : i32
      %and3A_858 = vector.broadcast %and3A_857 : i32 to vector<16xi32>
      %and3A_859 = arith.andi %add3A_856, %and3A_858 : vector<16xi32>
      %shift_right_logical3A_860 = arith.constant 3 : i32
      %shift_right_logical3A_861 = vector.broadcast %shift_right_logical3A_860 : i32 to vector<16xi32>
      %shift_right_logical3A_862 = arith.shrui %and3A_859, %shift_right_logical3A_861 : vector<16xi32>
      %and3A_863 = arith.constant 7 : i32
      %and3A_864 = vector.broadcast %and3A_863 : i32 to vector<16xi32>
      %and3A_865 = arith.andi %and3A_859, %and3A_864 : vector<16xi32>
      %gather3A_866 = arith.constant 0 : i32
      %gather3A_867 = arith.constant 0 : i32
      %gather3A_868 = tpu.memref_slice %arg7[%scan3A_656, %gather3A_866, %gather3A_867] : memref<3x128x64xf32, #tpu.memory_space<vmem>> -> memref<1x128x64xf32, #tpu.memory_space<vmem>>
      %gather3A_869 = tpu.memref_squeeze %gather3A_868 : memref<1x128x64xf32, #tpu.memory_space<vmem>> -> memref<128x64xf32, #tpu.memory_space<vmem>>
      %gather3A_870 = tpu.vector_load_idx %gather3A_869[%add3A_10, %and3A_859] : memref<128x64xf32, #tpu.memory_space<vmem>>[vector<16xi32>, vector<16xi32>], vector<16xf32>,
      %gather3A_871 = arith.constant 0 : i32
      %gather3A_872 = arith.constant 0 : i32
      %gather3A_873 = tpu.memref_slice %arg7[%scan3A_656, %gather3A_871, %gather3A_872] : memref<3x128x64xf32, #tpu.memory_space<vmem>> -> memref<1x128x64xf32, #tpu.memory_space<vmem>>
      %gather3A_874 = tpu.memref_squeeze %gather3A_873 : memref<1x128x64xf32, #tpu.memory_space<vmem>> -> memref<128x64xf32, #tpu.memory_space<vmem>>
      %gather3A_875 = tpu.vector_load_idx %gather3A_874[%add3A_13, %and3A_859] : memref<128x64xf32, #tpu.memory_space<vmem>>[vector<16xi32>, vector<16xi32>], vector<16xf32>,
      %gather3A_876 = arith.constant 0 : i32
      %gather3A_877 = arith.constant 0 : i32
      %gather3A_878 = tpu.memref_slice %arg7[%scan3A_656, %gather3A_876, %gather3A_877] : memref<3x128x64xf32, #tpu.memory_space<vmem>> -> memref<1x128x64xf32, #tpu.memory_space<vmem>>
      %gather3A_879 = tpu.memref_squeeze %gather3A_878 : memref<1x128x64xf32, #tpu.memory_space<vmem>> -> memref<128x64xf32, #tpu.memory_space<vmem>>
      %gather3A_880 = tpu.vector_load_idx %gather3A_879[%add3A_16, %and3A_859] : memref<128x64xf32, #tpu.memory_space<vmem>>[vector<16xi32>, vector<16xi32>], vector<16xf32>,
      %gather3A_881 = arith.constant 0 : i32
      %gather3A_882 = arith.constant 0 : i32
      %gather3A_883 = tpu.memref_slice %arg7[%scan3A_656, %gather3A_881, %gather3A_882] : memref<3x128x64xf32, #tpu.memory_space<vmem>> -> memref<1x128x64xf32, #tpu.memory_space<vmem>>
      %gather3A_884 = tpu.memref_squeeze %gather3A_883 : memref<1x128x64xf32, #tpu.memory_space<vmem>> -> memref<128x64xf32, #tpu.memory_space<vmem>>
      %gather3A_885 = tpu.vector_load_idx %gather3A_884[%add3A_19, %and3A_859] : memref<128x64xf32, #tpu.memory_space<vmem>>[vector<16xi32>, vector<16xi32>], vector<16xf32>,
      %gather3A_886 = arith.constant 0 : i32
      %gather3A_887 = arith.constant 0 : i32
      %gather3A_888 = tpu.memref_slice %arg7[%scan3A_656, %gather3A_886, %gather3A_887] : memref<3x128x64xf32, #tpu.memory_space<vmem>> -> memref<1x128x64xf32, #tpu.memory_space<vmem>>
      %gather3A_889 = tpu.memref_squeeze %gather3A_888 : memref<1x128x64xf32, #tpu.memory_space<vmem>> -> memref<128x64xf32, #tpu.memory_space<vmem>>
      %gather3A_890 = tpu.vector_load_idx %gather3A_889[%add3A_22, %and3A_859] : memref<128x64xf32, #tpu.memory_space<vmem>>[vector<16xi32>, vector<16xi32>], vector<16xf32>,
      %gather3A_891 = arith.constant 0 : i32
      %gather3A_892 = arith.constant 0 : i32
      %gather3A_893 = tpu.memref_slice %arg7[%scan3A_656, %gather3A_891, %gather3A_892] : memref<3x128x64xf32, #tpu.memory_space<vmem>> -> memref<1x128x64xf32, #tpu.memory_space<vmem>>
      %gather3A_894 = tpu.memref_squeeze %gather3A_893 : memref<1x128x64xf32, #tpu.memory_space<vmem>> -> memref<128x64xf32, #tpu.memory_space<vmem>>
      %gather3A_895 = tpu.vector_load_idx %gather3A_894[%add3A_25, %and3A_859] : memref<128x64xf32, #tpu.memory_space<vmem>>[vector<16xi32>, vector<16xi32>], vector<16xf32>,
      %gather3A_896 = arith.constant 0 : i32
      %gather3A_897 = arith.constant 0 : i32
      %gather3A_898 = tpu.memref_slice %arg7[%scan3A_656, %gather3A_896, %gather3A_897] : memref<3x128x64xf32, #tpu.memory_space<vmem>> -> memref<1x128x64xf32, #tpu.memory_space<vmem>>
      %gather3A_899 = tpu.memref_squeeze %gather3A_898 : memref<1x128x64xf32, #tpu.memory_space<vmem>> -> memref<128x64xf32, #tpu.memory_space<vmem>>
      %gather3A_900 = tpu.vector_load_idx %gather3A_899[%add3A_28, %and3A_859] : memref<128x64xf32, #tpu.memory_space<vmem>>[vector<16xi32>, vector<16xi32>], vector<16xf32>,
      %gather3A_901 = arith.constant 0 : i32
      %gather3A_902 = arith.constant 0 : i32
      %gather3A_903 = tpu.memref_slice %arg7[%scan3A_656, %gather3A_901, %gather3A_902] : memref<3x128x64xf32, #tpu.memory_space<vmem>> -> memref<1x128x64xf32, #tpu.memory_space<vmem>>
      %gather3A_904 = tpu.memref_squeeze %gather3A_903 : memref<1x128x64xf32, #tpu.memory_space<vmem>> -> memref<128x64xf32, #tpu.memory_space<vmem>>
      %gather3A_905 = tpu.vector_load_idx %gather3A_904[%add3A_31, %and3A_859] : memref<128x64xf32, #tpu.memory_space<vmem>>[vector<16xi32>, vector<16xi32>], vector<16xf32>,
      %scatter3A_906 = arith.constant 0 : i32
      %scatter3A_907 = arith.constant 0 : i32
      %scatter3A_908 = arith.constant 0 : i32
      %scatter3A_909 = tpu.memref_slice %arg8[%scan3A_657, %scatter3A_906, %scatter3A_907, %scatter3A_908] : memref<3x8x8x128xf32, #tpu.memory_space<vmem>> -> memref<1x8x8x128xf32, #tpu.memory_space<vmem>>
      %scatter3A_910 = tpu.memref_squeeze %scatter3A_909 : memref<1x8x8x128xf32, #tpu.memory_space<vmem>> -> memref<8x8x128xf32, #tpu.memory_space<vmem>>
      tpu.vector_store_idx %scatter3A_910[%shift_right_logical3A_862, %and3A_865, %add3A_10], %gather3A_870 : memref<8x8x128xf32, #tpu.memory_space<vmem>>[vector<16xi32>, vector<16xi32>, vector<16xi32>], vector<16xf32>,
      %scatter3A_911 = arith.constant 0 : i32
      %scatter3A_912 = arith.constant 0 : i32
      %scatter3A_913 = arith.constant 0 : i32
      %scatter3A_914 = tpu.memref_slice %arg8[%scan3A_657, %scatter3A_911, %scatter3A_912, %scatter3A_913] : memref<3x8x8x128xf32, #tpu.memory_space<vmem>> -> memref<1x8x8x128xf32, #tpu.memory_space<vmem>>
      %scatter3A_915 = tpu.memref_squeeze %scatter3A_914 : memref<1x8x8x128xf32, #tpu.memory_space<vmem>> -> memref<8x8x128xf32, #tpu.memory_space<vmem>>
      tpu.vector_store_idx %scatter3A_915[%shift_right_logical3A_862, %and3A_865, %add3A_13], %gather3A_875 : memref<8x8x128xf32, #tpu.memory_space<vmem>>[vector<16xi32>, vector<16xi32>, vector<16xi32>], vector<16xf32>,
      %scatter3A_916 = arith.constant 0 : i32
      %scatter3A_917 = arith.constant 0 : i32
      %scatter3A_918 = arith.constant 0 : i32
      %scatter3A_919 = tpu.memref_slice %arg8[%scan3A_657, %scatter3A_916, %scatter3A_917, %scatter3A_918] : memref<3x8x8x128xf32, #tpu.memory_space<vmem>> -> memref<1x8x8x128xf32, #tpu.memory_space<vmem>>
      %scatter3A_920 = tpu.memref_squeeze %scatter3A_919 : memref<1x8x8x128xf32, #tpu.memory_space<vmem>> -> memref<8x8x128xf32, #tpu.memory_space<vmem>>
      tpu.vector_store_idx %scatter3A_920[%shift_right_logical3A_862, %and3A_865, %add3A_16], %gather3A_880 : memref<8x8x128xf32, #tpu.memory_space<vmem>>[vector<16xi32>, vector<16xi32>, vector<16xi32>], vector<16xf32>,
      %scatter3A_921 = arith.constant 0 : i32
      %scatter3A_922 = arith.constant 0 : i32
      %scatter3A_923 = arith.constant 0 : i32
      %scatter3A_924 = tpu.memref_slice %arg8[%scan3A_657, %scatter3A_921, %scatter3A_922, %scatter3A_923] : memref<3x8x8x128xf32, #tpu.memory_space<vmem>> -> memref<1x8x8x128xf32, #tpu.memory_space<vmem>>
      %scatter3A_925 = tpu.memref_squeeze %scatter3A_924 : memref<1x8x8x128xf32, #tpu.memory_space<vmem>> -> memref<8x8x128xf32, #tpu.memory_space<vmem>>
      tpu.vector_store_idx %scatter3A_925[%shift_right_logical3A_862, %and3A_865, %add3A_19], %gather3A_885 : memref<8x8x128xf32, #tpu.memory_space<vmem>>[vector<16xi32>, vector<16xi32>, vector<16xi32>], vector<16xf32>,
      %scatter3A_926 = arith.constant 0 : i32
      %scatter3A_927 = arith.constant 0 : i32
      %scatter3A_928 = arith.constant 0 : i32
      %scatter3A_929 = tpu.memref_slice %arg8[%scan3A_657, %scatter3A_926, %scatter3A_927, %scatter3A_928] : memref<3x8x8x128xf32, #tpu.memory_space<vmem>> -> memref<1x8x8x128xf32, #tpu.memory_space<vmem>>
      %scatter3A_930 = tpu.memref_squeeze %scatter3A_929 : memref<1x8x8x128xf32, #tpu.memory_space<vmem>> -> memref<8x8x128xf32, #tpu.memory_space<vmem>>
      tpu.vector_store_idx %scatter3A_930[%shift_right_logical3A_862, %and3A_865, %add3A_22], %gather3A_890 : memref<8x8x128xf32, #tpu.memory_space<vmem>>[vector<16xi32>, vector<16xi32>, vector<16xi32>], vector<16xf32>,
      %scatter3A_931 = arith.constant 0 : i32
      %scatter3A_932 = arith.constant 0 : i32
      %scatter3A_933 = arith.constant 0 : i32
      %scatter3A_934 = tpu.memref_slice %arg8[%scan3A_657, %scatter3A_931, %scatter3A_932, %scatter3A_933] : memref<3x8x8x128xf32, #tpu.memory_space<vmem>> -> memref<1x8x8x128xf32, #tpu.memory_space<vmem>>
      %scatter3A_935 = tpu.memref_squeeze %scatter3A_934 : memref<1x8x8x128xf32, #tpu.memory_space<vmem>> -> memref<8x8x128xf32, #tpu.memory_space<vmem>>
      tpu.vector_store_idx %scatter3A_935[%shift_right_logical3A_862, %and3A_865, %add3A_25], %gather3A_895 : memref<8x8x128xf32, #tpu.memory_space<vmem>>[vector<16xi32>, vector<16xi32>, vector<16xi32>], vector<16xf32>,
      %scatter3A_936 = arith.constant 0 : i32
      %scatter3A_937 = arith.constant 0 : i32
      %scatter3A_938 = arith.constant 0 : i32
      %scatter3A_939 = tpu.memref_slice %arg8[%scan3A_657, %scatter3A_936, %scatter3A_937, %scatter3A_938] : memref<3x8x8x128xf32, #tpu.memory_space<vmem>> -> memref<1x8x8x128xf32, #tpu.memory_space<vmem>>
      %scatter3A_940 = tpu.memref_squeeze %scatter3A_939 : memref<1x8x8x128xf32, #tpu.memory_space<vmem>> -> memref<8x8x128xf32, #tpu.memory_space<vmem>>
      tpu.vector_store_idx %scatter3A_940[%shift_right_logical3A_862, %and3A_865, %add3A_28], %gather3A_900 : memref<8x8x128xf32, #tpu.memory_space<vmem>>[vector<16xi32>, vector<16xi32>, vector<16xi32>], vector<16xf32>,
      %scatter3A_941 = arith.constant 0 : i32
      %scatter3A_942 = arith.constant 0 : i32
      %scatter3A_943 = arith.constant 0 : i32
      %scatter3A_944 = tpu.memref_slice %arg8[%scan3A_657, %scatter3A_941, %scatter3A_942, %scatter3A_943] : memref<3x8x8x128xf32, #tpu.memory_space<vmem>> -> memref<1x8x8x128xf32, #tpu.memory_space<vmem>>
      %scatter3A_945 = tpu.memref_squeeze %scatter3A_944 : memref<1x8x8x128xf32, #tpu.memory_space<vmem>> -> memref<8x8x128xf32, #tpu.memory_space<vmem>>
      tpu.vector_store_idx %scatter3A_945[%shift_right_logical3A_862, %and3A_865, %add3A_31], %gather3A_905 : memref<8x8x128xf32, #tpu.memory_space<vmem>>[vector<16xi32>, vector<16xi32>, vector<16xi32>], vector<16xf32>,
    }
    %scan3A_662 = arith.constant 32 : i32
    %mul3A_663 = arith.constant 4 : i32
    %mul3A_664 = arith.muli %add3A, %mul3A_663 : i32
    %add3A_665 = arith.constant 3 : i32
    %add3A_666 = arith.addi %mul3A_664, %add3A_665 : i32
    %dma_start3A_667 = arith.constant 1 : i32
    %dma_start3A_668 = arith.constant 49 : i32
    %dma_start3A_669 = arith.constant 0 : i32
    %dma_start3A_670 = arith.constant 0 : i32
    %dma_start3A_671 = arith.constant 0 : i32
    %dma_start3A_672 = tpu.memref_slice %arg8[%dma_start3A_667, %dma_start3A_669, %dma_start3A_670, %dma_start3A_671] : memref<3x8x8x128xf32, #tpu.memory_space<vmem>> -> memref<1x8x8x128xf32, #tpu.memory_space<vmem>>
    %dma_start3A_673 = tpu.memref_squeeze %dma_start3A_672 : memref<1x8x8x128xf32, #tpu.memory_space<vmem>> -> memref<8x8x128xf32, #tpu.memory_space<vmem>>
    %dma_start3A_674 = arith.constant 0 : i32
    %dma_start3A_675 = arith.constant 0 : i32
    %dma_start3A_676 = arith.constant 0 : i32
    %dma_start3A_677 = tpu.memref_slice %arg4[%dma_start3A_668, %dma_start3A_674, %add3A_666, %dma_start3A_675, %dma_start3A_676] : memref<50x8x128x8x128xf32, #tpu.memory_space<hbm>> -> memref<1x8x1x8x128xf32, #tpu.memory_space<hbm>>
    %dma_start3A_678 = tpu.memref_squeeze %dma_start3A_677 : memref<1x8x1x8x128xf32, #tpu.memory_space<hbm>> -> memref<8x8x128xf32, #tpu.memory_space<hbm>>
    %dma_start3A_679 = arith.constant 0 : i32
    %dma_start3A_680 = arith.constant 0 : i32
    %dma_start3A_681 = arith.constant 0 : i32
    %dma_start3A_682 = tpu.memref_slice %arg4[%dma_start3A_668, %dma_start3A_679, %add3A_666, %dma_start3A_680, %dma_start3A_681] : memref<50x8x128x8x128xf32, #tpu.memory_space<hbm>> -> memref<1x8x1x8x128xf32, #tpu.memory_space<hbm>>
    %dma_start3A_683 = tpu.memref_squeeze %dma_start3A_682 : memref<1x8x1x8x128xf32, #tpu.memory_space<hbm>> -> memref<8x8x128xf32, #tpu.memory_space<hbm>>
    %dma_start3A_684 = arith.constant 0 : i32
    %dma_start3A_685 = arith.constant 0 : i32
    %dma_start3A_686 = arith.constant 0 : i32
    %dma_start3A_687 = tpu.memref_slice %arg8[%dma_start3A_667, %dma_start3A_684, %dma_start3A_685, %dma_start3A_686] : memref<3x8x8x128xf32, #tpu.memory_space<vmem>> -> memref<1x8x8x128xf32, #tpu.memory_space<vmem>>
    %dma_start3A_688 = tpu.memref_squeeze %dma_start3A_687 : memref<1x8x8x128xf32, #tpu.memory_space<vmem>> -> memref<8x8x128xf32, #tpu.memory_space<vmem>>
    tpu.enqueue_dma source(%dma_start3A_688 : memref<8x8x128xf32, #tpu.memory_space<vmem>>) target(%dma_start3A_683 : memref<8x8x128xf32, #tpu.memory_space<hbm>>) target_semaphore(%arg13 : memref<!tpu.dma_semaphore, #tpu.memory_space<semaphore_mem>>)
    %dma_wait3A_689 = arith.constant 0 : i32
    %dma_wait3A_690 = arith.constant 0 : i32
    %dma_wait3A_691 = arith.constant 0 : i32
    %dma_wait3A_692 = arith.constant 0 : i32
    %dma_wait3A_693 = arith.constant 0 : i32
    %dma_wait3A_694 = arith.constant 0 : i32
    %dma_wait3A_695 = tpu.memref_slice %arg8[%dma_wait3A_689, %dma_wait3A_692, %dma_wait3A_693, %dma_wait3A_694] : memref<3x8x8x128xf32, #tpu.memory_space<vmem>> -> memref<1x8x8x128xf32, #tpu.memory_space<vmem>>
    %dma_wait3A_696 = tpu.memref_squeeze %dma_wait3A_695 : memref<1x8x8x128xf32, #tpu.memory_space<vmem>> -> memref<8x8x128xf32, #tpu.memory_space<vmem>>
    %dma_wait3A_697 = arith.constant 0 : i32
    %dma_wait3A_698 = arith.constant 0 : i32
    %dma_wait3A_699 = arith.constant 0 : i32
    %dma_wait3A_700 = tpu.memref_slice %arg4[%dma_wait3A_690, %dma_wait3A_697, %dma_wait3A_691, %dma_wait3A_698, %dma_wait3A_699] : memref<50x8x128x8x128xf32, #tpu.memory_space<hbm>> -> memref<1x8x1x8x128xf32, #tpu.memory_space<hbm>>
    %dma_wait3A_701 = tpu.memref_squeeze %dma_wait3A_700 : memref<1x8x1x8x128xf32, #tpu.memory_space<hbm>> -> memref<8x8x128xf32, #tpu.memory_space<hbm>>
    %dma_wait3A_702 = arith.constant 0 : i32
    %dma_wait3A_703 = arith.constant 0 : i32
    %dma_wait3A_704 = arith.constant 0 : i32
    %dma_wait3A_705 = tpu.memref_slice %arg4[%dma_wait3A_690, %dma_wait3A_702, %dma_wait3A_691, %dma_wait3A_703, %dma_wait3A_704] : memref<50x8x128x8x128xf32, #tpu.memory_space<hbm>> -> memref<1x8x1x8x128xf32, #tpu.memory_space<hbm>>
    %dma_wait3A_706 = tpu.memref_squeeze %dma_wait3A_705 : memref<1x8x1x8x128xf32, #tpu.memory_space<hbm>> -> memref<8x8x128xf32, #tpu.memory_space<hbm>>
    %dma_wait3A_707 = arith.constant 0 : i32
    %dma_wait3A_708 = arith.constant 0 : i32
    %dma_wait3A_709 = arith.constant 0 : i32
    %dma_wait3A_710 = tpu.memref_slice %arg8[%dma_wait3A_689, %dma_wait3A_707, %dma_wait3A_708, %dma_wait3A_709] : memref<3x8x8x128xf32, #tpu.memory_space<vmem>> -> memref<1x8x8x128xf32, #tpu.memory_space<vmem>>
    %dma_wait3A_711 = tpu.memref_squeeze %dma_wait3A_710 : memref<1x8x8x128xf32, #tpu.memory_space<vmem>> -> memref<8x8x128xf32, #tpu.memory_space<vmem>>
    tpu.wait_dma2 semaphore(%arg12 : memref<!tpu.dma_semaphore, #tpu.memory_space<semaphore_mem>>) src(%dma_wait3A_711 : memref<8x8x128xf32, #tpu.memory_space<vmem>>) dst(%dma_wait3A_706 : memref<8x8x128xf32, #tpu.memory_space<hbm>>)
    %dma_wait3A_712 = arith.constant 1 : i32
    %dma_wait3A_713 = arith.constant 0 : i32
    %dma_wait3A_714 = arith.constant 0 : i32
    %dma_wait3A_715 = arith.constant 0 : i32
    %dma_wait3A_716 = arith.constant 0 : i32
    %dma_wait3A_717 = arith.constant 0 : i32
    %dma_wait3A_718 = tpu.memref_slice %arg8[%dma_wait3A_712, %dma_wait3A_715, %dma_wait3A_716, %dma_wait3A_717] : memref<3x8x8x128xf32, #tpu.memory_space<vmem>> -> memref<1x8x8x128xf32, #tpu.memory_space<vmem>>
    %dma_wait3A_719 = tpu.memref_squeeze %dma_wait3A_718 : memref<1x8x8x128xf32, #tpu.memory_space<vmem>> -> memref<8x8x128xf32, #tpu.memory_space<vmem>>
    %dma_wait3A_720 = arith.constant 0 : i32
    %dma_wait3A_721 = arith.constant 0 : i32
    %dma_wait3A_722 = arith.constant 0 : i32
    %dma_wait3A_723 = tpu.memref_slice %arg4[%dma_wait3A_713, %dma_wait3A_720, %dma_wait3A_714, %dma_wait3A_721, %dma_wait3A_722] : memref<50x8x128x8x128xf32, #tpu.memory_space<hbm>> -> memref<1x8x1x8x128xf32, #tpu.memory_space<hbm>>
    %dma_wait3A_724 = tpu.memref_squeeze %dma_wait3A_723 : memref<1x8x1x8x128xf32, #tpu.memory_space<hbm>> -> memref<8x8x128xf32, #tpu.memory_space<hbm>>
    %dma_wait3A_725 = arith.constant 0 : i32
    %dma_wait3A_726 = arith.constant 0 : i32
    %dma_wait3A_727 = arith.constant 0 : i32
    %dma_wait3A_728 = tpu.memref_slice %arg4[%dma_wait3A_713, %dma_wait3A_725, %dma_wait3A_714, %dma_wait3A_726, %dma_wait3A_727] : memref<50x8x128x8x128xf32, #tpu.memory_space<hbm>> -> memref<1x8x1x8x128xf32, #tpu.memory_space<hbm>>
    %dma_wait3A_729 = tpu.memref_squeeze %dma_wait3A_728 : memref<1x8x1x8x128xf32, #tpu.memory_space<hbm>> -> memref<8x8x128xf32, #tpu.memory_space<hbm>>
    %dma_wait3A_730 = arith.constant 0 : i32
    %dma_wait3A_731 = arith.constant 0 : i32
    %dma_wait3A_732 = arith.constant 0 : i32
    %dma_wait3A_733 = tpu.memref_slice %arg8[%dma_wait3A_712, %dma_wait3A_730, %dma_wait3A_731, %dma_wait3A_732] : memref<3x8x8x128xf32, #tpu.memory_space<vmem>> -> memref<1x8x8x128xf32, #tpu.memory_space<vmem>>
    %dma_wait3A_734 = tpu.memref_squeeze %dma_wait3A_733 : memref<1x8x8x128xf32, #tpu.memory_space<vmem>> -> memref<8x8x128xf32, #tpu.memory_space<vmem>>
    tpu.wait_dma2 semaphore(%arg13 : memref<!tpu.dma_semaphore, #tpu.memory_space<semaphore_mem>>) src(%dma_wait3A_734 : memref<8x8x128xf32, #tpu.memory_space<vmem>>) dst(%dma_wait3A_729 : memref<8x8x128xf32, #tpu.memory_space<hbm>>)
    %dma_wait3A_735 = arith.constant 2 : i32
    %dma_wait3A_736 = arith.constant 0 : i32
    %dma_wait3A_737 = arith.constant 0 : i32
    %dma_wait3A_738 = arith.constant 0 : i32
    %dma_wait3A_739 = arith.constant 0 : i32
    %dma_wait3A_740 = arith.constant 0 : i32
    %dma_wait3A_741 = tpu.memref_slice %arg8[%dma_wait3A_735, %dma_wait3A_738, %dma_wait3A_739, %dma_wait3A_740] : memref<3x8x8x128xf32, #tpu.memory_space<vmem>> -> memref<1x8x8x128xf32, #tpu.memory_space<vmem>>
    %dma_wait3A_742 = tpu.memref_squeeze %dma_wait3A_741 : memref<1x8x8x128xf32, #tpu.memory_space<vmem>> -> memref<8x8x128xf32, #tpu.memory_space<vmem>>
    %dma_wait3A_743 = arith.constant 0 : i32
    %dma_wait3A_744 = arith.constant 0 : i32
    %dma_wait3A_745 = arith.constant 0 : i32
    %dma_wait3A_746 = tpu.memref_slice %arg4[%dma_wait3A_736, %dma_wait3A_743, %dma_wait3A_737, %dma_wait3A_744, %dma_wait3A_745] : memref<50x8x128x8x128xf32, #tpu.memory_space<hbm>> -> memref<1x8x1x8x128xf32, #tpu.memory_space<hbm>>
    %dma_wait3A_747 = tpu.memref_squeeze %dma_wait3A_746 : memref<1x8x1x8x128xf32, #tpu.memory_space<hbm>> -> memref<8x8x128xf32, #tpu.memory_space<hbm>>
    %dma_wait3A_748 = arith.constant 0 : i32
    %dma_wait3A_749 = arith.constant 0 : i32
    %dma_wait3A_750 = arith.constant 0 : i32
    %dma_wait3A_751 = tpu.memref_slice %arg4[%dma_wait3A_736, %dma_wait3A_748, %dma_wait3A_737, %dma_wait3A_749, %dma_wait3A_750] : memref<50x8x128x8x128xf32, #tpu.memory_space<hbm>> -> memref<1x8x1x8x128xf32, #tpu.memory_space<hbm>>
    %dma_wait3A_752 = tpu.memref_squeeze %dma_wait3A_751 : memref<1x8x1x8x128xf32, #tpu.memory_space<hbm>> -> memref<8x8x128xf32, #tpu.memory_space<hbm>>
    %dma_wait3A_753 = arith.constant 0 : i32
    %dma_wait3A_754 = arith.constant 0 : i32
    %dma_wait3A_755 = arith.constant 0 : i32
    %dma_wait3A_756 = tpu.memref_slice %arg8[%dma_wait3A_735, %dma_wait3A_753, %dma_wait3A_754, %dma_wait3A_755] : memref<3x8x8x128xf32, #tpu.memory_space<vmem>> -> memref<1x8x8x128xf32, #tpu.memory_space<vmem>>
    %dma_wait3A_757 = tpu.memref_squeeze %dma_wait3A_756 : memref<1x8x8x128xf32, #tpu.memory_space<vmem>> -> memref<8x8x128xf32, #tpu.memory_space<vmem>>
    tpu.wait_dma2 semaphore(%arg14 : memref<!tpu.dma_semaphore, #tpu.memory_space<semaphore_mem>>) src(%dma_wait3A_757 : memref<8x8x128xf32, #tpu.memory_space<vmem>>) dst(%dma_wait3A_752 : memref<8x8x128xf32, #tpu.memory_space<hbm>>)
    return
  }
}

</mosaic_0001>

<sc_bundles>
// kernel: kernel.3.cloned.1.call-start
scs
__scs_entry_jumppad:
0x0: {  	(pc) =	sbr.rel $0x88, $3  }
0x1: {  	(tag) =	ssettag $0x0;
	lr =	simm.s32 $0x1  }
0x2: {  	[smem:$0x3F9F] =	sst lr;
	_ =	strace $0xD0000000  }
0x3: {  	_ = 	snop  }
0x4: {  	_ = 	snop  }
0x5: {  	_ = 	snop  }
0x6: {  	_ = 	snop  }
0x7: {  	_ = 	snop  }
__scs_overlays_trampoline_lowered:
0x8: {  	[smem:$0x3FAE] =	sst s0  }
0x9: {  	[smem:$0x3FAF] =	sst s1  }
0xa: {  	[smem:$0x3FB0] =	sst s2  }
0xb: {  	[smem:$0x3FB1] =	sst s3  }
0xc: {  	[smem:$0x3FB2] =	sst s4  }
0xd: {  	[smem:$0x3FB3] =	sst s5  }
0xe: {  	[smem:$0x3FB4] =	sst s6  }
0xf: {  	[smem:$0x3FB5] =	sst s7  }
0x10: {  	[smem:$0x3FB6] =	sst s8  }
0x11: {  	[smem:$0x3FB7] =	sst s9;
	s0 =	simm.s32 @!p0 $0x0  }
0x12: {  	s1 =	sld [smem:$0x3F9D];
	s0 =	simm.s32 @p0 $0x1  }
0x13: {  	[smem:$0x3FB8] =	sst s0;
	s0 =	simm.s32 @!p1 $0x0  }
0x14: {  	s2 =	sld [smem:$0x3F9C];
	s0 =	simm.s32 @p1 $0x1  }
0x15: {  	[smem:$0x3FB9] =	sst s0;
	s0 =	simm.s32 @!p2 $0x0  }
0x16: {  	s3 =	sld [smem:$0x3FDB];
	s0 =	simm.s32 @p2 $0x1  }
0x17: {  	s4 =	simm.s32 $0x1BF5;
	[smem:$0x3FBB] =	sst s0  }
0x18: {  	s0 =	sld [smem:$0x3F9E];
	_ =	swait.ge [sflag:s4], $0x0  }
0x19: {  	s7 =	sld [smem:$0x3F9F]  }
0x1a: {  	s8 =	sadd.s32 $0xFFFFE003, lr  }
0x1b: {  	s9 =	sadd.s32 $0xFFFFFEF7, lr;
	s5 =	simm.s32 $0xFFFFFFFF;
	p2 =	slt.u32 s8, $0xFFFFF086  }
0x1c: {  	p1 =	slt.u32 s9, $0xF7A;
	s5 =	simm.s32 @!p2 $0x0  }
0x1d: {  	s5 =	simm.s32 @p1 $0x1;
	p0 =	seq.s32 s7, s2  }
0x1e: {  	s7 =	smul.u32 @!p0 $0xF7A, s2;
	p2 =	seq.s32 @!p0 s5, $0x0  }
0x1f: {  	s9 =	smul.u32 $0xF7A, s1;
	s8 =	simm.s32 @!p0 $0x1BF5;
	p2 =	por !p2, p0  }
0x20: {  	[sflag:s8] =	ssyncset.s32 @!p0 $0xFFFFF086;
	s6 =	sadd.s32 @!p0 s3, s7;
	s7 =	simm.s32 @!p0 $0x108  }
0x21: {  	s3 =	sadd.s32 s3, s9;
	s6 =	sadd.s32 @!p0 $0x88, s6;
	s7 =	simm.s32 @p2 $0x1082  }
0x22: {  	[simem:s7], [sflag:s8] =	dma.local @!p0 [hbm:s6], $0xF7A  }
0x23: {  	s9 =	sor.u32 $0xD0000000, s2;
	s6 =	simm.s32 $0x108;
	_ =	swait.ge @!p0 [sflag:s8], $0x0  }
0x24: {  	s3 =	sadd.s32 $0x88, s3;
	s6 =	simm.s32 @!p1 $0x1082;
	[sflag:s4] =	ssyncset.s32 $0xFFFFF086  }
0x25: {  	[simem:s6], [sflag:s4] =	dma.local [hbm:s3], $0xF7A  }
0x26: {  	[smem:$0x3F9F] =	sst s1;
	(tag) =	ssettag s2;
	_ =	strace s9  }
0x27: {  	s1 =	sld [smem:$0x3FAF]  }
0x28: {  	s2 =	sld [smem:$0x3FB0]  }
0x29: {  	s4 =	sld [smem:$0x3FB2]  }
0x2a: {  	p0 =	seq.s32 s5, $0x0;
	s5 =	sld [smem:$0x3FB3]  }
0x2b: {  	s6 =	sld [smem:$0x3FB4]  }
0x2c: {  	s7 =	sld [smem:$0x3FB5]  }
0x2d: {  	s3 =	simm.s32 $0x108;
	s8 =	sld [smem:$0x3FB6]  }
0x2e: {  	s3 =	simm.s32 @!p0 $0x1082;
	s9 =	sld [smem:$0x3FB7]  }
0x2f: {  	lr =	sadd.s32 s0, s3;
	s0 =	sld [smem:$0x3FAE]  }
0x30: {  	s3 =	sld [smem:$0x3FB1]  }
0x31: {  	[smem:$0x3FBA] =	sst s10  }
0x32: {  	s10 =	sld [smem:$0x3FB8];
	_ =	sdelay $0x3  }
0x33: {  	p0 =	seq.s32 s10, $0x1;
	s10 =	sld [smem:$0x3FBA];
	_ =	sdelay $0x3  }
0x34: {  	[smem:$0x3FBA] =	sst s10  }
0x35: {  	s10 =	sld [smem:$0x3FB9];
	_ =	sdelay $0x3  }
0x36: {  	p1 =	seq.s32 s10, $0x1;
	s10 =	sld [smem:$0x3FBA];
	_ =	sdelay $0x3  }
0x37: {  	[smem:$0x3FBA] =	sst s10  }
0x38: {  	s10 =	sld [smem:$0x3FBB]  }
0x39: {  	_ = 	snop;
	(pc) =	sbr.ind lr, $3  }
0x3a: {  	_ = 	snop  }
0x3b: {  	_ = 	snop  }
0x3c: {  	p2 =	seq.s32 s10, $0x1;
	s10 =	sld [smem:$0x3FBA]  }
0x3d: {  	_ =	shalt  }
0x3e: {  	_ =	shalt  }
0x3f: {  	_ =	shalt  }
0x40: {  	_ =	shalt  }
0x41: {  	_ =	shalt  }
0x42: {  	_ =	shalt  }
0x43: {  	_ =	shalt  }
0x44: {  	_ =	shalt  }
0x45: {  	_ =	shalt  }
0x46: {  	_ =	shalt  }
0x47: {  	_ =	shalt  }
0x48: {  	_ =	shalt  }
0x49: {  	_ =	shalt  }
0x4a: {  	_ =	shalt  }
0x4b: {  	_ =	shalt  }
0x4c: {  	_ =	shalt  }
0x4d: {  	_ =	shalt  }
0x4e: {  	_ =	shalt  }
0x4f: {  	_ =	shalt  }
0x50: {  	_ =	shalt  }
0x51: {  	_ =	shalt  }
0x52: {  	_ =	shalt  }
0x53: {  	_ =	shalt  }
0x54: {  	_ =	shalt  }
0x55: {  	_ =	shalt  }
0x56: {  	_ =	shalt  }
0x57: {  	_ =	shalt  }
0x58: {  	_ =	shalt  }
0x59: {  	_ =	shalt  }
0x5a: {  	_ =	shalt  }
0x5b: {  	_ =	shalt  }
0x5c: {  	_ =	shalt  }
0x5d: {  	_ =	shalt  }
0x5e: {  	_ =	shalt  }
0x5f: {  	_ =	shalt  }
0x60: {  	_ =	shalt  }
0x61: {  	_ =	shalt  }
0x62: {  	_ =	shalt  }
0x63: {  	_ =	shalt  }
0x64: {  	_ =	shalt  }
0x65: {  	_ =	shalt  }
0x66: {  	_ =	shalt  }
0x67: {  	_ =	shalt  }
0x68: {  	_ =	shalt  }
0x69: {  	_ =	shalt  }
0x6a: {  	_ =	shalt  }
0x6b: {  	_ =	shalt  }
0x6c: {  	_ =	shalt  }
0x6d: {  	_ =	shalt  }
0x6e: {  	_ =	shalt  }
0x6f: {  	_ =	shalt  }
0x70: {  	_ =	shalt  }
0x71: {  	_ =	shalt  }
0x72: {  	_ =	shalt  }
0x73: {  	_ =	shalt  }
0x74: {  	_ =	shalt  }
0x75: {  	_ =	shalt  }
0x76: {  	_ =	shalt  }
0x77: {  	_ =	shalt  }
0x78: {  	_ =	shalt  }
0x79: {  	_ =	shalt  }
0x7a: {  	_ =	shalt  }
0x7b: {  	_ =	shalt  }
0x7c: {  	_ =	shalt  }
0x7d: {  	_ =	shalt  }
0x7e: {  	_ =	shalt  }
0x7f: {  	_ =	shalt  }
0x80: {  	_ =	shalt  }
0x81: {  	_ =	shalt  }
0x82: {  	_ =	shalt  }
0x83: {  	_ =	shalt  }
0x84: {  	_ =	shalt  }
0x85: {  	_ =	shalt  }
0x86: {  	_ =	shalt  }
0x87: {  	_ =	shalt  }
.Lfunc_end0:
.L_simem_size_0:
called_computation_lowered:
.L_overlay_start_0:
0x88: {  	s2 =	sld [smem:$0x3FD9]  }
0x89: {  	s3 =	sld [smem:$0x3FFE];
	_ =	sdelay $0x1  }
0x8a: {  	s1 =	srdreg.scid  }
0x8b: {  	s0 =	sand.u32 $0x1, s1  }
0x8c: {  	s17 =	sshll.u32 s0, $0xA;
	s2 =	sadd.s32 s3, s2  }
0x8d: {  	s2 =	sadd.s32 s2, s17  }
0x8e: {  	[smem:$0x3FC6] =	sst s2  }
0x8f: {  	_ = 	snop  }
0x90: {  	s2 =	sld [smem:$0x3FD0];
	(tm) =	ssettm $0x1  }
0x91: {  	s18 =	sld [smem:$0x3FFB];
	_ =	sdelay $0x3  }
0x92: {  	_ =	strace s18  }
0x93: {  	s3 =	sld [smem:$0x3FFC];
	_ =	sdelay $0x3  }
0x94: {  	_ =	strace s3  }
0x95: {  	s3 =	sld [smem:$0x3FFD];
	_ =	sdelay $0x3  }
0x96: {  	_ =	strace s3  }
0x97: {  	_ =	strace $0x8FFFFFFF  }
0x98: {  	s19 =	sld [smem:$0x3FDB];
	_ =	sdelay $0x1  }
0x99: {  	s4 =	simm.s32 $_scs_section_size  }
0x9a: {  	s5 =	simm.s32 $_size__tile_overlayer_lowered;
	s6 =	simm.s32 $_tile_overlayer_lowered  }
0x9b: {  	s22 =	simm.s32 $0x1BFF;
	s21 =	sshll.u32 s6, $0x1;
	s3 =	sadd.s32 s4, s19  }
0x9c: {  	s7 =	simm.s32 $0x0;
	s20 =	sshll.u32 s5, $0x1;
	s5 =	sadd.s32 s21, s3  }
0x9d: {  	[timem:s7], [sflag:s22] =	dma.local [hbm:s5], s20  }
0x9e: {  	_ =	swait.ge [sflag:s22], s20  }
0x9f: {  	s4 =	ssub.s32 $0x0, s20;
	[sflag:s22] =	ssyncset.done $0x0  }
0xa0: {  	[sflag:s22] =	ssyncadd.s32 s4;
	_ =	sdelay $0x1  }
0xa1: {  	s23 =	simm.s32 $0x1B8B  }
0xa2: {  	_ =	swait.ge [sflag:s23], $0x1  }
0xa3: {  	[sflag:s23] =	ssyncset.done $0x0  }
0xa4: {  	s25 =	simm.s32 $0x1B8E;
	s24 =	sld [smem:$0x3FFE];
	[sflag:s23] =	ssyncadd.s32 $0xFFFFFFFF  }
0xa5: {  	s26 =	simm.s32 $execute0_lowered;
	[smem:$0x3FD2] =	sst s25  }
0xa6: {  	s5 =	sshll.u32 s26, $0x1;
	_ =	strace $0x80000046;
	[dreg:$0x1] =	wrdreg $0xFFFFFFFF  }
0xa7: {  	s28 =	simm.s32 $_size_execute0_lowered;
	s3 =	sadd.s32 s3, s5;
	[dreg:$0x0] =	wrdreg $0x0  }
0xa8: {  	s5 =	sshll.u32 s28, $0x1;
	[dreg:$0x2] =	wrdreg s3  }
0xa9: {  	[dreg:$0x3] =	wrdreg s5  }
0xaa: {  	[dreg:$0x4] =	wrdreg $0xC0  }
0xab: {  	_ =	task [dreg:s7], $0x5FFFF  }
0xac: {  	[dreg:$0x1] =	wrdreg $0xFFFFFFFF  }
0xad: {  	[dreg:$0x0] =	wrdreg $0x60  }
0xae: {  	[dreg:$0x2] =	wrdreg s24  }
0xaf: {  	[dreg:$0x3] =	wrdreg s2  }
0xb0: {  	[dreg:$0x4] =	wrdreg $0x9  }
0xb1: {  	_ =	task.clear_ibuf [dreg:s7], $0x5FFFF;
	_ =	strace $0x90000046  }
0xb2: {  	s29 =	simm.s32 $0x9;
	_ =	strace $0x80000048  }
0xb3: {  	_ =	swait.ge [sflag:s29], $0x1  }
0xb4: {  	[sflag:s29] =	ssyncadd.s32 $0xFFFFFFFF  }
0xb5: {  	_ =	strace $0x90000048  }
0xb6: {  	_ =	sfence  }
0xb7: {  	s30 =	sld [smem:$0x0];
	_ =	sdelay $0x2  }
0xb8: {  	s31 =	sshll.u32 s1, $0xD;
	s1 =	sshrl.u32 s1, $0x2  }
0xb9: {  	s3 =	sand.u32 $0x4000, s31;
	s1 =	sadd.s32 s1, s30  }
0xba: {  	s0 =	sor.u32 s3, s0;
	s1 =	sshll.u32 s1, $0x11  }
0xbb: {  	s0 =	sor.u32 s1, s0  }
0xbc: {  	s0 =	sadd.s32 $0x8F2B, s0  }
0xbd: {  	[sflag:s0] =	ssyncadd.remote.s32 $0x1  }
0xbe: {  	_ =	sfence.sel $0xFFFF  }
0xbf: {  	[dreg:$0x0] =	wrdreg $0xFFFFFFFF;
	(pc) =	sbr.abs _section_cstart, $3  }
0xc0: {  	[dreg:$0x1] =	wrdreg $0xFFFFFFFF  }
0xc1: {  	_ =	task.clear_ibuf [dreg:s7], $0x2FFFF;
	_ =	strace $0x9FFFFFFF  }
0xc2: {  	(tm) =	ssettm $0x7FFFFFFF  }
0xc3: {  	_ =	shalt  }
tec
execute0_lowered:
.L_overlay_start_1:
0x0: {  	(tag) =	ssettag $0x1  }
0x1: {  	v0 =	vlaneseq.u32  }
0x2: {  	v1 =	vmul.u32 $0x32, v0;
	_ =	sdelay $0x1  }
0x3: {  	v2 =	vadd.s32 $0x320, v1  }
0x4: {  	[tilespmem:$0x1FF50] =	vst v2;
	v2 =	vadd.s32 $0x640, v1  }
0x5: {  	s0 =	rddreg [dreg:$0x0];
	v22 =	vmul.u32 $0x40, v0;
	v33 =	vor.u32 $0x10, v0;
	[tilespmem:$0x1FF60] =	vst v2;
	v2 =	vadd.s32 $0x960, v1  }
0x6: {  	s1 =	srdreg.scid;
	s3 =	stileid.u32;
	v34 =	vor.u32 $0x20, v0;
	v35 =	vor.u32 $0x30, v0;
	[tilespmem:$0x1FF70] =	vst v2;
	v2 =	vadd.s32 $0xC80, v1  }
0x7: {  	s2 =	rddreg [dreg:$0x1];
	s15 =	simm.s32 $0x6400;
	s16 =	simm.s32 $0x6580;
	v36 =	vor.u32 $0x40, v0;
	v37 =	vor.u32 $0x50, v0;
	[tilespmem:$0x1FF80] =	vst v2;
	v2 =	vadd.s32 $0xFA0, v1  }
0x8: {  	s14 =	simm.s32 $0x80;
	s17 =	simm.s32 $0x6480;
	s18 =	simm.s32 $0x8580;
	v38 =	vor.u32 $0x60, v0;
	v39 =	vor.u32 $0x70, v0;
	[tilespmem:$0x1FF90] =	vst v2;
	v2 =	vadd.s32 $0x12C0, v1  }
0x9: {  	s19 =	simm.s32 $0x6500;
	s1 =	sand.u32 $0x1, s1;
	s4 =	sshll.u32 s3, $0x1;
	v13 =	vadd.s32 $0x2580, v1;
	v14 =	vadd.s32 $0x28A0, v1;
	[tilespmem:$0x1FFA0] =	vst v2;
	v2 =	vadd.s32 $0x15E0, v1  }
0xa: {  	s20 =	simm.s32 $0xA580;
	s21 =	simm.s32 $0x1;
	s5 =	sor.u32 s1, s4;
	v15 =	vadd.s32 $0x2BC0, v1;
	v16 =	vadd.s32 $0x2EE0, v1;
	[tilespmem:$0x1FFB0] =	vst v2;
	v2 =	vadd.s32 $0x1900, v1  }
0xb: {  	s28 =	simm.s32 $0x3;
	s29 =	simm.s32 $0x10580;
	s4 =	smul.u32 $0xC80, s5;
	v17 =	vadd.s32 $0x3200, v1;
	v18 =	vadd.s32 $0x3520, v1;
	[tilespmem:$0x1FFC0] =	vst v2;
	v2 =	vadd.s32 $0x1C20, v1  }
0xc: {  	s30 =	simm.s32 $0x4;
	s31 =	simm.s32 $0x5;
	s3 =	simm.s32 $0x0;
	v19 =	vadd.s32 $0x3840, v1;
	v20 =	vadd.s32 $0x3B60, v1;
	[tilespmem:$0x1FFD0] =	vst v2;
	v2 =	vadd.s32 $0x1F40, v1  }
0xd: {  	[smem:$0x7FF] =	sst s3;
	v21 =	vadd.s32 $0x3E80, v1;
	s8 =	sshll.u32 s5, $0x9;
	v23 =	vadd.s32 $0x41A0, v1;
	s6 =	sadd.s32 s4, s0;
	[tilespmem:$0x1FFE0] =	vst v2;
	v2 =	vadd.s32 $0x2260, v1  }
0xe: {  	s1 =	ssub.s32 $0x2, s1;
	v24 =	vadd.s32 $0x44C0, v1;
	v25 =	vadd.s32 $0x47E0, v1;
	v26 =	vor.u32 $0x400, v22;
	s23 =	sadd.s32 s2, s8;
	s6 =	sadd.s32 $0x600, s6;
	[tilespmem:$0x1FFF0] =	vst v2  }
0xf: {  	v27 =	vor.u32 $0x800, v22;
	v28 =	vor.u32 $0xC00, v22;
	s24 =	sadd.s32 $0x620100, s23;
	_ =	strace $0x80000047;
	[dreg:$0x4] =	wrdreg s6  }
0x10: {  	s7 =	sshrl.u32 s1, $0x1;
	v29 =	vor.u32 $0x1000, v22;
	v30 =	vor.u32 $0x1400, v22;
	v31 =	vor.u32 $0x1800, v22;
	s25 =	sadd.s32 $0x80, s23;
	[dreg:$0x5] =	wrdreg s24  }
0x11: {  	v32 =	vor.u32 $0x1C00, v22;
	v40 =	vadd.s32 $0x4B00, v1;
	v41 =	vadd.s32 $0x4E20, v1;
	s22 =	ssub.s32 s1, s7;
	s26 =	sadd.s32 $0x100, s23;
	[dreg:$0x6] =	wrdreg s25  }
0x12: {  	v42 =	vadd.s32 $0x5140, v1;
	v43 =	vadd.s32 $0x5460, v1;
	v44 =	vadd.s32 $0x5780, v1;
	s7 =	sshll.u32 s5, $0x2;
	s5 =	simm.s32 $0x0;
	[dreg:$0x7] =	wrdreg s26  }
0x13: {  	v45 =	vadd.s32 $0x5AA0, v1;
	v46 =	vadd.s32 $0x5DC0, v1;
	s4 =	sadd.s32 $0xF42A00, s0;
	s1 =	sadd.s32 $0x620180, s23;
	[dreg:$0x3] =	wrdreg s23  }
0x14: {  	v47 =	vadd.s32 $0x60E0, v1;
	v48 =	vor.u32 $0x1, v1;
	v49 =	vadd.s32 $0x321, v1;
	s0 =	smax.u32 s22, $0x1;
	s22 =	simm.s32 $0xC580;
	[dreg:$0x8] =	wrdreg s1  }
0x15: {  	v50 =	vadd.s32 $0x641, v1;
	v51 =	vadd.s32 $0x961, v1;
	v52 =	vadd.s32 $0xC81, v1;
	[dreg:$0x9] =	wrdreg s0;
	s23 =	simm.s32 $0x400;
	s24 =	simm.s32 $0x20000  }
0x16: {  	v53 =	vadd.s32 $0xFA1, v1;
	v54 =	vadd.s32 $0x12C1, v1;
	v55 =	vadd.s32 $0x15E1, v1;
	s25 =	simm.s32 $0x2;
	s26 =	simm.s32 $0xE580;
	s1 =	simm.s32 $0x6  }
.LBB2_1:
0x17: {  	[dreg:$0xa] =	wrdreg s5  }
0x18: {  	s0 =	rddreg [dreg:$0x4];
	s12 =	simm.s32 $0x7  }
0x19: {  	[tilespmem:s3], [sflag:$0x7] =	stream.linear.gather [hbm4b:s0+s3], $0x6400, $0x38;
	[tilespmem:$0x12580] =	vst v63  }
0x1a: {  	_ =	swait.ge [sflag:s12], $0x6400  }
0x1b: {  	[sflag:s12] =	ssyncset.done $0x0  }
0x1c: {  	[sflag:s12] =	ssyncadd.s32 $0xFFFF9C00  }
0x1d: {  	v2 =	vld.idx.msk [tilespmem:v1+s3+$0x0], $0xffff;
	_ =	sdelay $0x4  }
0x1e: {  	[tilespmem:$0x6400] =	vst v2;
	v2 =	vld [tilespmem:$0x1FF50];
	_ =	sdelay $0x7  }
0x1f: {  	v2 =	vld.idx.msk [tilespmem:v2+s3+$0x0], $0xffff;
	_ =	sdelay $0x4  }
0x20: {  	[tilespmem:$0x6410] =	vst v2;
	v2 =	vld [tilespmem:$0x1FF60];
	_ =	sdelay $0x7  }
0x21: {  	v2 =	vld.idx.msk [tilespmem:v2+s3+$0x0], $0xffff;
	_ =	sdelay $0x4  }
0x22: {  	[tilespmem:$0x6420] =	vst v2;
	v2 =	vld [tilespmem:$0x1FF70];
	_ =	sdelay $0x7  }
0x23: {  	v2 =	vld.idx.msk [tilespmem:v2+s3+$0x0], $0xffff;
	_ =	sdelay $0x4  }
0x24: {  	[tilespmem:$0x6430] =	vst v2;
	v2 =	vld [tilespmem:$0x1FF80];
	_ =	sdelay $0x7  }
0x25: {  	v2 =	vld.idx.msk [tilespmem:v2+s3+$0x0], $0xffff;
	_ =	sdelay $0x4  }
0x26: {  	[tilespmem:$0x6440] =	vst v2;
	v2 =	vld [tilespmem:$0x1FF90];
	_ =	sdelay $0x7  }
0x27: {  	v2 =	vld.idx.msk [tilespmem:v2+s3+$0x0], $0xffff;
	_ =	sdelay $0x4  }
0x28: {  	[tilespmem:$0x6450] =	vst v2;
	v2 =	vld [tilespmem:$0x1FFA0];
	_ =	sdelay $0x7  }
0x29: {  	v2 =	vld.idx.msk [tilespmem:v2+s3+$0x0], $0xffff;
	_ =	sdelay $0x4  }
0x2a: {  	[tilespmem:$0x6460] =	vst v2;
	v2 =	vld [tilespmem:$0x1FFB0];
	_ =	sdelay $0x7  }
0x2b: {  	v2 =	vld.idx.msk [tilespmem:v2+s3+$0x0], $0xffff;
	_ =	sdelay $0x4  }
0x2c: {  	[tilespmem:$0x6470] =	vst v2;
	v2 =	vld [tilespmem:$0x1FFC0];
	_ =	sdelay $0x6  }
0x2d: {  	[tilespmem:s16], [sflag:$0x1] =	stream.indirect.gather [hbm4b:s4+s14], $0x40, s15, s14, $0xb8;
	[tilespmem:$0x12580] =	vst v63  }
0x2e: {  	v2 =	vld.idx.msk [tilespmem:v2+s3+$0x0], $0xffff;
	_ =	sdelay $0x4  }
0x2f: {  	[tilespmem:$0x6480] =	vst v2;
	v2 =	vld [tilespmem:$0x1FFD0];
	_ =	sdelay $0x7  }
0x30: {  	v2 =	vld.idx.msk [tilespmem:v2+s3+$0x0], $0xffff;
	_ =	sdelay $0x4  }
0x31: {  	[tilespmem:$0x6490] =	vst v2;
	v2 =	vld [tilespmem:$0x1FFE0];
	_ =	sdelay $0x7  }
0x32: {  	v2 =	vld.idx.msk [tilespmem:v2+s3+$0x0], $0xffff;
	_ =	sdelay $0x4  }
0x33: {  	[tilespmem:$0x64A0] =	vst v2;
	v2 =	vld [tilespmem:$0x1FFF0];
	_ =	sdelay $0x7  }
0x34: {  	v2 =	vld.idx.msk [tilespmem:v2+s3+$0x0], $0xffff;
	_ =	sdelay $0x4  }
0x35: {  	[tilespmem:$0x64B0] =	vst v2  }
0x36: {  	v2 =	vld.idx.msk [tilespmem:v13+s3+$0x0], $0xffff;
	_ =	sdelay $0x4  }
0x37: {  	[tilespmem:$0x64C0] =	vst v2  }
0x38: {  	v2 =	vld.idx.msk [tilespmem:v14+s3+$0x0], $0xffff;
	_ =	sdelay $0x4  }
0x39: {  	[tilespmem:$0x64D0] =	vst v2  }
0x3a: {  	v2 =	vld.idx.msk [tilespmem:v15+s3+$0x0], $0xffff;
	_ =	sdelay $0x4  }
0x3b: {  	[tilespmem:$0x64E0] =	vst v2  }
0x3c: {  	v2 =	vld.idx.msk [tilespmem:v16+s3+$0x0], $0xffff;
	_ =	sdelay $0x4  }
0x3d: {  	[tilespmem:$0x64F0] =	vst v2  }
0x3e: {  	[tilespmem:s18], [sflag:$0x2] =	stream.indirect.gather [hbm4b:s4+s14], $0x40, s17, s14, $0xb8;
	[tilespmem:$0x12580] =	vst v63  }
0x3f: {  	v2 =	vld.idx.msk [tilespmem:v17+s3+$0x0], $0xffff;
	_ =	sdelay $0x4  }
0x40: {  	[tilespmem:$0x6500] =	vst v2  }
0x41: {  	v2 =	vld.idx.msk [tilespmem:v18+s3+$0x0], $0xffff;
	_ =	sdelay $0x4  }
0x42: {  	[tilespmem:$0x6510] =	vst v2  }
0x43: {  	v2 =	vld.idx.msk [tilespmem:v19+s3+$0x0], $0xffff;
	_ =	sdelay $0x4  }
0x44: {  	[tilespmem:$0x6520] =	vst v2  }
0x45: {  	v2 =	vld.idx.msk [tilespmem:v20+s3+$0x0], $0xffff;
	_ =	sdelay $0x4  }
0x46: {  	[tilespmem:$0x6530] =	vst v2  }
0x47: {  	v2 =	vld.idx.msk [tilespmem:v21+s3+$0x0], $0xffff;
	_ =	sdelay $0x4  }
0x48: {  	[tilespmem:$0x6540] =	vst v2  }
0x49: {  	v2 =	vld.idx.msk [tilespmem:v23+s3+$0x0], $0xffff;
	_ =	sdelay $0x4  }
0x4a: {  	[tilespmem:$0x6550] =	vst v2  }
0x4b: {  	v2 =	vld.idx.msk [tilespmem:v24+s3+$0x0], $0xffff;
	_ =	sdelay $0x4  }
0x4c: {  	[tilespmem:$0x6560] =	vst v2  }
0x4d: {  	v2 =	vld.idx.msk [tilespmem:v25+s3+$0x0], $0xffff;
	_ =	sdelay $0x2  }
0x4e: {  	v3 =	vadd.s32 s3, v0  }
0x4f: {  	v4 =	vand.u32 $0x3F, v3  }
0x50: {  	[tilespmem:$0x6570] =	vst v2;
	v2 =	vor.u32 v26, v4  }
0x51: {  	v5 =	vor.u32 v27, v4;
	[tilespmem:s20], [sflag:$0x3] =	stream.indirect.gather [hbm4b:s4+s14], $0x40, s19, s14, $0xb8;
	[tilespmem:$0x12580] =	vst v63  }
0x52: {  	v6 =	vor.u32 v22, v4;
	_ =	swait.ge [sflag:s21], $0x2000  }
0x53: {  	v7 =	vor.u32 v31, v4;
	[sflag:s21] =	ssyncset.done $0x0  }
0x54: {  	v8 =	vor.u32 v29, v4;
	[sflag:s21] =	ssyncadd.s32 $0xFFFFE000  }
0x55: {  	v3 =	vshll.u32 v3, $0x7;
	v9 =	vor.u32 v28, v4;
	v2 =	vld.idx.msk [tilespmem:v2+s16+$0x0], $0xffff  }
0x56: {  	v10 =	vor.u32 v32, v4;
	v3 =	vand.u32 $0x1F80, v3;
	v5 =	vld.idx.msk [tilespmem:v5+s16+$0x0], $0xffff  }
0x57: {  	v56 =	vor.u32 v0, v3;
	v4 =	vor.u32 v30, v4;
	v6 =	vld.idx.msk [tilespmem:v6+s16+$0x0], $0xffff  }
0x58: {  	v57 =	vor.u32 v33, v3;
	v7 =	vld.idx.msk [tilespmem:v7+s16+$0x0], $0xffff  }
0x59: {  	v58 =	vor.u32 v34, v3;
	v8 =	vld.idx.msk [tilespmem:v8+s16+$0x0], $0xffff  }
0x5a: {  	v59 =	vor.u32 v35, v3;
	v9 =	vld.idx.msk [tilespmem:v9+s16+$0x0], $0xffff  }
0x5b: {  	v60 =	vor.u32 v36, v3;
	v10 =	vld.idx.msk [tilespmem:v10+s16+$0x0], $0xffff  }
0x5c: {  	s13 =	simm.s32 $0x1;
	v4 =	vld.idx.msk [tilespmem:v4+s16+$0x0], $0xffff;
	[tilespmem:v56+s22+$0x0] =	vst.idx.msk $0xffff, v6;
	v6 =	vor.u32 v37, v3  }
0x5d: {  	v56 =	vor.u32 v38, v3;
	[tilespmem:v57+s22+$0x0] =	vst.idx.msk $0xffff, v2;
	v2 =	vadd.s32 s13, v0  }
0x5e: {  	v3 =	vor.u32 v39, v3;
	[tilespmem:v58+s22+$0x0] =	vst.idx.msk $0xffff, v5;
	v5 =	vand.u32 $0x3F, v2  }
0x5f: {  	[tilespmem:v59+s22+$0x0] =	vst.idx.msk $0xffff, v9;
	v9 =	vor.u32 v26, v5  }
0x60: {  	[tilespmem:v60+s22+$0x0] =	vst.idx.msk $0xffff, v8;
	v8 =	vor.u32 v30, v5  }
0x61: {  	v60 =	vor.u32 v22, v5;
	[tilespmem:v6+s22+$0x0] =	vst.idx.msk $0xffff, v4  }
0x62: {  	v6 =	vor.u32 v27, v5;
	[tilespmem:v56+s22+$0x0] =	vst.idx.msk $0xffff, v7  }
0x63: {  	[tilespmem:v3+s22+$0x0] =	vst.idx.msk $0xffff, v10;
	v3 =	vor.u32 v28, v5  }
0x64: {  	v7 =	vor.u32 v29, v5;
	v59 =	vld.idx.msk [tilespmem:v9+s16+$0x0], $0xffff  }
0x65: {  	v2 =	vshll.u32 v2, $0x7;
	v9 =	vor.u32 v32, v5;
	v57 =	vld.idx.msk [tilespmem:v8+s16+$0x0], $0xffff  }
0x66: {  	v58 =	vand.u32 $0x1F80, v2;
	v10 =	vor.u32 v31, v5;
	v4 =	vld.idx.msk [tilespmem:v60+s16+$0x0], $0xffff  }
0x67: {  	s6 =	simm.s32 $0x2;
	v8 =	vor.u32 v0, v58;
	v63 =	vld.idx.msk [tilespmem:v6+s16+$0x0], $0xffff  }
0x68: {  	v60 =	vadd.s32 s6, v0;
	v6 =	vor.u32 v33, v58;
	v2 =	vld.idx.msk [tilespmem:v3+s16+$0x0], $0xffff  }
0x69: {  	v56 =	vor.u32 v37, v58;
	v5 =	vor.u32 v34, v58;
	v62 =	vand.u32 $0x3F, v60;
	v3 =	vld.idx.msk [tilespmem:v7+s16+$0x0], $0xffff  }
0x6a: {  	s8 =	simm.s32 $0x4;
	v60 =	vshll.u32 v60, $0x7;
	v7 =	vor.u32 v35, v58;
	v61 =	vld.idx.msk [tilespmem:v9+s16+$0x0], $0xffff;
	v9 =	vor.u32 v36, v58  }
.LBB2_2:
0x6b: {  	p0 =	sne.s32 s8, $0x3E;
	v11 =	vor.u32 v22, v62;
	v10 =	vld.idx.msk [tilespmem:v10+s16+$0x0], $0xffff;
	s5 =	smov.u32 s8;
	s8 =	sadd.s32 $0x2, s8  }
0x6c: {  	v12 =	vor.u32 v26, v62;
	[tilespmem:v8+s22+$0x0] =	vst.idx.msk $0xffff, v4;
	v4 =	vor.u32 v38, v58  }
0x6d: {  	v8 =	vor.u32 v27, v62;
	[tilespmem:v6+s22+$0x0] =	vst.idx.msk $0xffff, v59;
	v6 =	vor.u32 v39, v58  }
0x6e: {  	v58 =	vor.u32 v28, v62;
	[tilespmem:v5+s22+$0x0] =	vst.idx.msk $0xffff, v63  }
0x6f: {  	v59 =	vor.u32 v32, v62;
	v5 =	vor.u32 v29, v62;
	[tilespmem:v7+s22+$0x0] =	vst.idx.msk $0xffff, v2  }
0x70: {  	v2 =	vor.u32 v30, v62;
	v7 =	vor.u32 v31, v62;
	[tilespmem:v9+s22+$0x0] =	vst.idx.msk $0xffff, v3  }
0x71: {  	v3 =	vand.u32 $0x1F80, v60;
	[tilespmem:v56+s22+$0x0] =	vst.idx.msk $0xffff, v57  }
0x72: {  	v9 =	vor.u32 v0, v3;
	[tilespmem:v4+s22+$0x0] =	vst.idx.msk $0xffff, v10  }
0x73: {  	v4 =	vor.u32 v33, v3;
	[tilespmem:v6+s22+$0x0] =	vst.idx.msk $0xffff, v61  }
0x74: {  	v10 =	vor.u32 v34, v3;
	v6 =	vld.idx.msk [tilespmem:v12+s16+$0x0], $0xffff  }
0x75: {  	v12 =	vor.u32 v35, v3;
	v8 =	vld.idx.msk [tilespmem:v8+s16+$0x0], $0xffff  }
0x76: {  	v56 =	vor.u32 v36, v3;
	v11 =	vld.idx.msk [tilespmem:v11+s16+$0x0], $0xffff  }
0x77: {  	v7 =	vld.idx.msk [tilespmem:v7+s16+$0x0], $0xffff  }
0x78: {  	v57 =	vor.u32 v38, v3;
	v5 =	vld.idx.msk [tilespmem:v5+s16+$0x0], $0xffff  }
0x79: {  	v58 =	vld.idx.msk [tilespmem:v58+s16+$0x0], $0xffff  }
0x7a: {  	v59 =	vld.idx.msk [tilespmem:v59+s16+$0x0], $0xffff  }
0x7b: {  	v2 =	vld.idx.msk [tilespmem:v2+s16+$0x0], $0xffff  }
0x7c: {  	s9 =	sadd.s32 $0x1, s6;
	s6 =	smov.u32 s5;
	[tilespmem:v9+s22+$0x0] =	vst.idx.msk $0xffff, v11;
	v9 =	vor.u32 v37, v3  }
0x7d: {  	[tilespmem:v4+s22+$0x0] =	vst.idx.msk $0xffff, v6;
	v4 =	vadd.s32 s9, v0  }
0x7e: {  	v3 =	vor.u32 v39, v3;
	[tilespmem:v10+s22+$0x0] =	vst.idx.msk $0xffff, v8;
	v6 =	vand.u32 $0x3F, v4;
	v4 =	vshll.u32 v4, $0x7  }
0x7f: {  	[tilespmem:v12+s22+$0x0] =	vst.idx.msk $0xffff, v58;
	v8 =	vor.u32 v26, v6;
	v58 =	vand.u32 $0x1F80, v4  }
0x80: {  	v4 =	vor.u32 v22, v6;
	[tilespmem:v56+s22+$0x0] =	vst.idx.msk $0xffff, v5;
	v5 =	vor.u32 v30, v6  }
0x81: {  	v56 =	vor.u32 v37, v58;
	[tilespmem:v9+s22+$0x0] =	vst.idx.msk $0xffff, v2  }
0x82: {  	v2 =	vor.u32 v27, v6;
	[tilespmem:v57+s22+$0x0] =	vst.idx.msk $0xffff, v7  }
0x83: {  	[tilespmem:v3+s22+$0x0] =	vst.idx.msk $0xffff, v59;
	v3 =	vor.u32 v28, v6  }
0x84: {  	v7 =	vor.u32 v29, v6;
	v59 =	vld.idx.msk [tilespmem:v8+s16+$0x0], $0xffff  }
0x85: {  	v9 =	vor.u32 v32, v6;
	v57 =	vld.idx.msk [tilespmem:v5+s16+$0x0], $0xffff  }
.Ltmp0:
0x86: {  	v10 =	vor.u32 v31, v6;
	v8 =	vor.u32 v0, v58;
	v4 =	vld.idx.msk [tilespmem:v4+s16+$0x0], $0xffff;
	(pc) =	sbr.rel @p0 .LBB2_2-.Ltmp0, $4  }
0x87: {  	v6 =	vor.u32 v33, v58;
	v63 =	vld.idx.msk [tilespmem:v2+s16+$0x0], $0xffff  }
0x88: {  	v5 =	vor.u32 v34, v58;
	v2 =	vld.idx.msk [tilespmem:v3+s16+$0x0], $0xffff  }
0x89: {  	v11 =	vadd.s32 s6, v0;
	v3 =	vld.idx.msk [tilespmem:v7+s16+$0x0], $0xffff;
	v7 =	vor.u32 v35, v58  }
0x8a: {  	v62 =	vand.u32 $0x3F, v11;
	v60 =	vshll.u32 v11, $0x7;
	v61 =	vld.idx.msk [tilespmem:v9+s16+$0x0], $0xffff;
	v9 =	vor.u32 v36, v58  }
0x8b: {  	_ =	sdelay $0x3  }
0x8c: {  	v10 =	vld.idx.msk [tilespmem:v10+s16+$0x0], $0xffff;
	[tilespmem:v8+s22+$0x0] =	vst.idx.msk $0xffff, v4  }
0x8d: {  	v4 =	vor.u32 v38, v58;
	[tilespmem:v6+s22+$0x0] =	vst.idx.msk $0xffff, v59  }
0x8e: {  	v6 =	vor.u32 v39, v58;
	[tilespmem:v5+s22+$0x0] =	vst.idx.msk $0xffff, v63  }
0x8f: {  	v5 =	vor.u32 v26, v62;
	[tilespmem:v7+s22+$0x0] =	vst.idx.msk $0xffff, v2  }
0x90: {  	v2 =	vor.u32 v27, v62;
	[tilespmem:v9+s22+$0x0] =	vst.idx.msk $0xffff, v3  }
0x91: {  	v3 =	vor.u32 v22, v62;
	[tilespmem:v56+s22+$0x0] =	vst.idx.msk $0xffff, v57  }
0x92: {  	v7 =	vor.u32 v31, v62;
	[tilespmem:v4+s22+$0x0] =	vst.idx.msk $0xffff, v10  }
0x93: {  	v8 =	vor.u32 v32, v62;
	[tilespmem:v6+s22+$0x0] =	vst.idx.msk $0xffff, v61  }
0x94: {  	v6 =	vor.u32 v28, v62;
	v5 =	vld.idx.msk [tilespmem:v5+s16+$0x0], $0xffff  }
0x95: {  	v4 =	vor.u32 v29, v62;
	v10 =	vand.u32 $0x1F80, v60;
	v2 =	vld.idx.msk [tilespmem:v2+s16+$0x0], $0xffff  }
0x96: {  	v9 =	vor.u32 v30, v62;
	v11 =	vor.u32 v0, v10;
	v3 =	vld.idx.msk [tilespmem:v3+s16+$0x0], $0xffff  }
0x97: {  	v12 =	vor.u32 v33, v10;
	v7 =	vld.idx.msk [tilespmem:v7+s16+$0x0], $0xffff  }
0x98: {  	v62 =	vor.u32 v34, v10;
	v8 =	vld.idx.msk [tilespmem:v8+s16+$0x0], $0xffff  }
0x99: {  	v63 =	vor.u32 v35, v10;
	v6 =	vld.idx.msk [tilespmem:v6+s16+$0x0], $0xffff  }
0x9a: {  	v60 =	vor.u32 v36, v10;
	v4 =	vld.idx.msk [tilespmem:v4+s16+$0x0], $0xffff  }
0x9b: {  	s5 =	sadd.s32 $0x1, s6;
	v9 =	vld.idx.msk [tilespmem:v9+s16+$0x0], $0xffff;
	[tilespmem:v11+s22+$0x0] =	vst.idx.msk $0xffff, v3;
	v3 =	vor.u32 v37, v10  }
0x9c: {  	v11 =	vor.u32 v38, v10;
	[tilespmem:v12+s22+$0x0] =	vst.idx.msk $0xffff, v5;
	v5 =	vadd.s32 s5, v0  }
0x9d: {  	[tilespmem:v62+s22+$0x0] =	vst.idx.msk $0xffff, v2;
	v2 =	vor.u32 v39, v10;
	v10 =	vand.u32 $0x3F, v5  }
0x9e: {  	[tilespmem:v63+s22+$0x0] =	vst.idx.msk $0xffff, v6;
	v6 =	vor.u32 v26, v10  }
0x9f: {  	v12 =	vor.u32 v22, v10;
	[tilespmem:v60+s22+$0x0] =	vst.idx.msk $0xffff, v4  }
0xa0: {  	v4 =	vor.u32 v30, v10;
	[tilespmem:v3+s22+$0x0] =	vst.idx.msk $0xffff, v9  }
0xa1: {  	v3 =	vor.u32 v27, v10;
	[tilespmem:v11+s22+$0x0] =	vst.idx.msk $0xffff, v7  }
0xa2: {  	v7 =	vor.u32 v29, v10;
	[tilespmem:v2+s22+$0x0] =	vst.idx.msk $0xffff, v8  }
0xa3: {  	v5 =	vshll.u32 v5, $0x7;
	v2 =	vor.u32 v28, v10;
	v6 =	vld.idx.msk [tilespmem:v6+s16+$0x0], $0xffff  }
0xa4: {  	v5 =	vand.u32 $0x1F80, v5;
	v8 =	vor.u32 v32, v10;
	v9 =	vld.idx.msk [tilespmem:v12+s16+$0x0], $0xffff  }
0xa5: {  	v11 =	vor.u32 v0, v5;
	v10 =	vor.u32 v31, v10;
	v4 =	vld.idx.msk [tilespmem:v4+s16+$0x0], $0xffff  }
0xa6: {  	v12 =	vor.u32 v33, v5;
	v3 =	vld.idx.msk [tilespmem:v3+s16+$0x0], $0xffff  }
0xa7: {  	v61 =	vor.u32 v34, v5;
	v7 =	vld.idx.msk [tilespmem:v7+s16+$0x0], $0xffff  }
0xa8: {  	v62 =	vor.u32 v35, v5;
	v2 =	vld.idx.msk [tilespmem:v2+s16+$0x0], $0xffff  }
0xa9: {  	v63 =	vor.u32 v36, v5;
	v8 =	vld.idx.msk [tilespmem:v8+s16+$0x0], $0xffff  }
0xaa: {  	v60 =	vor.u32 v37, v5;
	v10 =	vld.idx.msk [tilespmem:v10+s16+$0x0], $0xffff;
	[tilespmem:v11+s22+$0x0] =	vst.idx.msk $0xffff, v9  }
0xab: {  	v9 =	vor.u32 v38, v5;
	[tilespmem:v12+s22+$0x0] =	vst.idx.msk $0xffff, v6  }
0xac: {  	v5 =	vor.u32 v39, v5;
	[tilespmem:v61+s22+$0x0] =	vst.idx.msk $0xffff, v3  }
0xad: {  	[tilespmem:v62+s22+$0x0] =	vst.idx.msk $0xffff, v2  }
0xae: {  	[tilespmem:v63+s22+$0x0] =	vst.idx.msk $0xffff, v7  }
0xaf: {  	[tilespmem:v60+s22+$0x0] =	vst.idx.msk $0xffff, v4  }
0xb0: {  	[tilespmem:v9+s22+$0x0] =	vst.idx.msk $0xffff, v10  }
0xb1: {  	s0 =	rddreg [dreg:$0x3];
	s12 =	simm.s32 $0x0;
	[tilespmem:v5+s22+$0x0] =	vst.idx.msk $0xffff, v8  }
0xb2: {  	[hbm4b:s0+s23] =	stream.strided.scatter [tilespmem:s22], [sflag:$0x4], $0x2000, s24, s23, $0x38;
	[tilespmem:$0x12580] =	vst v63  }
0xb3: {  	v2 =	vld.idx.msk [tilespmem:v40+s12+$0x0], $0xffff;
	_ =	sdelay $0x4  }
0xb4: {  	[tilespmem:$0x6400] =	vst v2  }
0xb5: {  	v2 =	vld.idx.msk [tilespmem:v41+s12+$0x0], $0xffff;
	_ =	sdelay $0x4  }
0xb6: {  	[tilespmem:$0x6410] =	vst v2  }
0xb7: {  	v2 =	vld.idx.msk [tilespmem:v42+s12+$0x0], $0xffff;
	_ =	sdelay $0x4  }
0xb8: {  	[tilespmem:$0x6420] =	vst v2  }
0xb9: {  	v2 =	vld.idx.msk [tilespmem:v43+s12+$0x0], $0xffff;
	_ =	sdelay $0x4  }
0xba: {  	[tilespmem:$0x6430] =	vst v2  }
0xbb: {  	v2 =	vld.idx.msk [tilespmem:v44+s12+$0x0], $0xffff;
	_ =	sdelay $0x4  }
0xbc: {  	[tilespmem:$0x6440] =	vst v2  }
0xbd: {  	v2 =	vld.idx.msk [tilespmem:v45+s12+$0x0], $0xffff;
	_ =	sdelay $0x4  }
0xbe: {  	[tilespmem:$0x6450] =	vst v2  }
0xbf: {  	v2 =	vld.idx.msk [tilespmem:v46+s12+$0x0], $0xffff;
	_ =	sdelay $0x4  }
0xc0: {  	[tilespmem:$0x6460] =	vst v2  }
0xc1: {  	v2 =	vld.idx.msk [tilespmem:v47+s12+$0x0], $0xffff;
	_ =	sdelay $0x2  }
0xc2: {  	v3 =	vadd.s32 s12, v0  }
0xc3: {  	v4 =	vand.u32 $0x3F, v3  }
0xc4: {  	[tilespmem:$0x6470] =	vst v2;
	v2 =	vor.u32 v26, v4  }
0xc5: {  	v5 =	vor.u32 v27, v4;
	[tilespmem:s16], [sflag:$0x1] =	stream.indirect.gather [hbm4b:s4+s14], $0x40, s15, s14, $0xb8;
	[tilespmem:$0x12580] =	vst v63  }
0xc6: {  	v6 =	vor.u32 v22, v4;
	_ =	swait.ge [sflag:s25], $0x2000  }
0xc7: {  	v7 =	vor.u32 v31, v4;
	[sflag:s25] =	ssyncset.done $0x0  }
0xc8: {  	v8 =	vor.u32 v29, v4;
	[sflag:s25] =	ssyncadd.s32 $0xFFFFE000  }
0xc9: {  	v3 =	vshll.u32 v3, $0x7;
	v9 =	vor.u32 v28, v4;
	v2 =	vld.idx.msk [tilespmem:v2+s18+$0x0], $0xffff  }
0xca: {  	v10 =	vor.u32 v32, v4;
	v3 =	vand.u32 $0x1F80, v3;
	v5 =	vld.idx.msk [tilespmem:v5+s18+$0x0], $0xffff  }
0xcb: {  	v11 =	vor.u32 v0, v3;
	v4 =	vor.u32 v30, v4;
	v6 =	vld.idx.msk [tilespmem:v6+s18+$0x0], $0xffff  }
0xcc: {  	v12 =	vor.u32 v33, v3;
	v7 =	vld.idx.msk [tilespmem:v7+s18+$0x0], $0xffff  }
0xcd: {  	v61 =	vor.u32 v34, v3;
	v8 =	vld.idx.msk [tilespmem:v8+s18+$0x0], $0xffff  }
0xce: {  	v62 =	vor.u32 v35, v3;
	v9 =	vld.idx.msk [tilespmem:v9+s18+$0x0], $0xffff  }
0xcf: {  	v63 =	vor.u32 v36, v3;
	v10 =	vld.idx.msk [tilespmem:v10+s18+$0x0], $0xffff  }
0xd0: {  	s13 =	simm.s32 $0x1;
	v4 =	vld.idx.msk [tilespmem:v4+s18+$0x0], $0xffff;
	[tilespmem:v11+s26+$0x0] =	vst.idx.msk $0xffff, v6;
	v6 =	vor.u32 v37, v3  }
0xd1: {  	v11 =	vor.u32 v38, v3;
	[tilespmem:v12+s26+$0x0] =	vst.idx.msk $0xffff, v2;
	v2 =	vadd.s32 s13, v0  }
0xd2: {  	v3 =	vor.u32 v39, v3;
	[tilespmem:v61+s26+$0x0] =	vst.idx.msk $0xffff, v5;
	v5 =	vand.u32 $0x3F, v2  }
0xd3: {  	[tilespmem:v62+s26+$0x0] =	vst.idx.msk $0xffff, v9;
	v9 =	vor.u32 v26, v5  }
0xd4: {  	v12 =	vor.u32 v22, v5;
	[tilespmem:v63+s26+$0x0] =	vst.idx.msk $0xffff, v8  }
0xd5: {  	v8 =	vor.u32 v30, v5;
	[tilespmem:v6+s26+$0x0] =	vst.idx.msk $0xffff, v4  }
0xd6: {  	v6 =	vor.u32 v27, v5;
	[tilespmem:v11+s26+$0x0] =	vst.idx.msk $0xffff, v7  }
0xd7: {  	[tilespmem:v3+s26+$0x0] =	vst.idx.msk $0xffff, v10;
	v3 =	vor.u32 v28, v5  }
0xd8: {  	v7 =	vor.u32 v29, v5;
	v59 =	vld.idx.msk [tilespmem:v9+s18+$0x0], $0xffff  }
0xd9: {  	v2 =	vshll.u32 v2, $0x7;
	v9 =	vor.u32 v32, v5;
	v4 =	vld.idx.msk [tilespmem:v12+s18+$0x0], $0xffff  }
0xda: {  	v58 =	vand.u32 $0x1F80, v2;
	v10 =	vor.u32 v31, v5;
	v57 =	vld.idx.msk [tilespmem:v8+s18+$0x0], $0xffff  }
0xdb: {  	s6 =	simm.s32 $0x2;
	v8 =	vor.u32 v0, v58;
	v63 =	vld.idx.msk [tilespmem:v6+s18+$0x0], $0xffff  }
0xdc: {  	v11 =	vadd.s32 s6, v0;
	v6 =	vor.u32 v33, v58;
	v2 =	vld.idx.msk [tilespmem:v3+s18+$0x0], $0xffff  }
0xdd: {  	v56 =	vor.u32 v37, v58;
	v62 =	vand.u32 $0x3F, v11;
	v5 =	vor.u32 v34, v58;
	v3 =	vld.idx.msk [tilespmem:v7+s18+$0x0], $0xffff  }
0xde: {  	s8 =	simm.s32 $0x4;
	v60 =	vshll.u32 v11, $0x7;
	v7 =	vor.u32 v35, v58;
	v61 =	vld.idx.msk [tilespmem:v9+s18+$0x0], $0xffff;
	v9 =	vor.u32 v36, v58  }
.LBB2_4:
0xdf: {  	p0 =	sne.s32 s8, $0x3E;
	v11 =	vor.u32 v22, v62;
	v10 =	vld.idx.msk [tilespmem:v10+s18+$0x0], $0xffff;
	s5 =	smov.u32 s8;
	s8 =	sadd.s32 $0x2, s8  }
0xe0: {  	v12 =	vor.u32 v26, v62;
	[tilespmem:v8+s26+$0x0] =	vst.idx.msk $0xffff, v4;
	v4 =	vor.u32 v38, v58  }
0xe1: {  	v8 =	vor.u32 v27, v62;
	[tilespmem:v6+s26+$0x0] =	vst.idx.msk $0xffff, v59;
	v6 =	vor.u32 v39, v58  }
0xe2: {  	v58 =	vor.u32 v28, v62;
	[tilespmem:v5+s26+$0x0] =	vst.idx.msk $0xffff, v63  }
0xe3: {  	v59 =	vor.u32 v32, v62;
	v5 =	vor.u32 v29, v62;
	[tilespmem:v7+s26+$0x0] =	vst.idx.msk $0xffff, v2  }
0xe4: {  	v2 =	vor.u32 v30, v62;
	v7 =	vor.u32 v31, v62;
	[tilespmem:v9+s26+$0x0] =	vst.idx.msk $0xffff, v3  }
0xe5: {  	v3 =	vand.u32 $0x1F80, v60;
	[tilespmem:v56+s26+$0x0] =	vst.idx.msk $0xffff, v57  }
0xe6: {  	v9 =	vor.u32 v0, v3;
	[tilespmem:v4+s26+$0x0] =	vst.idx.msk $0xffff, v10  }
0xe7: {  	v4 =	vor.u32 v33, v3;
	[tilespmem:v6+s26+$0x0] =	vst.idx.msk $0xffff, v61  }
0xe8: {  	v10 =	vor.u32 v34, v3;
	v6 =	vld.idx.msk [tilespmem:v12+s18+$0x0], $0xffff  }
0xe9: {  	v12 =	vor.u32 v35, v3;
	v8 =	vld.idx.msk [tilespmem:v8+s18+$0x0], $0xffff  }
0xea: {  	v56 =	vor.u32 v36, v3;
	v11 =	vld.idx.msk [tilespmem:v11+s18+$0x0], $0xffff  }
0xeb: {  	v7 =	vld.idx.msk [tilespmem:v7+s18+$0x0], $0xffff  }
0xec: {  	v57 =	vor.u32 v38, v3;
	v5 =	vld.idx.msk [tilespmem:v5+s18+$0x0], $0xffff  }
0xed: {  	v58 =	vld.idx.msk [tilespmem:v58+s18+$0x0], $0xffff  }
0xee: {  	v59 =	vld.idx.msk [tilespmem:v59+s18+$0x0], $0xffff  }
0xef: {  	v2 =	vld.idx.msk [tilespmem:v2+s18+$0x0], $0xffff  }
0xf0: {  	s9 =	sadd.s32 $0x1, s6;
	s6 =	smov.u32 s5;
	[tilespmem:v9+s26+$0x0] =	vst.idx.msk $0xffff, v11;
	v9 =	vor.u32 v37, v3  }
0xf1: {  	[tilespmem:v4+s26+$0x0] =	vst.idx.msk $0xffff, v6;
	v4 =	vadd.s32 s9, v0  }
0xf2: {  	v3 =	vor.u32 v39, v3;
	[tilespmem:v10+s26+$0x0] =	vst.idx.msk $0xffff, v8;
	v6 =	vand.u32 $0x3F, v4;
	v4 =	vshll.u32 v4, $0x7  }
0xf3: {  	[tilespmem:v12+s26+$0x0] =	vst.idx.msk $0xffff, v58;
	v8 =	vor.u32 v26, v6;
	v58 =	vand.u32 $0x1F80, v4  }
0xf4: {  	v4 =	vor.u32 v22, v6;
	[tilespmem:v56+s26+$0x0] =	vst.idx.msk $0xffff, v5;
	v5 =	vor.u32 v30, v6  }
0xf5: {  	v56 =	vor.u32 v37, v58;
	[tilespmem:v9+s26+$0x0] =	vst.idx.msk $0xffff, v2  }
0xf6: {  	v2 =	vor.u32 v27, v6;
	[tilespmem:v57+s26+$0x0] =	vst.idx.msk $0xffff, v7  }
0xf7: {  	[tilespmem:v3+s26+$0x0] =	vst.idx.msk $0xffff, v59;
	v3 =	vor.u32 v28, v6  }
0xf8: {  	v7 =	vor.u32 v29, v6;
	v59 =	vld.idx.msk [tilespmem:v8+s18+$0x0], $0xffff  }
0xf9: {  	v9 =	vor.u32 v32, v6;
	v57 =	vld.idx.msk [tilespmem:v5+s18+$0x0], $0xffff  }
.Ltmp1:
0xfa: {  	v10 =	vor.u32 v31, v6;
	v8 =	vor.u32 v0, v58;
	v4 =	vld.idx.msk [tilespmem:v4+s18+$0x0], $0xffff;
	(pc) =	sbr.rel @p0 .LBB2_4-.Ltmp1, $4  }
0xfb: {  	v6 =	vor.u32 v33, v58;
	v63 =	vld.idx.msk [tilespmem:v2+s18+$0x0], $0xffff  }
0xfc: {  	v5 =	vor.u32 v34, v58;
	v2 =	vld.idx.msk [tilespmem:v3+s18+$0x0], $0xffff  }
0xfd: {  	v11 =	vadd.s32 s6, v0;
	v3 =	vld.idx.msk [tilespmem:v7+s18+$0x0], $0xffff;
	v7 =	vor.u32 v35, v58  }
0xfe: {  	v62 =	vand.u32 $0x3F, v11;
	v60 =	vshll.u32 v11, $0x7;
	v61 =	vld.idx.msk [tilespmem:v9+s18+$0x0], $0xffff;
	v9 =	vor.u32 v36, v58  }
0xff: {  	_ =	sdelay $0x3  }
0x100: {  	v10 =	vld.idx.msk [tilespmem:v10+s18+$0x0], $0xffff;
	[tilespmem:v8+s26+$0x0] =	vst.idx.msk $0xffff, v4  }
0x101: {  	v4 =	vor.u32 v38, v58;
	[tilespmem:v6+s26+$0x0] =	vst.idx.msk $0xffff, v59  }
0x102: {  	v6 =	vor.u32 v39, v58;
	[tilespmem:v5+s26+$0x0] =	vst.idx.msk $0xffff, v63  }
0x103: {  	v5 =	vor.u32 v26, v62;
	[tilespmem:v7+s26+$0x0] =	vst.idx.msk $0xffff, v2  }
0x104: {  	v2 =	vor.u32 v27, v62;
	[tilespmem:v9+s26+$0x0] =	vst.idx.msk $0xffff, v3  }
0x105: {  	v3 =	vor.u32 v22, v62;
	[tilespmem:v56+s26+$0x0] =	vst.idx.msk $0xffff, v57  }
0x106: {  	v7 =	vor.u32 v31, v62;
	[tilespmem:v4+s26+$0x0] =	vst.idx.msk $0xffff, v10  }
0x107: {  	v8 =	vor.u32 v32, v62;
	[tilespmem:v6+s26+$0x0] =	vst.idx.msk $0xffff, v61  }
0x108: {  	v6 =	vor.u32 v28, v62;
	v5 =	vld.idx.msk [tilespmem:v5+s18+$0x0], $0xffff  }
0x109: {  	v4 =	vor.u32 v29, v62;
	v10 =	vand.u32 $0x1F80, v60;
	v2 =	vld.idx.msk [tilespmem:v2+s18+$0x0], $0xffff  }
0x10a: {  	v9 =	vor.u32 v30, v62;
	v11 =	vor.u32 v0, v10;
	v3 =	vld.idx.msk [tilespmem:v3+s18+$0x0], $0xffff  }
0x10b: {  	v12 =	vor.u32 v33, v10;
	v7 =	vld.idx.msk [tilespmem:v7+s18+$0x0], $0xffff  }
0x10c: {  	v62 =	vor.u32 v34, v10;
	v8 =	vld.idx.msk [tilespmem:v8+s18+$0x0], $0xffff  }
0x10d: {  	v63 =	vor.u32 v35, v10;
	v6 =	vld.idx.msk [tilespmem:v6+s18+$0x0], $0xffff  }
0x10e: {  	v60 =	vor.u32 v36, v10;
	v4 =	vld.idx.msk [tilespmem:v4+s18+$0x0], $0xffff  }
0x10f: {  	s5 =	sadd.s32 $0x1, s6;
	v9 =	vld.idx.msk [tilespmem:v9+s18+$0x0], $0xffff;
	[tilespmem:v11+s26+$0x0] =	vst.idx.msk $0xffff, v3;
	v3 =	vor.u32 v37, v10  }
0x110: {  	v11 =	vor.u32 v38, v10;
	[tilespmem:v12+s26+$0x0] =	vst.idx.msk $0xffff, v5;
	v5 =	vadd.s32 s5, v0  }
0x111: {  	[tilespmem:v62+s26+$0x0] =	vst.idx.msk $0xffff, v2;
	v2 =	vor.u32 v39, v10;
	v10 =	vand.u32 $0x3F, v5  }
0x112: {  	[tilespmem:v63+s26+$0x0] =	vst.idx.msk $0xffff, v6;
	v6 =	vor.u32 v26, v10  }
0x113: {  	v12 =	vor.u32 v22, v10;
	[tilespmem:v60+s26+$0x0] =	vst.idx.msk $0xffff, v4  }
0x114: {  	v4 =	vor.u32 v30, v10;
	[tilespmem:v3+s26+$0x0] =	vst.idx.msk $0xffff, v9  }
0x115: {  	v3 =	vor.u32 v27, v10;
	[tilespmem:v11+s26+$0x0] =	vst.idx.msk $0xffff, v7  }
0x116: {  	v7 =	vor.u32 v29, v10;
	[tilespmem:v2+s26+$0x0] =	vst.idx.msk $0xffff, v8  }
0x117: {  	v5 =	vshll.u32 v5, $0x7;
	v2 =	vor.u32 v28, v10;
	v6 =	vld.idx.msk [tilespmem:v6+s18+$0x0], $0xffff  }
0x118: {  	v5 =	vand.u32 $0x1F80, v5;
	v8 =	vor.u32 v32, v10;
	v9 =	vld.idx.msk [tilespmem:v12+s18+$0x0], $0xffff  }
0x119: {  	v11 =	vor.u32 v0, v5;
	v10 =	vor.u32 v31, v10;
	v4 =	vld.idx.msk [tilespmem:v4+s18+$0x0], $0xffff  }
0x11a: {  	v12 =	vor.u32 v33, v5;
	v3 =	vld.idx.msk [tilespmem:v3+s18+$0x0], $0xffff  }
0x11b: {  	v61 =	vor.u32 v34, v5;
	v7 =	vld.idx.msk [tilespmem:v7+s18+$0x0], $0xffff  }
0x11c: {  	v62 =	vor.u32 v35, v5;
	v2 =	vld.idx.msk [tilespmem:v2+s18+$0x0], $0xffff  }
0x11d: {  	v63 =	vor.u32 v36, v5;
	v8 =	vld.idx.msk [tilespmem:v8+s18+$0x0], $0xffff  }
0x11e: {  	v60 =	vor.u32 v37, v5;
	v10 =	vld.idx.msk [tilespmem:v10+s18+$0x0], $0xffff;
	[tilespmem:v11+s26+$0x0] =	vst.idx.msk $0xffff, v9  }
0x11f: {  	v9 =	vor.u32 v38, v5;
	[tilespmem:v12+s26+$0x0] =	vst.idx.msk $0xffff, v6  }
0x120: {  	v5 =	vor.u32 v39, v5;
	[tilespmem:v61+s26+$0x0] =	vst.idx.msk $0xffff, v3  }
0x121: {  	[tilespmem:v62+s26+$0x0] =	vst.idx.msk $0xffff, v2  }
0x122: {  	[tilespmem:v63+s26+$0x0] =	vst.idx.msk $0xffff, v7  }
0x123: {  	[tilespmem:v60+s26+$0x0] =	vst.idx.msk $0xffff, v4  }
0x124: {  	[tilespmem:v9+s26+$0x0] =	vst.idx.msk $0xffff, v10  }
0x125: {  	s0 =	rddreg [dreg:$0x6];
	s12 =	simm.s32 $0x0;
	[tilespmem:v5+s26+$0x0] =	vst.idx.msk $0xffff, v8  }
0x126: {  	[hbm4b:s0+s23] =	stream.strided.scatter [tilespmem:s26], [sflag:$0x5], $0x2000, s24, s23, $0x38;
	[tilespmem:$0x12580] =	vst v63  }
0x127: {  	v2 =	vld.idx.msk [tilespmem:v48+s12+$0x0], $0xffff;
	_ =	sdelay $0x4  }
0x128: {  	[tilespmem:$0x6480] =	vst v2  }
0x129: {  	v2 =	vld.idx.msk [tilespmem:v49+s12+$0x0], $0xffff;
	_ =	sdelay $0x4  }
0x12a: {  	[tilespmem:$0x6490] =	vst v2  }
0x12b: {  	v2 =	vld.idx.msk [tilespmem:v50+s12+$0x0], $0xffff;
	_ =	sdelay $0x4  }
0x12c: {  	[tilespmem:$0x64A0] =	vst v2  }
0x12d: {  	v2 =	vld.idx.msk [tilespmem:v51+s12+$0x0], $0xffff;
	_ =	sdelay $0x4  }
0x12e: {  	[tilespmem:$0x64B0] =	vst v2  }
0x12f: {  	v2 =	vld.idx.msk [tilespmem:v52+s12+$0x0], $0xffff;
	_ =	sdelay $0x4  }
0x130: {  	[tilespmem:$0x64C0] =	vst v2  }
0x131: {  	v2 =	vld.idx.msk [tilespmem:v53+s12+$0x0], $0xffff;
	_ =	sdelay $0x4  }
0x132: {  	[tilespmem:$0x64D0] =	vst v2  }
0x133: {  	v2 =	vld.idx.msk [tilespmem:v54+s12+$0x0], $0xffff;
	_ =	sdelay $0x4  }
0x134: {  	[tilespmem:$0x64E0] =	vst v2  }
0x135: {  	v2 =	vld.idx.msk [tilespmem:v55+s12+$0x0], $0xffff;
	_ =	sdelay $0x2  }
0x136: {  	v3 =	vadd.s32 s12, v0  }
0x137: {  	v4 =	vand.u32 $0x3F, v3  }
0x138: {  	[tilespmem:$0x64F0] =	vst v2;
	v2 =	vor.u32 v26, v4  }
0x139: {  	v5 =	vor.u32 v27, v4;
	[tilespmem:s18], [sflag:$0x2] =	stream.indirect.gather [hbm4b:s4+s14], $0x40, s17, s14, $0xb8;
	[tilespmem:$0x12580] =	vst v63  }
0x13a: {  	v6 =	vor.u32 v22, v4;
	_ =	swait.ge [sflag:s28], $0x2000  }
0x13b: {  	v7 =	vor.u32 v31, v4;
	[sflag:s28] =	ssyncset.done $0x0  }
0x13c: {  	v8 =	vor.u32 v29, v4;
	[sflag:s28] =	ssyncadd.s32 $0xFFFFE000  }
0x13d: {  	v3 =	vshll.u32 v3, $0x7;
	v9 =	vor.u32 v28, v4;
	v2 =	vld.idx.msk [tilespmem:v2+s20+$0x0], $0xffff  }
0x13e: {  	v10 =	vor.u32 v32, v4;
	v3 =	vand.u32 $0x1F80, v3;
	v5 =	vld.idx.msk [tilespmem:v5+s20+$0x0], $0xffff  }
0x13f: {  	v11 =	vor.u32 v0, v3;
	v4 =	vor.u32 v30, v4;
	v6 =	vld.idx.msk [tilespmem:v6+s20+$0x0], $0xffff  }
0x140: {  	v12 =	vor.u32 v33, v3;
	v7 =	vld.idx.msk [tilespmem:v7+s20+$0x0], $0xffff  }
0x141: {  	v61 =	vor.u32 v34, v3;
	v8 =	vld.idx.msk [tilespmem:v8+s20+$0x0], $0xffff  }
0x142: {  	v62 =	vor.u32 v35, v3;
	v9 =	vld.idx.msk [tilespmem:v9+s20+$0x0], $0xffff  }
0x143: {  	v63 =	vor.u32 v36, v3;
	v10 =	vld.idx.msk [tilespmem:v10+s20+$0x0], $0xffff  }
0x144: {  	s13 =	simm.s32 $0x1;
	v4 =	vld.idx.msk [tilespmem:v4+s20+$0x0], $0xffff;
	[tilespmem:v11+s29+$0x0] =	vst.idx.msk $0xffff, v6;
	v6 =	vor.u32 v37, v3  }
0x145: {  	v11 =	vor.u32 v38, v3;
	[tilespmem:v12+s29+$0x0] =	vst.idx.msk $0xffff, v2;
	v2 =	vadd.s32 s13, v0  }
0x146: {  	v3 =	vor.u32 v39, v3;
	[tilespmem:v61+s29+$0x0] =	vst.idx.msk $0xffff, v5;
	v5 =	vand.u32 $0x3F, v2  }
0x147: {  	[tilespmem:v62+s29+$0x0] =	vst.idx.msk $0xffff, v9;
	v9 =	vor.u32 v26, v5  }
0x148: {  	v12 =	vor.u32 v22, v5;
	[tilespmem:v63+s29+$0x0] =	vst.idx.msk $0xffff, v8  }
0x149: {  	v8 =	vor.u32 v30, v5;
	[tilespmem:v6+s29+$0x0] =	vst.idx.msk $0xffff, v4  }
0x14a: {  	v6 =	vor.u32 v27, v5;
	[tilespmem:v11+s29+$0x0] =	vst.idx.msk $0xffff, v7  }
0x14b: {  	[tilespmem:v3+s29+$0x0] =	vst.idx.msk $0xffff, v10;
	v3 =	vor.u32 v28, v5  }
0x14c: {  	v7 =	vor.u32 v29, v5;
	v59 =	vld.idx.msk [tilespmem:v9+s20+$0x0], $0xffff  }
0x14d: {  	v2 =	vshll.u32 v2, $0x7;
	v9 =	vor.u32 v32, v5;
	v4 =	vld.idx.msk [tilespmem:v12+s20+$0x0], $0xffff  }
0x14e: {  	v58 =	vand.u32 $0x1F80, v2;
	v10 =	vor.u32 v31, v5;
	v57 =	vld.idx.msk [tilespmem:v8+s20+$0x0], $0xffff  }
0x14f: {  	s6 =	simm.s32 $0x2;
	v8 =	vor.u32 v0, v58;
	v63 =	vld.idx.msk [tilespmem:v6+s20+$0x0], $0xffff  }
0x150: {  	v11 =	vadd.s32 s6, v0;
	v6 =	vor.u32 v33, v58;
	v2 =	vld.idx.msk [tilespmem:v3+s20+$0x0], $0xffff  }
0x151: {  	v56 =	vor.u32 v37, v58;
	v62 =	vand.u32 $0x3F, v11;
	v5 =	vor.u32 v34, v58;
	v3 =	vld.idx.msk [tilespmem:v7+s20+$0x0], $0xffff  }
0x152: {  	s8 =	simm.s32 $0x4;
	v60 =	vshll.u32 v11, $0x7;
	v7 =	vor.u32 v35, v58;
	v61 =	vld.idx.msk [tilespmem:v9+s20+$0x0], $0xffff;
	v9 =	vor.u32 v36, v58  }
.LBB2_6:
0x153: {  	p0 =	sne.s32 s8, $0x3E;
	v11 =	vor.u32 v22, v62;
	v10 =	vld.idx.msk [tilespmem:v10+s20+$0x0], $0xffff;
	s5 =	smov.u32 s8;
	s8 =	sadd.s32 $0x2, s8  }
0x154: {  	v12 =	vor.u32 v26, v62;
	[tilespmem:v8+s29+$0x0] =	vst.idx.msk $0xffff, v4;
	v4 =	vor.u32 v38, v58  }
0x155: {  	v8 =	vor.u32 v27, v62;
	[tilespmem:v6+s29+$0x0] =	vst.idx.msk $0xffff, v59;
	v6 =	vor.u32 v39, v58  }
0x156: {  	v58 =	vor.u32 v28, v62;
	[tilespmem:v5+s29+$0x0] =	vst.idx.msk $0xffff, v63  }
0x157: {  	v59 =	vor.u32 v32, v62;
	v5 =	vor.u32 v29, v62;
	[tilespmem:v7+s29+$0x0] =	vst.idx.msk $0xffff, v2  }
0x158: {  	v2 =	vor.u32 v30, v62;
	v7 =	vor.u32 v31, v62;
	[tilespmem:v9+s29+$0x0] =	vst.idx.msk $0xffff, v3  }
0x159: {  	v3 =	vand.u32 $0x1F80, v60;
	[tilespmem:v56+s29+$0x0] =	vst.idx.msk $0xffff, v57  }
0x15a: {  	v9 =	vor.u32 v0, v3;
	[tilespmem:v4+s29+$0x0] =	vst.idx.msk $0xffff, v10  }
0x15b: {  	v4 =	vor.u32 v33, v3;
	[tilespmem:v6+s29+$0x0] =	vst.idx.msk $0xffff, v61  }
0x15c: {  	v10 =	vor.u32 v34, v3;
	v6 =	vld.idx.msk [tilespmem:v12+s20+$0x0], $0xffff  }
0x15d: {  	v12 =	vor.u32 v35, v3;
	v8 =	vld.idx.msk [tilespmem:v8+s20+$0x0], $0xffff  }
0x15e: {  	v56 =	vor.u32 v36, v3;
	v11 =	vld.idx.msk [tilespmem:v11+s20+$0x0], $0xffff  }
0x15f: {  	v7 =	vld.idx.msk [tilespmem:v7+s20+$0x0], $0xffff  }
0x160: {  	v57 =	vor.u32 v38, v3;
	v5 =	vld.idx.msk [tilespmem:v5+s20+$0x0], $0xffff  }
0x161: {  	v58 =	vld.idx.msk [tilespmem:v58+s20+$0x0], $0xffff  }
0x162: {  	v59 =	vld.idx.msk [tilespmem:v59+s20+$0x0], $0xffff  }
0x163: {  	v2 =	vld.idx.msk [tilespmem:v2+s20+$0x0], $0xffff  }
0x164: {  	s9 =	sadd.s32 $0x1, s6;
	s6 =	smov.u32 s5;
	[tilespmem:v9+s29+$0x0] =	vst.idx.msk $0xffff, v11;
	v9 =	vor.u32 v37, v3  }
0x165: {  	[tilespmem:v4+s29+$0x0] =	vst.idx.msk $0xffff, v6;
	v4 =	vadd.s32 s9, v0  }
0x166: {  	v3 =	vor.u32 v39, v3;
	[tilespmem:v10+s29+$0x0] =	vst.idx.msk $0xffff, v8;
	v6 =	vand.u32 $0x3F, v4;
	v4 =	vshll.u32 v4, $0x7  }
0x167: {  	[tilespmem:v12+s29+$0x0] =	vst.idx.msk $0xffff, v58;
	v8 =	vor.u32 v26, v6;
	v58 =	vand.u32 $0x1F80, v4  }
0x168: {  	v4 =	vor.u32 v22, v6;
	[tilespmem:v56+s29+$0x0] =	vst.idx.msk $0xffff, v5;
	v5 =	vor.u32 v30, v6  }
0x169: {  	v56 =	vor.u32 v37, v58;
	[tilespmem:v9+s29+$0x0] =	vst.idx.msk $0xffff, v2  }
0x16a: {  	v2 =	vor.u32 v27, v6;
	[tilespmem:v57+s29+$0x0] =	vst.idx.msk $0xffff, v7  }
0x16b: {  	[tilespmem:v3+s29+$0x0] =	vst.idx.msk $0xffff, v59;
	v3 =	vor.u32 v28, v6  }
0x16c: {  	v7 =	vor.u32 v29, v6;
	v59 =	vld.idx.msk [tilespmem:v8+s20+$0x0], $0xffff  }
0x16d: {  	v9 =	vor.u32 v32, v6;
	v57 =	vld.idx.msk [tilespmem:v5+s20+$0x0], $0xffff  }
.Ltmp2:
0x16e: {  	v10 =	vor.u32 v31, v6;
	v8 =	vor.u32 v0, v58;
	v4 =	vld.idx.msk [tilespmem:v4+s20+$0x0], $0xffff;
	(pc) =	sbr.rel @p0 .LBB2_6-.Ltmp2, $4  }
0x16f: {  	v6 =	vor.u32 v33, v58;
	v63 =	vld.idx.msk [tilespmem:v2+s20+$0x0], $0xffff  }
0x170: {  	v5 =	vor.u32 v34, v58;
	v2 =	vld.idx.msk [tilespmem:v3+s20+$0x0], $0xffff  }
0x171: {  	v11 =	vadd.s32 s6, v0;
	v3 =	vld.idx.msk [tilespmem:v7+s20+$0x0], $0xffff;
	v7 =	vor.u32 v35, v58  }
0x172: {  	v62 =	vand.u32 $0x3F, v11;
	v60 =	vshll.u32 v11, $0x7;
	v61 =	vld.idx.msk [tilespmem:v9+s20+$0x0], $0xffff;
	v9 =	vor.u32 v36, v58  }
0x173: {  	_ =	sdelay $0x3  }
0x174: {  	v10 =	vld.idx.msk [tilespmem:v10+s20+$0x0], $0xffff;
	[tilespmem:v8+s29+$0x0] =	vst.idx.msk $0xffff, v4  }
0x175: {  	v4 =	vor.u32 v38, v58;
	[tilespmem:v6+s29+$0x0] =	vst.idx.msk $0xffff, v59  }
0x176: {  	v6 =	vor.u32 v39, v58;
	[tilespmem:v5+s29+$0x0] =	vst.idx.msk $0xffff, v63  }
0x177: {  	v11 =	vor.u32 v26, v62;
	[tilespmem:v7+s29+$0x0] =	vst.idx.msk $0xffff, v2  }
0x178: {  	v2 =	vor.u32 v27, v62;
	[tilespmem:v9+s29+$0x0] =	vst.idx.msk $0xffff, v3  }
0x179: {  	v3 =	vor.u32 v22, v62;
	[tilespmem:v56+s29+$0x0] =	vst.idx.msk $0xffff, v57  }
0x17a: {  	v58 =	vor.u32 v31, v62;
	[tilespmem:v4+s29+$0x0] =	vst.idx.msk $0xffff, v10  }
0x17b: {  	v59 =	vor.u32 v29, v62;
	[tilespmem:v6+s29+$0x0] =	vst.idx.msk $0xffff, v61  }
0x17c: {  	v6 =	vor.u32 v28, v62;
	v5 =	vld.idx.msk [tilespmem:v11+s20+$0x0], $0xffff  }
0x17d: {  	v10 =	vand.u32 $0x1F80, v60;
	v61 =	vor.u32 v32, v62;
	v2 =	vld.idx.msk [tilespmem:v2+s20+$0x0], $0xffff  }
0x17e: {  	v63 =	vor.u32 v30, v62;
	v11 =	vor.u32 v0, v10;
	v3 =	vld.idx.msk [tilespmem:v3+s20+$0x0], $0xffff  }
0x17f: {  	v12 =	vor.u32 v33, v10;
	v7 =	vld.idx.msk [tilespmem:v58+s20+$0x0], $0xffff  }
0x180: {  	v56 =	vor.u32 v34, v10;
	v4 =	vld.idx.msk [tilespmem:v59+s20+$0x0], $0xffff  }
0x181: {  	v60 =	vor.u32 v35, v10;
	v6 =	vld.idx.msk [tilespmem:v6+s20+$0x0], $0xffff  }
0x182: {  	v8 =	vld.idx.msk [tilespmem:v61+s20+$0x0], $0xffff;
	v61 =	vor.u32 v36, v10  }
0x183: {  	s5 =	sadd.s32 $0x1, s6;
	v9 =	vld.idx.msk [tilespmem:v63+s20+$0x0], $0xffff;
	[tilespmem:v11+s29+$0x0] =	vst.idx.msk $0xffff, v3;
	v3 =	vor.u32 v37, v10  }
0x184: {  	v62 =	vor.u32 v38, v10;
	v63 =	vadd.s32 s5, v0;
	[tilespmem:v12+s29+$0x0] =	vst.idx.msk $0xffff, v5  }
0x185: {  	[tilespmem:v56+s29+$0x0] =	vst.idx.msk $0xffff, v2;
	v2 =	vor.u32 v39, v10;
	v56 =	vand.u32 $0x3F, v63  }
0x186: {  	[tilespmem:v60+s29+$0x0] =	vst.idx.msk $0xffff, v6;
	v59 =	vor.u32 v26, v56  }
0x187: {  	v60 =	vor.u32 v30, v56;
	[tilespmem:v61+s29+$0x0] =	vst.idx.msk $0xffff, v4  }
0x188: {  	v12 =	vor.u32 v22, v56;
	[tilespmem:v3+s29+$0x0] =	vst.idx.msk $0xffff, v9  }
0x189: {  	v10 =	vor.u32 v31, v56;
	[tilespmem:v62+s29+$0x0] =	vst.idx.msk $0xffff, v7  }
0x18a: {  	v3 =	vor.u32 v27, v56;
	[tilespmem:v2+s29+$0x0] =	vst.idx.msk $0xffff, v8  }
0x18b: {  	v5 =	vshll.u32 v63, $0x7;
	v2 =	vor.u32 v28, v56;
	v6 =	vld.idx.msk [tilespmem:v59+s20+$0x0], $0xffff  }
0x18c: {  	v5 =	vand.u32 $0x1F80, v5;
	v61 =	vor.u32 v29, v56;
	v4 =	vld.idx.msk [tilespmem:v60+s20+$0x0], $0xffff  }
0x18d: {  	v63 =	vor.u32 v0, v5;
	v62 =	vor.u32 v32, v56;
	v9 =	vld.idx.msk [tilespmem:v12+s20+$0x0], $0xffff  }
0x18e: {  	v12 =	vor.u32 v33, v5;
	v10 =	vld.idx.msk [tilespmem:v10+s20+$0x0], $0xffff  }
0x18f: {  	v56 =	vor.u32 v34, v5;
	v3 =	vld.idx.msk [tilespmem:v3+s20+$0x0], $0xffff  }
0x190: {  	v60 =	vor.u32 v35, v5;
	v2 =	vld.idx.msk [tilespmem:v2+s20+$0x0], $0xffff  }
0x191: {  	v7 =	vld.idx.msk [tilespmem:v61+s20+$0x0], $0xffff;
	v61 =	vor.u32 v36, v5  }
0x192: {  	v8 =	vld.idx.msk [tilespmem:v62+s20+$0x0], $0xffff;
	v62 =	vor.u32 v37, v5;
	[tilespmem:v63+s29+$0x0] =	vst.idx.msk $0xffff, v9  }
0x193: {  	v63 =	vor.u32 v38, v5;
	[tilespmem:v12+s29+$0x0] =	vst.idx.msk $0xffff, v6  }
0x194: {  	v5 =	vor.u32 v39, v5;
	[tilespmem:v56+s29+$0x0] =	vst.idx.msk $0xffff, v3  }
0x195: {  	[tilespmem:v60+s29+$0x0] =	vst.idx.msk $0xffff, v2  }
0x196: {  	[tilespmem:v61+s29+$0x0] =	vst.idx.msk $0xffff, v7  }
0x197: {  	[tilespmem:v62+s29+$0x0] =	vst.idx.msk $0xffff, v4  }
0x198: {  	[tilespmem:v63+s29+$0x0] =	vst.idx.msk $0xffff, v10  }
0x199: {  	s0 =	rddreg [dreg:$0x7];
	s6 =	simm.s32 $0x1;
	[tilespmem:v5+s29+$0x0] =	vst.idx.msk $0xffff, v8  }
0x19a: {  	[hbm4b:s0+s23] =	stream.strided.scatter [tilespmem:s29], [sflag:$0x6], $0x2000, s24, s23, $0x38;
	[tilespmem:$0x12580] =	vst v63  }
.LBB2_8:
0x19b: {  	s10 =	smul.u32 $0x3, s6;
	_ =	sdelay $0x1  }
0x19c: {  	s5 =	sadd.s32 $0x2, s10  }
0x19d: {  	s8 =	sand.u32 $0x3, s5  }
0x19e: {  	s11 =	smul.u32 $0x1900, s8  }
0x19f: {  	s9 =	sshrl.u32 s5, $0x2  }
0x1a0: {  	s5 =	sor.u32 s9, s11  }
0x1a1: {  	v2 =	vadd.s32 s5, v1;
	_ =	sdelay $0x1  }
0x1a2: {  	_ =	swait.ge [sflag:s30], $0x2000  }
0x1a3: {  	[sflag:s30] =	ssyncset.done $0x0  }
0x1a4: {  	[sflag:s30] =	ssyncadd.s32 $0xFFFFE000;
	s11 =	sadd.s32 s9, s11;
	s5 =	simm.s32 $0x0  }
0x1a5: {  	s12 =	sadd.s32 $0x320, s11;
	v2 =	vld.idx.msk [tilespmem:v2+s5+$0x0], $0xffff  }
0x1a6: {  	v3 =	vadd.s32 s12, v1;
	_ =	sdelay $0x3  }
0x1a7: {  	[tilespmem:$0x6500] =	vst v2  }
0x1a8: {  	s0 =	sadd.s32 $0x640, s11;
	v2 =	vld.idx.msk [tilespmem:v3+s5+$0x0], $0xffff  }
0x1a9: {  	v3 =	vadd.s32 s0, v1;
	_ =	sdelay $0x3  }
0x1aa: {  	[tilespmem:$0x6510] =	vst v2  }
0x1ab: {  	s13 =	sadd.s32 $0x960, s11;
	v2 =	vld.idx.msk [tilespmem:v3+s5+$0x0], $0xffff  }
0x1ac: {  	v3 =	vadd.s32 s13, v1;
	_ =	sdelay $0x3  }
0x1ad: {  	[tilespmem:$0x6520] =	vst v2  }
0x1ae: {  	s0 =	sadd.s32 $0xC80, s11;
	v2 =	vld.idx.msk [tilespmem:v3+s5+$0x0], $0xffff  }
0x1af: {  	v3 =	vadd.s32 s0, v1;
	_ =	sdelay $0x3  }
0x1b0: {  	[tilespmem:$0x6530] =	vst v2  }
0x1b1: {  	s13 =	sadd.s32 $0xFA0, s11;
	v2 =	vld.idx.msk [tilespmem:v3+s5+$0x0], $0xffff  }
0x1b2: {  	v3 =	vadd.s32 s13, v1;
	_ =	sdelay $0x3  }
0x1b3: {  	[tilespmem:$0x6540] =	vst v2  }
0x1b4: {  	s0 =	sadd.s32 $0x12C0, s11;
	v2 =	vld.idx.msk [tilespmem:v3+s5+$0x0], $0xffff  }
0x1b5: {  	v3 =	vadd.s32 s0, v1;
	_ =	sdelay $0x3  }
0x1b6: {  	[tilespmem:$0x6550] =	vst v2  }
0x1b7: {  	s11 =	sadd.s32 $0x15E0, s11;
	v2 =	vld.idx.msk [tilespmem:v3+s5+$0x0], $0xffff  }
0x1b8: {  	v3 =	vadd.s32 s11, v1;
	_ =	sdelay $0x3  }
0x1b9: {  	[tilespmem:$0x6560] =	vst v2  }
0x1ba: {  	v2 =	vld.idx.msk [tilespmem:v3+s5+$0x0], $0xffff;
	_ =	sdelay $0x2  }
0x1bb: {  	v3 =	vadd.s32 s5, v0  }
0x1bc: {  	v4 =	vand.u32 $0x3F, v3  }
0x1bd: {  	[tilespmem:$0x6570] =	vst v2;
	v2 =	vor.u32 v26, v4  }
0x1be: {  	v5 =	vor.u32 v27, v4;
	[tilespmem:s20], [sflag:$0x3] =	stream.indirect.gather [hbm4b:s4+s14], $0x40, s19, s14, $0xb8;
	[tilespmem:$0x12580] =	vst v63  }
0x1bf: {  	v6 =	vor.u32 v22, v4;
	_ =	swait.ge [sflag:s21], $0x2000  }
0x1c0: {  	v7 =	vor.u32 v31, v4;
	[sflag:s21] =	ssyncset.done $0x0  }
0x1c1: {  	v8 =	vor.u32 v29, v4;
	[sflag:s21] =	ssyncadd.s32 $0xFFFFE000  }
0x1c2: {  	v3 =	vshll.u32 v3, $0x7;
	v9 =	vor.u32 v28, v4;
	v2 =	vld.idx.msk [tilespmem:v2+s16+$0x0], $0xffff  }
0x1c3: {  	v10 =	vor.u32 v32, v4;
	v3 =	vand.u32 $0x1F80, v3;
	v5 =	vld.idx.msk [tilespmem:v5+s16+$0x0], $0xffff  }
0x1c4: {  	v11 =	vor.u32 v0, v3;
	v4 =	vor.u32 v30, v4;
	v6 =	vld.idx.msk [tilespmem:v6+s16+$0x0], $0xffff  }
0x1c5: {  	v12 =	vor.u32 v33, v3;
	v7 =	vld.idx.msk [tilespmem:v7+s16+$0x0], $0xffff  }
0x1c6: {  	v56 =	vor.u32 v34, v3;
	v8 =	vld.idx.msk [tilespmem:v8+s16+$0x0], $0xffff  }
0x1c7: {  	v57 =	vor.u32 v35, v3;
	v9 =	vld.idx.msk [tilespmem:v9+s16+$0x0], $0xffff  }
0x1c8: {  	v58 =	vor.u32 v36, v3;
	v10 =	vld.idx.msk [tilespmem:v10+s16+$0x0], $0xffff  }
0x1c9: {  	s13 =	simm.s32 $0x1;
	v4 =	vld.idx.msk [tilespmem:v4+s16+$0x0], $0xffff;
	[tilespmem:v11+s22+$0x0] =	vst.idx.msk $0xffff, v6;
	v6 =	vor.u32 v37, v3  }
0x1ca: {  	v11 =	vor.u32 v38, v3;
	[tilespmem:v12+s22+$0x0] =	vst.idx.msk $0xffff, v2;
	v2 =	vadd.s32 s13, v0  }
0x1cb: {  	v3 =	vor.u32 v39, v3;
	[tilespmem:v56+s22+$0x0] =	vst.idx.msk $0xffff, v5;
	v5 =	vand.u32 $0x3F, v2  }
0x1cc: {  	[tilespmem:v57+s22+$0x0] =	vst.idx.msk $0xffff, v9;
	v9 =	vor.u32 v26, v5  }
0x1cd: {  	v12 =	vor.u32 v22, v5;
	[tilespmem:v58+s22+$0x0] =	vst.idx.msk $0xffff, v8  }
0x1ce: {  	v8 =	vor.u32 v30, v5;
	[tilespmem:v6+s22+$0x0] =	vst.idx.msk $0xffff, v4  }
0x1cf: {  	v6 =	vor.u32 v27, v5;
	[tilespmem:v11+s22+$0x0] =	vst.idx.msk $0xffff, v7  }
0x1d0: {  	[tilespmem:v3+s22+$0x0] =	vst.idx.msk $0xffff, v10;
	v3 =	vor.u32 v28, v5  }
0x1d1: {  	v7 =	vor.u32 v29, v5;
	v59 =	vld.idx.msk [tilespmem:v9+s16+$0x0], $0xffff  }
0x1d2: {  	v2 =	vshll.u32 v2, $0x7;
	v9 =	vor.u32 v32, v5;
	v4 =	vld.idx.msk [tilespmem:v12+s16+$0x0], $0xffff  }
0x1d3: {  	v58 =	vand.u32 $0x1F80, v2;
	v10 =	vor.u32 v31, v5;
	v57 =	vld.idx.msk [tilespmem:v8+s16+$0x0], $0xffff  }
0x1d4: {  	s11 =	simm.s32 $0x2;
	v8 =	vor.u32 v0, v58;
	v63 =	vld.idx.msk [tilespmem:v6+s16+$0x0], $0xffff  }
0x1d5: {  	v11 =	vadd.s32 s11, v0;
	v6 =	vor.u32 v33, v58;
	v2 =	vld.idx.msk [tilespmem:v3+s16+$0x0], $0xffff  }
0x1d6: {  	v56 =	vor.u32 v37, v58;
	v62 =	vand.u32 $0x3F, v11;
	v5 =	vor.u32 v34, v58;
	v3 =	vld.idx.msk [tilespmem:v7+s16+$0x0], $0xffff  }
0x1d7: {  	s12 =	simm.s32 $0x4;
	v60 =	vshll.u32 v11, $0x7;
	v7 =	vor.u32 v35, v58;
	v61 =	vld.idx.msk [tilespmem:v9+s16+$0x0], $0xffff;
	v9 =	vor.u32 v36, v58  }
.LBB2_9:
0x1d8: {  	p0 =	sne.s32 s12, $0x3E;
	v11 =	vor.u32 v22, v62;
	v10 =	vld.idx.msk [tilespmem:v10+s16+$0x0], $0xffff;
	s5 =	smov.u32 s12;
	s12 =	sadd.s32 $0x2, s12  }
0x1d9: {  	v12 =	vor.u32 v26, v62;
	[tilespmem:v8+s22+$0x0] =	vst.idx.msk $0xffff, v4;
	v4 =	vor.u32 v38, v58  }
0x1da: {  	v8 =	vor.u32 v27, v62;
	[tilespmem:v6+s22+$0x0] =	vst.idx.msk $0xffff, v59;
	v6 =	vor.u32 v39, v58  }
0x1db: {  	v58 =	vor.u32 v28, v62;
	[tilespmem:v5+s22+$0x0] =	vst.idx.msk $0xffff, v63  }
0x1dc: {  	v59 =	vor.u32 v32, v62;
	v5 =	vor.u32 v29, v62;
	[tilespmem:v7+s22+$0x0] =	vst.idx.msk $0xffff, v2  }
0x1dd: {  	v2 =	vor.u32 v30, v62;
	v7 =	vor.u32 v31, v62;
	[tilespmem:v9+s22+$0x0] =	vst.idx.msk $0xffff, v3  }
0x1de: {  	v3 =	vand.u32 $0x1F80, v60;
	[tilespmem:v56+s22+$0x0] =	vst.idx.msk $0xffff, v57  }
0x1df: {  	v9 =	vor.u32 v0, v3;
	[tilespmem:v4+s22+$0x0] =	vst.idx.msk $0xffff, v10  }
0x1e0: {  	v4 =	vor.u32 v33, v3;
	[tilespmem:v6+s22+$0x0] =	vst.idx.msk $0xffff, v61  }
0x1e1: {  	v10 =	vor.u32 v34, v3;
	v6 =	vld.idx.msk [tilespmem:v12+s16+$0x0], $0xffff  }
0x1e2: {  	v12 =	vor.u32 v35, v3;
	v8 =	vld.idx.msk [tilespmem:v8+s16+$0x0], $0xffff  }
0x1e3: {  	v56 =	vor.u32 v36, v3;
	v11 =	vld.idx.msk [tilespmem:v11+s16+$0x0], $0xffff  }
0x1e4: {  	v7 =	vld.idx.msk [tilespmem:v7+s16+$0x0], $0xffff  }
0x1e5: {  	v57 =	vor.u32 v38, v3;
	v5 =	vld.idx.msk [tilespmem:v5+s16+$0x0], $0xffff  }
0x1e6: {  	v58 =	vld.idx.msk [tilespmem:v58+s16+$0x0], $0xffff  }
0x1e7: {  	v59 =	vld.idx.msk [tilespmem:v59+s16+$0x0], $0xffff  }
0x1e8: {  	v2 =	vld.idx.msk [tilespmem:v2+s16+$0x0], $0xffff  }
0x1e9: {  	s13 =	sadd.s32 $0x1, s11;
	s11 =	smov.u32 s5;
	[tilespmem:v9+s22+$0x0] =	vst.idx.msk $0xffff, v11;
	v9 =	vor.u32 v37, v3  }
0x1ea: {  	[tilespmem:v4+s22+$0x0] =	vst.idx.msk $0xffff, v6;
	v4 =	vadd.s32 s13, v0  }
0x1eb: {  	v3 =	vor.u32 v39, v3;
	[tilespmem:v10+s22+$0x0] =	vst.idx.msk $0xffff, v8;
	v6 =	vand.u32 $0x3F, v4;
	v4 =	vshll.u32 v4, $0x7  }
0x1ec: {  	[tilespmem:v12+s22+$0x0] =	vst.idx.msk $0xffff, v58;
	v8 =	vor.u32 v26, v6;
	v58 =	vand.u32 $0x1F80, v4  }
0x1ed: {  	v4 =	vor.u32 v22, v6;
	[tilespmem:v56+s22+$0x0] =	vst.idx.msk $0xffff, v5;
	v5 =	vor.u32 v30, v6  }
0x1ee: {  	v56 =	vor.u32 v37, v58;
	[tilespmem:v9+s22+$0x0] =	vst.idx.msk $0xffff, v2  }
0x1ef: {  	v2 =	vor.u32 v27, v6;
	[tilespmem:v57+s22+$0x0] =	vst.idx.msk $0xffff, v7  }
0x1f0: {  	[tilespmem:v3+s22+$0x0] =	vst.idx.msk $0xffff, v59;
	v3 =	vor.u32 v28, v6  }
0x1f1: {  	v7 =	vor.u32 v29, v6;
	v59 =	vld.idx.msk [tilespmem:v8+s16+$0x0], $0xffff  }
0x1f2: {  	v9 =	vor.u32 v32, v6;
	v57 =	vld.idx.msk [tilespmem:v5+s16+$0x0], $0xffff  }
.Ltmp3:
0x1f3: {  	v10 =	vor.u32 v31, v6;
	v8 =	vor.u32 v0, v58;
	v4 =	vld.idx.msk [tilespmem:v4+s16+$0x0], $0xffff;
	(pc) =	sbr.rel @p0 .LBB2_9-.Ltmp3, $4  }
0x1f4: {  	v6 =	vor.u32 v33, v58;
	v63 =	vld.idx.msk [tilespmem:v2+s16+$0x0], $0xffff  }
0x1f5: {  	v5 =	vor.u32 v34, v58;
	v2 =	vld.idx.msk [tilespmem:v3+s16+$0x0], $0xffff  }
0x1f6: {  	v11 =	vadd.s32 s11, v0;
	v3 =	vld.idx.msk [tilespmem:v7+s16+$0x0], $0xffff;
	v7 =	vor.u32 v35, v58  }
0x1f7: {  	v62 =	vand.u32 $0x3F, v11;
	v60 =	vshll.u32 v11, $0x7;
	v61 =	vld.idx.msk [tilespmem:v9+s16+$0x0], $0xffff;
	v9 =	vor.u32 v36, v58  }
0x1f8: {  	_ =	sdelay $0x3  }
0x1f9: {  	v10 =	vld.idx.msk [tilespmem:v10+s16+$0x0], $0xffff;
	[tilespmem:v8+s22+$0x0] =	vst.idx.msk $0xffff, v4  }
0x1fa: {  	v4 =	vor.u32 v38, v58;
	[tilespmem:v6+s22+$0x0] =	vst.idx.msk $0xffff, v59  }
0x1fb: {  	v6 =	vor.u32 v39, v58;
	[tilespmem:v5+s22+$0x0] =	vst.idx.msk $0xffff, v63  }
0x1fc: {  	v5 =	vor.u32 v26, v62;
	[tilespmem:v7+s22+$0x0] =	vst.idx.msk $0xffff, v2  }
0x1fd: {  	v2 =	vor.u32 v27, v62;
	[tilespmem:v9+s22+$0x0] =	vst.idx.msk $0xffff, v3  }
0x1fe: {  	v3 =	vor.u32 v22, v62;
	[tilespmem:v56+s22+$0x0] =	vst.idx.msk $0xffff, v57  }
0x1ff: {  	v7 =	vor.u32 v31, v62;
	[tilespmem:v4+s22+$0x0] =	vst.idx.msk $0xffff, v10  }
0x200: {  	v8 =	vor.u32 v32, v62;
	[tilespmem:v6+s22+$0x0] =	vst.idx.msk $0xffff, v61  }
0x201: {  	v6 =	vor.u32 v28, v62;
	v5 =	vld.idx.msk [tilespmem:v5+s16+$0x0], $0xffff  }
0x202: {  	v4 =	vor.u32 v29, v62;
	v10 =	vand.u32 $0x1F80, v60;
	v2 =	vld.idx.msk [tilespmem:v2+s16+$0x0], $0xffff  }
0x203: {  	v9 =	vor.u32 v30, v62;
	v11 =	vor.u32 v0, v10;
	v3 =	vld.idx.msk [tilespmem:v3+s16+$0x0], $0xffff  }
0x204: {  	v12 =	vor.u32 v33, v10;
	v7 =	vld.idx.msk [tilespmem:v7+s16+$0x0], $0xffff  }
0x205: {  	v62 =	vor.u32 v34, v10;
	v8 =	vld.idx.msk [tilespmem:v8+s16+$0x0], $0xffff  }
0x206: {  	v63 =	vor.u32 v35, v10;
	v6 =	vld.idx.msk [tilespmem:v6+s16+$0x0], $0xffff  }
0x207: {  	v60 =	vor.u32 v36, v10;
	v4 =	vld.idx.msk [tilespmem:v4+s16+$0x0], $0xffff  }
0x208: {  	s5 =	sadd.s32 $0x1, s11;
	v9 =	vld.idx.msk [tilespmem:v9+s16+$0x0], $0xffff;
	[tilespmem:v11+s22+$0x0] =	vst.idx.msk $0xffff, v3;
	v3 =	vor.u32 v37, v10  }
0x209: {  	v11 =	vor.u32 v38, v10;
	[tilespmem:v12+s22+$0x0] =	vst.idx.msk $0xffff, v5;
	v5 =	vadd.s32 s5, v0  }
0x20a: {  	[tilespmem:v62+s22+$0x0] =	vst.idx.msk $0xffff, v2;
	v2 =	vor.u32 v39, v10;
	v10 =	vand.u32 $0x3F, v5  }
0x20b: {  	[tilespmem:v63+s22+$0x0] =	vst.idx.msk $0xffff, v6;
	v6 =	vor.u32 v26, v10  }
0x20c: {  	v12 =	vor.u32 v22, v10;
	[tilespmem:v60+s22+$0x0] =	vst.idx.msk $0xffff, v4  }
0x20d: {  	v4 =	vor.u32 v30, v10;
	[tilespmem:v3+s22+$0x0] =	vst.idx.msk $0xffff, v9  }
0x20e: {  	v3 =	vor.u32 v27, v10;
	[tilespmem:v11+s22+$0x0] =	vst.idx.msk $0xffff, v7  }
0x20f: {  	v7 =	vor.u32 v29, v10;
	[tilespmem:v2+s22+$0x0] =	vst.idx.msk $0xffff, v8  }
0x210: {  	v5 =	vshll.u32 v5, $0x7;
	v2 =	vor.u32 v28, v10;
	v6 =	vld.idx.msk [tilespmem:v6+s16+$0x0], $0xffff  }
0x211: {  	v5 =	vand.u32 $0x1F80, v5;
	v8 =	vor.u32 v32, v10;
	v9 =	vld.idx.msk [tilespmem:v12+s16+$0x0], $0xffff  }
0x212: {  	v11 =	vor.u32 v0, v5;
	v10 =	vor.u32 v31, v10;
	v4 =	vld.idx.msk [tilespmem:v4+s16+$0x0], $0xffff  }
0x213: {  	v12 =	vor.u32 v33, v5;
	v3 =	vld.idx.msk [tilespmem:v3+s16+$0x0], $0xffff  }
0x214: {  	v61 =	vor.u32 v34, v5;
	v7 =	vld.idx.msk [tilespmem:v7+s16+$0x0], $0xffff  }
0x215: {  	v62 =	vor.u32 v35, v5;
	v2 =	vld.idx.msk [tilespmem:v2+s16+$0x0], $0xffff  }
0x216: {  	v63 =	vor.u32 v36, v5;
	v8 =	vld.idx.msk [tilespmem:v8+s16+$0x0], $0xffff  }
0x217: {  	v60 =	vor.u32 v37, v5;
	v10 =	vld.idx.msk [tilespmem:v10+s16+$0x0], $0xffff;
	[tilespmem:v11+s22+$0x0] =	vst.idx.msk $0xffff, v9  }
0x218: {  	v9 =	vor.u32 v38, v5;
	[tilespmem:v12+s22+$0x0] =	vst.idx.msk $0xffff, v6  }
0x219: {  	s11 =	sand.u32 $0x3, s10;
	s12 =	sadd.s32 $0x3, s10;
	s5 =	smul.u32 $0xC0000, s6;
	v5 =	vor.u32 v39, v5;
	[tilespmem:v61+s22+$0x0] =	vst.idx.msk $0xffff, v3  }
0x21a: {  	s13 =	sor.u32 s7, s11;
	s0 =	sand.u32 $0x3, s12;
	[tilespmem:v62+s22+$0x0] =	vst.idx.msk $0xffff, v2  }
0x21b: {  	s13 =	sshll.u32 s13, $0xA;
	s0 =	smul.u32 $0x1900, s0;
	s5 =	sand.u32 $0x7F00000, s5;
	[tilespmem:v63+s22+$0x0] =	vst.idx.msk $0xffff, v7  }
0x21c: {  	s12 =	sshrl.u32 s12, $0x2;
	s5 =	sor.u32 s5, s13;
	[tilespmem:v60+s22+$0x0] =	vst.idx.msk $0xffff, v4  }
0x21d: {  	s13 =	sor.u32 s12, s0;
	s5 =	sshrl.u32 s5, $0x3;
	[tilespmem:v9+s22+$0x0] =	vst.idx.msk $0xffff, v10  }
0x21e: {  	s5 =	sadd.s32 s2, s5;
	v2 =	vadd.s32 s13, v1;
	[tilespmem:v5+s22+$0x0] =	vst.idx.msk $0xffff, v8  }
0x21f: {  	[hbm4b:s5+s23] =	stream.strided.scatter [tilespmem:s22], [sflag:$0x4], $0x2000, s24, s23, $0x38;
	[tilespmem:$0x12580] =	vst v63  }
0x220: {  	_ =	swait.ge [sflag:s31], $0x2000  }
0x221: {  	[sflag:s31] =	ssyncset.done $0x0  }
0x222: {  	s0 =	sadd.s32 s12, s0;
	s5 =	simm.s32 $0x0;
	[sflag:s31] =	ssyncadd.s32 $0xFFFFE000  }
0x223: {  	s12 =	sadd.s32 $0x320, s0;
	v2 =	vld.idx.msk [tilespmem:v2+s5+$0x0], $0xffff  }
0x224: {  	v3 =	vadd.s32 s12, v1;
	_ =	sdelay $0x3  }
0x225: {  	[tilespmem:$0x6400] =	vst v2  }
0x226: {  	s13 =	sadd.s32 $0x640, s0;
	v2 =	vld.idx.msk [tilespmem:v3+s5+$0x0], $0xffff  }
0x227: {  	v3 =	vadd.s32 s13, v1;
	_ =	sdelay $0x3  }
0x228: {  	[tilespmem:$0x6410] =	vst v2  }
0x229: {  	s13 =	sadd.s32 $0x960, s0;
	v2 =	vld.idx.msk [tilespmem:v3+s5+$0x0], $0xffff  }
0x22a: {  	v3 =	vadd.s32 s13, v1;
	_ =	sdelay $0x3  }
0x22b: {  	[tilespmem:$0x6420] =	vst v2  }
0x22c: {  	s13 =	sadd.s32 $0xC80, s0;
	v2 =	vld.idx.msk [tilespmem:v3+s5+$0x0], $0xffff  }
0x22d: {  	v3 =	vadd.s32 s13, v1;
	_ =	sdelay $0x3  }
0x22e: {  	[tilespmem:$0x6430] =	vst v2  }
0x22f: {  	s13 =	sadd.s32 $0xFA0, s0;
	v2 =	vld.idx.msk [tilespmem:v3+s5+$0x0], $0xffff  }
0x230: {  	v3 =	vadd.s32 s13, v1;
	_ =	sdelay $0x3  }
0x231: {  	[tilespmem:$0x6440] =	vst v2  }
0x232: {  	s13 =	sadd.s32 $0x12C0, s0;
	v2 =	vld.idx.msk [tilespmem:v3+s5+$0x0], $0xffff  }
0x233: {  	v3 =	vadd.s32 s13, v1;
	_ =	sdelay $0x3  }
0x234: {  	[tilespmem:$0x6450] =	vst v2  }
0x235: {  	s0 =	sadd.s32 $0x15E0, s0;
	v2 =	vld.idx.msk [tilespmem:v3+s5+$0x0], $0xffff  }
0x236: {  	v3 =	vadd.s32 s0, v1;
	_ =	sdelay $0x3  }
0x237: {  	[tilespmem:$0x6460] =	vst v2  }
0x238: {  	v2 =	vld.idx.msk [tilespmem:v3+s5+$0x0], $0xffff;
	_ =	sdelay $0x2  }
0x239: {  	v3 =	vadd.s32 s5, v0  }
0x23a: {  	v4 =	vand.u32 $0x3F, v3  }
0x23b: {  	[tilespmem:$0x6470] =	vst v2;
	v2 =	vor.u32 v26, v4  }
0x23c: {  	v5 =	vor.u32 v27, v4;
	[tilespmem:s16], [sflag:$0x1] =	stream.indirect.gather [hbm4b:s4+s14], $0x40, s15, s14, $0xb8;
	[tilespmem:$0x12580] =	vst v63  }
0x23d: {  	v6 =	vor.u32 v22, v4;
	_ =	swait.ge [sflag:s25], $0x2000  }
0x23e: {  	v7 =	vor.u32 v31, v4;
	[sflag:s25] =	ssyncset.done $0x0  }
0x23f: {  	v8 =	vor.u32 v29, v4;
	[sflag:s25] =	ssyncadd.s32 $0xFFFFE000  }
0x240: {  	v3 =	vshll.u32 v3, $0x7;
	v9 =	vor.u32 v28, v4;
	v2 =	vld.idx.msk [tilespmem:v2+s18+$0x0], $0xffff  }
0x241: {  	v10 =	vor.u32 v32, v4;
	v3 =	vand.u32 $0x1F80, v3;
	v5 =	vld.idx.msk [tilespmem:v5+s18+$0x0], $0xffff  }
0x242: {  	v11 =	vor.u32 v0, v3;
	v4 =	vor.u32 v30, v4;
	v6 =	vld.idx.msk [tilespmem:v6+s18+$0x0], $0xffff  }
0x243: {  	v12 =	vor.u32 v33, v3;
	v7 =	vld.idx.msk [tilespmem:v7+s18+$0x0], $0xffff  }
0x244: {  	v61 =	vor.u32 v34, v3;
	v8 =	vld.idx.msk [tilespmem:v8+s18+$0x0], $0xffff  }
0x245: {  	v62 =	vor.u32 v35, v3;
	v9 =	vld.idx.msk [tilespmem:v9+s18+$0x0], $0xffff  }
0x246: {  	v63 =	vor.u32 v36, v3;
	v10 =	vld.idx.msk [tilespmem:v10+s18+$0x0], $0xffff  }
0x247: {  	s13 =	simm.s32 $0x1;
	v4 =	vld.idx.msk [tilespmem:v4+s18+$0x0], $0xffff;
	[tilespmem:v11+s26+$0x0] =	vst.idx.msk $0xffff, v6;
	v6 =	vor.u32 v37, v3  }
0x248: {  	v11 =	vor.u32 v38, v3;
	[tilespmem:v12+s26+$0x0] =	vst.idx.msk $0xffff, v2;
	v2 =	vadd.s32 s13, v0  }
0x249: {  	v3 =	vor.u32 v39, v3;
	[tilespmem:v61+s26+$0x0] =	vst.idx.msk $0xffff, v5;
	v5 =	vand.u32 $0x3F, v2  }
0x24a: {  	[tilespmem:v62+s26+$0x0] =	vst.idx.msk $0xffff, v9;
	v9 =	vor.u32 v26, v5  }
0x24b: {  	v12 =	vor.u32 v22, v5;
	[tilespmem:v63+s26+$0x0] =	vst.idx.msk $0xffff, v8  }
0x24c: {  	v8 =	vor.u32 v30, v5;
	[tilespmem:v6+s26+$0x0] =	vst.idx.msk $0xffff, v4  }
0x24d: {  	v6 =	vor.u32 v27, v5;
	[tilespmem:v11+s26+$0x0] =	vst.idx.msk $0xffff, v7  }
0x24e: {  	[tilespmem:v3+s26+$0x0] =	vst.idx.msk $0xffff, v10;
	v3 =	vor.u32 v28, v5  }
0x24f: {  	v7 =	vor.u32 v29, v5;
	v59 =	vld.idx.msk [tilespmem:v9+s18+$0x0], $0xffff  }
0x250: {  	v2 =	vshll.u32 v2, $0x7;
	v9 =	vor.u32 v32, v5;
	v4 =	vld.idx.msk [tilespmem:v12+s18+$0x0], $0xffff  }
0x251: {  	v58 =	vand.u32 $0x1F80, v2;
	v10 =	vor.u32 v31, v5;
	v57 =	vld.idx.msk [tilespmem:v8+s18+$0x0], $0xffff  }
0x252: {  	s12 =	simm.s32 $0x2;
	v8 =	vor.u32 v0, v58;
	v63 =	vld.idx.msk [tilespmem:v6+s18+$0x0], $0xffff  }
0x253: {  	v11 =	vadd.s32 s12, v0;
	v6 =	vor.u32 v33, v58;
	v2 =	vld.idx.msk [tilespmem:v3+s18+$0x0], $0xffff  }
0x254: {  	v56 =	vor.u32 v37, v58;
	v62 =	vand.u32 $0x3F, v11;
	v5 =	vor.u32 v34, v58;
	v3 =	vld.idx.msk [tilespmem:v7+s18+$0x0], $0xffff  }
0x255: {  	s5 =	simm.s32 $0x4;
	v60 =	vshll.u32 v11, $0x7;
	v7 =	vor.u32 v35, v58;
	v61 =	vld.idx.msk [tilespmem:v9+s18+$0x0], $0xffff;
	v9 =	vor.u32 v36, v58  }
.LBB2_11:
0x256: {  	p0 =	sne.s32 s5, $0x3E;
	v11 =	vor.u32 v22, v62;
	v10 =	vld.idx.msk [tilespmem:v10+s18+$0x0], $0xffff;
	s0 =	smov.u32 s5;
	s5 =	sadd.s32 $0x2, s5  }
0x257: {  	v12 =	vor.u32 v26, v62;
	[tilespmem:v8+s26+$0x0] =	vst.idx.msk $0xffff, v4;
	v4 =	vor.u32 v38, v58  }
0x258: {  	v8 =	vor.u32 v27, v62;
	[tilespmem:v6+s26+$0x0] =	vst.idx.msk $0xffff, v59;
	v6 =	vor.u32 v39, v58  }
0x259: {  	v58 =	vor.u32 v28, v62;
	[tilespmem:v5+s26+$0x0] =	vst.idx.msk $0xffff, v63  }
0x25a: {  	v59 =	vor.u32 v32, v62;
	v5 =	vor.u32 v29, v62;
	[tilespmem:v7+s26+$0x0] =	vst.idx.msk $0xffff, v2  }
0x25b: {  	v2 =	vor.u32 v30, v62;
	v7 =	vor.u32 v31, v62;
	[tilespmem:v9+s26+$0x0] =	vst.idx.msk $0xffff, v3  }
0x25c: {  	v3 =	vand.u32 $0x1F80, v60;
	[tilespmem:v56+s26+$0x0] =	vst.idx.msk $0xffff, v57  }
0x25d: {  	v9 =	vor.u32 v0, v3;
	[tilespmem:v4+s26+$0x0] =	vst.idx.msk $0xffff, v10  }
0x25e: {  	v4 =	vor.u32 v33, v3;
	[tilespmem:v6+s26+$0x0] =	vst.idx.msk $0xffff, v61  }
0x25f: {  	v10 =	vor.u32 v34, v3;
	v6 =	vld.idx.msk [tilespmem:v12+s18+$0x0], $0xffff  }
0x260: {  	v12 =	vor.u32 v35, v3;
	v8 =	vld.idx.msk [tilespmem:v8+s18+$0x0], $0xffff  }
0x261: {  	v56 =	vor.u32 v36, v3;
	v11 =	vld.idx.msk [tilespmem:v11+s18+$0x0], $0xffff  }
0x262: {  	v7 =	vld.idx.msk [tilespmem:v7+s18+$0x0], $0xffff  }
0x263: {  	v57 =	vor.u32 v38, v3;
	v5 =	vld.idx.msk [tilespmem:v5+s18+$0x0], $0xffff  }
0x264: {  	v58 =	vld.idx.msk [tilespmem:v58+s18+$0x0], $0xffff  }
0x265: {  	v59 =	vld.idx.msk [tilespmem:v59+s18+$0x0], $0xffff  }
0x266: {  	v2 =	vld.idx.msk [tilespmem:v2+s18+$0x0], $0xffff  }
0x267: {  	s13 =	sadd.s32 $0x1, s12;
	s12 =	smov.u32 s0;
	[tilespmem:v9+s26+$0x0] =	vst.idx.msk $0xffff, v11;
	v9 =	vor.u32 v37, v3  }
0x268: {  	[tilespmem:v4+s26+$0x0] =	vst.idx.msk $0xffff, v6;
	v4 =	vadd.s32 s13, v0  }
0x269: {  	v3 =	vor.u32 v39, v3;
	[tilespmem:v10+s26+$0x0] =	vst.idx.msk $0xffff, v8;
	v6 =	vand.u32 $0x3F, v4;
	v4 =	vshll.u32 v4, $0x7  }
0x26a: {  	[tilespmem:v12+s26+$0x0] =	vst.idx.msk $0xffff, v58;
	v8 =	vor.u32 v26, v6;
	v58 =	vand.u32 $0x1F80, v4  }
0x26b: {  	v4 =	vor.u32 v22, v6;
	[tilespmem:v56+s26+$0x0] =	vst.idx.msk $0xffff, v5;
	v5 =	vor.u32 v30, v6  }
0x26c: {  	v56 =	vor.u32 v37, v58;
	[tilespmem:v9+s26+$0x0] =	vst.idx.msk $0xffff, v2  }
0x26d: {  	v2 =	vor.u32 v27, v6;
	[tilespmem:v57+s26+$0x0] =	vst.idx.msk $0xffff, v7  }
0x26e: {  	[tilespmem:v3+s26+$0x0] =	vst.idx.msk $0xffff, v59;
	v3 =	vor.u32 v28, v6  }
0x26f: {  	v7 =	vor.u32 v29, v6;
	v59 =	vld.idx.msk [tilespmem:v8+s18+$0x0], $0xffff  }
0x270: {  	v9 =	vor.u32 v32, v6;
	v57 =	vld.idx.msk [tilespmem:v5+s18+$0x0], $0xffff  }
.Ltmp4:
0x271: {  	v10 =	vor.u32 v31, v6;
	v8 =	vor.u32 v0, v58;
	v4 =	vld.idx.msk [tilespmem:v4+s18+$0x0], $0xffff;
	(pc) =	sbr.rel @p0 .LBB2_11-.Ltmp4, $4  }
0x272: {  	v6 =	vor.u32 v33, v58;
	v63 =	vld.idx.msk [tilespmem:v2+s18+$0x0], $0xffff  }
0x273: {  	v5 =	vor.u32 v34, v58;
	v2 =	vld.idx.msk [tilespmem:v3+s18+$0x0], $0xffff  }
0x274: {  	v11 =	vadd.s32 s12, v0;
	v3 =	vld.idx.msk [tilespmem:v7+s18+$0x0], $0xffff;
	v7 =	vor.u32 v35, v58  }
0x275: {  	v62 =	vand.u32 $0x3F, v11;
	v60 =	vshll.u32 v11, $0x7;
	v61 =	vld.idx.msk [tilespmem:v9+s18+$0x0], $0xffff;
	v9 =	vor.u32 v36, v58  }
0x276: {  	_ =	sdelay $0x3  }
0x277: {  	v10 =	vld.idx.msk [tilespmem:v10+s18+$0x0], $0xffff;
	[tilespmem:v8+s26+$0x0] =	vst.idx.msk $0xffff, v4  }
0x278: {  	v4 =	vor.u32 v38, v58;
	[tilespmem:v6+s26+$0x0] =	vst.idx.msk $0xffff, v59  }
0x279: {  	v6 =	vor.u32 v39, v58;
	[tilespmem:v5+s26+$0x0] =	vst.idx.msk $0xffff, v63  }
0x27a: {  	v5 =	vor.u32 v26, v62;
	[tilespmem:v7+s26+$0x0] =	vst.idx.msk $0xffff, v2  }
0x27b: {  	v2 =	vor.u32 v27, v62;
	[tilespmem:v9+s26+$0x0] =	vst.idx.msk $0xffff, v3  }
0x27c: {  	v3 =	vor.u32 v22, v62;
	[tilespmem:v56+s26+$0x0] =	vst.idx.msk $0xffff, v57  }
0x27d: {  	v7 =	vor.u32 v31, v62;
	[tilespmem:v4+s26+$0x0] =	vst.idx.msk $0xffff, v10  }
0x27e: {  	v8 =	vor.u32 v32, v62;
	[tilespmem:v6+s26+$0x0] =	vst.idx.msk $0xffff, v61  }
0x27f: {  	v6 =	vor.u32 v28, v62;
	v5 =	vld.idx.msk [tilespmem:v5+s18+$0x0], $0xffff  }
0x280: {  	v4 =	vor.u32 v29, v62;
	v10 =	vand.u32 $0x1F80, v60;
	v2 =	vld.idx.msk [tilespmem:v2+s18+$0x0], $0xffff  }
0x281: {  	v9 =	vor.u32 v30, v62;
	v11 =	vor.u32 v0, v10;
	v3 =	vld.idx.msk [tilespmem:v3+s18+$0x0], $0xffff  }
0x282: {  	v12 =	vor.u32 v33, v10;
	v7 =	vld.idx.msk [tilespmem:v7+s18+$0x0], $0xffff  }
0x283: {  	v62 =	vor.u32 v34, v10;
	v8 =	vld.idx.msk [tilespmem:v8+s18+$0x0], $0xffff  }
0x284: {  	v63 =	vor.u32 v35, v10;
	v6 =	vld.idx.msk [tilespmem:v6+s18+$0x0], $0xffff  }
0x285: {  	v60 =	vor.u32 v36, v10;
	v4 =	vld.idx.msk [tilespmem:v4+s18+$0x0], $0xffff  }
0x286: {  	s0 =	sadd.s32 $0x1, s12;
	v9 =	vld.idx.msk [tilespmem:v9+s18+$0x0], $0xffff;
	[tilespmem:v11+s26+$0x0] =	vst.idx.msk $0xffff, v3;
	v3 =	vor.u32 v37, v10  }
0x287: {  	v11 =	vor.u32 v38, v10;
	[tilespmem:v12+s26+$0x0] =	vst.idx.msk $0xffff, v5;
	v5 =	vadd.s32 s0, v0  }
0x288: {  	[tilespmem:v62+s26+$0x0] =	vst.idx.msk $0xffff, v2;
	v2 =	vor.u32 v39, v10;
	v10 =	vand.u32 $0x3F, v5  }
0x289: {  	[tilespmem:v63+s26+$0x0] =	vst.idx.msk $0xffff, v6;
	v6 =	vor.u32 v26, v10  }
0x28a: {  	v12 =	vor.u32 v22, v10;
	[tilespmem:v60+s26+$0x0] =	vst.idx.msk $0xffff, v4  }
0x28b: {  	v4 =	vor.u32 v30, v10;
	[tilespmem:v3+s26+$0x0] =	vst.idx.msk $0xffff, v9  }
0x28c: {  	v3 =	vor.u32 v27, v10;
	[tilespmem:v11+s26+$0x0] =	vst.idx.msk $0xffff, v7  }
0x28d: {  	v7 =	vor.u32 v29, v10;
	[tilespmem:v2+s26+$0x0] =	vst.idx.msk $0xffff, v8  }
0x28e: {  	v5 =	vshll.u32 v5, $0x7;
	v2 =	vor.u32 v28, v10;
	v6 =	vld.idx.msk [tilespmem:v6+s18+$0x0], $0xffff  }
0x28f: {  	v5 =	vand.u32 $0x1F80, v5;
	v8 =	vor.u32 v32, v10;
	v9 =	vld.idx.msk [tilespmem:v12+s18+$0x0], $0xffff  }
0x290: {  	v11 =	vor.u32 v0, v5;
	v10 =	vor.u32 v31, v10;
	v4 =	vld.idx.msk [tilespmem:v4+s18+$0x0], $0xffff  }
0x291: {  	v12 =	vor.u32 v33, v5;
	v3 =	vld.idx.msk [tilespmem:v3+s18+$0x0], $0xffff  }
0x292: {  	v61 =	vor.u32 v34, v5;
	v7 =	vld.idx.msk [tilespmem:v7+s18+$0x0], $0xffff  }
0x293: {  	v62 =	vor.u32 v35, v5;
	v2 =	vld.idx.msk [tilespmem:v2+s18+$0x0], $0xffff  }
0x294: {  	v63 =	vor.u32 v36, v5;
	v8 =	vld.idx.msk [tilespmem:v8+s18+$0x0], $0xffff  }
0x295: {  	v60 =	vor.u32 v37, v5;
	v10 =	vld.idx.msk [tilespmem:v10+s18+$0x0], $0xffff;
	[tilespmem:v11+s26+$0x0] =	vst.idx.msk $0xffff, v9  }
0x296: {  	v9 =	vor.u32 v38, v5;
	[tilespmem:v12+s26+$0x0] =	vst.idx.msk $0xffff, v6  }
0x297: {  	v5 =	vor.u32 v39, v5;
	[tilespmem:v61+s26+$0x0] =	vst.idx.msk $0xffff, v3  }
0x298: {  	s13 =	sadd.s32 $0x1, s10;
	s12 =	sadd.s32 $0x4, s10;
	[tilespmem:v62+s26+$0x0] =	vst.idx.msk $0xffff, v2  }
0x299: {  	s11 =	smul.u32 $0x1900, s11;
	s5 =	sshll.u32 s13, $0xF;
	s0 =	sand.u32 $0x3, s13;
	[tilespmem:v63+s26+$0x0] =	vst.idx.msk $0xffff, v7  }
0x29a: {  	s10 =	sshrl.u32 s12, $0x2;
	s5 =	sand.u32 $0x1FE0000, s5;
	s0 =	sor.u32 s7, s0;
	[tilespmem:v60+s26+$0x0] =	vst.idx.msk $0xffff, v4  }
0x29b: {  	s5 =	sadd.s32 s2, s5;
	s13 =	sor.u32 s10, s11;
	s0 =	sshll.u32 s0, $0x7;
	[tilespmem:v9+s26+$0x0] =	vst.idx.msk $0xffff, v10  }
0x29c: {  	s0 =	sadd.s32 s0, s5;
	v2 =	vadd.s32 s13, v1;
	[tilespmem:v5+s26+$0x0] =	vst.idx.msk $0xffff, v8  }
0x29d: {  	[hbm4b:s0+s23] =	stream.strided.scatter [tilespmem:s26], [sflag:$0x5], $0x2000, s24, s23, $0x38;
	[tilespmem:$0x12580] =	vst v63  }
0x29e: {  	_ =	swait.ge [sflag:s1], $0x2000  }
0x29f: {  	[sflag:s1] =	ssyncset.done $0x0  }
0x2a0: {  	s5 =	sadd.s32 s11, s10;
	s0 =	simm.s32 $0x0;
	[sflag:s1] =	ssyncadd.s32 $0xFFFFE000  }
0x2a1: {  	s10 =	sadd.s32 $0x320, s5;
	v2 =	vld.idx.msk [tilespmem:v2+s0+$0x0], $0xffff  }
0x2a2: {  	v3 =	vadd.s32 s10, v1;
	_ =	sdelay $0x3  }
0x2a3: {  	[tilespmem:$0x6480] =	vst v2  }
0x2a4: {  	s11 =	sadd.s32 $0x640, s5;
	v2 =	vld.idx.msk [tilespmem:v3+s0+$0x0], $0xffff  }
0x2a5: {  	v3 =	vadd.s32 s11, v1;
	_ =	sdelay $0x3  }
0x2a6: {  	[tilespmem:$0x6490] =	vst v2  }
0x2a7: {  	s12 =	sadd.s32 $0x960, s5;
	v2 =	vld.idx.msk [tilespmem:v3+s0+$0x0], $0xffff  }
0x2a8: {  	v3 =	vadd.s32 s12, v1;
	_ =	sdelay $0x3  }
0x2a9: {  	[tilespmem:$0x64A0] =	vst v2  }
0x2aa: {  	s13 =	sadd.s32 $0xC80, s5;
	v2 =	vld.idx.msk [tilespmem:v3+s0+$0x0], $0xffff  }
0x2ab: {  	v3 =	vadd.s32 s13, v1;
	_ =	sdelay $0x3  }
0x2ac: {  	[tilespmem:$0x64B0] =	vst v2  }
0x2ad: {  	s11 =	sadd.s32 $0xFA0, s5;
	v2 =	vld.idx.msk [tilespmem:v3+s0+$0x0], $0xffff  }
0x2ae: {  	v3 =	vadd.s32 s11, v1;
	_ =	sdelay $0x3  }
0x2af: {  	[tilespmem:$0x64C0] =	vst v2  }
0x2b0: {  	s12 =	sadd.s32 $0x12C0, s5;
	v2 =	vld.idx.msk [tilespmem:v3+s0+$0x0], $0xffff  }
0x2b1: {  	v3 =	vadd.s32 s12, v1;
	_ =	sdelay $0x3  }
0x2b2: {  	[tilespmem:$0x64D0] =	vst v2  }
0x2b3: {  	s5 =	sadd.s32 $0x15E0, s5;
	v2 =	vld.idx.msk [tilespmem:v3+s0+$0x0], $0xffff  }
0x2b4: {  	v3 =	vadd.s32 s5, v1;
	_ =	sdelay $0x3  }
0x2b5: {  	[tilespmem:$0x64E0] =	vst v2  }
0x2b6: {  	v2 =	vld.idx.msk [tilespmem:v3+s0+$0x0], $0xffff;
	_ =	sdelay $0x2  }
0x2b7: {  	v3 =	vadd.s32 s0, v0  }
0x2b8: {  	v4 =	vand.u32 $0x3F, v3  }
0x2b9: {  	[tilespmem:$0x64F0] =	vst v2;
	v2 =	vor.u32 v26, v4  }
0x2ba: {  	v5 =	vor.u32 v27, v4;
	[tilespmem:s18], [sflag:$0x2] =	stream.indirect.gather [hbm4b:s4+s14], $0x40, s17, s14, $0xb8;
	[tilespmem:$0x12580] =	vst v63  }
0x2bb: {  	v6 =	vor.u32 v22, v4;
	_ =	swait.ge [sflag:s28], $0x2000  }
0x2bc: {  	v7 =	vor.u32 v31, v4;
	[sflag:s28] =	ssyncset.done $0x0  }
0x2bd: {  	v8 =	vor.u32 v29, v4;
	[sflag:s28] =	ssyncadd.s32 $0xFFFFE000  }
0x2be: {  	v3 =	vshll.u32 v3, $0x7;
	v9 =	vor.u32 v28, v4;
	v2 =	vld.idx.msk [tilespmem:v2+s20+$0x0], $0xffff  }
0x2bf: {  	v10 =	vor.u32 v32, v4;
	v3 =	vand.u32 $0x1F80, v3;
	v5 =	vld.idx.msk [tilespmem:v5+s20+$0x0], $0xffff  }
0x2c0: {  	v11 =	vor.u32 v0, v3;
	v4 =	vor.u32 v30, v4;
	v6 =	vld.idx.msk [tilespmem:v6+s20+$0x0], $0xffff  }
0x2c1: {  	v12 =	vor.u32 v33, v3;
	v7 =	vld.idx.msk [tilespmem:v7+s20+$0x0], $0xffff  }
0x2c2: {  	v61 =	vor.u32 v34, v3;
	v8 =	vld.idx.msk [tilespmem:v8+s20+$0x0], $0xffff  }
0x2c3: {  	v62 =	vor.u32 v35, v3;
	v9 =	vld.idx.msk [tilespmem:v9+s20+$0x0], $0xffff  }
0x2c4: {  	v63 =	vor.u32 v36, v3;
	v10 =	vld.idx.msk [tilespmem:v10+s20+$0x0], $0xffff  }
0x2c5: {  	s13 =	simm.s32 $0x1;
	v4 =	vld.idx.msk [tilespmem:v4+s20+$0x0], $0xffff;
	[tilespmem:v11+s29+$0x0] =	vst.idx.msk $0xffff, v6;
	v6 =	vor.u32 v37, v3  }
0x2c6: {  	v11 =	vor.u32 v38, v3;
	[tilespmem:v12+s29+$0x0] =	vst.idx.msk $0xffff, v2;
	v2 =	vadd.s32 s13, v0  }
0x2c7: {  	v3 =	vor.u32 v39, v3;
	[tilespmem:v61+s29+$0x0] =	vst.idx.msk $0xffff, v5;
	v5 =	vand.u32 $0x3F, v2  }
0x2c8: {  	[tilespmem:v62+s29+$0x0] =	vst.idx.msk $0xffff, v9;
	v9 =	vor.u32 v26, v5  }
0x2c9: {  	v12 =	vor.u32 v22, v5;
	[tilespmem:v63+s29+$0x0] =	vst.idx.msk $0xffff, v8  }
0x2ca: {  	v8 =	vor.u32 v30, v5;
	[tilespmem:v6+s29+$0x0] =	vst.idx.msk $0xffff, v4  }
0x2cb: {  	v6 =	vor.u32 v27, v5;
	[tilespmem:v11+s29+$0x0] =	vst.idx.msk $0xffff, v7  }
0x2cc: {  	[tilespmem:v3+s29+$0x0] =	vst.idx.msk $0xffff, v10;
	v3 =	vor.u32 v28, v5  }
0x2cd: {  	v7 =	vor.u32 v29, v5;
	v59 =	vld.idx.msk [tilespmem:v9+s20+$0x0], $0xffff  }
0x2ce: {  	v2 =	vshll.u32 v2, $0x7;
	v9 =	vor.u32 v32, v5;
	v4 =	vld.idx.msk [tilespmem:v12+s20+$0x0], $0xffff  }
0x2cf: {  	v58 =	vand.u32 $0x1F80, v2;
	v10 =	vor.u32 v31, v5;
	v57 =	vld.idx.msk [tilespmem:v8+s20+$0x0], $0xffff  }
0x2d0: {  	s10 =	simm.s32 $0x2;
	v8 =	vor.u32 v0, v58;
	v63 =	vld.idx.msk [tilespmem:v6+s20+$0x0], $0xffff  }
0x2d1: {  	v11 =	vadd.s32 s10, v0;
	v6 =	vor.u32 v33, v58;
	v2 =	vld.idx.msk [tilespmem:v3+s20+$0x0], $0xffff  }
0x2d2: {  	v56 =	vor.u32 v37, v58;
	v62 =	vand.u32 $0x3F, v11;
	v5 =	vor.u32 v34, v58;
	v3 =	vld.idx.msk [tilespmem:v7+s20+$0x0], $0xffff  }
0x2d3: {  	s5 =	simm.s32 $0x4;
	v60 =	vshll.u32 v11, $0x7;
	v7 =	vor.u32 v35, v58;
	v61 =	vld.idx.msk [tilespmem:v9+s20+$0x0], $0xffff;
	v9 =	vor.u32 v36, v58  }
.LBB2_13:
0x2d4: {  	p0 =	sne.s32 s5, $0x3E;
	v11 =	vor.u32 v22, v62;
	v10 =	vld.idx.msk [tilespmem:v10+s20+$0x0], $0xffff;
	s0 =	smov.u32 s5;
	s5 =	sadd.s32 $0x2, s5  }
0x2d5: {  	v12 =	vor.u32 v26, v62;
	[tilespmem:v8+s29+$0x0] =	vst.idx.msk $0xffff, v4;
	v4 =	vor.u32 v38, v58  }
0x2d6: {  	v8 =	vor.u32 v27, v62;
	[tilespmem:v6+s29+$0x0] =	vst.idx.msk $0xffff, v59;
	v6 =	vor.u32 v39, v58  }
0x2d7: {  	v58 =	vor.u32 v28, v62;
	[tilespmem:v5+s29+$0x0] =	vst.idx.msk $0xffff, v63  }
0x2d8: {  	v59 =	vor.u32 v32, v62;
	v5 =	vor.u32 v29, v62;
	[tilespmem:v7+s29+$0x0] =	vst.idx.msk $0xffff, v2  }
0x2d9: {  	v2 =	vor.u32 v30, v62;
	v7 =	vor.u32 v31, v62;
	[tilespmem:v9+s29+$0x0] =	vst.idx.msk $0xffff, v3  }
0x2da: {  	v3 =	vand.u32 $0x1F80, v60;
	[tilespmem:v56+s29+$0x0] =	vst.idx.msk $0xffff, v57  }
0x2db: {  	v9 =	vor.u32 v0, v3;
	[tilespmem:v4+s29+$0x0] =	vst.idx.msk $0xffff, v10  }
0x2dc: {  	v4 =	vor.u32 v33, v3;
	[tilespmem:v6+s29+$0x0] =	vst.idx.msk $0xffff, v61  }
0x2dd: {  	v10 =	vor.u32 v34, v3;
	v6 =	vld.idx.msk [tilespmem:v12+s20+$0x0], $0xffff  }
0x2de: {  	v12 =	vor.u32 v35, v3;
	v8 =	vld.idx.msk [tilespmem:v8+s20+$0x0], $0xffff  }
0x2df: {  	v56 =	vor.u32 v36, v3;
	v11 =	vld.idx.msk [tilespmem:v11+s20+$0x0], $0xffff  }
0x2e0: {  	v7 =	vld.idx.msk [tilespmem:v7+s20+$0x0], $0xffff  }
0x2e1: {  	v57 =	vor.u32 v38, v3;
	v5 =	vld.idx.msk [tilespmem:v5+s20+$0x0], $0xffff  }
0x2e2: {  	v58 =	vld.idx.msk [tilespmem:v58+s20+$0x0], $0xffff  }
0x2e3: {  	v59 =	vld.idx.msk [tilespmem:v59+s20+$0x0], $0xffff  }
0x2e4: {  	v2 =	vld.idx.msk [tilespmem:v2+s20+$0x0], $0xffff  }
0x2e5: {  	s11 =	sadd.s32 $0x1, s10;
	s10 =	smov.u32 s0;
	[tilespmem:v9+s29+$0x0] =	vst.idx.msk $0xffff, v11;
	v9 =	vor.u32 v37, v3  }
0x2e6: {  	[tilespmem:v4+s29+$0x0] =	vst.idx.msk $0xffff, v6;
	v4 =	vadd.s32 s11, v0  }
0x2e7: {  	v3 =	vor.u32 v39, v3;
	[tilespmem:v10+s29+$0x0] =	vst.idx.msk $0xffff, v8;
	v6 =	vand.u32 $0x3F, v4;
	v4 =	vshll.u32 v4, $0x7  }
0x2e8: {  	[tilespmem:v12+s29+$0x0] =	vst.idx.msk $0xffff, v58;
	v8 =	vor.u32 v26, v6;
	v58 =	vand.u32 $0x1F80, v4  }
0x2e9: {  	v4 =	vor.u32 v22, v6;
	[tilespmem:v56+s29+$0x0] =	vst.idx.msk $0xffff, v5;
	v5 =	vor.u32 v30, v6  }
0x2ea: {  	v56 =	vor.u32 v37, v58;
	[tilespmem:v9+s29+$0x0] =	vst.idx.msk $0xffff, v2  }
0x2eb: {  	v2 =	vor.u32 v27, v6;
	[tilespmem:v57+s29+$0x0] =	vst.idx.msk $0xffff, v7  }
0x2ec: {  	[tilespmem:v3+s29+$0x0] =	vst.idx.msk $0xffff, v59;
	v3 =	vor.u32 v28, v6  }
0x2ed: {  	v7 =	vor.u32 v29, v6;
	v59 =	vld.idx.msk [tilespmem:v8+s20+$0x0], $0xffff  }
0x2ee: {  	v9 =	vor.u32 v32, v6;
	v57 =	vld.idx.msk [tilespmem:v5+s20+$0x0], $0xffff  }
.Ltmp5:
0x2ef: {  	v10 =	vor.u32 v31, v6;
	v8 =	vor.u32 v0, v58;
	v4 =	vld.idx.msk [tilespmem:v4+s20+$0x0], $0xffff;
	(pc) =	sbr.rel @p0 .LBB2_13-.Ltmp5, $4  }
0x2f0: {  	v6 =	vor.u32 v33, v58;
	v63 =	vld.idx.msk [tilespmem:v2+s20+$0x0], $0xffff  }
0x2f1: {  	v5 =	vor.u32 v34, v58;
	v2 =	vld.idx.msk [tilespmem:v3+s20+$0x0], $0xffff  }
0x2f2: {  	v11 =	vadd.s32 s10, v0;
	v3 =	vld.idx.msk [tilespmem:v7+s20+$0x0], $0xffff;
	v7 =	vor.u32 v35, v58  }
0x2f3: {  	v62 =	vand.u32 $0x3F, v11;
	v60 =	vshll.u32 v11, $0x7;
	v61 =	vld.idx.msk [tilespmem:v9+s20+$0x0], $0xffff;
	v9 =	vor.u32 v36, v58  }
0x2f4: {  	_ =	sdelay $0x3  }
0x2f5: {  	v10 =	vld.idx.msk [tilespmem:v10+s20+$0x0], $0xffff;
	[tilespmem:v8+s29+$0x0] =	vst.idx.msk $0xffff, v4  }
0x2f6: {  	v4 =	vor.u32 v38, v58;
	[tilespmem:v6+s29+$0x0] =	vst.idx.msk $0xffff, v59  }
0x2f7: {  	v6 =	vor.u32 v39, v58;
	[tilespmem:v5+s29+$0x0] =	vst.idx.msk $0xffff, v63  }
0x2f8: {  	v11 =	vor.u32 v26, v62;
	[tilespmem:v7+s29+$0x0] =	vst.idx.msk $0xffff, v2  }
0x2f9: {  	v2 =	vor.u32 v27, v62;
	[tilespmem:v9+s29+$0x0] =	vst.idx.msk $0xffff, v3  }
0x2fa: {  	v3 =	vor.u32 v22, v62;
	[tilespmem:v56+s29+$0x0] =	vst.idx.msk $0xffff, v57  }
0x2fb: {  	v58 =	vor.u32 v31, v62;
	[tilespmem:v4+s29+$0x0] =	vst.idx.msk $0xffff, v10  }
0x2fc: {  	v59 =	vor.u32 v29, v62;
	[tilespmem:v6+s29+$0x0] =	vst.idx.msk $0xffff, v61  }
0x2fd: {  	v6 =	vor.u32 v28, v62;
	v5 =	vld.idx.msk [tilespmem:v11+s20+$0x0], $0xffff  }
0x2fe: {  	v10 =	vand.u32 $0x1F80, v60;
	v61 =	vor.u32 v32, v62;
	v2 =	vld.idx.msk [tilespmem:v2+s20+$0x0], $0xffff  }
0x2ff: {  	v63 =	vor.u32 v30, v62;
	v11 =	vor.u32 v0, v10;
	v3 =	vld.idx.msk [tilespmem:v3+s20+$0x0], $0xffff  }
0x300: {  	v12 =	vor.u32 v33, v10;
	v7 =	vld.idx.msk [tilespmem:v58+s20+$0x0], $0xffff  }
0x301: {  	v56 =	vor.u32 v34, v10;
	v4 =	vld.idx.msk [tilespmem:v59+s20+$0x0], $0xffff  }
0x302: {  	v60 =	vor.u32 v35, v10;
	v6 =	vld.idx.msk [tilespmem:v6+s20+$0x0], $0xffff  }
0x303: {  	v8 =	vld.idx.msk [tilespmem:v61+s20+$0x0], $0xffff;
	v61 =	vor.u32 v36, v10  }
0x304: {  	s0 =	sadd.s32 $0x1, s10;
	v9 =	vld.idx.msk [tilespmem:v63+s20+$0x0], $0xffff;
	[tilespmem:v11+s29+$0x0] =	vst.idx.msk $0xffff, v3;
	v3 =	vor.u32 v37, v10  }
0x305: {  	v62 =	vor.u32 v38, v10;
	v63 =	vadd.s32 s0, v0;
	[tilespmem:v12+s29+$0x0] =	vst.idx.msk $0xffff, v5  }
0x306: {  	[tilespmem:v56+s29+$0x0] =	vst.idx.msk $0xffff, v2;
	v2 =	vor.u32 v39, v10;
	v56 =	vand.u32 $0x3F, v63  }
0x307: {  	[tilespmem:v60+s29+$0x0] =	vst.idx.msk $0xffff, v6;
	v59 =	vor.u32 v26, v56  }
0x308: {  	v60 =	vor.u32 v30, v56;
	[tilespmem:v61+s29+$0x0] =	vst.idx.msk $0xffff, v4  }
0x309: {  	v12 =	vor.u32 v22, v56;
	[tilespmem:v3+s29+$0x0] =	vst.idx.msk $0xffff, v9  }
0x30a: {  	v10 =	vor.u32 v31, v56;
	[tilespmem:v62+s29+$0x0] =	vst.idx.msk $0xffff, v7  }
0x30b: {  	v3 =	vor.u32 v27, v56;
	[tilespmem:v2+s29+$0x0] =	vst.idx.msk $0xffff, v8  }
0x30c: {  	v5 =	vshll.u32 v63, $0x7;
	v2 =	vor.u32 v28, v56;
	v6 =	vld.idx.msk [tilespmem:v59+s20+$0x0], $0xffff  }
0x30d: {  	v5 =	vand.u32 $0x1F80, v5;
	v61 =	vor.u32 v29, v56;
	v4 =	vld.idx.msk [tilespmem:v60+s20+$0x0], $0xffff  }
0x30e: {  	v63 =	vor.u32 v0, v5;
	v62 =	vor.u32 v32, v56;
	v9 =	vld.idx.msk [tilespmem:v12+s20+$0x0], $0xffff  }
0x30f: {  	v12 =	vor.u32 v33, v5;
	v10 =	vld.idx.msk [tilespmem:v10+s20+$0x0], $0xffff  }
0x310: {  	v56 =	vor.u32 v34, v5;
	v3 =	vld.idx.msk [tilespmem:v3+s20+$0x0], $0xffff  }
0x311: {  	v60 =	vor.u32 v35, v5;
	v2 =	vld.idx.msk [tilespmem:v2+s20+$0x0], $0xffff  }
0x312: {  	v7 =	vld.idx.msk [tilespmem:v61+s20+$0x0], $0xffff;
	v61 =	vor.u32 v36, v5  }
0x313: {  	v8 =	vld.idx.msk [tilespmem:v62+s20+$0x0], $0xffff;
	v62 =	vor.u32 v37, v5;
	[tilespmem:v63+s29+$0x0] =	vst.idx.msk $0xffff, v9  }
0x314: {  	v63 =	vor.u32 v38, v5;
	[tilespmem:v12+s29+$0x0] =	vst.idx.msk $0xffff, v6  }
0x315: {  	s6 =	sadd.s32 $0x1, s6;
	v5 =	vor.u32 v39, v5;
	[tilespmem:v56+s29+$0x0] =	vst.idx.msk $0xffff, v3  }
0x316: {  	p0 =	sne.s32 s6, $0x42;
	[tilespmem:v60+s29+$0x0] =	vst.idx.msk $0xffff, v2  }
.Ltmp6:
0x317: {  	[tilespmem:v61+s29+$0x0] =	vst.idx.msk $0xffff, v7;
	(pc) =	sbr.rel @p0 .LBB2_8-.Ltmp6, $4  }
0x318: {  	s13 =	sshll.u32 s9, $0x11;
	s5 =	sor.u32 s7, s8;
	[tilespmem:v62+s29+$0x0] =	vst.idx.msk $0xffff, v4  }
0x319: {  	s5 =	sshll.u32 s5, $0x7;
	s0 =	sadd.s32 s2, s13;
	[tilespmem:v63+s29+$0x0] =	vst.idx.msk $0xffff, v10  }
0x31a: {  	s0 =	sadd.s32 s5, s0;
	[tilespmem:v5+s29+$0x0] =	vst.idx.msk $0xffff, v8  }
0x31b: {  	[hbm4b:s0+s23] =	stream.strided.scatter [tilespmem:s29], [sflag:$0x6], $0x2000, s24, s23, $0x38;
	[tilespmem:$0x12580] =	vst v63  }
0x31c: {  	s0 =	simm.s32 $0x0  }
0x31d: {  	v2 =	vadd.s32 s0, v0  }
0x31e: {  	_ =	swait.ge [sflag:s30], $0x2000;
	v3 =	vand.u32 $0x3F, v2  }
0x31f: {  	[sflag:s30] =	ssyncset.done $0x0;
	v4 =	vor.u32 v26, v3  }
0x320: {  	[sflag:s30] =	ssyncadd.s32 $0xFFFFE000;
	v5 =	vor.u32 v27, v3  }
0x321: {  	_ =	swait.ge [sflag:s21], $0x2000;
	v6 =	vor.u32 v22, v3  }
0x322: {  	v7 =	vor.u32 v31, v3;
	[sflag:s21] =	ssyncset.done $0x0  }
0x323: {  	v8 =	vor.u32 v29, v3;
	[sflag:s21] =	ssyncadd.s32 $0xFFFFE000  }
0x324: {  	v2 =	vshll.u32 v2, $0x7;
	v9 =	vor.u32 v28, v3;
	v4 =	vld.idx.msk [tilespmem:v4+s16+$0x0], $0xffff  }
0x325: {  	v10 =	vor.u32 v32, v3;
	v2 =	vand.u32 $0x1F80, v2;
	v5 =	vld.idx.msk [tilespmem:v5+s16+$0x0], $0xffff  }
0x326: {  	v3 =	vor.u32 v30, v3;
	v11 =	vor.u32 v0, v2;
	v6 =	vld.idx.msk [tilespmem:v6+s16+$0x0], $0xffff  }
0x327: {  	v12 =	vor.u32 v33, v2;
	v7 =	vld.idx.msk [tilespmem:v7+s16+$0x0], $0xffff  }
0x328: {  	v56 =	vor.u32 v34, v2;
	v8 =	vld.idx.msk [tilespmem:v8+s16+$0x0], $0xffff  }
0x329: {  	v57 =	vor.u32 v35, v2;
	v9 =	vld.idx.msk [tilespmem:v9+s16+$0x0], $0xffff  }
0x32a: {  	v58 =	vor.u32 v36, v2;
	v10 =	vld.idx.msk [tilespmem:v10+s16+$0x0], $0xffff  }
0x32b: {  	s13 =	simm.s32 $0x1;
	v3 =	vld.idx.msk [tilespmem:v3+s16+$0x0], $0xffff;
	[tilespmem:v11+s22+$0x0] =	vst.idx.msk $0xffff, v6;
	v6 =	vor.u32 v37, v2  }
0x32c: {  	v11 =	vor.u32 v38, v2;
	[tilespmem:v12+s22+$0x0] =	vst.idx.msk $0xffff, v4;
	v4 =	vadd.s32 s13, v0  }
0x32d: {  	v2 =	vor.u32 v39, v2;
	[tilespmem:v56+s22+$0x0] =	vst.idx.msk $0xffff, v5;
	v5 =	vand.u32 $0x3F, v4  }
0x32e: {  	[tilespmem:v57+s22+$0x0] =	vst.idx.msk $0xffff, v9;
	v9 =	vor.u32 v26, v5  }
0x32f: {  	v12 =	vor.u32 v22, v5;
	[tilespmem:v58+s22+$0x0] =	vst.idx.msk $0xffff, v8  }
0x330: {  	v8 =	vor.u32 v30, v5;
	[tilespmem:v6+s22+$0x0] =	vst.idx.msk $0xffff, v3  }
0x331: {  	v3 =	vor.u32 v27, v5;
	[tilespmem:v11+s22+$0x0] =	vst.idx.msk $0xffff, v7  }
0x332: {  	v7 =	vor.u32 v29, v5;
	[tilespmem:v2+s22+$0x0] =	vst.idx.msk $0xffff, v10  }
0x333: {  	v4 =	vshll.u32 v4, $0x7;
	v2 =	vor.u32 v28, v5;
	v59 =	vld.idx.msk [tilespmem:v9+s16+$0x0], $0xffff  }
0x334: {  	v58 =	vand.u32 $0x1F80, v4;
	v9 =	vor.u32 v32, v5;
	v4 =	vld.idx.msk [tilespmem:v12+s16+$0x0], $0xffff  }
0x335: {  	v10 =	vor.u32 v31, v5;
	v57 =	vld.idx.msk [tilespmem:v8+s16+$0x0], $0xffff  }
0x336: {  	s6 =	simm.s32 $0x2;
	v8 =	vor.u32 v0, v58;
	v63 =	vld.idx.msk [tilespmem:v3+s16+$0x0], $0xffff  }
0x337: {  	v6 =	vor.u32 v33, v58;
	v11 =	vadd.s32 s6, v0;
	v3 =	vld.idx.msk [tilespmem:v7+s16+$0x0], $0xffff  }
0x338: {  	v56 =	vor.u32 v37, v58;
	v62 =	vand.u32 $0x3F, v11;
	v5 =	vor.u32 v34, v58;
	v2 =	vld.idx.msk [tilespmem:v2+s16+$0x0], $0xffff  }
0x339: {  	s5 =	simm.s32 $0x4;
	v60 =	vshll.u32 v11, $0x7;
	v7 =	vor.u32 v35, v58;
	v61 =	vld.idx.msk [tilespmem:v9+s16+$0x0], $0xffff;
	v9 =	vor.u32 v36, v58  }
.LBB2_16:
0x33a: {  	p0 =	sne.s32 s5, $0x3E;
	v11 =	vor.u32 v22, v62;
	v10 =	vld.idx.msk [tilespmem:v10+s16+$0x0], $0xffff;
	s0 =	smov.u32 s5;
	s5 =	sadd.s32 $0x2, s5  }
0x33b: {  	v12 =	vor.u32 v26, v62;
	[tilespmem:v8+s22+$0x0] =	vst.idx.msk $0xffff, v4;
	v4 =	vor.u32 v38, v58  }
0x33c: {  	v8 =	vor.u32 v27, v62;
	[tilespmem:v6+s22+$0x0] =	vst.idx.msk $0xffff, v59;
	v6 =	vor.u32 v39, v58  }
0x33d: {  	v58 =	vor.u32 v28, v62;
	[tilespmem:v5+s22+$0x0] =	vst.idx.msk $0xffff, v63  }
0x33e: {  	v59 =	vor.u32 v32, v62;
	v5 =	vor.u32 v29, v62;
	[tilespmem:v7+s22+$0x0] =	vst.idx.msk $0xffff, v2  }
0x33f: {  	v2 =	vor.u32 v30, v62;
	v7 =	vor.u32 v31, v62;
	[tilespmem:v9+s22+$0x0] =	vst.idx.msk $0xffff, v3  }
0x340: {  	v3 =	vand.u32 $0x1F80, v60;
	[tilespmem:v56+s22+$0x0] =	vst.idx.msk $0xffff, v57  }
0x341: {  	v9 =	vor.u32 v0, v3;
	[tilespmem:v4+s22+$0x0] =	vst.idx.msk $0xffff, v10  }
0x342: {  	v4 =	vor.u32 v33, v3;
	[tilespmem:v6+s22+$0x0] =	vst.idx.msk $0xffff, v61  }
0x343: {  	v10 =	vor.u32 v34, v3;
	v6 =	vld.idx.msk [tilespmem:v12+s16+$0x0], $0xffff  }
0x344: {  	v12 =	vor.u32 v35, v3;
	v8 =	vld.idx.msk [tilespmem:v8+s16+$0x0], $0xffff  }
0x345: {  	v56 =	vor.u32 v36, v3;
	v11 =	vld.idx.msk [tilespmem:v11+s16+$0x0], $0xffff  }
0x346: {  	v7 =	vld.idx.msk [tilespmem:v7+s16+$0x0], $0xffff  }
0x347: {  	v57 =	vor.u32 v38, v3;
	v5 =	vld.idx.msk [tilespmem:v5+s16+$0x0], $0xffff  }
0x348: {  	v58 =	vld.idx.msk [tilespmem:v58+s16+$0x0], $0xffff  }
0x349: {  	v59 =	vld.idx.msk [tilespmem:v59+s16+$0x0], $0xffff  }
0x34a: {  	v2 =	vld.idx.msk [tilespmem:v2+s16+$0x0], $0xffff  }
0x34b: {  	s8 =	sadd.s32 $0x1, s6;
	s6 =	smov.u32 s0;
	[tilespmem:v9+s22+$0x0] =	vst.idx.msk $0xffff, v11;
	v9 =	vor.u32 v37, v3  }
0x34c: {  	[tilespmem:v4+s22+$0x0] =	vst.idx.msk $0xffff, v6;
	v4 =	vadd.s32 s8, v0  }
0x34d: {  	v3 =	vor.u32 v39, v3;
	[tilespmem:v10+s22+$0x0] =	vst.idx.msk $0xffff, v8;
	v6 =	vand.u32 $0x3F, v4;
	v4 =	vshll.u32 v4, $0x7  }
0x34e: {  	[tilespmem:v12+s22+$0x0] =	vst.idx.msk $0xffff, v58;
	v8 =	vor.u32 v26, v6;
	v58 =	vand.u32 $0x1F80, v4  }
0x34f: {  	v4 =	vor.u32 v22, v6;
	[tilespmem:v56+s22+$0x0] =	vst.idx.msk $0xffff, v5;
	v5 =	vor.u32 v30, v6  }
0x350: {  	v56 =	vor.u32 v37, v58;
	[tilespmem:v9+s22+$0x0] =	vst.idx.msk $0xffff, v2  }
0x351: {  	v2 =	vor.u32 v27, v6;
	[tilespmem:v57+s22+$0x0] =	vst.idx.msk $0xffff, v7  }
0x352: {  	[tilespmem:v3+s22+$0x0] =	vst.idx.msk $0xffff, v59;
	v3 =	vor.u32 v28, v6  }
0x353: {  	v7 =	vor.u32 v29, v6;
	v59 =	vld.idx.msk [tilespmem:v8+s16+$0x0], $0xffff  }
0x354: {  	v9 =	vor.u32 v32, v6;
	v57 =	vld.idx.msk [tilespmem:v5+s16+$0x0], $0xffff  }
.Ltmp7:
0x355: {  	v10 =	vor.u32 v31, v6;
	v8 =	vor.u32 v0, v58;
	v4 =	vld.idx.msk [tilespmem:v4+s16+$0x0], $0xffff;
	(pc) =	sbr.rel @p0 .LBB2_16-.Ltmp7, $4  }
0x356: {  	v6 =	vor.u32 v33, v58;
	v63 =	vld.idx.msk [tilespmem:v2+s16+$0x0], $0xffff  }
0x357: {  	v5 =	vor.u32 v34, v58;
	v2 =	vld.idx.msk [tilespmem:v3+s16+$0x0], $0xffff  }
0x358: {  	v11 =	vadd.s32 s6, v0;
	v3 =	vld.idx.msk [tilespmem:v7+s16+$0x0], $0xffff;
	v7 =	vor.u32 v35, v58  }
0x359: {  	v62 =	vand.u32 $0x3F, v11;
	v60 =	vshll.u32 v11, $0x7;
	v61 =	vld.idx.msk [tilespmem:v9+s16+$0x0], $0xffff;
	v9 =	vor.u32 v36, v58  }
0x35a: {  	_ =	sdelay $0x3  }
0x35b: {  	v10 =	vld.idx.msk [tilespmem:v10+s16+$0x0], $0xffff;
	[tilespmem:v8+s22+$0x0] =	vst.idx.msk $0xffff, v4  }
0x35c: {  	v4 =	vor.u32 v38, v58;
	[tilespmem:v6+s22+$0x0] =	vst.idx.msk $0xffff, v59  }
0x35d: {  	v6 =	vor.u32 v39, v58;
	[tilespmem:v5+s22+$0x0] =	vst.idx.msk $0xffff, v63  }
0x35e: {  	v5 =	vor.u32 v26, v62;
	[tilespmem:v7+s22+$0x0] =	vst.idx.msk $0xffff, v2  }
0x35f: {  	v2 =	vor.u32 v27, v62;
	[tilespmem:v9+s22+$0x0] =	vst.idx.msk $0xffff, v3  }
0x360: {  	v3 =	vor.u32 v22, v62;
	[tilespmem:v56+s22+$0x0] =	vst.idx.msk $0xffff, v57  }
0x361: {  	v7 =	vor.u32 v31, v62;
	[tilespmem:v4+s22+$0x0] =	vst.idx.msk $0xffff, v10  }
0x362: {  	v8 =	vor.u32 v32, v62;
	[tilespmem:v6+s22+$0x0] =	vst.idx.msk $0xffff, v61  }
0x363: {  	v6 =	vor.u32 v28, v62;
	v5 =	vld.idx.msk [tilespmem:v5+s16+$0x0], $0xffff  }
0x364: {  	v4 =	vor.u32 v29, v62;
	v10 =	vand.u32 $0x1F80, v60;
	v2 =	vld.idx.msk [tilespmem:v2+s16+$0x0], $0xffff  }
0x365: {  	v9 =	vor.u32 v30, v62;
	v11 =	vor.u32 v0, v10;
	v3 =	vld.idx.msk [tilespmem:v3+s16+$0x0], $0xffff  }
0x366: {  	v12 =	vor.u32 v33, v10;
	v7 =	vld.idx.msk [tilespmem:v7+s16+$0x0], $0xffff  }
0x367: {  	v62 =	vor.u32 v34, v10;
	v8 =	vld.idx.msk [tilespmem:v8+s16+$0x0], $0xffff  }
0x368: {  	v63 =	vor.u32 v35, v10;
	v6 =	vld.idx.msk [tilespmem:v6+s16+$0x0], $0xffff  }
0x369: {  	v60 =	vor.u32 v36, v10;
	v4 =	vld.idx.msk [tilespmem:v4+s16+$0x0], $0xffff  }
0x36a: {  	s0 =	sadd.s32 $0x1, s6;
	v9 =	vld.idx.msk [tilespmem:v9+s16+$0x0], $0xffff;
	[tilespmem:v11+s22+$0x0] =	vst.idx.msk $0xffff, v3;
	v3 =	vor.u32 v37, v10  }
0x36b: {  	v11 =	vor.u32 v38, v10;
	[tilespmem:v12+s22+$0x0] =	vst.idx.msk $0xffff, v5;
	v5 =	vadd.s32 s0, v0  }
0x36c: {  	[tilespmem:v62+s22+$0x0] =	vst.idx.msk $0xffff, v2;
	v2 =	vor.u32 v39, v10;
	v10 =	vand.u32 $0x3F, v5  }
0x36d: {  	[tilespmem:v63+s22+$0x0] =	vst.idx.msk $0xffff, v6;
	v6 =	vor.u32 v26, v10  }
0x36e: {  	v12 =	vor.u32 v22, v10;
	[tilespmem:v60+s22+$0x0] =	vst.idx.msk $0xffff, v4  }
0x36f: {  	v4 =	vor.u32 v30, v10;
	[tilespmem:v3+s22+$0x0] =	vst.idx.msk $0xffff, v9  }
0x370: {  	v3 =	vor.u32 v27, v10;
	[tilespmem:v11+s22+$0x0] =	vst.idx.msk $0xffff, v7  }
0x371: {  	v7 =	vor.u32 v29, v10;
	[tilespmem:v2+s22+$0x0] =	vst.idx.msk $0xffff, v8  }
0x372: {  	v5 =	vshll.u32 v5, $0x7;
	v2 =	vor.u32 v28, v10;
	v6 =	vld.idx.msk [tilespmem:v6+s16+$0x0], $0xffff  }
0x373: {  	v5 =	vand.u32 $0x1F80, v5;
	v8 =	vor.u32 v32, v10;
	v9 =	vld.idx.msk [tilespmem:v12+s16+$0x0], $0xffff  }
0x374: {  	v11 =	vor.u32 v0, v5;
	v10 =	vor.u32 v31, v10;
	v4 =	vld.idx.msk [tilespmem:v4+s16+$0x0], $0xffff  }
0x375: {  	v12 =	vor.u32 v33, v5;
	v3 =	vld.idx.msk [tilespmem:v3+s16+$0x0], $0xffff  }
0x376: {  	v61 =	vor.u32 v34, v5;
	v7 =	vld.idx.msk [tilespmem:v7+s16+$0x0], $0xffff  }
0x377: {  	v62 =	vor.u32 v35, v5;
	v2 =	vld.idx.msk [tilespmem:v2+s16+$0x0], $0xffff  }
0x378: {  	v63 =	vor.u32 v36, v5;
	v8 =	vld.idx.msk [tilespmem:v8+s16+$0x0], $0xffff  }
0x379: {  	v60 =	vor.u32 v37, v5;
	v10 =	vld.idx.msk [tilespmem:v10+s16+$0x0], $0xffff;
	[tilespmem:v11+s22+$0x0] =	vst.idx.msk $0xffff, v9  }
0x37a: {  	v9 =	vor.u32 v38, v5;
	[tilespmem:v12+s22+$0x0] =	vst.idx.msk $0xffff, v6  }
0x37b: {  	v5 =	vor.u32 v39, v5;
	[tilespmem:v61+s22+$0x0] =	vst.idx.msk $0xffff, v3  }
0x37c: {  	[tilespmem:v62+s22+$0x0] =	vst.idx.msk $0xffff, v2  }
0x37d: {  	[tilespmem:v63+s22+$0x0] =	vst.idx.msk $0xffff, v7  }
0x37e: {  	[tilespmem:v60+s22+$0x0] =	vst.idx.msk $0xffff, v4  }
0x37f: {  	[tilespmem:v9+s22+$0x0] =	vst.idx.msk $0xffff, v10  }
0x380: {  	s12 =	simm.s32 $0x0;
	s5 =	rddreg [dreg:$0x5];
	[tilespmem:v5+s22+$0x0] =	vst.idx.msk $0xffff, v8  }
0x381: {  	v2 =	vadd.s32 s12, v0;
	[hbm4b:s5+s23] =	stream.strided.scatter [tilespmem:s22], [sflag:$0x4], $0x2000, s24, s23, $0x38;
	[tilespmem:$0x12580] =	vst v63  }
0x382: {  	v3 =	vand.u32 $0x3F, v2;
	_ =	swait.ge [sflag:s31], $0x2000  }
0x383: {  	v4 =	vor.u32 v26, v3;
	[sflag:s31] =	ssyncset.done $0x0  }
0x384: {  	v5 =	vor.u32 v27, v3;
	[sflag:s31] =	ssyncadd.s32 $0xFFFFE000  }
0x385: {  	v6 =	vor.u32 v22, v3;
	_ =	swait.ge [sflag:s25], $0x2000  }
0x386: {  	v7 =	vor.u32 v31, v3;
	[sflag:s25] =	ssyncset.done $0x0  }
0x387: {  	v8 =	vor.u32 v29, v3;
	[sflag:s25] =	ssyncadd.s32 $0xFFFFE000  }
0x388: {  	v2 =	vshll.u32 v2, $0x7;
	v9 =	vor.u32 v28, v3;
	v4 =	vld.idx.msk [tilespmem:v4+s18+$0x0], $0xffff  }
0x389: {  	v2 =	vand.u32 $0x1F80, v2;
	v10 =	vor.u32 v32, v3;
	v5 =	vld.idx.msk [tilespmem:v5+s18+$0x0], $0xffff  }
0x38a: {  	v11 =	vor.u32 v0, v2;
	v3 =	vor.u32 v30, v3;
	v6 =	vld.idx.msk [tilespmem:v6+s18+$0x0], $0xffff  }
0x38b: {  	v12 =	vor.u32 v33, v2;
	v7 =	vld.idx.msk [tilespmem:v7+s18+$0x0], $0xffff  }
0x38c: {  	v61 =	vor.u32 v34, v2;
	v8 =	vld.idx.msk [tilespmem:v8+s18+$0x0], $0xffff  }
0x38d: {  	v62 =	vor.u32 v35, v2;
	v9 =	vld.idx.msk [tilespmem:v9+s18+$0x0], $0xffff  }
0x38e: {  	v63 =	vor.u32 v36, v2;
	v10 =	vld.idx.msk [tilespmem:v10+s18+$0x0], $0xffff  }
0x38f: {  	s13 =	simm.s32 $0x1;
	v3 =	vld.idx.msk [tilespmem:v3+s18+$0x0], $0xffff;
	[tilespmem:v11+s26+$0x0] =	vst.idx.msk $0xffff, v6;
	v6 =	vor.u32 v37, v2  }
0x390: {  	v11 =	vor.u32 v38, v2;
	[tilespmem:v12+s26+$0x0] =	vst.idx.msk $0xffff, v4;
	v4 =	vadd.s32 s13, v0  }
0x391: {  	v2 =	vor.u32 v39, v2;
	[tilespmem:v61+s26+$0x0] =	vst.idx.msk $0xffff, v5;
	v5 =	vand.u32 $0x3F, v4  }
0x392: {  	[tilespmem:v62+s26+$0x0] =	vst.idx.msk $0xffff, v9;
	v9 =	vor.u32 v26, v5  }
0x393: {  	v12 =	vor.u32 v22, v5;
	[tilespmem:v63+s26+$0x0] =	vst.idx.msk $0xffff, v8  }
0x394: {  	v8 =	vor.u32 v30, v5;
	[tilespmem:v6+s26+$0x0] =	vst.idx.msk $0xffff, v3  }
0x395: {  	v3 =	vor.u32 v27, v5;
	[tilespmem:v11+s26+$0x0] =	vst.idx.msk $0xffff, v7  }
0x396: {  	v7 =	vor.u32 v29, v5;
	[tilespmem:v2+s26+$0x0] =	vst.idx.msk $0xffff, v10  }
0x397: {  	v4 =	vshll.u32 v4, $0x7;
	v2 =	vor.u32 v28, v5;
	v59 =	vld.idx.msk [tilespmem:v9+s18+$0x0], $0xffff  }
0x398: {  	v58 =	vand.u32 $0x1F80, v4;
	v9 =	vor.u32 v32, v5;
	v4 =	vld.idx.msk [tilespmem:v12+s18+$0x0], $0xffff  }
0x399: {  	v10 =	vor.u32 v31, v5;
	v57 =	vld.idx.msk [tilespmem:v8+s18+$0x0], $0xffff  }
0x39a: {  	s6 =	simm.s32 $0x2;
	v8 =	vor.u32 v0, v58;
	v63 =	vld.idx.msk [tilespmem:v3+s18+$0x0], $0xffff  }
0x39b: {  	v6 =	vor.u32 v33, v58;
	v11 =	vadd.s32 s6, v0;
	v3 =	vld.idx.msk [tilespmem:v7+s18+$0x0], $0xffff  }
0x39c: {  	v56 =	vor.u32 v37, v58;
	v62 =	vand.u32 $0x3F, v11;
	v5 =	vor.u32 v34, v58;
	v2 =	vld.idx.msk [tilespmem:v2+s18+$0x0], $0xffff  }
0x39d: {  	s5 =	simm.s32 $0x4;
	v60 =	vshll.u32 v11, $0x7;
	v7 =	vor.u32 v35, v58;
	v61 =	vld.idx.msk [tilespmem:v9+s18+$0x0], $0xffff;
	v9 =	vor.u32 v36, v58  }
.LBB2_18:
0x39e: {  	p0 =	sne.s32 s5, $0x3E;
	v11 =	vor.u32 v22, v62;
	v10 =	vld.idx.msk [tilespmem:v10+s18+$0x0], $0xffff;
	s0 =	smov.u32 s5;
	s5 =	sadd.s32 $0x2, s5  }
0x39f: {  	v12 =	vor.u32 v26, v62;
	[tilespmem:v8+s26+$0x0] =	vst.idx.msk $0xffff, v4;
	v4 =	vor.u32 v38, v58  }
0x3a0: {  	v8 =	vor.u32 v27, v62;
	[tilespmem:v6+s26+$0x0] =	vst.idx.msk $0xffff, v59;
	v6 =	vor.u32 v39, v58  }
0x3a1: {  	v58 =	vor.u32 v28, v62;
	[tilespmem:v5+s26+$0x0] =	vst.idx.msk $0xffff, v63  }
0x3a2: {  	v59 =	vor.u32 v32, v62;
	v5 =	vor.u32 v29, v62;
	[tilespmem:v7+s26+$0x0] =	vst.idx.msk $0xffff, v2  }
0x3a3: {  	v2 =	vor.u32 v30, v62;
	v7 =	vor.u32 v31, v62;
	[tilespmem:v9+s26+$0x0] =	vst.idx.msk $0xffff, v3  }
0x3a4: {  	v3 =	vand.u32 $0x1F80, v60;
	[tilespmem:v56+s26+$0x0] =	vst.idx.msk $0xffff, v57  }
0x3a5: {  	v9 =	vor.u32 v0, v3;
	[tilespmem:v4+s26+$0x0] =	vst.idx.msk $0xffff, v10  }
0x3a6: {  	v4 =	vor.u32 v33, v3;
	[tilespmem:v6+s26+$0x0] =	vst.idx.msk $0xffff, v61  }
0x3a7: {  	v10 =	vor.u32 v34, v3;
	v6 =	vld.idx.msk [tilespmem:v12+s18+$0x0], $0xffff  }
0x3a8: {  	v12 =	vor.u32 v35, v3;
	v8 =	vld.idx.msk [tilespmem:v8+s18+$0x0], $0xffff  }
0x3a9: {  	v56 =	vor.u32 v36, v3;
	v11 =	vld.idx.msk [tilespmem:v11+s18+$0x0], $0xffff  }
0x3aa: {  	v7 =	vld.idx.msk [tilespmem:v7+s18+$0x0], $0xffff  }
0x3ab: {  	v57 =	vor.u32 v38, v3;
	v5 =	vld.idx.msk [tilespmem:v5+s18+$0x0], $0xffff  }
0x3ac: {  	v58 =	vld.idx.msk [tilespmem:v58+s18+$0x0], $0xffff  }
0x3ad: {  	v59 =	vld.idx.msk [tilespmem:v59+s18+$0x0], $0xffff  }
0x3ae: {  	v2 =	vld.idx.msk [tilespmem:v2+s18+$0x0], $0xffff  }
0x3af: {  	s8 =	sadd.s32 $0x1, s6;
	s6 =	smov.u32 s0;
	[tilespmem:v9+s26+$0x0] =	vst.idx.msk $0xffff, v11;
	v9 =	vor.u32 v37, v3  }
0x3b0: {  	[tilespmem:v4+s26+$0x0] =	vst.idx.msk $0xffff, v6;
	v4 =	vadd.s32 s8, v0  }
0x3b1: {  	v3 =	vor.u32 v39, v3;
	[tilespmem:v10+s26+$0x0] =	vst.idx.msk $0xffff, v8;
	v6 =	vand.u32 $0x3F, v4;
	v4 =	vshll.u32 v4, $0x7  }
0x3b2: {  	[tilespmem:v12+s26+$0x0] =	vst.idx.msk $0xffff, v58;
	v8 =	vor.u32 v26, v6;
	v58 =	vand.u32 $0x1F80, v4  }
0x3b3: {  	v4 =	vor.u32 v22, v6;
	[tilespmem:v56+s26+$0x0] =	vst.idx.msk $0xffff, v5;
	v5 =	vor.u32 v30, v6  }
0x3b4: {  	v56 =	vor.u32 v37, v58;
	[tilespmem:v9+s26+$0x0] =	vst.idx.msk $0xffff, v2  }
0x3b5: {  	v2 =	vor.u32 v27, v6;
	[tilespmem:v57+s26+$0x0] =	vst.idx.msk $0xffff, v7  }
0x3b6: {  	[tilespmem:v3+s26+$0x0] =	vst.idx.msk $0xffff, v59;
	v3 =	vor.u32 v28, v6  }
0x3b7: {  	v7 =	vor.u32 v29, v6;
	v59 =	vld.idx.msk [tilespmem:v8+s18+$0x0], $0xffff  }
0x3b8: {  	v9 =	vor.u32 v32, v6;
	v57 =	vld.idx.msk [tilespmem:v5+s18+$0x0], $0xffff  }
.Ltmp8:
0x3b9: {  	v10 =	vor.u32 v31, v6;
	v8 =	vor.u32 v0, v58;
	v4 =	vld.idx.msk [tilespmem:v4+s18+$0x0], $0xffff;
	(pc) =	sbr.rel @p0 .LBB2_18-.Ltmp8, $4  }
0x3ba: {  	v6 =	vor.u32 v33, v58;
	v63 =	vld.idx.msk [tilespmem:v2+s18+$0x0], $0xffff  }
0x3bb: {  	v5 =	vor.u32 v34, v58;
	v2 =	vld.idx.msk [tilespmem:v3+s18+$0x0], $0xffff  }
0x3bc: {  	v11 =	vadd.s32 s6, v0;
	v3 =	vld.idx.msk [tilespmem:v7+s18+$0x0], $0xffff;
	v7 =	vor.u32 v35, v58  }
0x3bd: {  	v62 =	vand.u32 $0x3F, v11;
	v60 =	vshll.u32 v11, $0x7;
	v61 =	vld.idx.msk [tilespmem:v9+s18+$0x0], $0xffff;
	v9 =	vor.u32 v36, v58  }
0x3be: {  	_ =	sdelay $0x3  }
0x3bf: {  	v10 =	vld.idx.msk [tilespmem:v10+s18+$0x0], $0xffff;
	[tilespmem:v8+s26+$0x0] =	vst.idx.msk $0xffff, v4  }
0x3c0: {  	v4 =	vor.u32 v38, v58;
	[tilespmem:v6+s26+$0x0] =	vst.idx.msk $0xffff, v59  }
0x3c1: {  	v6 =	vor.u32 v39, v58;
	[tilespmem:v5+s26+$0x0] =	vst.idx.msk $0xffff, v63  }
0x3c2: {  	v11 =	vor.u32 v26, v62;
	[tilespmem:v7+s26+$0x0] =	vst.idx.msk $0xffff, v2  }
0x3c3: {  	v2 =	vor.u32 v27, v62;
	[tilespmem:v9+s26+$0x0] =	vst.idx.msk $0xffff, v3  }
0x3c4: {  	v3 =	vor.u32 v22, v62;
	[tilespmem:v56+s26+$0x0] =	vst.idx.msk $0xffff, v57  }
0x3c5: {  	v58 =	vor.u32 v31, v62;
	[tilespmem:v4+s26+$0x0] =	vst.idx.msk $0xffff, v10  }
0x3c6: {  	v59 =	vor.u32 v29, v62;
	[tilespmem:v6+s26+$0x0] =	vst.idx.msk $0xffff, v61  }
0x3c7: {  	v6 =	vor.u32 v28, v62;
	v5 =	vld.idx.msk [tilespmem:v11+s18+$0x0], $0xffff  }
0x3c8: {  	v10 =	vand.u32 $0x1F80, v60;
	v61 =	vor.u32 v32, v62;
	v2 =	vld.idx.msk [tilespmem:v2+s18+$0x0], $0xffff  }
0x3c9: {  	v63 =	vor.u32 v30, v62;
	v11 =	vor.u32 v0, v10;
	v3 =	vld.idx.msk [tilespmem:v3+s18+$0x0], $0xffff  }
0x3ca: {  	v12 =	vor.u32 v33, v10;
	v7 =	vld.idx.msk [tilespmem:v58+s18+$0x0], $0xffff  }
0x3cb: {  	v56 =	vor.u32 v34, v10;
	v4 =	vld.idx.msk [tilespmem:v59+s18+$0x0], $0xffff  }
0x3cc: {  	v60 =	vor.u32 v35, v10;
	v6 =	vld.idx.msk [tilespmem:v6+s18+$0x0], $0xffff  }
0x3cd: {  	v8 =	vld.idx.msk [tilespmem:v61+s18+$0x0], $0xffff;
	v61 =	vor.u32 v36, v10  }
0x3ce: {  	s0 =	sadd.s32 $0x1, s6;
	v9 =	vld.idx.msk [tilespmem:v63+s18+$0x0], $0xffff;
	[tilespmem:v11+s26+$0x0] =	vst.idx.msk $0xffff, v3;
	v3 =	vor.u32 v37, v10  }
0x3cf: {  	v62 =	vor.u32 v38, v10;
	v63 =	vadd.s32 s0, v0;
	[tilespmem:v12+s26+$0x0] =	vst.idx.msk $0xffff, v5  }
0x3d0: {  	[tilespmem:v56+s26+$0x0] =	vst.idx.msk $0xffff, v2;
	v2 =	vor.u32 v39, v10;
	v56 =	vand.u32 $0x3F, v63  }
0x3d1: {  	[tilespmem:v60+s26+$0x0] =	vst.idx.msk $0xffff, v6;
	v59 =	vor.u32 v26, v56  }
0x3d2: {  	v60 =	vor.u32 v30, v56;
	[tilespmem:v61+s26+$0x0] =	vst.idx.msk $0xffff, v4  }
0x3d3: {  	v12 =	vor.u32 v22, v56;
	[tilespmem:v3+s26+$0x0] =	vst.idx.msk $0xffff, v9  }
0x3d4: {  	v10 =	vor.u32 v31, v56;
	[tilespmem:v62+s26+$0x0] =	vst.idx.msk $0xffff, v7  }
0x3d5: {  	v3 =	vor.u32 v27, v56;
	[tilespmem:v2+s26+$0x0] =	vst.idx.msk $0xffff, v8  }
0x3d6: {  	v5 =	vshll.u32 v63, $0x7;
	v2 =	vor.u32 v28, v56;
	v6 =	vld.idx.msk [tilespmem:v59+s18+$0x0], $0xffff  }
0x3d7: {  	v5 =	vand.u32 $0x1F80, v5;
	v61 =	vor.u32 v29, v56;
	v4 =	vld.idx.msk [tilespmem:v60+s18+$0x0], $0xffff  }
0x3d8: {  	v63 =	vor.u32 v0, v5;
	v62 =	vor.u32 v32, v56;
	v9 =	vld.idx.msk [tilespmem:v12+s18+$0x0], $0xffff  }
0x3d9: {  	v12 =	vor.u32 v33, v5;
	v10 =	vld.idx.msk [tilespmem:v10+s18+$0x0], $0xffff  }
0x3da: {  	v56 =	vor.u32 v34, v5;
	v3 =	vld.idx.msk [tilespmem:v3+s18+$0x0], $0xffff  }
0x3db: {  	v60 =	vor.u32 v35, v5;
	v2 =	vld.idx.msk [tilespmem:v2+s18+$0x0], $0xffff  }
0x3dc: {  	v7 =	vld.idx.msk [tilespmem:v61+s18+$0x0], $0xffff;
	v61 =	vor.u32 v36, v5  }
0x3dd: {  	v8 =	vld.idx.msk [tilespmem:v62+s18+$0x0], $0xffff;
	v62 =	vor.u32 v37, v5;
	[tilespmem:v63+s26+$0x0] =	vst.idx.msk $0xffff, v9  }
0x3de: {  	v63 =	vor.u32 v38, v5;
	[tilespmem:v12+s26+$0x0] =	vst.idx.msk $0xffff, v6  }
0x3df: {  	v5 =	vor.u32 v39, v5;
	[tilespmem:v56+s26+$0x0] =	vst.idx.msk $0xffff, v3  }
0x3e0: {  	[tilespmem:v60+s26+$0x0] =	vst.idx.msk $0xffff, v2  }
0x3e1: {  	[tilespmem:v61+s26+$0x0] =	vst.idx.msk $0xffff, v7  }
0x3e2: {  	[tilespmem:v62+s26+$0x0] =	vst.idx.msk $0xffff, v4  }
0x3e3: {  	[tilespmem:v63+s26+$0x0] =	vst.idx.msk $0xffff, v10  }
0x3e4: {  	s12 =	rddreg [dreg:$0x8];
	[tilespmem:v5+s26+$0x0] =	vst.idx.msk $0xffff, v8  }
0x3e5: {  	[hbm4b:s12+s23] =	stream.strided.scatter [tilespmem:s26], [sflag:$0x5], $0x2000, s24, s23, $0x38;
	[tilespmem:$0x12580] =	vst v63  }
0x3e6: {  	_ =	swait.ge [sflag:s30], $0x2000  }
0x3e7: {  	[sflag:s30] =	ssyncset.done $0x0  }
0x3e8: {  	[sflag:s30] =	ssyncadd.s32 $0xFFFFE000  }
0x3e9: {  	_ =	swait.ge [sflag:s31], $0x2000  }
0x3ea: {  	[sflag:s31] =	ssyncset.done $0x0  }
0x3eb: {  	[sflag:s31] =	ssyncadd.s32 $0xFFFFE000  }
0x3ec: {  	_ =	swait.ge [sflag:s1], $0x2000  }
0x3ed: {  	s5 =	rddreg [dreg:$0xa]  }
0x3ee: {  	s13 =	rddreg [dreg:$0x9];
	s5 =	sadd.s32 $0x1, s5  }
0x3ef: {  	p0 =	sne.s32 s5, s13  }
.Ltmp9:
0x3f0: {  	_ = 	snop;
	(pc) =	sbr.rel @p0 .LBB2_1-.Ltmp9, $3  }
0x3f1: {  	_ =	sdelay $0x1  }
0x3f2: {  	[sflag:s1] =	ssyncset.done $0x0  }
0x3f3: {  	[sflag:s1] =	ssyncadd.s32 $0xFFFFE000  }
0x3f4: {  	_ =	sfence.sel $0x180000  }
0x3f5: {  	[bflag:$0x0] =	sbarrier.arrive $0xFFFF  }
0x3f6: {  	_ =	strace $0x90000047  }
0x3f7: {  	s0 =	stileid.u32;
	[bflag:$0x2] =	sbarrier.arrive $0xFFFF  }
0x3f8: {  	p0 =	sne.s32 s0, $0x0;
	s0 =	rddreg [dreg:$0x2]  }
0x3f9: {  	s0 =	sadd.s32 @!p0 $0x100000, s0  }
0x3fa: {  	[sflag:s0] =	ssyncadd.tile.s32 @!p0 $0x1;
	_ =	shalt  }
.Lfunc_end2:
_tile_overlayer_lowered:
.L_overlay_start_2:
0x3fb: {  	(tag) =	ssettag $0x2  }
0x3fc: {  	s0 =	rddreg [dreg:$0x0];
	s2 =	stileid.u32  }
0x3fd: {  	s1 =	rddreg [dreg:$0x1];
	p0 =	sne.s32 s2, $0x0  }
0x3fe: {  	s3 =	rddreg [dreg:$0x2];
	[bflag:$0x3] =	sbarrier.arrive $0xFFFF;
	s2 =	simm.s32 @!p0 $0x1C07  }
0x3ff: {  	[timem:s3], [sflag:s2] =	dma.local @!p0 [hbm:s0], s1  }
0x400: {  	s0 =	simm.s32 @!p0 $0x7  }
0x401: {  	_ =	swait.ge @!p0 [sflag:s0], s1  }
0x402: {  	s1 =	ssub.s32 @!p0 $0x0, s1;
	[sflag:s0] =	ssyncset.done @!p0 $0x0  }
0x403: {  	[sflag:s0] =	ssyncadd.s32 @!p0 s1  }
0x404: {  	[bflag:$0x3] =	sbarrier.arrive $0xFFFF  }
0x405: {  	_ =	shalt  }

</sc_bundles>
